<compile_context>
chip_gen: v7x
topology: tpu7x:2x2x1
jax: 0.10.2.dev20260603
libtpu: 0.0.44.dev20260713+nightly
codegen_flags: <defaults>
</compile_context>

<pallas_src>
import functools

import jax
import jax.numpy as jnp
from jax import lax
from jax.experimental import pallas as pl
from jax.experimental.pallas import tpu as pltpu
from jax.experimental.pallas import tpu_sc as plsc

N_USERS = 16384
N_ITEMS = 4096
EMBED_DIM = 64
KNN_K = 10
KPAD = 16
NSEG = N_USERS + N_ITEMS
NNZ = 500000
NNZ_PAD = 524288
EGO_REP = 4

NC = 2
NS = 16
NW = NC * NS
LANES = 16

E_PER_W = NNZ_PAD // NW
CHUNK = 128
NCHUNKS = E_PER_W // CHUNK
SEG_PER_TILE = NSEG // NS

ITEMS_PER_W = N_ITEMS // NW
NEIGH = 2 * KPAD
HL_GROUP = CHUNK // NEIGH
HL_NCHUNKS = ITEMS_PER_W // HL_GROUP



def _featnorm_body(raw_ref, w_ref, b_ref, out_ref):
    f = jnp.dot(raw_ref[...], w_ref[...], preferred_element_type=jnp.float32)
    f = f + b_ref[...]
    n = jnp.sqrt(jnp.sum(f * f, axis=1, keepdims=True))
    out_ref[...] = f / n


def _featnorm(raw, w, b):
    m, k = raw.shape
    bm = 256
    return pl.pallas_call(
        _featnorm_body,
        grid=(m // bm,),
        in_specs=[
            pl.BlockSpec((bm, k), lambda i: (i, 0)),
            pl.BlockSpec((k, EMBED_DIM), lambda i: (0, 0)),
            pl.BlockSpec((1, EMBED_DIM), lambda i: (0, 0)),
        ],
        out_specs=pl.BlockSpec((bm, EMBED_DIM), lambda i: (i, 0)),
        out_shape=jax.ShapeDtypeStruct((m, EMBED_DIM), jnp.float32),
    )(raw, w, b.reshape(1, EMBED_DIM))


def _simtopk_body(fb_ref, fall_ref, val_ref, ind_ref):
    s = lax.dot_general(fb_ref[...], fall_ref[...],
                        (((1,), (1,)), ((), ())),
                        preferred_element_type=jnp.float32)
    bm, n = s.shape
    col = lax.broadcasted_iota(jnp.int32, (bm, n), 1)
    kio = lax.broadcasted_iota(jnp.int32, (bm, KPAD), 1)
    mprev = jnp.full((bm, 1), jnp.inf, jnp.float32)
    iprev = jnp.full((bm, 1), -1, jnp.int32)
    vout = jnp.zeros((bm, KPAD), jnp.float32)
    iout = jnp.zeros((bm, KPAD), jnp.int32)
    for k in range(KNN_K):
        elig = (s < mprev) | ((s == mprev) & (col > iprev))
        m = jnp.max(jnp.where(elig, s, -2.0), axis=1, keepdims=True)
        idx = jnp.min(jnp.where(elig & (s == m), col, n), axis=1, keepdims=True)
        vout = jnp.where(kio == k, m, vout)
        iout = jnp.where(kio == k, idx, iout)
        mprev, iprev = m, idx
    val_ref[...] = vout
    ind_ref[...] = iout


def _simtopk(fn):
    n = fn.shape[0]
    bm = 256
    return pl.pallas_call(
        _simtopk_body,
        grid=(n // bm,),
        in_specs=[
            pl.BlockSpec((bm, EMBED_DIM), lambda i: (i, 0)),
            pl.BlockSpec((n, EMBED_DIM), lambda i: (0, 0)),
        ],
        out_specs=[
            pl.BlockSpec((bm, KPAD), lambda i: (i, 0)),
            pl.BlockSpec((bm, KPAD), lambda i: (i, 0)),
        ],
        out_shape=[
            jax.ShapeDtypeStruct((n, KPAD), jnp.float32),
            jax.ShapeDtypeStruct((n, KPAD), jnp.int32),
        ],
    )(fn, fn)


def _coeff_body(vi_ref, vt_ref, emb_ref, w_ref, embs_ref, ci_ref, ct_ref):
    w0 = w_ref[0]
    w1 = w_ref[1]
    vi = vi_ref[...]
    vt = vt_ref[...]
    d = w0 * jnp.sum(vi, axis=1) + w1 * jnp.sum(vt, axis=1)
    dinv = jnp.where(d == 0.0, 0.0, lax.rsqrt(d))
    embs_ref[...] = emb_ref[...] * dinv[:, None]
    ci_ref[...] = vi * (w0 * dinv[:, None])
    ct_ref[...] = vt * (w1 * dinv[:, None])


def _coeff(vi, vt, emb, w):
    n = vi.shape[0]
    return pl.pallas_call(
        _coeff_body,
        in_specs=[
            pl.BlockSpec((n, KPAD), lambda: (0, 0)),
            pl.BlockSpec((n, KPAD), lambda: (0, 0)),
            pl.BlockSpec((n, EMBED_DIM), lambda: (0, 0)),
            pl.BlockSpec(memory_space=pltpu.SMEM),
        ],
        out_specs=[
            pl.BlockSpec((n, EMBED_DIM), lambda: (0, 0)),
            pl.BlockSpec((n, KPAD), lambda: (0, 0)),
            pl.BlockSpec((n, KPAD), lambda: (0, 0)),
        ],
        out_shape=[
            jax.ShapeDtypeStruct((n, EMBED_DIM), jnp.float32),
            jax.ShapeDtypeStruct((n, KPAD), jnp.float32),
            jax.ShapeDtypeStruct((n, KPAD), jnp.float32),
        ],
    )(vi, vt, emb, w)


def _add2_body(a_ref, b_ref, o_ref, orep_ref):
    s = a_ref[...] + b_ref[...]
    o_ref[...] = s
    orep_ref[...] = s


def _add2(a, b):
    n, d = a.shape
    bm = 1280
    return pl.pallas_call(
        _add2_body,
        grid=(EGO_REP, n // bm),
        in_specs=[pl.BlockSpec((bm, d), lambda r, i: (i, 0))] * 2,
        out_specs=[
            pl.BlockSpec((bm, d), lambda r, i: (i, 0)),
            pl.BlockSpec((bm, d), lambda r, i: (r * (n // bm) + i, 0)),
        ],
        out_shape=[
            jax.ShapeDtypeStruct((n, d), jnp.float32),
            jax.ShapeDtypeStruct((EGO_REP * n, d), jnp.float32),
        ],
    )(a, b)


def _mean3_body(a_ref, b_ref, c_ref, d_ref, o_ref):
    o_ref[...] = (a_ref[...] + b_ref[...] + c_ref[...] + d_ref[...]) * (1.0 / 3.0)


def _mean3(ego0, ego1, p2a, p2b):
    n, d = ego0.shape
    bm = 1280
    return pl.pallas_call(
        _mean3_body,
        grid=(n // bm,),
        in_specs=[pl.BlockSpec((bm, d), lambda i: (i, 0))] * 4,
        out_specs=pl.BlockSpec((bm, d), lambda i: (i, 0)),
        out_shape=jax.ShapeDtypeStruct((n, d), jnp.float32),
    )(ego0, ego1, p2a, p2b)


def _final_body(io_ref, to_ref, emb_ref, g_ref, cct_ref, mean_ref, w_ref, out_ref):
    w0 = w_ref[0]
    w1 = w_ref[1]
    a = w0 * io_ref[...] + w1 * to_ref[...]
    ho = jnp.dot(a, emb_ref[...], preferred_element_type=jnp.float32)
    hl = jnp.sum(g_ref[...] * cct_ref[...][:, :, None], axis=0)
    h = 0.1 * hl + 0.9 * ho
    nrm = jnp.sqrt(jnp.sum(h * h, axis=1, keepdims=True))
    hn = h / jnp.maximum(nrm, 1e-12)
    out_ref[...] = mean_ref[...] + hn


def _final(img_orig, txt_orig, emb, g, cct, mean_all, w):
    n = N_ITEMS
    bm = 256
    return pl.pallas_call(
        _final_body,
        grid=(n // bm,),
        in_specs=[
            pl.BlockSpec((bm, n), lambda i: (i, 0)),
            pl.BlockSpec((bm, n), lambda i: (i, 0)),
            pl.BlockSpec((n, EMBED_DIM), lambda i: (0, 0)),
            pl.BlockSpec((NEIGH, bm, EMBED_DIM), lambda i: (0, i, 0)),
            pl.BlockSpec((NEIGH, bm), lambda i: (0, i)),
            pl.BlockSpec((bm, EMBED_DIM), lambda i: (N_USERS // bm + i, 0)),
            pl.BlockSpec(memory_space=pltpu.SMEM),
        ],
        out_specs=pl.BlockSpec((bm, EMBED_DIM), lambda i: (i, 0)),
        out_shape=jax.ShapeDtypeStruct((n, EMBED_DIM), jnp.float32),
    )(img_orig, txt_orig, emb, g, cct, mean_all, w)



_SC_MESH = plsc.VectorSubcoreMesh(core_axis_name="c", subcore_axis_name="s",
                                  num_cores=NC, num_subcores=NS)
_SC_PARAMS = pltpu.CompilerParams(needs_layout_passes=False,
                                  use_tc_tiling_on_sc=False)


def _lightgcn_layer_body(ego_hbm, col_hbm, row_hbm, val_hbm, out_hbm,
                         col0, col1, row0, row1, val0, val1, g0, g1,
                         accum, sem_m0, sem_m1, sem_g0, sem_g1):
    cid = lax.axis_index("c")
    sid = lax.axis_index("s")
    wid = sid * NC + cid
    cols = (col0, col1)
    rows = (row0, row1)
    vals = (val0, val1)
    gs = (g0, g1)
    msems = (sem_m0, sem_m1)
    gsems = (sem_g0, sem_g1)

    def _issue_meta(j, p):
        pltpu.async_copy(col_hbm.at[wid, pl.ds(j * CHUNK, CHUNK)], cols[p], msems[p])
        pltpu.async_copy(row_hbm.at[wid, pl.ds(j * CHUNK, CHUNK)], rows[p], msems[p])
        pltpu.async_copy(val_hbm.at[wid, pl.ds(j * CHUNK, CHUNK)], vals[p], msems[p])

    def _wait_meta(j, p):
        pltpu.make_async_copy(col_hbm.at[wid, pl.ds(j * CHUNK, CHUNK)], cols[p], msems[p]).wait()
        pltpu.make_async_copy(row_hbm.at[wid, pl.ds(j * CHUNK, CHUNK)], rows[p], msems[p]).wait()
        pltpu.make_async_copy(val_hbm.at[wid, pl.ds(j * CHUNK, CHUNK)], vals[p], msems[p]).wait()

    zero = jnp.zeros((LANES,), jnp.float32)

    def _zrow(i, _):
        for dd in range(EMBED_DIM // LANES):
            g0[i, pl.ds(dd * LANES, LANES)] = zero
        return 0

    lax.fori_loop(0, CHUNK, _zrow, 0)
    for t in range(SEG_PER_TILE // CHUNK):
        pltpu.sync_copy(g0, accum.at[pl.ds(sid * SEG_PER_TILE + t * CHUNK, CHUNK)])
    plsc.subcore_barrier()

    _issue_meta(0, 0)
    _wait_meta(0, 0)
    pltpu.async_copy(ego_hbm.at[col0], g0, sem_g0)
    _issue_meta(1, 1)

    def _pair(i, _):
        for p in range(2):
            j = i * 2 + p
            q = 1 - p

            @pl.when(j + 1 < NCHUNKS)
            def _next_gather():
                _wait_meta(j + 1, q)
                pltpu.async_copy(ego_hbm.at[cols[q]], gs[q], gsems[q])

            pltpu.make_async_copy(ego_hbm.at[cols[p]], gs[p], gsems[p]).wait()

            def _scale(e):
                fl = jnp.full((LANES,), e, jnp.int32)
                w = plsc.load_gather(vals[p], [fl])
                for dd in range(EMBED_DIM // LANES):
                    sl = pl.ds(dd * LANES, LANES)
                    gs[p][e, sl] = gs[p][e, sl] * w

            plsc.parallel_loop(0, CHUNK, 1, unroll=8)(_scale)

            pltpu.sync_copy(gs[p], accum.at[rows[p]], add=True)

            @pl.when(j + 2 < NCHUNKS)
            def _next_meta():
                _issue_meta(j + 2, p)

        return 0

    lax.fori_loop(0, NCHUNKS // 2, _pair, 0)
    plsc.subcore_barrier()

    pltpu.sync_copy(accum.at[pl.ds(sid * SEG_PER_TILE, SEG_PER_TILE)],
                    out_hbm.at[cid, pl.ds(sid * SEG_PER_TILE, SEG_PER_TILE)])


def _lightgcn_layer(ego_rep, col3, row3, val3):
    return pl.kernel(
        _lightgcn_layer_body,
        out_type=jax.ShapeDtypeStruct((NC, NSEG, EMBED_DIM), jnp.float32),
        mesh=_SC_MESH,
        compiler_params=_SC_PARAMS,
        scratch_types=[
            pltpu.VMEM((CHUNK,), jnp.int32),
            pltpu.VMEM((CHUNK,), jnp.int32),
            pltpu.VMEM((CHUNK,), jnp.int32),
            pltpu.VMEM((CHUNK,), jnp.int32),
            pltpu.VMEM((CHUNK,), jnp.float32),
            pltpu.VMEM((CHUNK,), jnp.float32),
            pltpu.VMEM((CHUNK, EMBED_DIM), jnp.float32),
            pltpu.VMEM((CHUNK, EMBED_DIM), jnp.float32),
            pltpu.VMEM_SHARED((NSEG, EMBED_DIM), jnp.float32),
            pltpu.SemaphoreType.DMA,
            pltpu.SemaphoreType.DMA,
            pltpu.SemaphoreType.DMA,
            pltpu.SemaphoreType.DMA,
        ],
    )(ego_rep, col3, row3, val3)


PG_CHUNKS = N_ITEMS // CHUNK


def _permgather_body(embs_hbm, idx_hbm, out_hbm, i0, i1, g0, g1, sem_g,
                     sem_o0, sem_o1):
    cid = lax.axis_index("c")
    sid = lax.axis_index("s")
    wid = sid * NC + cid
    ibufs = (i0, i1)
    gbufs = (g0, g1)
    osems = (sem_o0, sem_o1)

    def _pair(i, _):
        for p in range(2):
            c = i * 2 + p
            iv = ibufs[p]
            g = gbufs[p]
            so = osems[p]

            @pl.when(i > 0)
            def _drain():
                pltpu.make_async_copy(
                    g, out_hbm.at[wid, pl.ds((c - 2) * CHUNK, CHUNK)], so
                ).wait()

            pltpu.sync_copy(idx_hbm.at[wid, c], iv)
            pltpu.async_copy(embs_hbm.at[iv], g, sem_g).wait()
            pltpu.async_copy(g, out_hbm.at[wid, pl.ds(c * CHUNK, CHUNK)], so)
        return 0

    lax.fori_loop(0, PG_CHUNKS // 2, _pair, 0)
    pltpu.make_async_copy(
        g0, out_hbm.at[wid, pl.ds((PG_CHUNKS - 2) * CHUNK, CHUNK)], sem_o0).wait()
    pltpu.make_async_copy(
        g1, out_hbm.at[wid, pl.ds((PG_CHUNKS - 1) * CHUNK, CHUNK)], sem_o1).wait()


def _permgather(embs, idx3):
    return pl.kernel(
        _permgather_body,
        out_type=jax.ShapeDtypeStruct((NW, N_ITEMS, EMBED_DIM), jnp.float32),
        mesh=_SC_MESH,
        compiler_params=_SC_PARAMS,
        scratch_types=[
            pltpu.VMEM((CHUNK,), jnp.int32),
            pltpu.VMEM((CHUNK,), jnp.int32),
            pltpu.VMEM((CHUNK, EMBED_DIM), jnp.float32),
            pltpu.VMEM((CHUNK, EMBED_DIM), jnp.float32),
            pltpu.SemaphoreType.DMA,
            pltpu.SemaphoreType.DMA,
            pltpu.SemaphoreType.DMA,
        ],
    )(embs, idx3)



def kernel(adj_indices, adj_values, image_feat_raw, text_feat_raw,
           image_trs_W, image_trs_b, text_trs_W, text_trs_b, modal_weight,
           user_emb, item_emb, image_original_adj, text_original_adj):
    ew = jnp.exp(modal_weight - jnp.max(modal_weight))
    w = ew / jnp.sum(ew)

    fn_img = _featnorm(image_feat_raw, image_trs_W, image_trs_b)
    fn_txt = _featnorm(text_feat_raw, text_trs_W, text_trs_b)
    vi, ii = _simtopk(fn_img)
    vt, it = _simtopk(fn_txt)

    embs, ci, ct = _coeff(vi, vt, item_emb, w)

    ind_cat = jnp.concatenate([ii, it], axis=1)
    coeff_cat = jnp.concatenate([ci, ct], axis=1)
    rep = 8
    idx_off = (jnp.arange(NW, dtype=jnp.int32) % rep)[:, None] * N_ITEMS
    idx3 = (ind_cat.T + idx_off).reshape(NW, PG_CHUNKS, CHUNK)
    cct = coeff_cat.T
    embs_rep = jnp.tile(embs, (rep, 1))

    g = _permgather(embs_rep, idx3)

    row = adj_indices[0]
    col = adj_indices[1]
    pad = NNZ_PAD - NNZ
    ego_off = (jnp.arange(NW, dtype=jnp.int32) % EGO_REP)[:, None] * NSEG
    row3 = jnp.pad(row, (0, pad)).reshape(NW, E_PER_W)
    col3 = jnp.pad(col, (0, pad)).reshape(NW, E_PER_W) + ego_off
    val3 = jnp.pad(adj_values, (0, pad)).reshape(NW, E_PER_W)

    ego0 = jnp.concatenate([user_emb, item_emb], axis=0)
    ego0_rep = jnp.tile(ego0, (EGO_REP, 1))
    p1 = _lightgcn_layer(ego0_rep, col3, row3, val3)
    ego1, ego1_rep = _add2(p1[0], p1[1])
    p2 = _lightgcn_layer(ego1_rep, col3, row3, val3)
    mean_all = _mean3(ego0, ego1, p2[0], p2[1])

    i_g = _final(image_original_adj, text_original_adj, item_emb, g, cct,
                 mean_all, w)
    u_g = mean_all[:N_USERS]
    return u_g, i_g

# --- scband reference (transcript-rebuilt; emitter-appended) ---
"""Pipeline reference for scband-lattice-51668456571002 (READ-ONLY COPY).

The authoritative reference and input builder live on the scoring server;
editing this copy changes nothing except your own understanding.
"""

import jax, jax.numpy as jnp
import numpy as np

N_USERS = 16384
N_ITEMS = 4096
V_DIM = 4096
T_DIM = 384
EMBED_DIM = 64
FEAT_EMBED_DIM = 64
KNN_K = 10
LAMBDA_COEFF = 0.9
N_LAYERS = 1
N_UI_LAYERS = 2
NNZ = 500000


def build_sim(context):
    context_norm = context / jnp.linalg.norm(context, axis=-1, keepdims=True)
    return context_norm @ context_norm.T


def build_knn_neighbourhood(adj, topk):
    knn_val, knn_ind = jax.lax.top_k(adj, topk)
    rows = jnp.arange(adj.shape[0])[:, None]
    return jnp.zeros_like(adj).at[rows, knn_ind].set(knn_val)


def compute_normalized_laplacian(adj):
    rowsum = jnp.sum(adj, -1)
    d_inv_sqrt = jnp.power(rowsum, -0.5)
    d_inv_sqrt = jnp.where(jnp.isinf(d_inv_sqrt), 0.0, d_inv_sqrt)
    return d_inv_sqrt[:, None] * adj * d_inv_sqrt[None, :]


def setup_inputs(seed: int = 0) -> dict:
    key = jax.random.key(seed)
    ks = jax.random.split(key, 10)
    image_feat_raw = jax.random.normal(ks[0], (N_ITEMS, V_DIM), dtype=jnp.float32)
    text_feat_raw = jax.random.normal(ks[1], (N_ITEMS, T_DIM), dtype=jnp.float32)
    image_trs_W = jax.random.normal(ks[2], (V_DIM, FEAT_EMBED_DIM), dtype=jnp.float32) * 0.02
    image_trs_b = jnp.zeros((FEAT_EMBED_DIM,), dtype=jnp.float32)
    text_trs_W = jax.random.normal(ks[3], (T_DIM, FEAT_EMBED_DIM), dtype=jnp.float32) * 0.02
    text_trs_b = jnp.zeros((FEAT_EMBED_DIM,), dtype=jnp.float32)
    modal_weight = jnp.array([0.5, 0.5], dtype=jnp.float32)
    user_emb = jax.random.normal(ks[4], (N_USERS, EMBED_DIM), dtype=jnp.float32) * 0.02
    item_emb = jax.random.normal(ks[5], (N_ITEMS, EMBED_DIM), dtype=jnp.float32) * 0.02
    # precomputed (cached) modality graphs built from raw features, as in __init__
    image_original_adj = compute_normalized_laplacian(build_knn_neighbourhood(build_sim(image_feat_raw), KNN_K))
    text_original_adj = compute_normalized_laplacian(build_knn_neighbourhood(build_sim(text_feat_raw), KNN_K))
    # normalized user-item bipartite adjacency in COO form
    adj_indices = jax.random.randint(ks[6], (2, NNZ), 0, N_USERS + N_ITEMS, dtype=jnp.int32)
    adj_values = jax.random.uniform(ks[7], (NNZ,), dtype=jnp.float32) * (1.0 / 24.0)
    return {
        "adj_indices": adj_indices,
        "adj_values": adj_values,
        "image_feat_raw": image_feat_raw,
        "text_feat_raw": text_feat_raw,
        "image_trs_W": image_trs_W,
        "image_trs_b": image_trs_b,
        "text_trs_W": text_trs_W,
        "text_trs_b": text_trs_b,
        "modal_weight": modal_weight,
        "user_emb": user_emb,
        "item_emb": item_emb,
        "image_original_adj": image_original_adj,
        "text_original_adj": text_original_adj,
    }


def reference(adj_indices, adj_values, image_feat_raw, text_feat_raw, image_trs_W, image_trs_b,
              text_trs_W, text_trs_b, modal_weight, user_emb, item_emb,
              image_original_adj, text_original_adj):
    # forward(adj, build_item_graph=True) with cf_model='lightgcn'
    image_feats = image_feat_raw @ image_trs_W + image_trs_b
    text_feats = text_feat_raw @ text_trs_W + text_trs_b
    weight = jax.nn.softmax(modal_weight, axis=0)
    image_adj = build_knn_neighbourhood(build_sim(image_feats), KNN_K)
    text_adj = build_knn_neighbourhood(build_sim(text_feats), KNN_K)
    learned_adj = weight[0] * image_adj + weight[1] * text_adj
    original_adj = weight[0] * image_original_adj + weight[1] * text_original_adj
    learned_adj = compute_normalized_laplacian(learned_adj)
    item_adj = (1.0 - LAMBDA_COEFF) * learned_adj + LAMBDA_COEFF * original_adj
    h = item_emb
    for _ in range(N_LAYERS):
        h = item_adj @ h
    # lightgcn propagation over sparse user-item adjacency (COO -> gather + segment_sum)
    ego = jnp.concatenate([user_emb, item_emb], axis=0)
    all_emb = [ego]
    row = adj_indices[0]
    col = adj_indices[1]
    for _ in range(N_UI_LAYERS):
        msgs = ego[col] * adj_values[:, None]
        ego = jax.ops.segment_sum(msgs, row, num_segments=N_USERS + N_ITEMS)
        all_emb.append(ego)
    all_emb = jnp.mean(jnp.stack(all_emb, axis=1), axis=1)
    u_g = all_emb[:N_USERS]
    i_g = all_emb[N_USERS:]
    i_g = i_g + h / jnp.maximum(jnp.linalg.norm(h, axis=1, keepdims=True), 1e-12)
    return u_g, i_g

if __name__ == "__main__":
    import jax
    _d = setup_inputs()
    print(jax.jit(kernel)(*tuple(_d.values())))

</pallas_src>

<mosaic_0001>
#map = affine_map<(d0, d1) -> (0, 0)>
#map1 = affine_map<(d0, d1) -> (0, 0, 0)>
module attributes {stable_mosaic.version = 14 : i64} {
  func.func @_lightgcn_layer_body(%arg0: i32, %arg1: i32, %arg2: memref<81920x64xf32, #tpu.memory_space<hbm>>, %arg3: memref<32x16384xi32, #tpu.memory_space<hbm>>, %arg4: memref<32x16384xi32, #tpu.memory_space<hbm>>, %arg5: memref<32x16384xf32, #tpu.memory_space<hbm>>, %arg6: memref<2x20480x64xf32, #tpu.memory_space<hbm>>, %arg7: memref<128xi32, #tpu.memory_space<vmem>>, %arg8: memref<128xi32, #tpu.memory_space<vmem>>, %arg9: memref<128xi32, #tpu.memory_space<vmem>>, %arg10: memref<128xi32, #tpu.memory_space<vmem>>, %arg11: memref<128xf32, #tpu.memory_space<vmem>>, %arg12: memref<128xf32, #tpu.memory_space<vmem>>, %arg13: memref<128x64xf32, #tpu.memory_space<vmem>>, %arg14: memref<128x64xf32, #tpu.memory_space<vmem>>, %arg15: memref<20480x64xf32, #tpu.memory_space<vmem_shared>>, %arg16: memref<!tpu.dma_semaphore, #tpu.memory_space<semaphore_mem>>, %arg17: memref<!tpu.dma_semaphore, #tpu.memory_space<semaphore_mem>>, %arg18: memref<!tpu.dma_semaphore, #tpu.memory_space<semaphore_mem>>, %arg19: memref<!tpu.dma_semaphore, #tpu.memory_space<semaphore_mem>>) attributes {dimension_semantics = [#tpu.dimension_semantics<core_parallel>, #tpu.dimension_semantics<subcore_parallel>], iteration_bounds = array<i64: 2, 16>, scalar_prefetch = 0 : i64, scratch_operands = 13 : i64, tpu.core_type = #tpu.core_type<sc_vector_subcore>, window_params = [{transform_indices = #map}, {transform_indices = #map}, {transform_indices = #map}, {transform_indices = #map}, {transform_indices = #map1}]} {
    %mul3A = arith.constant 2 : i32
    %mul3A_0 = arith.muli %arg1, %mul3A : i32
    %add3A = arith.addi %mul3A_0, %arg0 : i32
    %broadcast_in_dim3A = arith.constant 0.000000e+00 : f32
    %broadcast_in_dim3A_1 = vector.broadcast %broadcast_in_dim3A : f32 to vector<16xf32>
    %scan3A = arith.constant 0 : i32
    %scan3A_2 = arith.constant 0 : i32
    %scan3A_3 = arith.constant 128 : i32
    %scan3A_4 = arith.addi %scan3A_2, %scan3A_3 : i32
    %scan3A_5 = arith.constant 1 : i32
    %scan3A_6 = scf.for %scan3A_115 = %scan3A_2 to %scan3A_4 step %scan3A_5 iter_args(%scan3A_116 = %scan3A) -> (i32)  : i32 {
      %swap3A = arith.index_cast %scan3A_115 : i32 to index
      %swap3A_117 = arith.constant 0 : index
      %swap3A_118 = tpu.vector_load %arg13[%swap3A, %swap3A_117] {strides = array<i32>} : memref<128x64xf32, #tpu.memory_space<vmem>>, vector<16xf32>,
      tpu.vector_store %arg13[%swap3A, %swap3A_117], %broadcast_in_dim3A_1 {strides = array<i32>} : memref<128x64xf32, #tpu.memory_space<vmem>>, vector<16xf32>,
      %swap3A_119 = arith.index_cast %scan3A_115 : i32 to index
      %swap3A_120 = arith.constant 16 : index
      %swap3A_121 = tpu.vector_load %arg13[%swap3A_119, %swap3A_120] {strides = array<i32>} : memref<128x64xf32, #tpu.memory_space<vmem>>, vector<16xf32>,
      tpu.vector_store %arg13[%swap3A_119, %swap3A_120], %broadcast_in_dim3A_1 {strides = array<i32>} : memref<128x64xf32, #tpu.memory_space<vmem>>, vector<16xf32>,
      %swap3A_122 = arith.index_cast %scan3A_115 : i32 to index
      %swap3A_123 = arith.constant 32 : index
      %swap3A_124 = tpu.vector_load %arg13[%swap3A_122, %swap3A_123] {strides = array<i32>} : memref<128x64xf32, #tpu.memory_space<vmem>>, vector<16xf32>,
      tpu.vector_store %arg13[%swap3A_122, %swap3A_123], %broadcast_in_dim3A_1 {strides = array<i32>} : memref<128x64xf32, #tpu.memory_space<vmem>>, vector<16xf32>,
      %swap3A_125 = arith.index_cast %scan3A_115 : i32 to index
      %swap3A_126 = arith.constant 48 : index
      %swap3A_127 = tpu.vector_load %arg13[%swap3A_125, %swap3A_126] {strides = array<i32>} : memref<128x64xf32, #tpu.memory_space<vmem>>, vector<16xf32>,
      tpu.vector_store %arg13[%swap3A_125, %swap3A_126], %broadcast_in_dim3A_1 {strides = array<i32>} : memref<128x64xf32, #tpu.memory_space<vmem>>, vector<16xf32>,
      %scan3A_128 = arith.constant 0 : i32
      scf.yield %scan3A_128 : i32
    }
    %scan3A_7 = arith.constant 128 : i32
    %mul3A_8 = arith.constant 1280 : i32
    %mul3A_9 = arith.muli %arg1, %mul3A_8 : i32
    %add3A_10 = arith.constant 0 : i32
    %add3A_11 = arith.addi %mul3A_9, %add3A_10 : i32
    "tpu.region"() ({
      %run_scoped3A = tpu.sem_alloc : memref<!tpu.dma_semaphore, #tpu.memory_space<semaphore_mem>>
      %dma_start3A_115 = arith.constant 0 : i32
      %dma_start3A_116 = tpu.memref_slice %arg15[%add3A_11, %dma_start3A_115] : memref<20480x64xf32, #tpu.memory_space<vmem_shared>> -> memref<128x64xf32, #tpu.memory_space<vmem_shared>>
      %dma_start3A_117 = arith.constant 0 : i32
      %dma_start3A_118 = tpu.memref_slice %arg15[%add3A_11, %dma_start3A_117] : memref<20480x64xf32, #tpu.memory_space<vmem_shared>> -> memref<128x64xf32, #tpu.memory_space<vmem_shared>>
      tpu.enqueue_dma source(%arg13 : memref<128x64xf32, #tpu.memory_space<vmem>>) target(%dma_start3A_118 : memref<128x64xf32, #tpu.memory_space<vmem_shared>>) target_semaphore(%run_scoped3A : memref<!tpu.dma_semaphore, #tpu.memory_space<semaphore_mem>>)
      %dma_wait3A_119 = arith.constant 0 : i32
      %dma_wait3A_120 = tpu.memref_slice %arg15[%add3A_11, %dma_wait3A_119] : memref<20480x64xf32, #tpu.memory_space<vmem_shared>> -> memref<128x64xf32, #tpu.memory_space<vmem_shared>>
      %dma_wait3A_121 = arith.constant 0 : i32
      %dma_wait3A_122 = tpu.memref_slice %arg15[%add3A_11, %dma_wait3A_121] : memref<20480x64xf32, #tpu.memory_space<vmem_shared>> -> memref<128x64xf32, #tpu.memory_space<vmem_shared>>
      tpu.wait_dma2 semaphore(%run_scoped3A : memref<!tpu.dma_semaphore, #tpu.memory_space<semaphore_mem>>) src(%arg13 : memref<128x64xf32, #tpu.memory_space<vmem>>) dst(%dma_wait3A_122 : memref<128x64xf32, #tpu.memory_space<vmem_shared>>)
      tpu.yield
    }) : () -> ()
    %mul3A_12 = arith.constant 1280 : i32
    %mul3A_13 = arith.muli %arg1, %mul3A_12 : i32
    %add3A_14 = arith.constant 128 : i32
    %add3A_15 = arith.addi %mul3A_13, %add3A_14 : i32
    "tpu.region"() ({
      %run_scoped3A = tpu.sem_alloc : memref<!tpu.dma_semaphore, #tpu.memory_space<semaphore_mem>>
      %dma_start3A_115 = arith.constant 0 : i32
      %dma_start3A_116 = tpu.memref_slice %arg15[%add3A_15, %dma_start3A_115] : memref<20480x64xf32, #tpu.memory_space<vmem_shared>> -> memref<128x64xf32, #tpu.memory_space<vmem_shared>>
      %dma_start3A_117 = arith.constant 0 : i32
      %dma_start3A_118 = tpu.memref_slice %arg15[%add3A_15, %dma_start3A_117] : memref<20480x64xf32, #tpu.memory_space<vmem_shared>> -> memref<128x64xf32, #tpu.memory_space<vmem_shared>>
      tpu.enqueue_dma source(%arg13 : memref<128x64xf32, #tpu.memory_space<vmem>>) target(%dma_start3A_118 : memref<128x64xf32, #tpu.memory_space<vmem_shared>>) target_semaphore(%run_scoped3A : memref<!tpu.dma_semaphore, #tpu.memory_space<semaphore_mem>>)
      %dma_wait3A_119 = arith.constant 0 : i32
      %dma_wait3A_120 = tpu.memref_slice %arg15[%add3A_15, %dma_wait3A_119] : memref<20480x64xf32, #tpu.memory_space<vmem_shared>> -> memref<128x64xf32, #tpu.memory_space<vmem_shared>>
      %dma_wait3A_121 = arith.constant 0 : i32
      %dma_wait3A_122 = tpu.memref_slice %arg15[%add3A_15, %dma_wait3A_121] : memref<20480x64xf32, #tpu.memory_space<vmem_shared>> -> memref<128x64xf32, #tpu.memory_space<vmem_shared>>
      tpu.wait_dma2 semaphore(%run_scoped3A : memref<!tpu.dma_semaphore, #tpu.memory_space<semaphore_mem>>) src(%arg13 : memref<128x64xf32, #tpu.memory_space<vmem>>) dst(%dma_wait3A_122 : memref<128x64xf32, #tpu.memory_space<vmem_shared>>)
      tpu.yield
    }) : () -> ()
    %mul3A_16 = arith.constant 1280 : i32
    %mul3A_17 = arith.muli %arg1, %mul3A_16 : i32
    %add3A_18 = arith.constant 256 : i32
    %add3A_19 = arith.addi %mul3A_17, %add3A_18 : i32
    "tpu.region"() ({
      %run_scoped3A = tpu.sem_alloc : memref<!tpu.dma_semaphore, #tpu.memory_space<semaphore_mem>>
      %dma_start3A_115 = arith.constant 0 : i32
      %dma_start3A_116 = tpu.memref_slice %arg15[%add3A_19, %dma_start3A_115] : memref<20480x64xf32, #tpu.memory_space<vmem_shared>> -> memref<128x64xf32, #tpu.memory_space<vmem_shared>>
      %dma_start3A_117 = arith.constant 0 : i32
      %dma_start3A_118 = tpu.memref_slice %arg15[%add3A_19, %dma_start3A_117] : memref<20480x64xf32, #tpu.memory_space<vmem_shared>> -> memref<128x64xf32, #tpu.memory_space<vmem_shared>>
      tpu.enqueue_dma source(%arg13 : memref<128x64xf32, #tpu.memory_space<vmem>>) target(%dma_start3A_118 : memref<128x64xf32, #tpu.memory_space<vmem_shared>>) target_semaphore(%run_scoped3A : memref<!tpu.dma_semaphore, #tpu.memory_space<semaphore_mem>>)
      %dma_wait3A_119 = arith.constant 0 : i32
      %dma_wait3A_120 = tpu.memref_slice %arg15[%add3A_19, %dma_wait3A_119] : memref<20480x64xf32, #tpu.memory_space<vmem_shared>> -> memref<128x64xf32, #tpu.memory_space<vmem_shared>>
      %dma_wait3A_121 = arith.constant 0 : i32
      %dma_wait3A_122 = tpu.memref_slice %arg15[%add3A_19, %dma_wait3A_121] : memref<20480x64xf32, #tpu.memory_space<vmem_shared>> -> memref<128x64xf32, #tpu.memory_space<vmem_shared>>
      tpu.wait_dma2 semaphore(%run_scoped3A : memref<!tpu.dma_semaphore, #tpu.memory_space<semaphore_mem>>) src(%arg13 : memref<128x64xf32, #tpu.memory_space<vmem>>) dst(%dma_wait3A_122 : memref<128x64xf32, #tpu.memory_space<vmem_shared>>)
      tpu.yield
    }) : () -> ()
    %mul3A_20 = arith.constant 1280 : i32
    %mul3A_21 = arith.muli %arg1, %mul3A_20 : i32
    %add3A_22 = arith.constant 384 : i32
    %add3A_23 = arith.addi %mul3A_21, %add3A_22 : i32
    "tpu.region"() ({
      %run_scoped3A = tpu.sem_alloc : memref<!tpu.dma_semaphore, #tpu.memory_space<semaphore_mem>>
      %dma_start3A_115 = arith.constant 0 : i32
      %dma_start3A_116 = tpu.memref_slice %arg15[%add3A_23, %dma_start3A_115] : memref<20480x64xf32, #tpu.memory_space<vmem_shared>> -> memref<128x64xf32, #tpu.memory_space<vmem_shared>>
      %dma_start3A_117 = arith.constant 0 : i32
      %dma_start3A_118 = tpu.memref_slice %arg15[%add3A_23, %dma_start3A_117] : memref<20480x64xf32, #tpu.memory_space<vmem_shared>> -> memref<128x64xf32, #tpu.memory_space<vmem_shared>>
      tpu.enqueue_dma source(%arg13 : memref<128x64xf32, #tpu.memory_space<vmem>>) target(%dma_start3A_118 : memref<128x64xf32, #tpu.memory_space<vmem_shared>>) target_semaphore(%run_scoped3A : memref<!tpu.dma_semaphore, #tpu.memory_space<semaphore_mem>>)
      %dma_wait3A_119 = arith.constant 0 : i32
      %dma_wait3A_120 = tpu.memref_slice %arg15[%add3A_23, %dma_wait3A_119] : memref<20480x64xf32, #tpu.memory_space<vmem_shared>> -> memref<128x64xf32, #tpu.memory_space<vmem_shared>>
      %dma_wait3A_121 = arith.constant 0 : i32
      %dma_wait3A_122 = tpu.memref_slice %arg15[%add3A_23, %dma_wait3A_121] : memref<20480x64xf32, #tpu.memory_space<vmem_shared>> -> memref<128x64xf32, #tpu.memory_space<vmem_shared>>
      tpu.wait_dma2 semaphore(%run_scoped3A : memref<!tpu.dma_semaphore, #tpu.memory_space<semaphore_mem>>) src(%arg13 : memref<128x64xf32, #tpu.memory_space<vmem>>) dst(%dma_wait3A_122 : memref<128x64xf32, #tpu.memory_space<vmem_shared>>)
      tpu.yield
    }) : () -> ()
    %mul3A_24 = arith.constant 1280 : i32
    %mul3A_25 = arith.muli %arg1, %mul3A_24 : i32
    %add3A_26 = arith.constant 512 : i32
    %add3A_27 = arith.addi %mul3A_25, %add3A_26 : i32
    "tpu.region"() ({
      %run_scoped3A = tpu.sem_alloc : memref<!tpu.dma_semaphore, #tpu.memory_space<semaphore_mem>>
      %dma_start3A_115 = arith.constant 0 : i32
      %dma_start3A_116 = tpu.memref_slice %arg15[%add3A_27, %dma_start3A_115] : memref<20480x64xf32, #tpu.memory_space<vmem_shared>> -> memref<128x64xf32, #tpu.memory_space<vmem_shared>>
      %dma_start3A_117 = arith.constant 0 : i32
      %dma_start3A_118 = tpu.memref_slice %arg15[%add3A_27, %dma_start3A_117] : memref<20480x64xf32, #tpu.memory_space<vmem_shared>> -> memref<128x64xf32, #tpu.memory_space<vmem_shared>>
      tpu.enqueue_dma source(%arg13 : memref<128x64xf32, #tpu.memory_space<vmem>>) target(%dma_start3A_118 : memref<128x64xf32, #tpu.memory_space<vmem_shared>>) target_semaphore(%run_scoped3A : memref<!tpu.dma_semaphore, #tpu.memory_space<semaphore_mem>>)
      %dma_wait3A_119 = arith.constant 0 : i32
      %dma_wait3A_120 = tpu.memref_slice %arg15[%add3A_27, %dma_wait3A_119] : memref<20480x64xf32, #tpu.memory_space<vmem_shared>> -> memref<128x64xf32, #tpu.memory_space<vmem_shared>>
      %dma_wait3A_121 = arith.constant 0 : i32
      %dma_wait3A_122 = tpu.memref_slice %arg15[%add3A_27, %dma_wait3A_121] : memref<20480x64xf32, #tpu.memory_space<vmem_shared>> -> memref<128x64xf32, #tpu.memory_space<vmem_shared>>
      tpu.wait_dma2 semaphore(%run_scoped3A : memref<!tpu.dma_semaphore, #tpu.memory_space<semaphore_mem>>) src(%arg13 : memref<128x64xf32, #tpu.memory_space<vmem>>) dst(%dma_wait3A_122 : memref<128x64xf32, #tpu.memory_space<vmem_shared>>)
      tpu.yield
    }) : () -> ()
    %mul3A_28 = arith.constant 1280 : i32
    %mul3A_29 = arith.muli %arg1, %mul3A_28 : i32
    %add3A_30 = arith.constant 640 : i32
    %add3A_31 = arith.addi %mul3A_29, %add3A_30 : i32
    "tpu.region"() ({
      %run_scoped3A = tpu.sem_alloc : memref<!tpu.dma_semaphore, #tpu.memory_space<semaphore_mem>>
      %dma_start3A_115 = arith.constant 0 : i32
      %dma_start3A_116 = tpu.memref_slice %arg15[%add3A_31, %dma_start3A_115] : memref<20480x64xf32, #tpu.memory_space<vmem_shared>> -> memref<128x64xf32, #tpu.memory_space<vmem_shared>>
      %dma_start3A_117 = arith.constant 0 : i32
      %dma_start3A_118 = tpu.memref_slice %arg15[%add3A_31, %dma_start3A_117] : memref<20480x64xf32, #tpu.memory_space<vmem_shared>> -> memref<128x64xf32, #tpu.memory_space<vmem_shared>>
      tpu.enqueue_dma source(%arg13 : memref<128x64xf32, #tpu.memory_space<vmem>>) target(%dma_start3A_118 : memref<128x64xf32, #tpu.memory_space<vmem_shared>>) target_semaphore(%run_scoped3A : memref<!tpu.dma_semaphore, #tpu.memory_space<semaphore_mem>>)
      %dma_wait3A_119 = arith.constant 0 : i32
      %dma_wait3A_120 = tpu.memref_slice %arg15[%add3A_31, %dma_wait3A_119] : memref<20480x64xf32, #tpu.memory_space<vmem_shared>> -> memref<128x64xf32, #tpu.memory_space<vmem_shared>>
      %dma_wait3A_121 = arith.constant 0 : i32
      %dma_wait3A_122 = tpu.memref_slice %arg15[%add3A_31, %dma_wait3A_121] : memref<20480x64xf32, #tpu.memory_space<vmem_shared>> -> memref<128x64xf32, #tpu.memory_space<vmem_shared>>
      tpu.wait_dma2 semaphore(%run_scoped3A : memref<!tpu.dma_semaphore, #tpu.memory_space<semaphore_mem>>) src(%arg13 : memref<128x64xf32, #tpu.memory_space<vmem>>) dst(%dma_wait3A_122 : memref<128x64xf32, #tpu.memory_space<vmem_shared>>)
      tpu.yield
    }) : () -> ()
    %mul3A_32 = arith.constant 1280 : i32
    %mul3A_33 = arith.muli %arg1, %mul3A_32 : i32
    %add3A_34 = arith.constant 768 : i32
    %add3A_35 = arith.addi %mul3A_33, %add3A_34 : i32
    "tpu.region"() ({
      %run_scoped3A = tpu.sem_alloc : memref<!tpu.dma_semaphore, #tpu.memory_space<semaphore_mem>>
      %dma_start3A_115 = arith.constant 0 : i32
      %dma_start3A_116 = tpu.memref_slice %arg15[%add3A_35, %dma_start3A_115] : memref<20480x64xf32, #tpu.memory_space<vmem_shared>> -> memref<128x64xf32, #tpu.memory_space<vmem_shared>>
      %dma_start3A_117 = arith.constant 0 : i32
      %dma_start3A_118 = tpu.memref_slice %arg15[%add3A_35, %dma_start3A_117] : memref<20480x64xf32, #tpu.memory_space<vmem_shared>> -> memref<128x64xf32, #tpu.memory_space<vmem_shared>>
      tpu.enqueue_dma source(%arg13 : memref<128x64xf32, #tpu.memory_space<vmem>>) target(%dma_start3A_118 : memref<128x64xf32, #tpu.memory_space<vmem_shared>>) target_semaphore(%run_scoped3A : memref<!tpu.dma_semaphore, #tpu.memory_space<semaphore_mem>>)
      %dma_wait3A_119 = arith.constant 0 : i32
      %dma_wait3A_120 = tpu.memref_slice %arg15[%add3A_35, %dma_wait3A_119] : memref<20480x64xf32, #tpu.memory_space<vmem_shared>> -> memref<128x64xf32, #tpu.memory_space<vmem_shared>>
      %dma_wait3A_121 = arith.constant 0 : i32
      %dma_wait3A_122 = tpu.memref_slice %arg15[%add3A_35, %dma_wait3A_121] : memref<20480x64xf32, #tpu.memory_space<vmem_shared>> -> memref<128x64xf32, #tpu.memory_space<vmem_shared>>
      tpu.wait_dma2 semaphore(%run_scoped3A : memref<!tpu.dma_semaphore, #tpu.memory_space<semaphore_mem>>) src(%arg13 : memref<128x64xf32, #tpu.memory_space<vmem>>) dst(%dma_wait3A_122 : memref<128x64xf32, #tpu.memory_space<vmem_shared>>)
      tpu.yield
    }) : () -> ()
    %mul3A_36 = arith.constant 1280 : i32
    %mul3A_37 = arith.muli %arg1, %mul3A_36 : i32
    %add3A_38 = arith.constant 896 : i32
    %add3A_39 = arith.addi %mul3A_37, %add3A_38 : i32
    "tpu.region"() ({
      %run_scoped3A = tpu.sem_alloc : memref<!tpu.dma_semaphore, #tpu.memory_space<semaphore_mem>>
      %dma_start3A_115 = arith.constant 0 : i32
      %dma_start3A_116 = tpu.memref_slice %arg15[%add3A_39, %dma_start3A_115] : memref<20480x64xf32, #tpu.memory_space<vmem_shared>> -> memref<128x64xf32, #tpu.memory_space<vmem_shared>>
      %dma_start3A_117 = arith.constant 0 : i32
      %dma_start3A_118 = tpu.memref_slice %arg15[%add3A_39, %dma_start3A_117] : memref<20480x64xf32, #tpu.memory_space<vmem_shared>> -> memref<128x64xf32, #tpu.memory_space<vmem_shared>>
      tpu.enqueue_dma source(%arg13 : memref<128x64xf32, #tpu.memory_space<vmem>>) target(%dma_start3A_118 : memref<128x64xf32, #tpu.memory_space<vmem_shared>>) target_semaphore(%run_scoped3A : memref<!tpu.dma_semaphore, #tpu.memory_space<semaphore_mem>>)
      %dma_wait3A_119 = arith.constant 0 : i32
      %dma_wait3A_120 = tpu.memref_slice %arg15[%add3A_39, %dma_wait3A_119] : memref<20480x64xf32, #tpu.memory_space<vmem_shared>> -> memref<128x64xf32, #tpu.memory_space<vmem_shared>>
      %dma_wait3A_121 = arith.constant 0 : i32
      %dma_wait3A_122 = tpu.memref_slice %arg15[%add3A_39, %dma_wait3A_121] : memref<20480x64xf32, #tpu.memory_space<vmem_shared>> -> memref<128x64xf32, #tpu.memory_space<vmem_shared>>
      tpu.wait_dma2 semaphore(%run_scoped3A : memref<!tpu.dma_semaphore, #tpu.memory_space<semaphore_mem>>) src(%arg13 : memref<128x64xf32, #tpu.memory_space<vmem>>) dst(%dma_wait3A_122 : memref<128x64xf32, #tpu.memory_space<vmem_shared>>)
      tpu.yield
    }) : () -> ()
    %mul3A_40 = arith.constant 1280 : i32
    %mul3A_41 = arith.muli %arg1, %mul3A_40 : i32
    %add3A_42 = arith.constant 1024 : i32
    %add3A_43 = arith.addi %mul3A_41, %add3A_42 : i32
    "tpu.region"() ({
      %run_scoped3A = tpu.sem_alloc : memref<!tpu.dma_semaphore, #tpu.memory_space<semaphore_mem>>
      %dma_start3A_115 = arith.constant 0 : i32
      %dma_start3A_116 = tpu.memref_slice %arg15[%add3A_43, %dma_start3A_115] : memref<20480x64xf32, #tpu.memory_space<vmem_shared>> -> memref<128x64xf32, #tpu.memory_space<vmem_shared>>
      %dma_start3A_117 = arith.constant 0 : i32
      %dma_start3A_118 = tpu.memref_slice %arg15[%add3A_43, %dma_start3A_117] : memref<20480x64xf32, #tpu.memory_space<vmem_shared>> -> memref<128x64xf32, #tpu.memory_space<vmem_shared>>
      tpu.enqueue_dma source(%arg13 : memref<128x64xf32, #tpu.memory_space<vmem>>) target(%dma_start3A_118 : memref<128x64xf32, #tpu.memory_space<vmem_shared>>) target_semaphore(%run_scoped3A : memref<!tpu.dma_semaphore, #tpu.memory_space<semaphore_mem>>)
      %dma_wait3A_119 = arith.constant 0 : i32
      %dma_wait3A_120 = tpu.memref_slice %arg15[%add3A_43, %dma_wait3A_119] : memref<20480x64xf32, #tpu.memory_space<vmem_shared>> -> memref<128x64xf32, #tpu.memory_space<vmem_shared>>
      %dma_wait3A_121 = arith.constant 0 : i32
      %dma_wait3A_122 = tpu.memref_slice %arg15[%add3A_43, %dma_wait3A_121] : memref<20480x64xf32, #tpu.memory_space<vmem_shared>> -> memref<128x64xf32, #tpu.memory_space<vmem_shared>>
      tpu.wait_dma2 semaphore(%run_scoped3A : memref<!tpu.dma_semaphore, #tpu.memory_space<semaphore_mem>>) src(%arg13 : memref<128x64xf32, #tpu.memory_space<vmem>>) dst(%dma_wait3A_122 : memref<128x64xf32, #tpu.memory_space<vmem_shared>>)
      tpu.yield
    }) : () -> ()
    %mul3A_44 = arith.constant 1280 : i32
    %mul3A_45 = arith.muli %arg1, %mul3A_44 : i32
    %add3A_46 = arith.constant 1152 : i32
    %add3A_47 = arith.addi %mul3A_45, %add3A_46 : i32
    "tpu.region"() ({
      %run_scoped3A = tpu.sem_alloc : memref<!tpu.dma_semaphore, #tpu.memory_space<semaphore_mem>>
      %dma_start3A_115 = arith.constant 0 : i32
      %dma_start3A_116 = tpu.memref_slice %arg15[%add3A_47, %dma_start3A_115] : memref<20480x64xf32, #tpu.memory_space<vmem_shared>> -> memref<128x64xf32, #tpu.memory_space<vmem_shared>>
      %dma_start3A_117 = arith.constant 0 : i32
      %dma_start3A_118 = tpu.memref_slice %arg15[%add3A_47, %dma_start3A_117] : memref<20480x64xf32, #tpu.memory_space<vmem_shared>> -> memref<128x64xf32, #tpu.memory_space<vmem_shared>>
      tpu.enqueue_dma source(%arg13 : memref<128x64xf32, #tpu.memory_space<vmem>>) target(%dma_start3A_118 : memref<128x64xf32, #tpu.memory_space<vmem_shared>>) target_semaphore(%run_scoped3A : memref<!tpu.dma_semaphore, #tpu.memory_space<semaphore_mem>>)
      %dma_wait3A_119 = arith.constant 0 : i32
      %dma_wait3A_120 = tpu.memref_slice %arg15[%add3A_47, %dma_wait3A_119] : memref<20480x64xf32, #tpu.memory_space<vmem_shared>> -> memref<128x64xf32, #tpu.memory_space<vmem_shared>>
      %dma_wait3A_121 = arith.constant 0 : i32
      %dma_wait3A_122 = tpu.memref_slice %arg15[%add3A_47, %dma_wait3A_121] : memref<20480x64xf32, #tpu.memory_space<vmem_shared>> -> memref<128x64xf32, #tpu.memory_space<vmem_shared>>
      tpu.wait_dma2 semaphore(%run_scoped3A : memref<!tpu.dma_semaphore, #tpu.memory_space<semaphore_mem>>) src(%arg13 : memref<128x64xf32, #tpu.memory_space<vmem>>) dst(%dma_wait3A_122 : memref<128x64xf32, #tpu.memory_space<vmem_shared>>)
      tpu.yield
    }) : () -> ()
    %barrier3A = arith.constant 0 : index
    tpu.barrier barrier_id(%barrier3A)
    %dma_start3A = arith.constant 0 : i32
    %dma_start3A_48 = tpu.memref_slice %arg3[%add3A, %dma_start3A] : memref<32x16384xi32, #tpu.memory_space<hbm>> -> memref<1x128xi32, #tpu.memory_space<hbm>>
    %dma_start3A_49 = tpu.memref_squeeze %dma_start3A_48 : memref<1x128xi32, #tpu.memory_space<hbm>> -> memref<128xi32, #tpu.memory_space<hbm>>
    %dma_start3A_50 = arith.constant 0 : i32
    %dma_start3A_51 = tpu.memref_slice %arg3[%add3A, %dma_start3A_50] : memref<32x16384xi32, #tpu.memory_space<hbm>> -> memref<1x128xi32, #tpu.memory_space<hbm>>
    %dma_start3A_52 = tpu.memref_squeeze %dma_start3A_51 : memref<1x128xi32, #tpu.memory_space<hbm>> -> memref<128xi32, #tpu.memory_space<hbm>>
    tpu.enqueue_dma source(%dma_start3A_52 : memref<128xi32, #tpu.memory_space<hbm>>) target(%arg7 : memref<128xi32, #tpu.memory_space<vmem>>) target_semaphore(%arg16 : memref<!tpu.dma_semaphore, #tpu.memory_space<semaphore_mem>>)
    %dma_start3A_53 = arith.constant 0 : i32
    %dma_start3A_54 = tpu.memref_slice %arg4[%add3A, %dma_start3A_53] : memref<32x16384xi32, #tpu.memory_space<hbm>> -> memref<1x128xi32, #tpu.memory_space<hbm>>
    %dma_start3A_55 = tpu.memref_squeeze %dma_start3A_54 : memref<1x128xi32, #tpu.memory_space<hbm>> -> memref<128xi32, #tpu.memory_space<hbm>>
    %dma_start3A_56 = arith.constant 0 : i32
    %dma_start3A_57 = tpu.memref_slice %arg4[%add3A, %dma_start3A_56] : memref<32x16384xi32, #tpu.memory_space<hbm>> -> memref<1x128xi32, #tpu.memory_space<hbm>>
    %dma_start3A_58 = tpu.memref_squeeze %dma_start3A_57 : memref<1x128xi32, #tpu.memory_space<hbm>> -> memref<128xi32, #tpu.memory_space<hbm>>
    tpu.enqueue_dma source(%dma_start3A_58 : memref<128xi32, #tpu.memory_space<hbm>>) target(%arg9 : memref<128xi32, #tpu.memory_space<vmem>>) target_semaphore(%arg16 : memref<!tpu.dma_semaphore, #tpu.memory_space<semaphore_mem>>)
    %dma_start3A_59 = arith.constant 0 : i32
    %dma_start3A_60 = tpu.memref_slice %arg5[%add3A, %dma_start3A_59] : memref<32x16384xf32, #tpu.memory_space<hbm>> -> memref<1x128xf32, #tpu.memory_space<hbm>>
    %dma_start3A_61 = tpu.memref_squeeze %dma_start3A_60 : memref<1x128xf32, #tpu.memory_space<hbm>> -> memref<128xf32, #tpu.memory_space<hbm>>
    %dma_start3A_62 = arith.constant 0 : i32
    %dma_start3A_63 = tpu.memref_slice %arg5[%add3A, %dma_start3A_62] : memref<32x16384xf32, #tpu.memory_space<hbm>> -> memref<1x128xf32, #tpu.memory_space<hbm>>
    %dma_start3A_64 = tpu.memref_squeeze %dma_start3A_63 : memref<1x128xf32, #tpu.memory_space<hbm>> -> memref<128xf32, #tpu.memory_space<hbm>>
    tpu.enqueue_dma source(%dma_start3A_64 : memref<128xf32, #tpu.memory_space<hbm>>) target(%arg11 : memref<128xf32, #tpu.memory_space<vmem>>) target_semaphore(%arg16 : memref<!tpu.dma_semaphore, #tpu.memory_space<semaphore_mem>>)
    %dma_wait3A = arith.constant 0 : i32
    %dma_wait3A_65 = tpu.memref_slice %arg3[%add3A, %dma_wait3A] : memref<32x16384xi32, #tpu.memory_space<hbm>> -> memref<1x128xi32, #tpu.memory_space<hbm>>
    %dma_wait3A_66 = tpu.memref_squeeze %dma_wait3A_65 : memref<1x128xi32, #tpu.memory_space<hbm>> -> memref<128xi32, #tpu.memory_space<hbm>>
    %dma_wait3A_67 = arith.constant 0 : i32
    %dma_wait3A_68 = tpu.memref_slice %arg3[%add3A, %dma_wait3A_67] : memref<32x16384xi32, #tpu.memory_space<hbm>> -> memref<1x128xi32, #tpu.memory_space<hbm>>
    %dma_wait3A_69 = tpu.memref_squeeze %dma_wait3A_68 : memref<1x128xi32, #tpu.memory_space<hbm>> -> memref<128xi32, #tpu.memory_space<hbm>>
    tpu.wait_dma2 semaphore(%arg16 : memref<!tpu.dma_semaphore, #tpu.memory_space<semaphore_mem>>) src(%dma_wait3A_69 : memref<128xi32, #tpu.memory_space<hbm>>) dst(%arg7 : memref<128xi32, #tpu.memory_space<vmem>>)
    %dma_wait3A_70 = arith.constant 0 : i32
    %dma_wait3A_71 = tpu.memref_slice %arg4[%add3A, %dma_wait3A_70] : memref<32x16384xi32, #tpu.memory_space<hbm>> -> memref<1x128xi32, #tpu.memory_space<hbm>>
    %dma_wait3A_72 = tpu.memref_squeeze %dma_wait3A_71 : memref<1x128xi32, #tpu.memory_space<hbm>> -> memref<128xi32, #tpu.memory_space<hbm>>
    %dma_wait3A_73 = arith.constant 0 : i32
    %dma_wait3A_74 = tpu.memref_slice %arg4[%add3A, %dma_wait3A_73] : memref<32x16384xi32, #tpu.memory_space<hbm>> -> memref<1x128xi32, #tpu.memory_space<hbm>>
    %dma_wait3A_75 = tpu.memref_squeeze %dma_wait3A_74 : memref<1x128xi32, #tpu.memory_space<hbm>> -> memref<128xi32, #tpu.memory_space<hbm>>
    tpu.wait_dma2 semaphore(%arg16 : memref<!tpu.dma_semaphore, #tpu.memory_space<semaphore_mem>>) src(%dma_wait3A_75 : memref<128xi32, #tpu.memory_space<hbm>>) dst(%arg9 : memref<128xi32, #tpu.memory_space<vmem>>)
    %dma_wait3A_76 = arith.constant 0 : i32
    %dma_wait3A_77 = tpu.memref_slice %arg5[%add3A, %dma_wait3A_76] : memref<32x16384xf32, #tpu.memory_space<hbm>> -> memref<1x128xf32, #tpu.memory_space<hbm>>
    %dma_wait3A_78 = tpu.memref_squeeze %dma_wait3A_77 : memref<1x128xf32, #tpu.memory_space<hbm>> -> memref<128xf32, #tpu.memory_space<hbm>>
    %dma_wait3A_79 = arith.constant 0 : i32
    %dma_wait3A_80 = tpu.memref_slice %arg5[%add3A, %dma_wait3A_79] : memref<32x16384xf32, #tpu.memory_space<hbm>> -> memref<1x128xf32, #tpu.memory_space<hbm>>
    %dma_wait3A_81 = tpu.memref_squeeze %dma_wait3A_80 : memref<1x128xf32, #tpu.memory_space<hbm>> -> memref<128xf32, #tpu.memory_space<hbm>>
    tpu.wait_dma2 semaphore(%arg16 : memref<!tpu.dma_semaphore, #tpu.memory_space<semaphore_mem>>) src(%dma_wait3A_81 : memref<128xf32, #tpu.memory_space<hbm>>) dst(%arg11 : memref<128xf32, #tpu.memory_space<vmem>>)
    %dma_start3A_82 = arith.constant 0 : i32
    %dma_start3A_83 = arith.constant 0 : i32
    %dma_start3A_84 = tpu.memref_slice %arg2[%dma_start3A_82, %dma_start3A_83] : memref<81920x64xf32, #tpu.memory_space<hbm>> -> memref<81920x64xf32, #tpu.memory_space<hbm>>
    tpu.enqueue_indirect_dma source(%dma_start3A_84 : memref<81920x64xf32, #tpu.memory_space<hbm>>) target(%arg13 : memref<128x64xf32, #tpu.memory_space<vmem>>) offsets(%arg7 : memref<128xi32, #tpu.memory_space<vmem>>) semaphore(%arg18 : memref<!tpu.dma_semaphore, #tpu.memory_space<semaphore_mem>>)
    %dma_start3A_85 = arith.constant 128 : i32
    %dma_start3A_86 = tpu.memref_slice %arg3[%add3A, %dma_start3A_85] : memref<32x16384xi32, #tpu.memory_space<hbm>> -> memref<1x128xi32, #tpu.memory_space<hbm>>
    %dma_start3A_87 = tpu.memref_squeeze %dma_start3A_86 : memref<1x128xi32, #tpu.memory_space<hbm>> -> memref<128xi32, #tpu.memory_space<hbm>>
    %dma_start3A_88 = arith.constant 128 : i32
    %dma_start3A_89 = tpu.memref_slice %arg3[%add3A, %dma_start3A_88] : memref<32x16384xi32, #tpu.memory_space<hbm>> -> memref<1x128xi32, #tpu.memory_space<hbm>>
    %dma_start3A_90 = tpu.memref_squeeze %dma_start3A_89 : memref<1x128xi32, #tpu.memory_space<hbm>> -> memref<128xi32, #tpu.memory_space<hbm>>
    tpu.enqueue_dma source(%dma_start3A_90 : memref<128xi32, #tpu.memory_space<hbm>>) target(%arg8 : memref<128xi32, #tpu.memory_space<vmem>>) target_semaphore(%arg17 : memref<!tpu.dma_semaphore, #tpu.memory_space<semaphore_mem>>)
    %dma_start3A_91 = arith.constant 128 : i32
    %dma_start3A_92 = tpu.memref_slice %arg4[%add3A, %dma_start3A_91] : memref<32x16384xi32, #tpu.memory_space<hbm>> -> memref<1x128xi32, #tpu.memory_space<hbm>>
    %dma_start3A_93 = tpu.memref_squeeze %dma_start3A_92 : memref<1x128xi32, #tpu.memory_space<hbm>> -> memref<128xi32, #tpu.memory_space<hbm>>
    %dma_start3A_94 = arith.constant 128 : i32
    %dma_start3A_95 = tpu.memref_slice %arg4[%add3A, %dma_start3A_94] : memref<32x16384xi32, #tpu.memory_space<hbm>> -> memref<1x128xi32, #tpu.memory_space<hbm>>
    %dma_start3A_96 = tpu.memref_squeeze %dma_start3A_95 : memref<1x128xi32, #tpu.memory_space<hbm>> -> memref<128xi32, #tpu.memory_space<hbm>>
    tpu.enqueue_dma source(%dma_start3A_96 : memref<128xi32, #tpu.memory_space<hbm>>) target(%arg10 : memref<128xi32, #tpu.memory_space<vmem>>) target_semaphore(%arg17 : memref<!tpu.dma_semaphore, #tpu.memory_space<semaphore_mem>>)
    %dma_start3A_97 = arith.constant 128 : i32
    %dma_start3A_98 = tpu.memref_slice %arg5[%add3A, %dma_start3A_97] : memref<32x16384xf32, #tpu.memory_space<hbm>> -> memref<1x128xf32, #tpu.memory_space<hbm>>
    %dma_start3A_99 = tpu.memref_squeeze %dma_start3A_98 : memref<1x128xf32, #tpu.memory_space<hbm>> -> memref<128xf32, #tpu.memory_space<hbm>>
    %dma_start3A_100 = arith.constant 128 : i32
    %dma_start3A_101 = tpu.memref_slice %arg5[%add3A, %dma_start3A_100] : memref<32x16384xf32, #tpu.memory_space<hbm>> -> memref<1x128xf32, #tpu.memory_space<hbm>>
    %dma_start3A_102 = tpu.memref_squeeze %dma_start3A_101 : memref<1x128xf32, #tpu.memory_space<hbm>> -> memref<128xf32, #tpu.memory_space<hbm>>
    tpu.enqueue_dma source(%dma_start3A_102 : memref<128xf32, #tpu.memory_space<hbm>>) target(%arg12 : memref<128xf32, #tpu.memory_space<vmem>>) target_semaphore(%arg17 : memref<!tpu.dma_semaphore, #tpu.memory_space<semaphore_mem>>)
    %scan3A_103 = arith.constant 0 : i32
    %scan3A_104 = arith.constant 0 : i32
    %scan3A_105 = arith.constant 64 : i32
    %scan3A_106 = arith.addi %scan3A_104, %scan3A_105 : i32
    %scan3A_107 = arith.constant 1 : i32
    %scan3A_108 = scf.for %scan3A_115 = %scan3A_104 to %scan3A_106 step %scan3A_107 iter_args(%scan3A_116 = %scan3A_103) -> (i32)  : i32 {
      %mul3A_117 = arith.constant 2 : i32
      %mul3A_118 = arith.muli %scan3A_115, %mul3A_117 : i32
      %add3A_119 = arith.constant 0 : i32
      %add3A_120 = arith.addi %mul3A_118, %add3A_119 : i32
      %add3A_121 = arith.constant 1 : i32
      %add3A_122 = arith.addi %add3A_120, %add3A_121 : i32
      %lt3A = arith.constant 128 : i32
      %lt3A_123 = arith.cmpi slt, %add3A_122, %lt3A : i32
      %convert_element_type3A = arith.extui %lt3A_123 : i1 to i32
      %cond3A = arith.constant 0 : i32
      %cond3A_124 = arith.cmpi ne, %convert_element_type3A, %cond3A : i32
      scf.if %cond3A_124 {
        %add3A_162 = arith.constant 1 : i32
        %add3A_163 = arith.addi %add3A_120, %add3A_162 : i32
        %mul3A_164 = arith.constant 128 : i32
        %mul3A_165 = arith.muli %add3A_163, %mul3A_164 : i32
        %dma_wait3A_166 = tpu.memref_slice %arg3[%add3A, %mul3A_165] : memref<32x16384xi32, #tpu.memory_space<hbm>> -> memref<1x128xi32, #tpu.memory_space<hbm>>
        %dma_wait3A_167 = tpu.memref_squeeze %dma_wait3A_166 : memref<1x128xi32, #tpu.memory_space<hbm>> -> memref<128xi32, #tpu.memory_space<hbm>>
        %dma_wait3A_168 = tpu.memref_slice %arg3[%add3A, %mul3A_165] : memref<32x16384xi32, #tpu.memory_space<hbm>> -> memref<1x128xi32, #tpu.memory_space<hbm>>
        %dma_wait3A_169 = tpu.memref_squeeze %dma_wait3A_168 : memref<1x128xi32, #tpu.memory_space<hbm>> -> memref<128xi32, #tpu.memory_space<hbm>>
        tpu.wait_dma2 semaphore(%arg17 : memref<!tpu.dma_semaphore, #tpu.memory_space<semaphore_mem>>) src(%dma_wait3A_169 : memref<128xi32, #tpu.memory_space<hbm>>) dst(%arg8 : memref<128xi32, #tpu.memory_space<vmem>>)
        %mul3A_170 = arith.constant 128 : i32
        %mul3A_171 = arith.muli %add3A_163, %mul3A_170 : i32
        %dma_wait3A_172 = tpu.memref_slice %arg4[%add3A, %mul3A_171] : memref<32x16384xi32, #tpu.memory_space<hbm>> -> memref<1x128xi32, #tpu.memory_space<hbm>>
        %dma_wait3A_173 = tpu.memref_squeeze %dma_wait3A_172 : memref<1x128xi32, #tpu.memory_space<hbm>> -> memref<128xi32, #tpu.memory_space<hbm>>
        %dma_wait3A_174 = tpu.memref_slice %arg4[%add3A, %mul3A_171] : memref<32x16384xi32, #tpu.memory_space<hbm>> -> memref<1x128xi32, #tpu.memory_space<hbm>>
        %dma_wait3A_175 = tpu.memref_squeeze %dma_wait3A_174 : memref<1x128xi32, #tpu.memory_space<hbm>> -> memref<128xi32, #tpu.memory_space<hbm>>
        tpu.wait_dma2 semaphore(%arg17 : memref<!tpu.dma_semaphore, #tpu.memory_space<semaphore_mem>>) src(%dma_wait3A_175 : memref<128xi32, #tpu.memory_space<hbm>>) dst(%arg10 : memref<128xi32, #tpu.memory_space<vmem>>)
        %mul3A_176 = arith.constant 128 : i32
        %mul3A_177 = arith.muli %add3A_163, %mul3A_176 : i32
        %dma_wait3A_178 = tpu.memref_slice %arg5[%add3A, %mul3A_177] : memref<32x16384xf32, #tpu.memory_space<hbm>> -> memref<1x128xf32, #tpu.memory_space<hbm>>
        %dma_wait3A_179 = tpu.memref_squeeze %dma_wait3A_178 : memref<1x128xf32, #tpu.memory_space<hbm>> -> memref<128xf32, #tpu.memory_space<hbm>>
        %dma_wait3A_180 = tpu.memref_slice %arg5[%add3A, %mul3A_177] : memref<32x16384xf32, #tpu.memory_space<hbm>> -> memref<1x128xf32, #tpu.memory_space<hbm>>
        %dma_wait3A_181 = tpu.memref_squeeze %dma_wait3A_180 : memref<1x128xf32, #tpu.memory_space<hbm>> -> memref<128xf32, #tpu.memory_space<hbm>>
        tpu.wait_dma2 semaphore(%arg17 : memref<!tpu.dma_semaphore, #tpu.memory_space<semaphore_mem>>) src(%dma_wait3A_181 : memref<128xf32, #tpu.memory_space<hbm>>) dst(%arg12 : memref<128xf32, #tpu.memory_space<vmem>>)
        %dma_start3A_182 = arith.constant 0 : i32
        %dma_start3A_183 = arith.constant 0 : i32
        %dma_start3A_184 = tpu.memref_slice %arg2[%dma_start3A_182, %dma_start3A_183] : memref<81920x64xf32, #tpu.memory_space<hbm>> -> memref<81920x64xf32, #tpu.memory_space<hbm>>
        tpu.enqueue_indirect_dma source(%dma_start3A_184 : memref<81920x64xf32, #tpu.memory_space<hbm>>) target(%arg14 : memref<128x64xf32, #tpu.memory_space<vmem>>) offsets(%arg8 : memref<128xi32, #tpu.memory_space<vmem>>) semaphore(%arg19 : memref<!tpu.dma_semaphore, #tpu.memory_space<semaphore_mem>>)
      } else {
      }
      %dma_wait3A_125 = arith.constant 0 : i32
      %dma_wait3A_126 = arith.constant 0 : i32
      %dma_wait3A_127 = tpu.memref_slice %arg2[%dma_wait3A_125, %dma_wait3A_126] : memref<81920x64xf32, #tpu.memory_space<hbm>> -> memref<81920x64xf32, #tpu.memory_space<hbm>>
      tpu.wait_indirect_dma semaphore(%arg18 : memref<!tpu.dma_semaphore, #tpu.memory_space<semaphore_mem>>) src(%dma_wait3A_127 : memref<81920x64xf32, #tpu.memory_space<hbm>>) dst(%arg13 : memref<128x64xf32, #tpu.memory_space<vmem>>)
      %parallel_loop3A = arith.constant 0 : i32
      %parallel_loop3A_128 = arith.constant 128 : i32
      %parallel_loop3A_129 = arith.constant 1 : i32
      scf.for %parallel_loop3A_162 = %parallel_loop3A to %parallel_loop3A_128 step %parallel_loop3A_129  : i32 {
        %parallel_loop3A_163 = vector.broadcast %parallel_loop3A_162 : i32 to vector<16xi32>
        %parallel_loop3A_164 = tpu.vector_load_idx %arg11[%parallel_loop3A_163] : memref<128xf32, #tpu.memory_space<vmem>>[vector<16xi32>], vector<16xf32>,
        %parallel_loop3A_165 = arith.index_cast %parallel_loop3A_162 : i32 to index
        %parallel_loop3A_166 = arith.constant 0 : index
        %parallel_loop3A_167 = tpu.vector_load %arg13[%parallel_loop3A_165, %parallel_loop3A_166] {strides = array<i32>} : memref<128x64xf32, #tpu.memory_space<vmem>>, vector<16xf32>,
        %parallel_loop3A_168 = arith.mulf %parallel_loop3A_167, %parallel_loop3A_164 : vector<16xf32>
        %parallel_loop3A_169 = arith.index_cast %parallel_loop3A_162 : i32 to index
        %parallel_loop3A_170 = arith.constant 0 : index
        %parallel_loop3A_171 = tpu.vector_load %arg13[%parallel_loop3A_169, %parallel_loop3A_170] {strides = array<i32>} : memref<128x64xf32, #tpu.memory_space<vmem>>, vector<16xf32>,
        tpu.vector_store %arg13[%parallel_loop3A_169, %parallel_loop3A_170], %parallel_loop3A_168 {strides = array<i32>} : memref<128x64xf32, #tpu.memory_space<vmem>>, vector<16xf32>,
        %parallel_loop3A_172 = arith.index_cast %parallel_loop3A_162 : i32 to index
        %parallel_loop3A_173 = arith.constant 16 : index
        %parallel_loop3A_174 = tpu.vector_load %arg13[%parallel_loop3A_172, %parallel_loop3A_173] {strides = array<i32>} : memref<128x64xf32, #tpu.memory_space<vmem>>, vector<16xf32>,
        %parallel_loop3A_175 = arith.mulf %parallel_loop3A_174, %parallel_loop3A_164 : vector<16xf32>
        %parallel_loop3A_176 = arith.index_cast %parallel_loop3A_162 : i32 to index
        %parallel_loop3A_177 = arith.constant 16 : index
        %parallel_loop3A_178 = tpu.vector_load %arg13[%parallel_loop3A_176, %parallel_loop3A_177] {strides = array<i32>} : memref<128x64xf32, #tpu.memory_space<vmem>>, vector<16xf32>,
        tpu.vector_store %arg13[%parallel_loop3A_176, %parallel_loop3A_177], %parallel_loop3A_175 {strides = array<i32>} : memref<128x64xf32, #tpu.memory_space<vmem>>, vector<16xf32>,
        %parallel_loop3A_179 = arith.index_cast %parallel_loop3A_162 : i32 to index
        %parallel_loop3A_180 = arith.constant 32 : index
        %parallel_loop3A_181 = tpu.vector_load %arg13[%parallel_loop3A_179, %parallel_loop3A_180] {strides = array<i32>} : memref<128x64xf32, #tpu.memory_space<vmem>>, vector<16xf32>,
        %parallel_loop3A_182 = arith.mulf %parallel_loop3A_181, %parallel_loop3A_164 : vector<16xf32>
        %parallel_loop3A_183 = arith.index_cast %parallel_loop3A_162 : i32 to index
        %parallel_loop3A_184 = arith.constant 32 : index
        %parallel_loop3A_185 = tpu.vector_load %arg13[%parallel_loop3A_183, %parallel_loop3A_184] {strides = array<i32>} : memref<128x64xf32, #tpu.memory_space<vmem>>, vector<16xf32>,
        tpu.vector_store %arg13[%parallel_loop3A_183, %parallel_loop3A_184], %parallel_loop3A_182 {strides = array<i32>} : memref<128x64xf32, #tpu.memory_space<vmem>>, vector<16xf32>,
        %parallel_loop3A_186 = arith.index_cast %parallel_loop3A_162 : i32 to index
        %parallel_loop3A_187 = arith.constant 48 : index
        %parallel_loop3A_188 = tpu.vector_load %arg13[%parallel_loop3A_186, %parallel_loop3A_187] {strides = array<i32>} : memref<128x64xf32, #tpu.memory_space<vmem>>, vector<16xf32>,
        %parallel_loop3A_189 = arith.mulf %parallel_loop3A_188, %parallel_loop3A_164 : vector<16xf32>
        %parallel_loop3A_190 = arith.index_cast %parallel_loop3A_162 : i32 to index
        %parallel_loop3A_191 = arith.constant 48 : index
        %parallel_loop3A_192 = tpu.vector_load %arg13[%parallel_loop3A_190, %parallel_loop3A_191] {strides = array<i32>} : memref<128x64xf32, #tpu.memory_space<vmem>>, vector<16xf32>,
        tpu.vector_store %arg13[%parallel_loop3A_190, %parallel_loop3A_191], %parallel_loop3A_189 {strides = array<i32>} : memref<128x64xf32, #tpu.memory_space<vmem>>, vector<16xf32>,
      } {sc.loop_unroll_factor = 8 : i64, sc.parallel_access}
      "tpu.region"() ({
        %run_scoped3A = tpu.sem_alloc : memref<!tpu.dma_semaphore, #tpu.memory_space<semaphore_mem>>
        %dma_start3A_162 = arith.constant 0 : i32
        %dma_start3A_163 = arith.constant 0 : i32
        %dma_start3A_164 = tpu.memref_slice %arg15[%dma_start3A_162, %dma_start3A_163] : memref<20480x64xf32, #tpu.memory_space<vmem_shared>> -> memref<20480x64xf32, #tpu.memory_space<vmem_shared>>
        tpu.enqueue_indirect_dma source(%arg13 : memref<128x64xf32, #tpu.memory_space<vmem>>) target(%dma_start3A_164 : memref<20480x64xf32, #tpu.memory_space<vmem_shared>>) offsets(%arg9 : memref<128xi32, #tpu.memory_space<vmem>>) semaphore(%run_scoped3A : memref<!tpu.dma_semaphore, #tpu.memory_space<semaphore_mem>>) {add = true}
        %dma_wait3A_165 = arith.constant 0 : i32
        %dma_wait3A_166 = arith.constant 0 : i32
        %dma_wait3A_167 = tpu.memref_slice %arg15[%dma_wait3A_165, %dma_wait3A_166] : memref<20480x64xf32, #tpu.memory_space<vmem_shared>> -> memref<20480x64xf32, #tpu.memory_space<vmem_shared>>
        tpu.wait_indirect_dma semaphore(%run_scoped3A : memref<!tpu.dma_semaphore, #tpu.memory_space<semaphore_mem>>) src(%arg13 : memref<128x64xf32, #tpu.memory_space<vmem>>) dst(%dma_wait3A_167 : memref<20480x64xf32, #tpu.memory_space<vmem_shared>>)
        tpu.yield
      }) : () -> ()
      %add3A_130 = arith.constant 2 : i32
      %add3A_131 = arith.addi %add3A_120, %add3A_130 : i32
      %lt3A_132 = arith.constant 128 : i32
      %lt3A_133 = arith.cmpi slt, %add3A_131, %lt3A_132 : i32
      %convert_element_type3A_134 = arith.extui %lt3A_133 : i1 to i32
      %cond3A_135 = arith.constant 0 : i32
      %cond3A_136 = arith.cmpi ne, %convert_element_type3A_134, %cond3A_135 : i32
      scf.if %cond3A_136 {
        %add3A_162 = arith.constant 2 : i32
        %add3A_163 = arith.addi %add3A_120, %add3A_162 : i32
        %mul3A_164 = arith.constant 128 : i32
        %mul3A_165 = arith.muli %add3A_163, %mul3A_164 : i32
        %dma_start3A_166 = tpu.memref_slice %arg3[%add3A, %mul3A_165] : memref<32x16384xi32, #tpu.memory_space<hbm>> -> memref<1x128xi32, #tpu.memory_space<hbm>>
        %dma_start3A_167 = tpu.memref_squeeze %dma_start3A_166 : memref<1x128xi32, #tpu.memory_space<hbm>> -> memref<128xi32, #tpu.memory_space<hbm>>
        %dma_start3A_168 = tpu.memref_slice %arg3[%add3A, %mul3A_165] : memref<32x16384xi32, #tpu.memory_space<hbm>> -> memref<1x128xi32, #tpu.memory_space<hbm>>
        %dma_start3A_169 = tpu.memref_squeeze %dma_start3A_168 : memref<1x128xi32, #tpu.memory_space<hbm>> -> memref<128xi32, #tpu.memory_space<hbm>>
        tpu.enqueue_dma source(%dma_start3A_169 : memref<128xi32, #tpu.memory_space<hbm>>) target(%arg7 : memref<128xi32, #tpu.memory_space<vmem>>) target_semaphore(%arg16 : memref<!tpu.dma_semaphore, #tpu.memory_space<semaphore_mem>>)
        %mul3A_170 = arith.constant 128 : i32
        %mul3A_171 = arith.muli %add3A_163, %mul3A_170 : i32
        %dma_start3A_172 = tpu.memref_slice %arg4[%add3A, %mul3A_171] : memref<32x16384xi32, #tpu.memory_space<hbm>> -> memref<1x128xi32, #tpu.memory_space<hbm>>
        %dma_start3A_173 = tpu.memref_squeeze %dma_start3A_172 : memref<1x128xi32, #tpu.memory_space<hbm>> -> memref<128xi32, #tpu.memory_space<hbm>>
        %dma_start3A_174 = tpu.memref_slice %arg4[%add3A, %mul3A_171] : memref<32x16384xi32, #tpu.memory_space<hbm>> -> memref<1x128xi32, #tpu.memory_space<hbm>>
        %dma_start3A_175 = tpu.memref_squeeze %dma_start3A_174 : memref<1x128xi32, #tpu.memory_space<hbm>> -> memref<128xi32, #tpu.memory_space<hbm>>
        tpu.enqueue_dma source(%dma_start3A_175 : memref<128xi32, #tpu.memory_space<hbm>>) target(%arg9 : memref<128xi32, #tpu.memory_space<vmem>>) target_semaphore(%arg16 : memref<!tpu.dma_semaphore, #tpu.memory_space<semaphore_mem>>)
        %mul3A_176 = arith.constant 128 : i32
        %mul3A_177 = arith.muli %add3A_163, %mul3A_176 : i32
        %dma_start3A_178 = tpu.memref_slice %arg5[%add3A, %mul3A_177] : memref<32x16384xf32, #tpu.memory_space<hbm>> -> memref<1x128xf32, #tpu.memory_space<hbm>>
        %dma_start3A_179 = tpu.memref_squeeze %dma_start3A_178 : memref<1x128xf32, #tpu.memory_space<hbm>> -> memref<128xf32, #tpu.memory_space<hbm>>
        %dma_start3A_180 = tpu.memref_slice %arg5[%add3A, %mul3A_177] : memref<32x16384xf32, #tpu.memory_space<hbm>> -> memref<1x128xf32, #tpu.memory_space<hbm>>
        %dma_start3A_181 = tpu.memref_squeeze %dma_start3A_180 : memref<1x128xf32, #tpu.memory_space<hbm>> -> memref<128xf32, #tpu.memory_space<hbm>>
        tpu.enqueue_dma source(%dma_start3A_181 : memref<128xf32, #tpu.memory_space<hbm>>) target(%arg11 : memref<128xf32, #tpu.memory_space<vmem>>) target_semaphore(%arg16 : memref<!tpu.dma_semaphore, #tpu.memory_space<semaphore_mem>>)
      } else {
      }
      %mul3A_137 = arith.constant 2 : i32
      %mul3A_138 = arith.muli %scan3A_115, %mul3A_137 : i32
      %add3A_139 = arith.constant 1 : i32
      %add3A_140 = arith.addi %mul3A_138, %add3A_139 : i32
      %add3A_141 = arith.constant 1 : i32
      %add3A_142 = arith.addi %add3A_140, %add3A_141 : i32
      %lt3A_143 = arith.constant 128 : i32
      %lt3A_144 = arith.cmpi slt, %add3A_142, %lt3A_143 : i32
      %convert_element_type3A_145 = arith.extui %lt3A_144 : i1 to i32
      %cond3A_146 = arith.constant 0 : i32
      %cond3A_147 = arith.cmpi ne, %convert_element_type3A_145, %cond3A_146 : i32
      scf.if %cond3A_147 {
        %add3A_162 = arith.constant 1 : i32
        %add3A_163 = arith.addi %add3A_140, %add3A_162 : i32
        %mul3A_164 = arith.constant 128 : i32
        %mul3A_165 = arith.muli %add3A_163, %mul3A_164 : i32
        %dma_wait3A_166 = tpu.memref_slice %arg3[%add3A, %mul3A_165] : memref<32x16384xi32, #tpu.memory_space<hbm>> -> memref<1x128xi32, #tpu.memory_space<hbm>>
        %dma_wait3A_167 = tpu.memref_squeeze %dma_wait3A_166 : memref<1x128xi32, #tpu.memory_space<hbm>> -> memref<128xi32, #tpu.memory_space<hbm>>
        %dma_wait3A_168 = tpu.memref_slice %arg3[%add3A, %mul3A_165] : memref<32x16384xi32, #tpu.memory_space<hbm>> -> memref<1x128xi32, #tpu.memory_space<hbm>>
        %dma_wait3A_169 = tpu.memref_squeeze %dma_wait3A_168 : memref<1x128xi32, #tpu.memory_space<hbm>> -> memref<128xi32, #tpu.memory_space<hbm>>
        tpu.wait_dma2 semaphore(%arg16 : memref<!tpu.dma_semaphore, #tpu.memory_space<semaphore_mem>>) src(%dma_wait3A_169 : memref<128xi32, #tpu.memory_space<hbm>>) dst(%arg7 : memref<128xi32, #tpu.memory_space<vmem>>)
        %mul3A_170 = arith.constant 128 : i32
        %mul3A_171 = arith.muli %add3A_163, %mul3A_170 : i32
        %dma_wait3A_172 = tpu.memref_slice %arg4[%add3A, %mul3A_171] : memref<32x16384xi32, #tpu.memory_space<hbm>> -> memref<1x128xi32, #tpu.memory_space<hbm>>
        %dma_wait3A_173 = tpu.memref_squeeze %dma_wait3A_172 : memref<1x128xi32, #tpu.memory_space<hbm>> -> memref<128xi32, #tpu.memory_space<hbm>>
        %dma_wait3A_174 = tpu.memref_slice %arg4[%add3A, %mul3A_171] : memref<32x16384xi32, #tpu.memory_space<hbm>> -> memref<1x128xi32, #tpu.memory_space<hbm>>
        %dma_wait3A_175 = tpu.memref_squeeze %dma_wait3A_174 : memref<1x128xi32, #tpu.memory_space<hbm>> -> memref<128xi32, #tpu.memory_space<hbm>>
        tpu.wait_dma2 semaphore(%arg16 : memref<!tpu.dma_semaphore, #tpu.memory_space<semaphore_mem>>) src(%dma_wait3A_175 : memref<128xi32, #tpu.memory_space<hbm>>) dst(%arg9 : memref<128xi32, #tpu.memory_space<vmem>>)
        %mul3A_176 = arith.constant 128 : i32
        %mul3A_177 = arith.muli %add3A_163, %mul3A_176 : i32
        %dma_wait3A_178 = tpu.memref_slice %arg5[%add3A, %mul3A_177] : memref<32x16384xf32, #tpu.memory_space<hbm>> -> memref<1x128xf32, #tpu.memory_space<hbm>>
        %dma_wait3A_179 = tpu.memref_squeeze %dma_wait3A_178 : memref<1x128xf32, #tpu.memory_space<hbm>> -> memref<128xf32, #tpu.memory_space<hbm>>
        %dma_wait3A_180 = tpu.memref_slice %arg5[%add3A, %mul3A_177] : memref<32x16384xf32, #tpu.memory_space<hbm>> -> memref<1x128xf32, #tpu.memory_space<hbm>>
        %dma_wait3A_181 = tpu.memref_squeeze %dma_wait3A_180 : memref<1x128xf32, #tpu.memory_space<hbm>> -> memref<128xf32, #tpu.memory_space<hbm>>
        tpu.wait_dma2 semaphore(%arg16 : memref<!tpu.dma_semaphore, #tpu.memory_space<semaphore_mem>>) src(%dma_wait3A_181 : memref<128xf32, #tpu.memory_space<hbm>>) dst(%arg11 : memref<128xf32, #tpu.memory_space<vmem>>)
        %dma_start3A_182 = arith.constant 0 : i32
        %dma_start3A_183 = arith.constant 0 : i32
        %dma_start3A_184 = tpu.memref_slice %arg2[%dma_start3A_182, %dma_start3A_183] : memref<81920x64xf32, #tpu.memory_space<hbm>> -> memref<81920x64xf32, #tpu.memory_space<hbm>>
        tpu.enqueue_indirect_dma source(%dma_start3A_184 : memref<81920x64xf32, #tpu.memory_space<hbm>>) target(%arg13 : memref<128x64xf32, #tpu.memory_space<vmem>>) offsets(%arg7 : memref<128xi32, #tpu.memory_space<vmem>>) semaphore(%arg18 : memref<!tpu.dma_semaphore, #tpu.memory_space<semaphore_mem>>)
      } else {
      }
      %dma_wait3A_148 = arith.constant 0 : i32
      %dma_wait3A_149 = arith.constant 0 : i32
      %dma_wait3A_150 = tpu.memref_slice %arg2[%dma_wait3A_148, %dma_wait3A_149] : memref<81920x64xf32, #tpu.memory_space<hbm>> -> memref<81920x64xf32, #tpu.memory_space<hbm>>
      tpu.wait_indirect_dma semaphore(%arg19 : memref<!tpu.dma_semaphore, #tpu.memory_space<semaphore_mem>>) src(%dma_wait3A_150 : memref<81920x64xf32, #tpu.memory_space<hbm>>) dst(%arg14 : memref<128x64xf32, #tpu.memory_space<vmem>>)
      %parallel_loop3A_151 = arith.constant 0 : i32
      %parallel_loop3A_152 = arith.constant 128 : i32
      %parallel_loop3A_153 = arith.constant 1 : i32
      scf.for %parallel_loop3A_162 = %parallel_loop3A_151 to %parallel_loop3A_152 step %parallel_loop3A_153  : i32 {
        %parallel_loop3A_163 = vector.broadcast %parallel_loop3A_162 : i32 to vector<16xi32>
        %parallel_loop3A_164 = tpu.vector_load_idx %arg12[%parallel_loop3A_163] : memref<128xf32, #tpu.memory_space<vmem>>[vector<16xi32>], vector<16xf32>,
        %parallel_loop3A_165 = arith.index_cast %parallel_loop3A_162 : i32 to index
        %parallel_loop3A_166 = arith.constant 0 : index
        %parallel_loop3A_167 = tpu.vector_load %arg14[%parallel_loop3A_165, %parallel_loop3A_166] {strides = array<i32>} : memref<128x64xf32, #tpu.memory_space<vmem>>, vector<16xf32>,
        %parallel_loop3A_168 = arith.mulf %parallel_loop3A_167, %parallel_loop3A_164 : vector<16xf32>
        %parallel_loop3A_169 = arith.index_cast %parallel_loop3A_162 : i32 to index
        %parallel_loop3A_170 = arith.constant 0 : index
        %parallel_loop3A_171 = tpu.vector_load %arg14[%parallel_loop3A_169, %parallel_loop3A_170] {strides = array<i32>} : memref<128x64xf32, #tpu.memory_space<vmem>>, vector<16xf32>,
        tpu.vector_store %arg14[%parallel_loop3A_169, %parallel_loop3A_170], %parallel_loop3A_168 {strides = array<i32>} : memref<128x64xf32, #tpu.memory_space<vmem>>, vector<16xf32>,
        %parallel_loop3A_172 = arith.index_cast %parallel_loop3A_162 : i32 to index
        %parallel_loop3A_173 = arith.constant 16 : index
        %parallel_loop3A_174 = tpu.vector_load %arg14[%parallel_loop3A_172, %parallel_loop3A_173] {strides = array<i32>} : memref<128x64xf32, #tpu.memory_space<vmem>>, vector<16xf32>,
        %parallel_loop3A_175 = arith.mulf %parallel_loop3A_174, %parallel_loop3A_164 : vector<16xf32>
        %parallel_loop3A_176 = arith.index_cast %parallel_loop3A_162 : i32 to index
        %parallel_loop3A_177 = arith.constant 16 : index
        %parallel_loop3A_178 = tpu.vector_load %arg14[%parallel_loop3A_176, %parallel_loop3A_177] {strides = array<i32>} : memref<128x64xf32, #tpu.memory_space<vmem>>, vector<16xf32>,
        tpu.vector_store %arg14[%parallel_loop3A_176, %parallel_loop3A_177], %parallel_loop3A_175 {strides = array<i32>} : memref<128x64xf32, #tpu.memory_space<vmem>>, vector<16xf32>,
        %parallel_loop3A_179 = arith.index_cast %parallel_loop3A_162 : i32 to index
        %parallel_loop3A_180 = arith.constant 32 : index
        %parallel_loop3A_181 = tpu.vector_load %arg14[%parallel_loop3A_179, %parallel_loop3A_180] {strides = array<i32>} : memref<128x64xf32, #tpu.memory_space<vmem>>, vector<16xf32>,
        %parallel_loop3A_182 = arith.mulf %parallel_loop3A_181, %parallel_loop3A_164 : vector<16xf32>
        %parallel_loop3A_183 = arith.index_cast %parallel_loop3A_162 : i32 to index
        %parallel_loop3A_184 = arith.constant 32 : index
        %parallel_loop3A_185 = tpu.vector_load %arg14[%parallel_loop3A_183, %parallel_loop3A_184] {strides = array<i32>} : memref<128x64xf32, #tpu.memory_space<vmem>>, vector<16xf32>,
        tpu.vector_store %arg14[%parallel_loop3A_183, %parallel_loop3A_184], %parallel_loop3A_182 {strides = array<i32>} : memref<128x64xf32, #tpu.memory_space<vmem>>, vector<16xf32>,
        %parallel_loop3A_186 = arith.index_cast %parallel_loop3A_162 : i32 to index
        %parallel_loop3A_187 = arith.constant 48 : index
        %parallel_loop3A_188 = tpu.vector_load %arg14[%parallel_loop3A_186, %parallel_loop3A_187] {strides = array<i32>} : memref<128x64xf32, #tpu.memory_space<vmem>>, vector<16xf32>,
        %parallel_loop3A_189 = arith.mulf %parallel_loop3A_188, %parallel_loop3A_164 : vector<16xf32>
        %parallel_loop3A_190 = arith.index_cast %parallel_loop3A_162 : i32 to index
        %parallel_loop3A_191 = arith.constant 48 : index
        %parallel_loop3A_192 = tpu.vector_load %arg14[%parallel_loop3A_190, %parallel_loop3A_191] {strides = array<i32>} : memref<128x64xf32, #tpu.memory_space<vmem>>, vector<16xf32>,
        tpu.vector_store %arg14[%parallel_loop3A_190, %parallel_loop3A_191], %parallel_loop3A_189 {strides = array<i32>} : memref<128x64xf32, #tpu.memory_space<vmem>>, vector<16xf32>,
      } {sc.loop_unroll_factor = 8 : i64, sc.parallel_access}
      "tpu.region"() ({
        %run_scoped3A = tpu.sem_alloc : memref<!tpu.dma_semaphore, #tpu.memory_space<semaphore_mem>>
        %dma_start3A_162 = arith.constant 0 : i32
        %dma_start3A_163 = arith.constant 0 : i32
        %dma_start3A_164 = tpu.memref_slice %arg15[%dma_start3A_162, %dma_start3A_163] : memref<20480x64xf32, #tpu.memory_space<vmem_shared>> -> memref<20480x64xf32, #tpu.memory_space<vmem_shared>>
        tpu.enqueue_indirect_dma source(%arg14 : memref<128x64xf32, #tpu.memory_space<vmem>>) target(%dma_start3A_164 : memref<20480x64xf32, #tpu.memory_space<vmem_shared>>) offsets(%arg10 : memref<128xi32, #tpu.memory_space<vmem>>) semaphore(%run_scoped3A : memref<!tpu.dma_semaphore, #tpu.memory_space<semaphore_mem>>) {add = true}
        %dma_wait3A_165 = arith.constant 0 : i32
        %dma_wait3A_166 = arith.constant 0 : i32
        %dma_wait3A_167 = tpu.memref_slice %arg15[%dma_wait3A_165, %dma_wait3A_166] : memref<20480x64xf32, #tpu.memory_space<vmem_shared>> -> memref<20480x64xf32, #tpu.memory_space<vmem_shared>>
        tpu.wait_indirect_dma semaphore(%run_scoped3A : memref<!tpu.dma_semaphore, #tpu.memory_space<semaphore_mem>>) src(%arg14 : memref<128x64xf32, #tpu.memory_space<vmem>>) dst(%dma_wait3A_167 : memref<20480x64xf32, #tpu.memory_space<vmem_shared>>)
        tpu.yield
      }) : () -> ()
      %add3A_154 = arith.constant 2 : i32
      %add3A_155 = arith.addi %add3A_140, %add3A_154 : i32
      %lt3A_156 = arith.constant 128 : i32
      %lt3A_157 = arith.cmpi slt, %add3A_155, %lt3A_156 : i32
      %convert_element_type3A_158 = arith.extui %lt3A_157 : i1 to i32
      %cond3A_159 = arith.constant 0 : i32
      %cond3A_160 = arith.cmpi ne, %convert_element_type3A_158, %cond3A_159 : i32
      scf.if %cond3A_160 {
        %add3A_162 = arith.constant 2 : i32
        %add3A_163 = arith.addi %add3A_140, %add3A_162 : i32
        %mul3A_164 = arith.constant 128 : i32
        %mul3A_165 = arith.muli %add3A_163, %mul3A_164 : i32
        %dma_start3A_166 = tpu.memref_slice %arg3[%add3A, %mul3A_165] : memref<32x16384xi32, #tpu.memory_space<hbm>> -> memref<1x128xi32, #tpu.memory_space<hbm>>
        %dma_start3A_167 = tpu.memref_squeeze %dma_start3A_166 : memref<1x128xi32, #tpu.memory_space<hbm>> -> memref<128xi32, #tpu.memory_space<hbm>>
        %dma_start3A_168 = tpu.memref_slice %arg3[%add3A, %mul3A_165] : memref<32x16384xi32, #tpu.memory_space<hbm>> -> memref<1x128xi32, #tpu.memory_space<hbm>>
        %dma_start3A_169 = tpu.memref_squeeze %dma_start3A_168 : memref<1x128xi32, #tpu.memory_space<hbm>> -> memref<128xi32, #tpu.memory_space<hbm>>
        tpu.enqueue_dma source(%dma_start3A_169 : memref<128xi32, #tpu.memory_space<hbm>>) target(%arg8 : memref<128xi32, #tpu.memory_space<vmem>>) target_semaphore(%arg17 : memref<!tpu.dma_semaphore, #tpu.memory_space<semaphore_mem>>)
        %mul3A_170 = arith.constant 128 : i32
        %mul3A_171 = arith.muli %add3A_163, %mul3A_170 : i32
        %dma_start3A_172 = tpu.memref_slice %arg4[%add3A, %mul3A_171] : memref<32x16384xi32, #tpu.memory_space<hbm>> -> memref<1x128xi32, #tpu.memory_space<hbm>>
        %dma_start3A_173 = tpu.memref_squeeze %dma_start3A_172 : memref<1x128xi32, #tpu.memory_space<hbm>> -> memref<128xi32, #tpu.memory_space<hbm>>
        %dma_start3A_174 = tpu.memref_slice %arg4[%add3A, %mul3A_171] : memref<32x16384xi32, #tpu.memory_space<hbm>> -> memref<1x128xi32, #tpu.memory_space<hbm>>
        %dma_start3A_175 = tpu.memref_squeeze %dma_start3A_174 : memref<1x128xi32, #tpu.memory_space<hbm>> -> memref<128xi32, #tpu.memory_space<hbm>>
        tpu.enqueue_dma source(%dma_start3A_175 : memref<128xi32, #tpu.memory_space<hbm>>) target(%arg10 : memref<128xi32, #tpu.memory_space<vmem>>) target_semaphore(%arg17 : memref<!tpu.dma_semaphore, #tpu.memory_space<semaphore_mem>>)
        %mul3A_176 = arith.constant 128 : i32
        %mul3A_177 = arith.muli %add3A_163, %mul3A_176 : i32
        %dma_start3A_178 = tpu.memref_slice %arg5[%add3A, %mul3A_177] : memref<32x16384xf32, #tpu.memory_space<hbm>> -> memref<1x128xf32, #tpu.memory_space<hbm>>
        %dma_start3A_179 = tpu.memref_squeeze %dma_start3A_178 : memref<1x128xf32, #tpu.memory_space<hbm>> -> memref<128xf32, #tpu.memory_space<hbm>>
        %dma_start3A_180 = tpu.memref_slice %arg5[%add3A, %mul3A_177] : memref<32x16384xf32, #tpu.memory_space<hbm>> -> memref<1x128xf32, #tpu.memory_space<hbm>>
        %dma_start3A_181 = tpu.memref_squeeze %dma_start3A_180 : memref<1x128xf32, #tpu.memory_space<hbm>> -> memref<128xf32, #tpu.memory_space<hbm>>
        tpu.enqueue_dma source(%dma_start3A_181 : memref<128xf32, #tpu.memory_space<hbm>>) target(%arg12 : memref<128xf32, #tpu.memory_space<vmem>>) target_semaphore(%arg17 : memref<!tpu.dma_semaphore, #tpu.memory_space<semaphore_mem>>)
      } else {
      }
      %scan3A_161 = arith.constant 0 : i32
      scf.yield %scan3A_161 : i32
    }
    %scan3A_109 = arith.constant 64 : i32
    %barrier3A_110 = arith.constant 0 : index
    tpu.barrier barrier_id(%barrier3A_110)
    %mul3A_111 = arith.constant 1280 : i32
    %mul3A_112 = arith.muli %arg1, %mul3A_111 : i32
    %mul3A_113 = arith.constant 1280 : i32
    %mul3A_114 = arith.muli %arg1, %mul3A_113 : i32
    "tpu.region"() ({
      %run_scoped3A = tpu.sem_alloc : memref<!tpu.dma_semaphore, #tpu.memory_space<semaphore_mem>>
      %dma_start3A_115 = arith.constant 0 : i32
      %dma_start3A_116 = tpu.memref_slice %arg6[%arg0, %mul3A_114, %dma_start3A_115] : memref<2x20480x64xf32, #tpu.memory_space<hbm>> -> memref<1x1280x64xf32, #tpu.memory_space<hbm>>
      %dma_start3A_117 = tpu.memref_squeeze %dma_start3A_116 : memref<1x1280x64xf32, #tpu.memory_space<hbm>> -> memref<1280x64xf32, #tpu.memory_space<hbm>>
      %dma_start3A_118 = arith.constant 0 : i32
      %dma_start3A_119 = tpu.memref_slice %arg15[%mul3A_112, %dma_start3A_118] : memref<20480x64xf32, #tpu.memory_space<vmem_shared>> -> memref<1280x64xf32, #tpu.memory_space<vmem_shared>>
      tpu.enqueue_dma source(%dma_start3A_119 : memref<1280x64xf32, #tpu.memory_space<vmem_shared>>) target(%dma_start3A_117 : memref<1280x64xf32, #tpu.memory_space<hbm>>) target_semaphore(%run_scoped3A : memref<!tpu.dma_semaphore, #tpu.memory_space<semaphore_mem>>)
      %dma_wait3A_120 = arith.constant 0 : i32
      %dma_wait3A_121 = tpu.memref_slice %arg6[%arg0, %mul3A_114, %dma_wait3A_120] : memref<2x20480x64xf32, #tpu.memory_space<hbm>> -> memref<1x1280x64xf32, #tpu.memory_space<hbm>>
      %dma_wait3A_122 = tpu.memref_squeeze %dma_wait3A_121 : memref<1x1280x64xf32, #tpu.memory_space<hbm>> -> memref<1280x64xf32, #tpu.memory_space<hbm>>
      %dma_wait3A_123 = arith.constant 0 : i32
      %dma_wait3A_124 = tpu.memref_slice %arg15[%mul3A_112, %dma_wait3A_123] : memref<20480x64xf32, #tpu.memory_space<vmem_shared>> -> memref<1280x64xf32, #tpu.memory_space<vmem_shared>>
      tpu.wait_dma2 semaphore(%run_scoped3A : memref<!tpu.dma_semaphore, #tpu.memory_space<semaphore_mem>>) src(%dma_wait3A_124 : memref<1280x64xf32, #tpu.memory_space<vmem_shared>>) dst(%dma_wait3A_122 : memref<1280x64xf32, #tpu.memory_space<hbm>>)
      tpu.yield
    }) : () -> ()
    return
  }
}

#map = affine_map<(d0, d1) -> (0, 0)>
#map1 = affine_map<(d0, d1) -> (0, 0, 0)>
module attributes {stable_mosaic.version = 14 : i64} {
  func.func @_lightgcn_layer_body(%arg0: i32, %arg1: i32, %arg2: memref<81920x64xf32, #tpu.memory_space<hbm>>, %arg3: memref<32x16384xi32, #tpu.memory_space<hbm>>, %arg4: memref<32x16384xi32, #tpu.memory_space<hbm>>, %arg5: memref<32x16384xf32, #tpu.memory_space<hbm>>, %arg6: memref<2x20480x64xf32, #tpu.memory_space<hbm>>, %arg7: memref<128xi32, #tpu.memory_space<vmem>>, %arg8: memref<128xi32, #tpu.memory_space<vmem>>, %arg9: memref<128xi32, #tpu.memory_space<vmem>>, %arg10: memref<128xi32, #tpu.memory_space<vmem>>, %arg11: memref<128xf32, #tpu.memory_space<vmem>>, %arg12: memref<128xf32, #tpu.memory_space<vmem>>, %arg13: memref<128x64xf32, #tpu.memory_space<vmem>>, %arg14: memref<128x64xf32, #tpu.memory_space<vmem>>, %arg15: memref<20480x64xf32, #tpu.memory_space<vmem_shared>>, %arg16: memref<!tpu.dma_semaphore, #tpu.memory_space<semaphore_mem>>, %arg17: memref<!tpu.dma_semaphore, #tpu.memory_space<semaphore_mem>>, %arg18: memref<!tpu.dma_semaphore, #tpu.memory_space<semaphore_mem>>, %arg19: memref<!tpu.dma_semaphore, #tpu.memory_space<semaphore_mem>>) attributes {dimension_semantics = [#tpu.dimension_semantics<core_parallel>, #tpu.dimension_semantics<subcore_parallel>], iteration_bounds = array<i64: 2, 16>, scalar_prefetch = 0 : i64, scratch_operands = 13 : i64, tpu.core_type = #tpu.core_type<sc_vector_subcore>, window_params = [{transform_indices = #map}, {transform_indices = #map}, {transform_indices = #map}, {transform_indices = #map}, {transform_indices = #map1}]} {
    %mul3A = arith.constant 2 : i32
    %mul3A_0 = arith.muli %arg1, %mul3A : i32
    %add3A = arith.addi %mul3A_0, %arg0 : i32
    %broadcast_in_dim3A = arith.constant 0.000000e+00 : f32
    %broadcast_in_dim3A_1 = vector.broadcast %broadcast_in_dim3A : f32 to vector<16xf32>
    %scan3A = arith.constant 0 : i32
    %scan3A_2 = arith.constant 0 : i32
    %scan3A_3 = arith.constant 128 : i32
    %scan3A_4 = arith.addi %scan3A_2, %scan3A_3 : i32
    %scan3A_5 = arith.constant 1 : i32
    %scan3A_6 = scf.for %scan3A_115 = %scan3A_2 to %scan3A_4 step %scan3A_5 iter_args(%scan3A_116 = %scan3A) -> (i32)  : i32 {
      %swap3A = arith.index_cast %scan3A_115 : i32 to index
      %swap3A_117 = arith.constant 0 : index
      %swap3A_118 = tpu.vector_load %arg13[%swap3A, %swap3A_117] {strides = array<i32>} : memref<128x64xf32, #tpu.memory_space<vmem>>, vector<16xf32>,
      tpu.vector_store %arg13[%swap3A, %swap3A_117], %broadcast_in_dim3A_1 {strides = array<i32>} : memref<128x64xf32, #tpu.memory_space<vmem>>, vector<16xf32>,
      %swap3A_119 = arith.index_cast %scan3A_115 : i32 to index
      %swap3A_120 = arith.constant 16 : index
      %swap3A_121 = tpu.vector_load %arg13[%swap3A_119, %swap3A_120] {strides = array<i32>} : memref<128x64xf32, #tpu.memory_space<vmem>>, vector<16xf32>,
      tpu.vector_store %arg13[%swap3A_119, %swap3A_120], %broadcast_in_dim3A_1 {strides = array<i32>} : memref<128x64xf32, #tpu.memory_space<vmem>>, vector<16xf32>,
      %swap3A_122 = arith.index_cast %scan3A_115 : i32 to index
      %swap3A_123 = arith.constant 32 : index
      %swap3A_124 = tpu.vector_load %arg13[%swap3A_122, %swap3A_123] {strides = array<i32>} : memref<128x64xf32, #tpu.memory_space<vmem>>, vector<16xf32>,
      tpu.vector_store %arg13[%swap3A_122, %swap3A_123], %broadcast_in_dim3A_1 {strides = array<i32>} : memref<128x64xf32, #tpu.memory_space<vmem>>, vector<16xf32>,
      %swap3A_125 = arith.index_cast %scan3A_115 : i32 to index
      %swap3A_126 = arith.constant 48 : index
      %swap3A_127 = tpu.vector_load %arg13[%swap3A_125, %swap3A_126] {strides = array<i32>} : memref<128x64xf32, #tpu.memory_space<vmem>>, vector<16xf32>,
      tpu.vector_store %arg13[%swap3A_125, %swap3A_126], %broadcast_in_dim3A_1 {strides = array<i32>} : memref<128x64xf32, #tpu.memory_space<vmem>>, vector<16xf32>,
      %scan3A_128 = arith.constant 0 : i32
      scf.yield %scan3A_128 : i32
    }
    %scan3A_7 = arith.constant 128 : i32
    %mul3A_8 = arith.constant 1280 : i32
    %mul3A_9 = arith.muli %arg1, %mul3A_8 : i32
    %add3A_10 = arith.constant 0 : i32
    %add3A_11 = arith.addi %mul3A_9, %add3A_10 : i32
    "tpu.region"() ({
      %run_scoped3A = tpu.sem_alloc : memref<!tpu.dma_semaphore, #tpu.memory_space<semaphore_mem>>
      %dma_start3A_115 = arith.constant 0 : i32
      %dma_start3A_116 = tpu.memref_slice %arg15[%add3A_11, %dma_start3A_115] : memref<20480x64xf32, #tpu.memory_space<vmem_shared>> -> memref<128x64xf32, #tpu.memory_space<vmem_shared>>
      %dma_start3A_117 = arith.constant 0 : i32
      %dma_start3A_118 = tpu.memref_slice %arg15[%add3A_11, %dma_start3A_117] : memref<20480x64xf32, #tpu.memory_space<vmem_shared>> -> memref<128x64xf32, #tpu.memory_space<vmem_shared>>
      tpu.enqueue_dma source(%arg13 : memref<128x64xf32, #tpu.memory_space<vmem>>) target(%dma_start3A_118 : memref<128x64xf32, #tpu.memory_space<vmem_shared>>) target_semaphore(%run_scoped3A : memref<!tpu.dma_semaphore, #tpu.memory_space<semaphore_mem>>)
      %dma_wait3A_119 = arith.constant 0 : i32
      %dma_wait3A_120 = tpu.memref_slice %arg15[%add3A_11, %dma_wait3A_119] : memref<20480x64xf32, #tpu.memory_space<vmem_shared>> -> memref<128x64xf32, #tpu.memory_space<vmem_shared>>
      %dma_wait3A_121 = arith.constant 0 : i32
      %dma_wait3A_122 = tpu.memref_slice %arg15[%add3A_11, %dma_wait3A_121] : memref<20480x64xf32, #tpu.memory_space<vmem_shared>> -> memref<128x64xf32, #tpu.memory_space<vmem_shared>>
      tpu.wait_dma2 semaphore(%run_scoped3A : memref<!tpu.dma_semaphore, #tpu.memory_space<semaphore_mem>>) src(%arg13 : memref<128x64xf32, #tpu.memory_space<vmem>>) dst(%dma_wait3A_122 : memref<128x64xf32, #tpu.memory_space<vmem_shared>>)
      tpu.yield
    }) : () -> ()
    %mul3A_12 = arith.constant 1280 : i32
    %mul3A_13 = arith.muli %arg1, %mul3A_12 : i32
    %add3A_14 = arith.constant 128 : i32
    %add3A_15 = arith.addi %mul3A_13, %add3A_14 : i32
    "tpu.region"() ({
      %run_scoped3A = tpu.sem_alloc : memref<!tpu.dma_semaphore, #tpu.memory_space<semaphore_mem>>
      %dma_start3A_115 = arith.constant 0 : i32
      %dma_start3A_116 = tpu.memref_slice %arg15[%add3A_15, %dma_start3A_115] : memref<20480x64xf32, #tpu.memory_space<vmem_shared>> -> memref<128x64xf32, #tpu.memory_space<vmem_shared>>
      %dma_start3A_117 = arith.constant 0 : i32
      %dma_start3A_118 = tpu.memref_slice %arg15[%add3A_15, %dma_start3A_117] : memref<20480x64xf32, #tpu.memory_space<vmem_shared>> -> memref<128x64xf32, #tpu.memory_space<vmem_shared>>
      tpu.enqueue_dma source(%arg13 : memref<128x64xf32, #tpu.memory_space<vmem>>) target(%dma_start3A_118 : memref<128x64xf32, #tpu.memory_space<vmem_shared>>) target_semaphore(%run_scoped3A : memref<!tpu.dma_semaphore, #tpu.memory_space<semaphore_mem>>)
      %dma_wait3A_119 = arith.constant 0 : i32
      %dma_wait3A_120 = tpu.memref_slice %arg15[%add3A_15, %dma_wait3A_119] : memref<20480x64xf32, #tpu.memory_space<vmem_shared>> -> memref<128x64xf32, #tpu.memory_space<vmem_shared>>
      %dma_wait3A_121 = arith.constant 0 : i32
      %dma_wait3A_122 = tpu.memref_slice %arg15[%add3A_15, %dma_wait3A_121] : memref<20480x64xf32, #tpu.memory_space<vmem_shared>> -> memref<128x64xf32, #tpu.memory_space<vmem_shared>>
      tpu.wait_dma2 semaphore(%run_scoped3A : memref<!tpu.dma_semaphore, #tpu.memory_space<semaphore_mem>>) src(%arg13 : memref<128x64xf32, #tpu.memory_space<vmem>>) dst(%dma_wait3A_122 : memref<128x64xf32, #tpu.memory_space<vmem_shared>>)
      tpu.yield
    }) : () -> ()
    %mul3A_16 = arith.constant 1280 : i32
    %mul3A_17 = arith.muli %arg1, %mul3A_16 : i32
    %add3A_18 = arith.constant 256 : i32
    %add3A_19 = arith.addi %mul3A_17, %add3A_18 : i32
    "tpu.region"() ({
      %run_scoped3A = tpu.sem_alloc : memref<!tpu.dma_semaphore, #tpu.memory_space<semaphore_mem>>
      %dma_start3A_115 = arith.constant 0 : i32
      %dma_start3A_116 = tpu.memref_slice %arg15[%add3A_19, %dma_start3A_115] : memref<20480x64xf32, #tpu.memory_space<vmem_shared>> -> memref<128x64xf32, #tpu.memory_space<vmem_shared>>
      %dma_start3A_117 = arith.constant 0 : i32
      %dma_start3A_118 = tpu.memref_slice %arg15[%add3A_19, %dma_start3A_117] : memref<20480x64xf32, #tpu.memory_space<vmem_shared>> -> memref<128x64xf32, #tpu.memory_space<vmem_shared>>
      tpu.enqueue_dma source(%arg13 : memref<128x64xf32, #tpu.memory_space<vmem>>) target(%dma_start3A_118 : memref<128x64xf32, #tpu.memory_space<vmem_shared>>) target_semaphore(%run_scoped3A : memref<!tpu.dma_semaphore, #tpu.memory_space<semaphore_mem>>)
      %dma_wait3A_119 = arith.constant 0 : i32
      %dma_wait3A_120 = tpu.memref_slice %arg15[%add3A_19, %dma_wait3A_119] : memref<20480x64xf32, #tpu.memory_space<vmem_shared>> -> memref<128x64xf32, #tpu.memory_space<vmem_shared>>
      %dma_wait3A_121 = arith.constant 0 : i32
      %dma_wait3A_122 = tpu.memref_slice %arg15[%add3A_19, %dma_wait3A_121] : memref<20480x64xf32, #tpu.memory_space<vmem_shared>> -> memref<128x64xf32, #tpu.memory_space<vmem_shared>>
      tpu.wait_dma2 semaphore(%run_scoped3A : memref<!tpu.dma_semaphore, #tpu.memory_space<semaphore_mem>>) src(%arg13 : memref<128x64xf32, #tpu.memory_space<vmem>>) dst(%dma_wait3A_122 : memref<128x64xf32, #tpu.memory_space<vmem_shared>>)
      tpu.yield
    }) : () -> ()
    %mul3A_20 = arith.constant 1280 : i32
    %mul3A_21 = arith.muli %arg1, %mul3A_20 : i32
    %add3A_22 = arith.constant 384 : i32
    %add3A_23 = arith.addi %mul3A_21, %add3A_22 : i32
    "tpu.region"() ({
      %run_scoped3A = tpu.sem_alloc : memref<!tpu.dma_semaphore, #tpu.memory_space<semaphore_mem>>
      %dma_start3A_115 = arith.constant 0 : i32
      %dma_start3A_116 = tpu.memref_slice %arg15[%add3A_23, %dma_start3A_115] : memref<20480x64xf32, #tpu.memory_space<vmem_shared>> -> memref<128x64xf32, #tpu.memory_space<vmem_shared>>
      %dma_start3A_117 = arith.constant 0 : i32
      %dma_start3A_118 = tpu.memref_slice %arg15[%add3A_23, %dma_start3A_117] : memref<20480x64xf32, #tpu.memory_space<vmem_shared>> -> memref<128x64xf32, #tpu.memory_space<vmem_shared>>
      tpu.enqueue_dma source(%arg13 : memref<128x64xf32, #tpu.memory_space<vmem>>) target(%dma_start3A_118 : memref<128x64xf32, #tpu.memory_space<vmem_shared>>) target_semaphore(%run_scoped3A : memref<!tpu.dma_semaphore, #tpu.memory_space<semaphore_mem>>)
      %dma_wait3A_119 = arith.constant 0 : i32
      %dma_wait3A_120 = tpu.memref_slice %arg15[%add3A_23, %dma_wait3A_119] : memref<20480x64xf32, #tpu.memory_space<vmem_shared>> -> memref<128x64xf32, #tpu.memory_space<vmem_shared>>
      %dma_wait3A_121 = arith.constant 0 : i32
      %dma_wait3A_122 = tpu.memref_slice %arg15[%add3A_23, %dma_wait3A_121] : memref<20480x64xf32, #tpu.memory_space<vmem_shared>> -> memref<128x64xf32, #tpu.memory_space<vmem_shared>>
      tpu.wait_dma2 semaphore(%run_scoped3A : memref<!tpu.dma_semaphore, #tpu.memory_space<semaphore_mem>>) src(%arg13 : memref<128x64xf32, #tpu.memory_space<vmem>>) dst(%dma_wait3A_122 : memref<128x64xf32, #tpu.memory_space<vmem_shared>>)
      tpu.yield
    }) : () -> ()
    %mul3A_24 = arith.constant 1280 : i32
    %mul3A_25 = arith.muli %arg1, %mul3A_24 : i32
    %add3A_26 = arith.constant 512 : i32
    %add3A_27 = arith.addi %mul3A_25, %add3A_26 : i32
    "tpu.region"() ({
      %run_scoped3A = tpu.sem_alloc : memref<!tpu.dma_semaphore, #tpu.memory_space<semaphore_mem>>
      %dma_start3A_115 = arith.constant 0 : i32
      %dma_start3A_116 = tpu.memref_slice %arg15[%add3A_27, %dma_start3A_115] : memref<20480x64xf32, #tpu.memory_space<vmem_shared>> -> memref<128x64xf32, #tpu.memory_space<vmem_shared>>
      %dma_start3A_117 = arith.constant 0 : i32
      %dma_start3A_118 = tpu.memref_slice %arg15[%add3A_27, %dma_start3A_117] : memref<20480x64xf32, #tpu.memory_space<vmem_shared>> -> memref<128x64xf32, #tpu.memory_space<vmem_shared>>
      tpu.enqueue_dma source(%arg13 : memref<128x64xf32, #tpu.memory_space<vmem>>) target(%dma_start3A_118 : memref<128x64xf32, #tpu.memory_space<vmem_shared>>) target_semaphore(%run_scoped3A : memref<!tpu.dma_semaphore, #tpu.memory_space<semaphore_mem>>)
      %dma_wait3A_119 = arith.constant 0 : i32
      %dma_wait3A_120 = tpu.memref_slice %arg15[%add3A_27, %dma_wait3A_119] : memref<20480x64xf32, #tpu.memory_space<vmem_shared>> -> memref<128x64xf32, #tpu.memory_space<vmem_shared>>
      %dma_wait3A_121 = arith.constant 0 : i32
      %dma_wait3A_122 = tpu.memref_slice %arg15[%add3A_27, %dma_wait3A_121] : memref<20480x64xf32, #tpu.memory_space<vmem_shared>> -> memref<128x64xf32, #tpu.memory_space<vmem_shared>>
      tpu.wait_dma2 semaphore(%run_scoped3A : memref<!tpu.dma_semaphore, #tpu.memory_space<semaphore_mem>>) src(%arg13 : memref<128x64xf32, #tpu.memory_space<vmem>>) dst(%dma_wait3A_122 : memref<128x64xf32, #tpu.memory_space<vmem_shared>>)
      tpu.yield
    }) : () -> ()
    %mul3A_28 = arith.constant 1280 : i32
    %mul3A_29 = arith.muli %arg1, %mul3A_28 : i32
    %add3A_30 = arith.constant 640 : i32
    %add3A_31 = arith.addi %mul3A_29, %add3A_30 : i32
    "tpu.region"() ({
      %run_scoped3A = tpu.sem_alloc : memref<!tpu.dma_semaphore, #tpu.memory_space<semaphore_mem>>
      %dma_start3A_115 = arith.constant 0 : i32
      %dma_start3A_116 = tpu.memref_slice %arg15[%add3A_31, %dma_start3A_115] : memref<20480x64xf32, #tpu.memory_space<vmem_shared>> -> memref<128x64xf32, #tpu.memory_space<vmem_shared>>
      %dma_start3A_117 = arith.constant 0 : i32
      %dma_start3A_118 = tpu.memref_slice %arg15[%add3A_31, %dma_start3A_117] : memref<20480x64xf32, #tpu.memory_space<vmem_shared>> -> memref<128x64xf32, #tpu.memory_space<vmem_shared>>
      tpu.enqueue_dma source(%arg13 : memref<128x64xf32, #tpu.memory_space<vmem>>) target(%dma_start3A_118 : memref<128x64xf32, #tpu.memory_space<vmem_shared>>) target_semaphore(%run_scoped3A : memref<!tpu.dma_semaphore, #tpu.memory_space<semaphore_mem>>)
      %dma_wait3A_119 = arith.constant 0 : i32
      %dma_wait3A_120 = tpu.memref_slice %arg15[%add3A_31, %dma_wait3A_119] : memref<20480x64xf32, #tpu.memory_space<vmem_shared>> -> memref<128x64xf32, #tpu.memory_space<vmem_shared>>
      %dma_wait3A_121 = arith.constant 0 : i32
      %dma_wait3A_122 = tpu.memref_slice %arg15[%add3A_31, %dma_wait3A_121] : memref<20480x64xf32, #tpu.memory_space<vmem_shared>> -> memref<128x64xf32, #tpu.memory_space<vmem_shared>>
      tpu.wait_dma2 semaphore(%run_scoped3A : memref<!tpu.dma_semaphore, #tpu.memory_space<semaphore_mem>>) src(%arg13 : memref<128x64xf32, #tpu.memory_space<vmem>>) dst(%dma_wait3A_122 : memref<128x64xf32, #tpu.memory_space<vmem_shared>>)
      tpu.yield
    }) : () -> ()
    %mul3A_32 = arith.constant 1280 : i32
    %mul3A_33 = arith.muli %arg1, %mul3A_32 : i32
    %add3A_34 = arith.constant 768 : i32
    %add3A_35 = arith.addi %mul3A_33, %add3A_34 : i32
    "tpu.region"() ({
      %run_scoped3A = tpu.sem_alloc : memref<!tpu.dma_semaphore, #tpu.memory_space<semaphore_mem>>
      %dma_start3A_115 = arith.constant 0 : i32
      %dma_start3A_116 = tpu.memref_slice %arg15[%add3A_35, %dma_start3A_115] : memref<20480x64xf32, #tpu.memory_space<vmem_shared>> -> memref<128x64xf32, #tpu.memory_space<vmem_shared>>
      %dma_start3A_117 = arith.constant 0 : i32
      %dma_start3A_118 = tpu.memref_slice %arg15[%add3A_35, %dma_start3A_117] : memref<20480x64xf32, #tpu.memory_space<vmem_shared>> -> memref<128x64xf32, #tpu.memory_space<vmem_shared>>
      tpu.enqueue_dma source(%arg13 : memref<128x64xf32, #tpu.memory_space<vmem>>) target(%dma_start3A_118 : memref<128x64xf32, #tpu.memory_space<vmem_shared>>) target_semaphore(%run_scoped3A : memref<!tpu.dma_semaphore, #tpu.memory_space<semaphore_mem>>)
      %dma_wait3A_119 = arith.constant 0 : i32
      %dma_wait3A_120 = tpu.memref_slice %arg15[%add3A_35, %dma_wait3A_119] : memref<20480x64xf32, #tpu.memory_space<vmem_shared>> -> memref<128x64xf32, #tpu.memory_space<vmem_shared>>
      %dma_wait3A_121 = arith.constant 0 : i32
      %dma_wait3A_122 = tpu.memref_slice %arg15[%add3A_35, %dma_wait3A_121] : memref<20480x64xf32, #tpu.memory_space<vmem_shared>> -> memref<128x64xf32, #tpu.memory_space<vmem_shared>>
      tpu.wait_dma2 semaphore(%run_scoped3A : memref<!tpu.dma_semaphore, #tpu.memory_space<semaphore_mem>>) src(%arg13 : memref<128x64xf32, #tpu.memory_space<vmem>>) dst(%dma_wait3A_122 : memref<128x64xf32, #tpu.memory_space<vmem_shared>>)
      tpu.yield
    }) : () -> ()
    %mul3A_36 = arith.constant 1280 : i32
    %mul3A_37 = arith.muli %arg1, %mul3A_36 : i32
    %add3A_38 = arith.constant 896 : i32
    %add3A_39 = arith.addi %mul3A_37, %add3A_38 : i32
    "tpu.region"() ({
      %run_scoped3A = tpu.sem_alloc : memref<!tpu.dma_semaphore, #tpu.memory_space<semaphore_mem>>
      %dma_start3A_115 = arith.constant 0 : i32
      %dma_start3A_116 = tpu.memref_slice %arg15[%add3A_39, %dma_start3A_115] : memref<20480x64xf32, #tpu.memory_space<vmem_shared>> -> memref<128x64xf32, #tpu.memory_space<vmem_shared>>
      %dma_start3A_117 = arith.constant 0 : i32
      %dma_start3A_118 = tpu.memref_slice %arg15[%add3A_39, %dma_start3A_117] : memref<20480x64xf32, #tpu.memory_space<vmem_shared>> -> memref<128x64xf32, #tpu.memory_space<vmem_shared>>
      tpu.enqueue_dma source(%arg13 : memref<128x64xf32, #tpu.memory_space<vmem>>) target(%dma_start3A_118 : memref<128x64xf32, #tpu.memory_space<vmem_shared>>) target_semaphore(%run_scoped3A : memref<!tpu.dma_semaphore, #tpu.memory_space<semaphore_mem>>)
      %dma_wait3A_119 = arith.constant 0 : i32
      %dma_wait3A_120 = tpu.memref_slice %arg15[%add3A_39, %dma_wait3A_119] : memref<20480x64xf32, #tpu.memory_space<vmem_shared>> -> memref<128x64xf32, #tpu.memory_space<vmem_shared>>
      %dma_wait3A_121 = arith.constant 0 : i32
      %dma_wait3A_122 = tpu.memref_slice %arg15[%add3A_39, %dma_wait3A_121] : memref<20480x64xf32, #tpu.memory_space<vmem_shared>> -> memref<128x64xf32, #tpu.memory_space<vmem_shared>>
      tpu.wait_dma2 semaphore(%run_scoped3A : memref<!tpu.dma_semaphore, #tpu.memory_space<semaphore_mem>>) src(%arg13 : memref<128x64xf32, #tpu.memory_space<vmem>>) dst(%dma_wait3A_122 : memref<128x64xf32, #tpu.memory_space<vmem_shared>>)
      tpu.yield
    }) : () -> ()
    %mul3A_40 = arith.constant 1280 : i32
    %mul3A_41 = arith.muli %arg1, %mul3A_40 : i32
    %add3A_42 = arith.constant 1024 : i32
    %add3A_43 = arith.addi %mul3A_41, %add3A_42 : i32
    "tpu.region"() ({
      %run_scoped3A = tpu.sem_alloc : memref<!tpu.dma_semaphore, #tpu.memory_space<semaphore_mem>>
      %dma_start3A_115 = arith.constant 0 : i32
      %dma_start3A_116 = tpu.memref_slice %arg15[%add3A_43, %dma_start3A_115] : memref<20480x64xf32, #tpu.memory_space<vmem_shared>> -> memref<128x64xf32, #tpu.memory_space<vmem_shared>>
      %dma_start3A_117 = arith.constant 0 : i32
      %dma_start3A_118 = tpu.memref_slice %arg15[%add3A_43, %dma_start3A_117] : memref<20480x64xf32, #tpu.memory_space<vmem_shared>> -> memref<128x64xf32, #tpu.memory_space<vmem_shared>>
      tpu.enqueue_dma source(%arg13 : memref<128x64xf32, #tpu.memory_space<vmem>>) target(%dma_start3A_118 : memref<128x64xf32, #tpu.memory_space<vmem_shared>>) target_semaphore(%run_scoped3A : memref<!tpu.dma_semaphore, #tpu.memory_space<semaphore_mem>>)
      %dma_wait3A_119 = arith.constant 0 : i32
      %dma_wait3A_120 = tpu.memref_slice %arg15[%add3A_43, %dma_wait3A_119] : memref<20480x64xf32, #tpu.memory_space<vmem_shared>> -> memref<128x64xf32, #tpu.memory_space<vmem_shared>>
      %dma_wait3A_121 = arith.constant 0 : i32
      %dma_wait3A_122 = tpu.memref_slice %arg15[%add3A_43, %dma_wait3A_121] : memref<20480x64xf32, #tpu.memory_space<vmem_shared>> -> memref<128x64xf32, #tpu.memory_space<vmem_shared>>
      tpu.wait_dma2 semaphore(%run_scoped3A : memref<!tpu.dma_semaphore, #tpu.memory_space<semaphore_mem>>) src(%arg13 : memref<128x64xf32, #tpu.memory_space<vmem>>) dst(%dma_wait3A_122 : memref<128x64xf32, #tpu.memory_space<vmem_shared>>)
      tpu.yield
    }) : () -> ()
    %mul3A_44 = arith.constant 1280 : i32
    %mul3A_45 = arith.muli %arg1, %mul3A_44 : i32
    %add3A_46 = arith.constant 1152 : i32
    %add3A_47 = arith.addi %mul3A_45, %add3A_46 : i32
    "tpu.region"() ({
      %run_scoped3A = tpu.sem_alloc : memref<!tpu.dma_semaphore, #tpu.memory_space<semaphore_mem>>
      %dma_start3A_115 = arith.constant 0 : i32
      %dma_start3A_116 = tpu.memref_slice %arg15[%add3A_47, %dma_start3A_115] : memref<20480x64xf32, #tpu.memory_space<vmem_shared>> -> memref<128x64xf32, #tpu.memory_space<vmem_shared>>
      %dma_start3A_117 = arith.constant 0 : i32
      %dma_start3A_118 = tpu.memref_slice %arg15[%add3A_47, %dma_start3A_117] : memref<20480x64xf32, #tpu.memory_space<vmem_shared>> -> memref<128x64xf32, #tpu.memory_space<vmem_shared>>
      tpu.enqueue_dma source(%arg13 : memref<128x64xf32, #tpu.memory_space<vmem>>) target(%dma_start3A_118 : memref<128x64xf32, #tpu.memory_space<vmem_shared>>) target_semaphore(%run_scoped3A : memref<!tpu.dma_semaphore, #tpu.memory_space<semaphore_mem>>)
      %dma_wait3A_119 = arith.constant 0 : i32
      %dma_wait3A_120 = tpu.memref_slice %arg15[%add3A_47, %dma_wait3A_119] : memref<20480x64xf32, #tpu.memory_space<vmem_shared>> -> memref<128x64xf32, #tpu.memory_space<vmem_shared>>
      %dma_wait3A_121 = arith.constant 0 : i32
      %dma_wait3A_122 = tpu.memref_slice %arg15[%add3A_47, %dma_wait3A_121] : memref<20480x64xf32, #tpu.memory_space<vmem_shared>> -> memref<128x64xf32, #tpu.memory_space<vmem_shared>>
      tpu.wait_dma2 semaphore(%run_scoped3A : memref<!tpu.dma_semaphore, #tpu.memory_space<semaphore_mem>>) src(%arg13 : memref<128x64xf32, #tpu.memory_space<vmem>>) dst(%dma_wait3A_122 : memref<128x64xf32, #tpu.memory_space<vmem_shared>>)
      tpu.yield
    }) : () -> ()
    %barrier3A = arith.constant 0 : index
    tpu.barrier barrier_id(%barrier3A)
    %dma_start3A = arith.constant 0 : i32
    %dma_start3A_48 = tpu.memref_slice %arg3[%add3A, %dma_start3A] : memref<32x16384xi32, #tpu.memory_space<hbm>> -> memref<1x128xi32, #tpu.memory_space<hbm>>
    %dma_start3A_49 = tpu.memref_squeeze %dma_start3A_48 : memref<1x128xi32, #tpu.memory_space<hbm>> -> memref<128xi32, #tpu.memory_space<hbm>>
    %dma_start3A_50 = arith.constant 0 : i32
    %dma_start3A_51 = tpu.memref_slice %arg3[%add3A, %dma_start3A_50] : memref<32x16384xi32, #tpu.memory_space<hbm>> -> memref<1x128xi32, #tpu.memory_space<hbm>>
    %dma_start3A_52 = tpu.memref_squeeze %dma_start3A_51 : memref<1x128xi32, #tpu.memory_space<hbm>> -> memref<128xi32, #tpu.memory_space<hbm>>
    tpu.enqueue_dma source(%dma_start3A_52 : memref<128xi32, #tpu.memory_space<hbm>>) target(%arg7 : memref<128xi32, #tpu.memory_space<vmem>>) target_semaphore(%arg16 : memref<!tpu.dma_semaphore, #tpu.memory_space<semaphore_mem>>)
    %dma_start3A_53 = arith.constant 0 : i32
    %dma_start3A_54 = tpu.memref_slice %arg4[%add3A, %dma_start3A_53] : memref<32x16384xi32, #tpu.memory_space<hbm>> -> memref<1x128xi32, #tpu.memory_space<hbm>>
    %dma_start3A_55 = tpu.memref_squeeze %dma_start3A_54 : memref<1x128xi32, #tpu.memory_space<hbm>> -> memref<128xi32, #tpu.memory_space<hbm>>
    %dma_start3A_56 = arith.constant 0 : i32
    %dma_start3A_57 = tpu.memref_slice %arg4[%add3A, %dma_start3A_56] : memref<32x16384xi32, #tpu.memory_space<hbm>> -> memref<1x128xi32, #tpu.memory_space<hbm>>
    %dma_start3A_58 = tpu.memref_squeeze %dma_start3A_57 : memref<1x128xi32, #tpu.memory_space<hbm>> -> memref<128xi32, #tpu.memory_space<hbm>>
    tpu.enqueue_dma source(%dma_start3A_58 : memref<128xi32, #tpu.memory_space<hbm>>) target(%arg9 : memref<128xi32, #tpu.memory_space<vmem>>) target_semaphore(%arg16 : memref<!tpu.dma_semaphore, #tpu.memory_space<semaphore_mem>>)
    %dma_start3A_59 = arith.constant 0 : i32
    %dma_start3A_60 = tpu.memref_slice %arg5[%add3A, %dma_start3A_59] : memref<32x16384xf32, #tpu.memory_space<hbm>> -> memref<1x128xf32, #tpu.memory_space<hbm>>
    %dma_start3A_61 = tpu.memref_squeeze %dma_start3A_60 : memref<1x128xf32, #tpu.memory_space<hbm>> -> memref<128xf32, #tpu.memory_space<hbm>>
    %dma_start3A_62 = arith.constant 0 : i32
    %dma_start3A_63 = tpu.memref_slice %arg5[%add3A, %dma_start3A_62] : memref<32x16384xf32, #tpu.memory_space<hbm>> -> memref<1x128xf32, #tpu.memory_space<hbm>>
    %dma_start3A_64 = tpu.memref_squeeze %dma_start3A_63 : memref<1x128xf32, #tpu.memory_space<hbm>> -> memref<128xf32, #tpu.memory_space<hbm>>
    tpu.enqueue_dma source(%dma_start3A_64 : memref<128xf32, #tpu.memory_space<hbm>>) target(%arg11 : memref<128xf32, #tpu.memory_space<vmem>>) target_semaphore(%arg16 : memref<!tpu.dma_semaphore, #tpu.memory_space<semaphore_mem>>)
    %dma_wait3A = arith.constant 0 : i32
    %dma_wait3A_65 = tpu.memref_slice %arg3[%add3A, %dma_wait3A] : memref<32x16384xi32, #tpu.memory_space<hbm>> -> memref<1x128xi32, #tpu.memory_space<hbm>>
    %dma_wait3A_66 = tpu.memref_squeeze %dma_wait3A_65 : memref<1x128xi32, #tpu.memory_space<hbm>> -> memref<128xi32, #tpu.memory_space<hbm>>
    %dma_wait3A_67 = arith.constant 0 : i32
    %dma_wait3A_68 = tpu.memref_slice %arg3[%add3A, %dma_wait3A_67] : memref<32x16384xi32, #tpu.memory_space<hbm>> -> memref<1x128xi32, #tpu.memory_space<hbm>>
    %dma_wait3A_69 = tpu.memref_squeeze %dma_wait3A_68 : memref<1x128xi32, #tpu.memory_space<hbm>> -> memref<128xi32, #tpu.memory_space<hbm>>
    tpu.wait_dma2 semaphore(%arg16 : memref<!tpu.dma_semaphore, #tpu.memory_space<semaphore_mem>>) src(%dma_wait3A_69 : memref<128xi32, #tpu.memory_space<hbm>>) dst(%arg7 : memref<128xi32, #tpu.memory_space<vmem>>)
    %dma_wait3A_70 = arith.constant 0 : i32
    %dma_wait3A_71 = tpu.memref_slice %arg4[%add3A, %dma_wait3A_70] : memref<32x16384xi32, #tpu.memory_space<hbm>> -> memref<1x128xi32, #tpu.memory_space<hbm>>
    %dma_wait3A_72 = tpu.memref_squeeze %dma_wait3A_71 : memref<1x128xi32, #tpu.memory_space<hbm>> -> memref<128xi32, #tpu.memory_space<hbm>>
    %dma_wait3A_73 = arith.constant 0 : i32
    %dma_wait3A_74 = tpu.memref_slice %arg4[%add3A, %dma_wait3A_73] : memref<32x16384xi32, #tpu.memory_space<hbm>> -> memref<1x128xi32, #tpu.memory_space<hbm>>
    %dma_wait3A_75 = tpu.memref_squeeze %dma_wait3A_74 : memref<1x128xi32, #tpu.memory_space<hbm>> -> memref<128xi32, #tpu.memory_space<hbm>>
    tpu.wait_dma2 semaphore(%arg16 : memref<!tpu.dma_semaphore, #tpu.memory_space<semaphore_mem>>) src(%dma_wait3A_75 : memref<128xi32, #tpu.memory_space<hbm>>) dst(%arg9 : memref<128xi32, #tpu.memory_space<vmem>>)
    %dma_wait3A_76 = arith.constant 0 : i32
    %dma_wait3A_77 = tpu.memref_slice %arg5[%add3A, %dma_wait3A_76] : memref<32x16384xf32, #tpu.memory_space<hbm>> -> memref<1x128xf32, #tpu.memory_space<hbm>>
    %dma_wait3A_78 = tpu.memref_squeeze %dma_wait3A_77 : memref<1x128xf32, #tpu.memory_space<hbm>> -> memref<128xf32, #tpu.memory_space<hbm>>
    %dma_wait3A_79 = arith.constant 0 : i32
    %dma_wait3A_80 = tpu.memref_slice %arg5[%add3A, %dma_wait3A_79] : memref<32x16384xf32, #tpu.memory_space<hbm>> -> memref<1x128xf32, #tpu.memory_space<hbm>>
    %dma_wait3A_81 = tpu.memref_squeeze %dma_wait3A_80 : memref<1x128xf32, #tpu.memory_space<hbm>> -> memref<128xf32, #tpu.memory_space<hbm>>
    tpu.wait_dma2 semaphore(%arg16 : memref<!tpu.dma_semaphore, #tpu.memory_space<semaphore_mem>>) src(%dma_wait3A_81 : memref<128xf32, #tpu.memory_space<hbm>>) dst(%arg11 : memref<128xf32, #tpu.memory_space<vmem>>)
    %dma_start3A_82 = arith.constant 0 : i32
    %dma_start3A_83 = arith.constant 0 : i32
    %dma_start3A_84 = tpu.memref_slice %arg2[%dma_start3A_82, %dma_start3A_83] : memref<81920x64xf32, #tpu.memory_space<hbm>> -> memref<81920x64xf32, #tpu.memory_space<hbm>>
    tpu.enqueue_indirect_dma source(%dma_start3A_84 : memref<81920x64xf32, #tpu.memory_space<hbm>>) target(%arg13 : memref<128x64xf32, #tpu.memory_space<vmem>>) offsets(%arg7 : memref<128xi32, #tpu.memory_space<vmem>>) semaphore(%arg18 : memref<!tpu.dma_semaphore, #tpu.memory_space<semaphore_mem>>)
    %dma_start3A_85 = arith.constant 128 : i32
    %dma_start3A_86 = tpu.memref_slice %arg3[%add3A, %dma_start3A_85] : memref<32x16384xi32, #tpu.memory_space<hbm>> -> memref<1x128xi32, #tpu.memory_space<hbm>>
    %dma_start3A_87 = tpu.memref_squeeze %dma_start3A_86 : memref<1x128xi32, #tpu.memory_space<hbm>> -> memref<128xi32, #tpu.memory_space<hbm>>
    %dma_start3A_88 = arith.constant 128 : i32
    %dma_start3A_89 = tpu.memref_slice %arg3[%add3A, %dma_start3A_88] : memref<32x16384xi32, #tpu.memory_space<hbm>> -> memref<1x128xi32, #tpu.memory_space<hbm>>
    %dma_start3A_90 = tpu.memref_squeeze %dma_start3A_89 : memref<1x128xi32, #tpu.memory_space<hbm>> -> memref<128xi32, #tpu.memory_space<hbm>>
    tpu.enqueue_dma source(%dma_start3A_90 : memref<128xi32, #tpu.memory_space<hbm>>) target(%arg8 : memref<128xi32, #tpu.memory_space<vmem>>) target_semaphore(%arg17 : memref<!tpu.dma_semaphore, #tpu.memory_space<semaphore_mem>>)
    %dma_start3A_91 = arith.constant 128 : i32
    %dma_start3A_92 = tpu.memref_slice %arg4[%add3A, %dma_start3A_91] : memref<32x16384xi32, #tpu.memory_space<hbm>> -> memref<1x128xi32, #tpu.memory_space<hbm>>
    %dma_start3A_93 = tpu.memref_squeeze %dma_start3A_92 : memref<1x128xi32, #tpu.memory_space<hbm>> -> memref<128xi32, #tpu.memory_space<hbm>>
    %dma_start3A_94 = arith.constant 128 : i32
    %dma_start3A_95 = tpu.memref_slice %arg4[%add3A, %dma_start3A_94] : memref<32x16384xi32, #tpu.memory_space<hbm>> -> memref<1x128xi32, #tpu.memory_space<hbm>>
    %dma_start3A_96 = tpu.memref_squeeze %dma_start3A_95 : memref<1x128xi32, #tpu.memory_space<hbm>> -> memref<128xi32, #tpu.memory_space<hbm>>
    tpu.enqueue_dma source(%dma_start3A_96 : memref<128xi32, #tpu.memory_space<hbm>>) target(%arg10 : memref<128xi32, #tpu.memory_space<vmem>>) target_semaphore(%arg17 : memref<!tpu.dma_semaphore, #tpu.memory_space<semaphore_mem>>)
    %dma_start3A_97 = arith.constant 128 : i32
    %dma_start3A_98 = tpu.memref_slice %arg5[%add3A, %dma_start3A_97] : memref<32x16384xf32, #tpu.memory_space<hbm>> -> memref<1x128xf32, #tpu.memory_space<hbm>>
    %dma_start3A_99 = tpu.memref_squeeze %dma_start3A_98 : memref<1x128xf32, #tpu.memory_space<hbm>> -> memref<128xf32, #tpu.memory_space<hbm>>
    %dma_start3A_100 = arith.constant 128 : i32
    %dma_start3A_101 = tpu.memref_slice %arg5[%add3A, %dma_start3A_100] : memref<32x16384xf32, #tpu.memory_space<hbm>> -> memref<1x128xf32, #tpu.memory_space<hbm>>
    %dma_start3A_102 = tpu.memref_squeeze %dma_start3A_101 : memref<1x128xf32, #tpu.memory_space<hbm>> -> memref<128xf32, #tpu.memory_space<hbm>>
    tpu.enqueue_dma source(%dma_start3A_102 : memref<128xf32, #tpu.memory_space<hbm>>) target(%arg12 : memref<128xf32, #tpu.memory_space<vmem>>) target_semaphore(%arg17 : memref<!tpu.dma_semaphore, #tpu.memory_space<semaphore_mem>>)
    %scan3A_103 = arith.constant 0 : i32
    %scan3A_104 = arith.constant 0 : i32
    %scan3A_105 = arith.constant 64 : i32
    %scan3A_106 = arith.addi %scan3A_104, %scan3A_105 : i32
    %scan3A_107 = arith.constant 1 : i32
    %scan3A_108 = scf.for %scan3A_115 = %scan3A_104 to %scan3A_106 step %scan3A_107 iter_args(%scan3A_116 = %scan3A_103) -> (i32)  : i32 {
      %mul3A_117 = arith.constant 2 : i32
      %mul3A_118 = arith.muli %scan3A_115, %mul3A_117 : i32
      %add3A_119 = arith.constant 0 : i32
      %add3A_120 = arith.addi %mul3A_118, %add3A_119 : i32
      %add3A_121 = arith.constant 1 : i32
      %add3A_122 = arith.addi %add3A_120, %add3A_121 : i32
      %lt3A = arith.constant 128 : i32
      %lt3A_123 = arith.cmpi slt, %add3A_122, %lt3A : i32
      %convert_element_type3A = arith.extui %lt3A_123 : i1 to i32
      %cond3A = arith.constant 0 : i32
      %cond3A_124 = arith.cmpi ne, %convert_element_type3A, %cond3A : i32
      scf.if %cond3A_124 {
        %add3A_162 = arith.constant 1 : i32
        %add3A_163 = arith.addi %add3A_120, %add3A_162 : i32
        %mul3A_164 = arith.constant 128 : i32
        %mul3A_165 = arith.muli %add3A_163, %mul3A_164 : i32
        %dma_wait3A_166 = tpu.memref_slice %arg3[%add3A, %mul3A_165] : memref<32x16384xi32, #tpu.memory_space<hbm>> -> memref<1x128xi32, #tpu.memory_space<hbm>>
        %dma_wait3A_167 = tpu.memref_squeeze %dma_wait3A_166 : memref<1x128xi32, #tpu.memory_space<hbm>> -> memref<128xi32, #tpu.memory_space<hbm>>
        %dma_wait3A_168 = tpu.memref_slice %arg3[%add3A, %mul3A_165] : memref<32x16384xi32, #tpu.memory_space<hbm>> -> memref<1x128xi32, #tpu.memory_space<hbm>>
        %dma_wait3A_169 = tpu.memref_squeeze %dma_wait3A_168 : memref<1x128xi32, #tpu.memory_space<hbm>> -> memref<128xi32, #tpu.memory_space<hbm>>
        tpu.wait_dma2 semaphore(%arg17 : memref<!tpu.dma_semaphore, #tpu.memory_space<semaphore_mem>>) src(%dma_wait3A_169 : memref<128xi32, #tpu.memory_space<hbm>>) dst(%arg8 : memref<128xi32, #tpu.memory_space<vmem>>)
        %mul3A_170 = arith.constant 128 : i32
        %mul3A_171 = arith.muli %add3A_163, %mul3A_170 : i32
        %dma_wait3A_172 = tpu.memref_slice %arg4[%add3A, %mul3A_171] : memref<32x16384xi32, #tpu.memory_space<hbm>> -> memref<1x128xi32, #tpu.memory_space<hbm>>
        %dma_wait3A_173 = tpu.memref_squeeze %dma_wait3A_172 : memref<1x128xi32, #tpu.memory_space<hbm>> -> memref<128xi32, #tpu.memory_space<hbm>>
        %dma_wait3A_174 = tpu.memref_slice %arg4[%add3A, %mul3A_171] : memref<32x16384xi32, #tpu.memory_space<hbm>> -> memref<1x128xi32, #tpu.memory_space<hbm>>
        %dma_wait3A_175 = tpu.memref_squeeze %dma_wait3A_174 : memref<1x128xi32, #tpu.memory_space<hbm>> -> memref<128xi32, #tpu.memory_space<hbm>>
        tpu.wait_dma2 semaphore(%arg17 : memref<!tpu.dma_semaphore, #tpu.memory_space<semaphore_mem>>) src(%dma_wait3A_175 : memref<128xi32, #tpu.memory_space<hbm>>) dst(%arg10 : memref<128xi32, #tpu.memory_space<vmem>>)
        %mul3A_176 = arith.constant 128 : i32
        %mul3A_177 = arith.muli %add3A_163, %mul3A_176 : i32
        %dma_wait3A_178 = tpu.memref_slice %arg5[%add3A, %mul3A_177] : memref<32x16384xf32, #tpu.memory_space<hbm>> -> memref<1x128xf32, #tpu.memory_space<hbm>>
        %dma_wait3A_179 = tpu.memref_squeeze %dma_wait3A_178 : memref<1x128xf32, #tpu.memory_space<hbm>> -> memref<128xf32, #tpu.memory_space<hbm>>
        %dma_wait3A_180 = tpu.memref_slice %arg5[%add3A, %mul3A_177] : memref<32x16384xf32, #tpu.memory_space<hbm>> -> memref<1x128xf32, #tpu.memory_space<hbm>>
        %dma_wait3A_181 = tpu.memref_squeeze %dma_wait3A_180 : memref<1x128xf32, #tpu.memory_space<hbm>> -> memref<128xf32, #tpu.memory_space<hbm>>
        tpu.wait_dma2 semaphore(%arg17 : memref<!tpu.dma_semaphore, #tpu.memory_space<semaphore_mem>>) src(%dma_wait3A_181 : memref<128xf32, #tpu.memory_space<hbm>>) dst(%arg12 : memref<128xf32, #tpu.memory_space<vmem>>)
        %dma_start3A_182 = arith.constant 0 : i32
        %dma_start3A_183 = arith.constant 0 : i32
        %dma_start3A_184 = tpu.memref_slice %arg2[%dma_start3A_182, %dma_start3A_183] : memref<81920x64xf32, #tpu.memory_space<hbm>> -> memref<81920x64xf32, #tpu.memory_space<hbm>>
        tpu.enqueue_indirect_dma source(%dma_start3A_184 : memref<81920x64xf32, #tpu.memory_space<hbm>>) target(%arg14 : memref<128x64xf32, #tpu.memory_space<vmem>>) offsets(%arg8 : memref<128xi32, #tpu.memory_space<vmem>>) semaphore(%arg19 : memref<!tpu.dma_semaphore, #tpu.memory_space<semaphore_mem>>)
      } else {
      }
      %dma_wait3A_125 = arith.constant 0 : i32
      %dma_wait3A_126 = arith.constant 0 : i32
      %dma_wait3A_127 = tpu.memref_slice %arg2[%dma_wait3A_125, %dma_wait3A_126] : memref<81920x64xf32, #tpu.memory_space<hbm>> -> memref<81920x64xf32, #tpu.memory_space<hbm>>
      tpu.wait_indirect_dma semaphore(%arg18 : memref<!tpu.dma_semaphore, #tpu.memory_space<semaphore_mem>>) src(%dma_wait3A_127 : memref<81920x64xf32, #tpu.memory_space<hbm>>) dst(%arg13 : memref<128x64xf32, #tpu.memory_space<vmem>>)
      %parallel_loop3A = arith.constant 0 : i32
      %parallel_loop3A_128 = arith.constant 128 : i32
      %parallel_loop3A_129 = arith.constant 1 : i32
      scf.for %parallel_loop3A_162 = %parallel_loop3A to %parallel_loop3A_128 step %parallel_loop3A_129  : i32 {
        %parallel_loop3A_163 = vector.broadcast %parallel_loop3A_162 : i32 to vector<16xi32>
        %parallel_loop3A_164 = tpu.vector_load_idx %arg11[%parallel_loop3A_163] : memref<128xf32, #tpu.memory_space<vmem>>[vector<16xi32>], vector<16xf32>,
        %parallel_loop3A_165 = arith.index_cast %parallel_loop3A_162 : i32 to index
        %parallel_loop3A_166 = arith.constant 0 : index
        %parallel_loop3A_167 = tpu.vector_load %arg13[%parallel_loop3A_165, %parallel_loop3A_166] {strides = array<i32>} : memref<128x64xf32, #tpu.memory_space<vmem>>, vector<16xf32>,
        %parallel_loop3A_168 = arith.mulf %parallel_loop3A_167, %parallel_loop3A_164 : vector<16xf32>
        %parallel_loop3A_169 = arith.index_cast %parallel_loop3A_162 : i32 to index
        %parallel_loop3A_170 = arith.constant 0 : index
        %parallel_loop3A_171 = tpu.vector_load %arg13[%parallel_loop3A_169, %parallel_loop3A_170] {strides = array<i32>} : memref<128x64xf32, #tpu.memory_space<vmem>>, vector<16xf32>,
        tpu.vector_store %arg13[%parallel_loop3A_169, %parallel_loop3A_170], %parallel_loop3A_168 {strides = array<i32>} : memref<128x64xf32, #tpu.memory_space<vmem>>, vector<16xf32>,
        %parallel_loop3A_172 = arith.index_cast %parallel_loop3A_162 : i32 to index
        %parallel_loop3A_173 = arith.constant 16 : index
        %parallel_loop3A_174 = tpu.vector_load %arg13[%parallel_loop3A_172, %parallel_loop3A_173] {strides = array<i32>} : memref<128x64xf32, #tpu.memory_space<vmem>>, vector<16xf32>,
        %parallel_loop3A_175 = arith.mulf %parallel_loop3A_174, %parallel_loop3A_164 : vector<16xf32>
        %parallel_loop3A_176 = arith.index_cast %parallel_loop3A_162 : i32 to index
        %parallel_loop3A_177 = arith.constant 16 : index
        %parallel_loop3A_178 = tpu.vector_load %arg13[%parallel_loop3A_176, %parallel_loop3A_177] {strides = array<i32>} : memref<128x64xf32, #tpu.memory_space<vmem>>, vector<16xf32>,
        tpu.vector_store %arg13[%parallel_loop3A_176, %parallel_loop3A_177], %parallel_loop3A_175 {strides = array<i32>} : memref<128x64xf32, #tpu.memory_space<vmem>>, vector<16xf32>,
        %parallel_loop3A_179 = arith.index_cast %parallel_loop3A_162 : i32 to index
        %parallel_loop3A_180 = arith.constant 32 : index
        %parallel_loop3A_181 = tpu.vector_load %arg13[%parallel_loop3A_179, %parallel_loop3A_180] {strides = array<i32>} : memref<128x64xf32, #tpu.memory_space<vmem>>, vector<16xf32>,
        %parallel_loop3A_182 = arith.mulf %parallel_loop3A_181, %parallel_loop3A_164 : vector<16xf32>
        %parallel_loop3A_183 = arith.index_cast %parallel_loop3A_162 : i32 to index
        %parallel_loop3A_184 = arith.constant 32 : index
        %parallel_loop3A_185 = tpu.vector_load %arg13[%parallel_loop3A_183, %parallel_loop3A_184] {strides = array<i32>} : memref<128x64xf32, #tpu.memory_space<vmem>>, vector<16xf32>,
        tpu.vector_store %arg13[%parallel_loop3A_183, %parallel_loop3A_184], %parallel_loop3A_182 {strides = array<i32>} : memref<128x64xf32, #tpu.memory_space<vmem>>, vector<16xf32>,
        %parallel_loop3A_186 = arith.index_cast %parallel_loop3A_162 : i32 to index
        %parallel_loop3A_187 = arith.constant 48 : index
        %parallel_loop3A_188 = tpu.vector_load %arg13[%parallel_loop3A_186, %parallel_loop3A_187] {strides = array<i32>} : memref<128x64xf32, #tpu.memory_space<vmem>>, vector<16xf32>,
        %parallel_loop3A_189 = arith.mulf %parallel_loop3A_188, %parallel_loop3A_164 : vector<16xf32>
        %parallel_loop3A_190 = arith.index_cast %parallel_loop3A_162 : i32 to index
        %parallel_loop3A_191 = arith.constant 48 : index
        %parallel_loop3A_192 = tpu.vector_load %arg13[%parallel_loop3A_190, %parallel_loop3A_191] {strides = array<i32>} : memref<128x64xf32, #tpu.memory_space<vmem>>, vector<16xf32>,
        tpu.vector_store %arg13[%parallel_loop3A_190, %parallel_loop3A_191], %parallel_loop3A_189 {strides = array<i32>} : memref<128x64xf32, #tpu.memory_space<vmem>>, vector<16xf32>,
      } {sc.loop_unroll_factor = 8 : i64, sc.parallel_access}
      "tpu.region"() ({
        %run_scoped3A = tpu.sem_alloc : memref<!tpu.dma_semaphore, #tpu.memory_space<semaphore_mem>>
        %dma_start3A_162 = arith.constant 0 : i32
        %dma_start3A_163 = arith.constant 0 : i32
        %dma_start3A_164 = tpu.memref_slice %arg15[%dma_start3A_162, %dma_start3A_163] : memref<20480x64xf32, #tpu.memory_space<vmem_shared>> -> memref<20480x64xf32, #tpu.memory_space<vmem_shared>>
        tpu.enqueue_indirect_dma source(%arg13 : memref<128x64xf32, #tpu.memory_space<vmem>>) target(%dma_start3A_164 : memref<20480x64xf32, #tpu.memory_space<vmem_shared>>) offsets(%arg9 : memref<128xi32, #tpu.memory_space<vmem>>) semaphore(%run_scoped3A : memref<!tpu.dma_semaphore, #tpu.memory_space<semaphore_mem>>) {add = true}
        %dma_wait3A_165 = arith.constant 0 : i32
        %dma_wait3A_166 = arith.constant 0 : i32
        %dma_wait3A_167 = tpu.memref_slice %arg15[%dma_wait3A_165, %dma_wait3A_166] : memref<20480x64xf32, #tpu.memory_space<vmem_shared>> -> memref<20480x64xf32, #tpu.memory_space<vmem_shared>>
        tpu.wait_indirect_dma semaphore(%run_scoped3A : memref<!tpu.dma_semaphore, #tpu.memory_space<semaphore_mem>>) src(%arg13 : memref<128x64xf32, #tpu.memory_space<vmem>>) dst(%dma_wait3A_167 : memref<20480x64xf32, #tpu.memory_space<vmem_shared>>)
        tpu.yield
      }) : () -> ()
      %add3A_130 = arith.constant 2 : i32
      %add3A_131 = arith.addi %add3A_120, %add3A_130 : i32
      %lt3A_132 = arith.constant 128 : i32
      %lt3A_133 = arith.cmpi slt, %add3A_131, %lt3A_132 : i32
      %convert_element_type3A_134 = arith.extui %lt3A_133 : i1 to i32
      %cond3A_135 = arith.constant 0 : i32
      %cond3A_136 = arith.cmpi ne, %convert_element_type3A_134, %cond3A_135 : i32
      scf.if %cond3A_136 {
        %add3A_162 = arith.constant 2 : i32
        %add3A_163 = arith.addi %add3A_120, %add3A_162 : i32
        %mul3A_164 = arith.constant 128 : i32
        %mul3A_165 = arith.muli %add3A_163, %mul3A_164 : i32
        %dma_start3A_166 = tpu.memref_slice %arg3[%add3A, %mul3A_165] : memref<32x16384xi32, #tpu.memory_space<hbm>> -> memref<1x128xi32, #tpu.memory_space<hbm>>
        %dma_start3A_167 = tpu.memref_squeeze %dma_start3A_166 : memref<1x128xi32, #tpu.memory_space<hbm>> -> memref<128xi32, #tpu.memory_space<hbm>>
        %dma_start3A_168 = tpu.memref_slice %arg3[%add3A, %mul3A_165] : memref<32x16384xi32, #tpu.memory_space<hbm>> -> memref<1x128xi32, #tpu.memory_space<hbm>>
        %dma_start3A_169 = tpu.memref_squeeze %dma_start3A_168 : memref<1x128xi32, #tpu.memory_space<hbm>> -> memref<128xi32, #tpu.memory_space<hbm>>
        tpu.enqueue_dma source(%dma_start3A_169 : memref<128xi32, #tpu.memory_space<hbm>>) target(%arg7 : memref<128xi32, #tpu.memory_space<vmem>>) target_semaphore(%arg16 : memref<!tpu.dma_semaphore, #tpu.memory_space<semaphore_mem>>)
        %mul3A_170 = arith.constant 128 : i32
        %mul3A_171 = arith.muli %add3A_163, %mul3A_170 : i32
        %dma_start3A_172 = tpu.memref_slice %arg4[%add3A, %mul3A_171] : memref<32x16384xi32, #tpu.memory_space<hbm>> -> memref<1x128xi32, #tpu.memory_space<hbm>>
        %dma_start3A_173 = tpu.memref_squeeze %dma_start3A_172 : memref<1x128xi32, #tpu.memory_space<hbm>> -> memref<128xi32, #tpu.memory_space<hbm>>
        %dma_start3A_174 = tpu.memref_slice %arg4[%add3A, %mul3A_171] : memref<32x16384xi32, #tpu.memory_space<hbm>> -> memref<1x128xi32, #tpu.memory_space<hbm>>
        %dma_start3A_175 = tpu.memref_squeeze %dma_start3A_174 : memref<1x128xi32, #tpu.memory_space<hbm>> -> memref<128xi32, #tpu.memory_space<hbm>>
        tpu.enqueue_dma source(%dma_start3A_175 : memref<128xi32, #tpu.memory_space<hbm>>) target(%arg9 : memref<128xi32, #tpu.memory_space<vmem>>) target_semaphore(%arg16 : memref<!tpu.dma_semaphore, #tpu.memory_space<semaphore_mem>>)
        %mul3A_176 = arith.constant 128 : i32
        %mul3A_177 = arith.muli %add3A_163, %mul3A_176 : i32
        %dma_start3A_178 = tpu.memref_slice %arg5[%add3A, %mul3A_177] : memref<32x16384xf32, #tpu.memory_space<hbm>> -> memref<1x128xf32, #tpu.memory_space<hbm>>
        %dma_start3A_179 = tpu.memref_squeeze %dma_start3A_178 : memref<1x128xf32, #tpu.memory_space<hbm>> -> memref<128xf32, #tpu.memory_space<hbm>>
        %dma_start3A_180 = tpu.memref_slice %arg5[%add3A, %mul3A_177] : memref<32x16384xf32, #tpu.memory_space<hbm>> -> memref<1x128xf32, #tpu.memory_space<hbm>>
        %dma_start3A_181 = tpu.memref_squeeze %dma_start3A_180 : memref<1x128xf32, #tpu.memory_space<hbm>> -> memref<128xf32, #tpu.memory_space<hbm>>
        tpu.enqueue_dma source(%dma_start3A_181 : memref<128xf32, #tpu.memory_space<hbm>>) target(%arg11 : memref<128xf32, #tpu.memory_space<vmem>>) target_semaphore(%arg16 : memref<!tpu.dma_semaphore, #tpu.memory_space<semaphore_mem>>)
      } else {
      }
      %mul3A_137 = arith.constant 2 : i32
      %mul3A_138 = arith.muli %scan3A_115, %mul3A_137 : i32
      %add3A_139 = arith.constant 1 : i32
      %add3A_140 = arith.addi %mul3A_138, %add3A_139 : i32
      %add3A_141 = arith.constant 1 : i32
      %add3A_142 = arith.addi %add3A_140, %add3A_141 : i32
      %lt3A_143 = arith.constant 128 : i32
      %lt3A_144 = arith.cmpi slt, %add3A_142, %lt3A_143 : i32
      %convert_element_type3A_145 = arith.extui %lt3A_144 : i1 to i32
      %cond3A_146 = arith.constant 0 : i32
      %cond3A_147 = arith.cmpi ne, %convert_element_type3A_145, %cond3A_146 : i32
      scf.if %cond3A_147 {
        %add3A_162 = arith.constant 1 : i32
        %add3A_163 = arith.addi %add3A_140, %add3A_162 : i32
        %mul3A_164 = arith.constant 128 : i32
        %mul3A_165 = arith.muli %add3A_163, %mul3A_164 : i32
        %dma_wait3A_166 = tpu.memref_slice %arg3[%add3A, %mul3A_165] : memref<32x16384xi32, #tpu.memory_space<hbm>> -> memref<1x128xi32, #tpu.memory_space<hbm>>
        %dma_wait3A_167 = tpu.memref_squeeze %dma_wait3A_166 : memref<1x128xi32, #tpu.memory_space<hbm>> -> memref<128xi32, #tpu.memory_space<hbm>>
        %dma_wait3A_168 = tpu.memref_slice %arg3[%add3A, %mul3A_165] : memref<32x16384xi32, #tpu.memory_space<hbm>> -> memref<1x128xi32, #tpu.memory_space<hbm>>
        %dma_wait3A_169 = tpu.memref_squeeze %dma_wait3A_168 : memref<1x128xi32, #tpu.memory_space<hbm>> -> memref<128xi32, #tpu.memory_space<hbm>>
        tpu.wait_dma2 semaphore(%arg16 : memref<!tpu.dma_semaphore, #tpu.memory_space<semaphore_mem>>) src(%dma_wait3A_169 : memref<128xi32, #tpu.memory_space<hbm>>) dst(%arg7 : memref<128xi32, #tpu.memory_space<vmem>>)
        %mul3A_170 = arith.constant 128 : i32
        %mul3A_171 = arith.muli %add3A_163, %mul3A_170 : i32
        %dma_wait3A_172 = tpu.memref_slice %arg4[%add3A, %mul3A_171] : memref<32x16384xi32, #tpu.memory_space<hbm>> -> memref<1x128xi32, #tpu.memory_space<hbm>>
        %dma_wait3A_173 = tpu.memref_squeeze %dma_wait3A_172 : memref<1x128xi32, #tpu.memory_space<hbm>> -> memref<128xi32, #tpu.memory_space<hbm>>
        %dma_wait3A_174 = tpu.memref_slice %arg4[%add3A, %mul3A_171] : memref<32x16384xi32, #tpu.memory_space<hbm>> -> memref<1x128xi32, #tpu.memory_space<hbm>>
        %dma_wait3A_175 = tpu.memref_squeeze %dma_wait3A_174 : memref<1x128xi32, #tpu.memory_space<hbm>> -> memref<128xi32, #tpu.memory_space<hbm>>
        tpu.wait_dma2 semaphore(%arg16 : memref<!tpu.dma_semaphore, #tpu.memory_space<semaphore_mem>>) src(%dma_wait3A_175 : memref<128xi32, #tpu.memory_space<hbm>>) dst(%arg9 : memref<128xi32, #tpu.memory_space<vmem>>)
        %mul3A_176 = arith.constant 128 : i32
        %mul3A_177 = arith.muli %add3A_163, %mul3A_176 : i32
        %dma_wait3A_178 = tpu.memref_slice %arg5[%add3A, %mul3A_177] : memref<32x16384xf32, #tpu.memory_space<hbm>> -> memref<1x128xf32, #tpu.memory_space<hbm>>
        %dma_wait3A_179 = tpu.memref_squeeze %dma_wait3A_178 : memref<1x128xf32, #tpu.memory_space<hbm>> -> memref<128xf32, #tpu.memory_space<hbm>>
        %dma_wait3A_180 = tpu.memref_slice %arg5[%add3A, %mul3A_177] : memref<32x16384xf32, #tpu.memory_space<hbm>> -> memref<1x128xf32, #tpu.memory_space<hbm>>
        %dma_wait3A_181 = tpu.memref_squeeze %dma_wait3A_180 : memref<1x128xf32, #tpu.memory_space<hbm>> -> memref<128xf32, #tpu.memory_space<hbm>>
        tpu.wait_dma2 semaphore(%arg16 : memref<!tpu.dma_semaphore, #tpu.memory_space<semaphore_mem>>) src(%dma_wait3A_181 : memref<128xf32, #tpu.memory_space<hbm>>) dst(%arg11 : memref<128xf32, #tpu.memory_space<vmem>>)
        %dma_start3A_182 = arith.constant 0 : i32
        %dma_start3A_183 = arith.constant 0 : i32
        %dma_start3A_184 = tpu.memref_slice %arg2[%dma_start3A_182, %dma_start3A_183] : memref<81920x64xf32, #tpu.memory_space<hbm>> -> memref<81920x64xf32, #tpu.memory_space<hbm>>
        tpu.enqueue_indirect_dma source(%dma_start3A_184 : memref<81920x64xf32, #tpu.memory_space<hbm>>) target(%arg13 : memref<128x64xf32, #tpu.memory_space<vmem>>) offsets(%arg7 : memref<128xi32, #tpu.memory_space<vmem>>) semaphore(%arg18 : memref<!tpu.dma_semaphore, #tpu.memory_space<semaphore_mem>>)
      } else {
      }
      %dma_wait3A_148 = arith.constant 0 : i32
      %dma_wait3A_149 = arith.constant 0 : i32
      %dma_wait3A_150 = tpu.memref_slice %arg2[%dma_wait3A_148, %dma_wait3A_149] : memref<81920x64xf32, #tpu.memory_space<hbm>> -> memref<81920x64xf32, #tpu.memory_space<hbm>>
      tpu.wait_indirect_dma semaphore(%arg19 : memref<!tpu.dma_semaphore, #tpu.memory_space<semaphore_mem>>) src(%dma_wait3A_150 : memref<81920x64xf32, #tpu.memory_space<hbm>>) dst(%arg14 : memref<128x64xf32, #tpu.memory_space<vmem>>)
      %parallel_loop3A_151 = arith.constant 0 : i32
      %parallel_loop3A_152 = arith.constant 128 : i32
      %parallel_loop3A_153 = arith.constant 1 : i32
      scf.for %parallel_loop3A_162 = %parallel_loop3A_151 to %parallel_loop3A_152 step %parallel_loop3A_153  : i32 {
        %parallel_loop3A_163 = vector.broadcast %parallel_loop3A_162 : i32 to vector<16xi32>
        %parallel_loop3A_164 = tpu.vector_load_idx %arg12[%parallel_loop3A_163] : memref<128xf32, #tpu.memory_space<vmem>>[vector<16xi32>], vector<16xf32>,
        %parallel_loop3A_165 = arith.index_cast %parallel_loop3A_162 : i32 to index
        %parallel_loop3A_166 = arith.constant 0 : index
        %parallel_loop3A_167 = tpu.vector_load %arg14[%parallel_loop3A_165, %parallel_loop3A_166] {strides = array<i32>} : memref<128x64xf32, #tpu.memory_space<vmem>>, vector<16xf32>,
        %parallel_loop3A_168 = arith.mulf %parallel_loop3A_167, %parallel_loop3A_164 : vector<16xf32>
        %parallel_loop3A_169 = arith.index_cast %parallel_loop3A_162 : i32 to index
        %parallel_loop3A_170 = arith.constant 0 : index
        %parallel_loop3A_171 = tpu.vector_load %arg14[%parallel_loop3A_169, %parallel_loop3A_170] {strides = array<i32>} : memref<128x64xf32, #tpu.memory_space<vmem>>, vector<16xf32>,
        tpu.vector_store %arg14[%parallel_loop3A_169, %parallel_loop3A_170], %parallel_loop3A_168 {strides = array<i32>} : memref<128x64xf32, #tpu.memory_space<vmem>>, vector<16xf32>,
        %parallel_loop3A_172 = arith.index_cast %parallel_loop3A_162 : i32 to index
        %parallel_loop3A_173 = arith.constant 16 : index
        %parallel_loop3A_174 = tpu.vector_load %arg14[%parallel_loop3A_172, %parallel_loop3A_173] {strides = array<i32>} : memref<128x64xf32, #tpu.memory_space<vmem>>, vector<16xf32>,
        %parallel_loop3A_175 = arith.mulf %parallel_loop3A_174, %parallel_loop3A_164 : vector<16xf32>
        %parallel_loop3A_176 = arith.index_cast %parallel_loop3A_162 : i32 to index
        %parallel_loop3A_177 = arith.constant 16 : index
        %parallel_loop3A_178 = tpu.vector_load %arg14[%parallel_loop3A_176, %parallel_loop3A_177] {strides = array<i32>} : memref<128x64xf32, #tpu.memory_space<vmem>>, vector<16xf32>,
        tpu.vector_store %arg14[%parallel_loop3A_176, %parallel_loop3A_177], %parallel_loop3A_175 {strides = array<i32>} : memref<128x64xf32, #tpu.memory_space<vmem>>, vector<16xf32>,
        %parallel_loop3A_179 = arith.index_cast %parallel_loop3A_162 : i32 to index
        %parallel_loop3A_180 = arith.constant 32 : index
        %parallel_loop3A_181 = tpu.vector_load %arg14[%parallel_loop3A_179, %parallel_loop3A_180] {strides = array<i32>} : memref<128x64xf32, #tpu.memory_space<vmem>>, vector<16xf32>,
        %parallel_loop3A_182 = arith.mulf %parallel_loop3A_181, %parallel_loop3A_164 : vector<16xf32>
        %parallel_loop3A_183 = arith.index_cast %parallel_loop3A_162 : i32 to index
        %parallel_loop3A_184 = arith.constant 32 : index
        %parallel_loop3A_185 = tpu.vector_load %arg14[%parallel_loop3A_183, %parallel_loop3A_184] {strides = array<i32>} : memref<128x64xf32, #tpu.memory_space<vmem>>, vector<16xf32>,
        tpu.vector_store %arg14[%parallel_loop3A_183, %parallel_loop3A_184], %parallel_loop3A_182 {strides = array<i32>} : memref<128x64xf32, #tpu.memory_space<vmem>>, vector<16xf32>,
        %parallel_loop3A_186 = arith.index_cast %parallel_loop3A_162 : i32 to index
        %parallel_loop3A_187 = arith.constant 48 : index
        %parallel_loop3A_188 = tpu.vector_load %arg14[%parallel_loop3A_186, %parallel_loop3A_187] {strides = array<i32>} : memref<128x64xf32, #tpu.memory_space<vmem>>, vector<16xf32>,
        %parallel_loop3A_189 = arith.mulf %parallel_loop3A_188, %parallel_loop3A_164 : vector<16xf32>
        %parallel_loop3A_190 = arith.index_cast %parallel_loop3A_162 : i32 to index
        %parallel_loop3A_191 = arith.constant 48 : index
        %parallel_loop3A_192 = tpu.vector_load %arg14[%parallel_loop3A_190, %parallel_loop3A_191] {strides = array<i32>} : memref<128x64xf32, #tpu.memory_space<vmem>>, vector<16xf32>,
        tpu.vector_store %arg14[%parallel_loop3A_190, %parallel_loop3A_191], %parallel_loop3A_189 {strides = array<i32>} : memref<128x64xf32, #tpu.memory_space<vmem>>, vector<16xf32>,
      } {sc.loop_unroll_factor = 8 : i64, sc.parallel_access}
      "tpu.region"() ({
        %run_scoped3A = tpu.sem_alloc : memref<!tpu.dma_semaphore, #tpu.memory_space<semaphore_mem>>
        %dma_start3A_162 = arith.constant 0 : i32
        %dma_start3A_163 = arith.constant 0 : i32
        %dma_start3A_164 = tpu.memref_slice %arg15[%dma_start3A_162, %dma_start3A_163] : memref<20480x64xf32, #tpu.memory_space<vmem_shared>> -> memref<20480x64xf32, #tpu.memory_space<vmem_shared>>
        tpu.enqueue_indirect_dma source(%arg14 : memref<128x64xf32, #tpu.memory_space<vmem>>) target(%dma_start3A_164 : memref<20480x64xf32, #tpu.memory_space<vmem_shared>>) offsets(%arg10 : memref<128xi32, #tpu.memory_space<vmem>>) semaphore(%run_scoped3A : memref<!tpu.dma_semaphore, #tpu.memory_space<semaphore_mem>>) {add = true}
        %dma_wait3A_165 = arith.constant 0 : i32
        %dma_wait3A_166 = arith.constant 0 : i32
        %dma_wait3A_167 = tpu.memref_slice %arg15[%dma_wait3A_165, %dma_wait3A_166] : memref<20480x64xf32, #tpu.memory_space<vmem_shared>> -> memref<20480x64xf32, #tpu.memory_space<vmem_shared>>
        tpu.wait_indirect_dma semaphore(%run_scoped3A : memref<!tpu.dma_semaphore, #tpu.memory_space<semaphore_mem>>) src(%arg14 : memref<128x64xf32, #tpu.memory_space<vmem>>) dst(%dma_wait3A_167 : memref<20480x64xf32, #tpu.memory_space<vmem_shared>>)
        tpu.yield
      }) : () -> ()
      %add3A_154 = arith.constant 2 : i32
      %add3A_155 = arith.addi %add3A_140, %add3A_154 : i32
      %lt3A_156 = arith.constant 128 : i32
      %lt3A_157 = arith.cmpi slt, %add3A_155, %lt3A_156 : i32
      %convert_element_type3A_158 = arith.extui %lt3A_157 : i1 to i32
      %cond3A_159 = arith.constant 0 : i32
      %cond3A_160 = arith.cmpi ne, %convert_element_type3A_158, %cond3A_159 : i32
      scf.if %cond3A_160 {
        %add3A_162 = arith.constant 2 : i32
        %add3A_163 = arith.addi %add3A_140, %add3A_162 : i32
        %mul3A_164 = arith.constant 128 : i32
        %mul3A_165 = arith.muli %add3A_163, %mul3A_164 : i32
        %dma_start3A_166 = tpu.memref_slice %arg3[%add3A, %mul3A_165] : memref<32x16384xi32, #tpu.memory_space<hbm>> -> memref<1x128xi32, #tpu.memory_space<hbm>>
        %dma_start3A_167 = tpu.memref_squeeze %dma_start3A_166 : memref<1x128xi32, #tpu.memory_space<hbm>> -> memref<128xi32, #tpu.memory_space<hbm>>
        %dma_start3A_168 = tpu.memref_slice %arg3[%add3A, %mul3A_165] : memref<32x16384xi32, #tpu.memory_space<hbm>> -> memref<1x128xi32, #tpu.memory_space<hbm>>
        %dma_start3A_169 = tpu.memref_squeeze %dma_start3A_168 : memref<1x128xi32, #tpu.memory_space<hbm>> -> memref<128xi32, #tpu.memory_space<hbm>>
        tpu.enqueue_dma source(%dma_start3A_169 : memref<128xi32, #tpu.memory_space<hbm>>) target(%arg8 : memref<128xi32, #tpu.memory_space<vmem>>) target_semaphore(%arg17 : memref<!tpu.dma_semaphore, #tpu.memory_space<semaphore_mem>>)
        %mul3A_170 = arith.constant 128 : i32
        %mul3A_171 = arith.muli %add3A_163, %mul3A_170 : i32
        %dma_start3A_172 = tpu.memref_slice %arg4[%add3A, %mul3A_171] : memref<32x16384xi32, #tpu.memory_space<hbm>> -> memref<1x128xi32, #tpu.memory_space<hbm>>
        %dma_start3A_173 = tpu.memref_squeeze %dma_start3A_172 : memref<1x128xi32, #tpu.memory_space<hbm>> -> memref<128xi32, #tpu.memory_space<hbm>>
        %dma_start3A_174 = tpu.memref_slice %arg4[%add3A, %mul3A_171] : memref<32x16384xi32, #tpu.memory_space<hbm>> -> memref<1x128xi32, #tpu.memory_space<hbm>>
        %dma_start3A_175 = tpu.memref_squeeze %dma_start3A_174 : memref<1x128xi32, #tpu.memory_space<hbm>> -> memref<128xi32, #tpu.memory_space<hbm>>
        tpu.enqueue_dma source(%dma_start3A_175 : memref<128xi32, #tpu.memory_space<hbm>>) target(%arg10 : memref<128xi32, #tpu.memory_space<vmem>>) target_semaphore(%arg17 : memref<!tpu.dma_semaphore, #tpu.memory_space<semaphore_mem>>)
        %mul3A_176 = arith.constant 128 : i32
        %mul3A_177 = arith.muli %add3A_163, %mul3A_176 : i32
        %dma_start3A_178 = tpu.memref_slice %arg5[%add3A, %mul3A_177] : memref<32x16384xf32, #tpu.memory_space<hbm>> -> memref<1x128xf32, #tpu.memory_space<hbm>>
        %dma_start3A_179 = tpu.memref_squeeze %dma_start3A_178 : memref<1x128xf32, #tpu.memory_space<hbm>> -> memref<128xf32, #tpu.memory_space<hbm>>
        %dma_start3A_180 = tpu.memref_slice %arg5[%add3A, %mul3A_177] : memref<32x16384xf32, #tpu.memory_space<hbm>> -> memref<1x128xf32, #tpu.memory_space<hbm>>
        %dma_start3A_181 = tpu.memref_squeeze %dma_start3A_180 : memref<1x128xf32, #tpu.memory_space<hbm>> -> memref<128xf32, #tpu.memory_space<hbm>>
        tpu.enqueue_dma source(%dma_start3A_181 : memref<128xf32, #tpu.memory_space<hbm>>) target(%arg12 : memref<128xf32, #tpu.memory_space<vmem>>) target_semaphore(%arg17 : memref<!tpu.dma_semaphore, #tpu.memory_space<semaphore_mem>>)
      } else {
      }
      %scan3A_161 = arith.constant 0 : i32
      scf.yield %scan3A_161 : i32
    }
    %scan3A_109 = arith.constant 64 : i32
    %barrier3A_110 = arith.constant 0 : index
    tpu.barrier barrier_id(%barrier3A_110)
    %mul3A_111 = arith.constant 1280 : i32
    %mul3A_112 = arith.muli %arg1, %mul3A_111 : i32
    %mul3A_113 = arith.constant 1280 : i32
    %mul3A_114 = arith.muli %arg1, %mul3A_113 : i32
    "tpu.region"() ({
      %run_scoped3A = tpu.sem_alloc : memref<!tpu.dma_semaphore, #tpu.memory_space<semaphore_mem>>
      %dma_start3A_115 = arith.constant 0 : i32
      %dma_start3A_116 = tpu.memref_slice %arg6[%arg0, %mul3A_114, %dma_start3A_115] : memref<2x20480x64xf32, #tpu.memory_space<hbm>> -> memref<1x1280x64xf32, #tpu.memory_space<hbm>>
      %dma_start3A_117 = tpu.memref_squeeze %dma_start3A_116 : memref<1x1280x64xf32, #tpu.memory_space<hbm>> -> memref<1280x64xf32, #tpu.memory_space<hbm>>
      %dma_start3A_118 = arith.constant 0 : i32
      %dma_start3A_119 = tpu.memref_slice %arg15[%mul3A_112, %dma_start3A_118] : memref<20480x64xf32, #tpu.memory_space<vmem_shared>> -> memref<1280x64xf32, #tpu.memory_space<vmem_shared>>
      tpu.enqueue_dma source(%dma_start3A_119 : memref<1280x64xf32, #tpu.memory_space<vmem_shared>>) target(%dma_start3A_117 : memref<1280x64xf32, #tpu.memory_space<hbm>>) target_semaphore(%run_scoped3A : memref<!tpu.dma_semaphore, #tpu.memory_space<semaphore_mem>>)
      %dma_wait3A_120 = arith.constant 0 : i32
      %dma_wait3A_121 = tpu.memref_slice %arg6[%arg0, %mul3A_114, %dma_wait3A_120] : memref<2x20480x64xf32, #tpu.memory_space<hbm>> -> memref<1x1280x64xf32, #tpu.memory_space<hbm>>
      %dma_wait3A_122 = tpu.memref_squeeze %dma_wait3A_121 : memref<1x1280x64xf32, #tpu.memory_space<hbm>> -> memref<1280x64xf32, #tpu.memory_space<hbm>>
      %dma_wait3A_123 = arith.constant 0 : i32
      %dma_wait3A_124 = tpu.memref_slice %arg15[%mul3A_112, %dma_wait3A_123] : memref<20480x64xf32, #tpu.memory_space<vmem_shared>> -> memref<1280x64xf32, #tpu.memory_space<vmem_shared>>
      tpu.wait_dma2 semaphore(%run_scoped3A : memref<!tpu.dma_semaphore, #tpu.memory_space<semaphore_mem>>) src(%dma_wait3A_124 : memref<1280x64xf32, #tpu.memory_space<vmem_shared>>) dst(%dma_wait3A_122 : memref<1280x64xf32, #tpu.memory_space<hbm>>)
      tpu.yield
    }) : () -> ()
    return
  }
}

#map = affine_map<(d0, d1) -> (0, 0)>
#map1 = affine_map<(d0, d1) -> (0, 0, 0)>
module attributes {stable_mosaic.version = 14 : i64} {
  func.func @_permgather_body(%arg0: i32, %arg1: i32, %arg2: memref<32768x64xf32, #tpu.memory_space<hbm>>, %arg3: memref<32x32x128xi32, #tpu.memory_space<hbm>>, %arg4: memref<32x4096x64xf32, #tpu.memory_space<hbm>>, %arg5: memref<128xi32, #tpu.memory_space<vmem>>, %arg6: memref<128xi32, #tpu.memory_space<vmem>>, %arg7: memref<128x64xf32, #tpu.memory_space<vmem>>, %arg8: memref<128x64xf32, #tpu.memory_space<vmem>>, %arg9: memref<!tpu.dma_semaphore, #tpu.memory_space<semaphore_mem>>, %arg10: memref<!tpu.dma_semaphore, #tpu.memory_space<semaphore_mem>>, %arg11: memref<!tpu.dma_semaphore, #tpu.memory_space<semaphore_mem>>) attributes {dimension_semantics = [#tpu.dimension_semantics<core_parallel>, #tpu.dimension_semantics<subcore_parallel>], iteration_bounds = array<i64: 2, 16>, scalar_prefetch = 0 : i64, scratch_operands = 7 : i64, tpu.core_type = #tpu.core_type<sc_vector_subcore>, window_params = [{transform_indices = #map}, {transform_indices = #map1}, {transform_indices = #map1}]} {
    %mul3A = arith.constant 2 : i32
    %mul3A_0 = arith.muli %arg1, %mul3A : i32
    %add3A = arith.addi %mul3A_0, %arg0 : i32
    %scan3A = arith.constant 0 : i32
    %scan3A_1 = arith.constant 0 : i32
    %scan3A_2 = arith.constant 16 : i32
    %scan3A_3 = arith.addi %scan3A_1, %scan3A_2 : i32
    %scan3A_4 = arith.constant 1 : i32
    %scan3A_5 = scf.for %scan3A_22 = %scan3A_1 to %scan3A_3 step %scan3A_4 iter_args(%scan3A_23 = %scan3A) -> (i32)  : i32 {
      %mul3A_24 = arith.constant 2 : i32
      %mul3A_25 = arith.muli %scan3A_22, %mul3A_24 : i32
      %add3A_26 = arith.constant 0 : i32
      %add3A_27 = arith.addi %mul3A_25, %add3A_26 : i32
      %gt3A = arith.constant 0 : i32
      %gt3A_28 = arith.cmpi sgt, %scan3A_22, %gt3A : i32
      %convert_element_type3A = arith.extui %gt3A_28 : i1 to i32
      %cond3A = arith.constant 0 : i32
      %cond3A_29 = arith.cmpi ne, %convert_element_type3A, %cond3A : i32
      scf.if %cond3A_29 {
        %sub3A = arith.constant 2 : i32
        %sub3A_67 = arith.subi %add3A_27, %sub3A : i32
        %mul3A_68 = arith.constant 128 : i32
        %mul3A_69 = arith.muli %sub3A_67, %mul3A_68 : i32
        %dma_wait3A_70 = arith.constant 0 : i32
        %dma_wait3A_71 = tpu.memref_slice %arg4[%add3A, %mul3A_69, %dma_wait3A_70] : memref<32x4096x64xf32, #tpu.memory_space<hbm>> -> memref<1x128x64xf32, #tpu.memory_space<hbm>>
        %dma_wait3A_72 = tpu.memref_squeeze %dma_wait3A_71 : memref<1x128x64xf32, #tpu.memory_space<hbm>> -> memref<128x64xf32, #tpu.memory_space<hbm>>
        %dma_wait3A_73 = arith.constant 0 : i32
        %dma_wait3A_74 = tpu.memref_slice %arg4[%add3A, %mul3A_69, %dma_wait3A_73] : memref<32x4096x64xf32, #tpu.memory_space<hbm>> -> memref<1x128x64xf32, #tpu.memory_space<hbm>>
        %dma_wait3A_75 = tpu.memref_squeeze %dma_wait3A_74 : memref<1x128x64xf32, #tpu.memory_space<hbm>> -> memref<128x64xf32, #tpu.memory_space<hbm>>
        tpu.wait_dma2 semaphore(%arg10 : memref<!tpu.dma_semaphore, #tpu.memory_space<semaphore_mem>>) src(%arg7 : memref<128x64xf32, #tpu.memory_space<vmem>>) dst(%dma_wait3A_75 : memref<128x64xf32, #tpu.memory_space<hbm>>)
      } else {
      }
      "tpu.region"() ({
        %run_scoped3A = tpu.sem_alloc : memref<!tpu.dma_semaphore, #tpu.memory_space<semaphore_mem>>
        %dma_start3A_67 = arith.constant 0 : i32
        %dma_start3A_68 = tpu.memref_slice %arg3[%add3A, %add3A_27, %dma_start3A_67] : memref<32x32x128xi32, #tpu.memory_space<hbm>> -> memref<1x1x128xi32, #tpu.memory_space<hbm>>
        %dma_start3A_69 = tpu.memref_squeeze %dma_start3A_68 : memref<1x1x128xi32, #tpu.memory_space<hbm>> -> memref<128xi32, #tpu.memory_space<hbm>>
        %dma_start3A_70 = arith.constant 0 : i32
        %dma_start3A_71 = tpu.memref_slice %arg3[%add3A, %add3A_27, %dma_start3A_70] : memref<32x32x128xi32, #tpu.memory_space<hbm>> -> memref<1x1x128xi32, #tpu.memory_space<hbm>>
        %dma_start3A_72 = tpu.memref_squeeze %dma_start3A_71 : memref<1x1x128xi32, #tpu.memory_space<hbm>> -> memref<128xi32, #tpu.memory_space<hbm>>
        tpu.enqueue_dma source(%dma_start3A_72 : memref<128xi32, #tpu.memory_space<hbm>>) target(%arg5 : memref<128xi32, #tpu.memory_space<vmem>>) target_semaphore(%run_scoped3A : memref<!tpu.dma_semaphore, #tpu.memory_space<semaphore_mem>>)
        %dma_wait3A_73 = arith.constant 0 : i32
        %dma_wait3A_74 = tpu.memref_slice %arg3[%add3A, %add3A_27, %dma_wait3A_73] : memref<32x32x128xi32, #tpu.memory_space<hbm>> -> memref<1x1x128xi32, #tpu.memory_space<hbm>>
        %dma_wait3A_75 = tpu.memref_squeeze %dma_wait3A_74 : memref<1x1x128xi32, #tpu.memory_space<hbm>> -> memref<128xi32, #tpu.memory_space<hbm>>
        %dma_wait3A_76 = arith.constant 0 : i32
        %dma_wait3A_77 = tpu.memref_slice %arg3[%add3A, %add3A_27, %dma_wait3A_76] : memref<32x32x128xi32, #tpu.memory_space<hbm>> -> memref<1x1x128xi32, #tpu.memory_space<hbm>>
        %dma_wait3A_78 = tpu.memref_squeeze %dma_wait3A_77 : memref<1x1x128xi32, #tpu.memory_space<hbm>> -> memref<128xi32, #tpu.memory_space<hbm>>
        tpu.wait_dma2 semaphore(%run_scoped3A : memref<!tpu.dma_semaphore, #tpu.memory_space<semaphore_mem>>) src(%dma_wait3A_78 : memref<128xi32, #tpu.memory_space<hbm>>) dst(%arg5 : memref<128xi32, #tpu.memory_space<vmem>>)
        tpu.yield
      }) : () -> ()
      %dma_start3A = arith.constant 0 : i32
      %dma_start3A_30 = arith.constant 0 : i32
      %dma_start3A_31 = tpu.memref_slice %arg2[%dma_start3A, %dma_start3A_30] : memref<32768x64xf32, #tpu.memory_space<hbm>> -> memref<32768x64xf32, #tpu.memory_space<hbm>>
      tpu.enqueue_indirect_dma source(%dma_start3A_31 : memref<32768x64xf32, #tpu.memory_space<hbm>>) target(%arg7 : memref<128x64xf32, #tpu.memory_space<vmem>>) offsets(%arg5 : memref<128xi32, #tpu.memory_space<vmem>>) semaphore(%arg9 : memref<!tpu.dma_semaphore, #tpu.memory_space<semaphore_mem>>)
      %dma_wait3A_32 = arith.constant 0 : i32
      %dma_wait3A_33 = arith.constant 0 : i32
      %dma_wait3A_34 = tpu.memref_slice %arg2[%dma_wait3A_32, %dma_wait3A_33] : memref<32768x64xf32, #tpu.memory_space<hbm>> -> memref<32768x64xf32, #tpu.memory_space<hbm>>
      tpu.wait_indirect_dma semaphore(%arg9 : memref<!tpu.dma_semaphore, #tpu.memory_space<semaphore_mem>>) src(%dma_wait3A_34 : memref<32768x64xf32, #tpu.memory_space<hbm>>) dst(%arg7 : memref<128x64xf32, #tpu.memory_space<vmem>>)
      %mul3A_35 = arith.constant 128 : i32
      %mul3A_36 = arith.muli %add3A_27, %mul3A_35 : i32
      %dma_start3A_37 = arith.constant 0 : i32
      %dma_start3A_38 = tpu.memref_slice %arg4[%add3A, %mul3A_36, %dma_start3A_37] : memref<32x4096x64xf32, #tpu.memory_space<hbm>> -> memref<1x128x64xf32, #tpu.memory_space<hbm>>
      %dma_start3A_39 = tpu.memref_squeeze %dma_start3A_38 : memref<1x128x64xf32, #tpu.memory_space<hbm>> -> memref<128x64xf32, #tpu.memory_space<hbm>>
      %dma_start3A_40 = arith.constant 0 : i32
      %dma_start3A_41 = tpu.memref_slice %arg4[%add3A, %mul3A_36, %dma_start3A_40] : memref<32x4096x64xf32, #tpu.memory_space<hbm>> -> memref<1x128x64xf32, #tpu.memory_space<hbm>>
      %dma_start3A_42 = tpu.memref_squeeze %dma_start3A_41 : memref<1x128x64xf32, #tpu.memory_space<hbm>> -> memref<128x64xf32, #tpu.memory_space<hbm>>
      tpu.enqueue_dma source(%arg7 : memref<128x64xf32, #tpu.memory_space<vmem>>) target(%dma_start3A_42 : memref<128x64xf32, #tpu.memory_space<hbm>>) target_semaphore(%arg10 : memref<!tpu.dma_semaphore, #tpu.memory_space<semaphore_mem>>)
      %mul3A_43 = arith.constant 2 : i32
      %mul3A_44 = arith.muli %scan3A_22, %mul3A_43 : i32
      %add3A_45 = arith.constant 1 : i32
      %add3A_46 = arith.addi %mul3A_44, %add3A_45 : i32
      %gt3A_47 = arith.constant 0 : i32
      %gt3A_48 = arith.cmpi sgt, %scan3A_22, %gt3A_47 : i32
      %convert_element_type3A_49 = arith.extui %gt3A_48 : i1 to i32
      %cond3A_50 = arith.constant 0 : i32
      %cond3A_51 = arith.cmpi ne, %convert_element_type3A_49, %cond3A_50 : i32
      scf.if %cond3A_51 {
        %sub3A = arith.constant 2 : i32
        %sub3A_67 = arith.subi %add3A_46, %sub3A : i32
        %mul3A_68 = arith.constant 128 : i32
        %mul3A_69 = arith.muli %sub3A_67, %mul3A_68 : i32
        %dma_wait3A_70 = arith.constant 0 : i32
        %dma_wait3A_71 = tpu.memref_slice %arg4[%add3A, %mul3A_69, %dma_wait3A_70] : memref<32x4096x64xf32, #tpu.memory_space<hbm>> -> memref<1x128x64xf32, #tpu.memory_space<hbm>>
        %dma_wait3A_72 = tpu.memref_squeeze %dma_wait3A_71 : memref<1x128x64xf32, #tpu.memory_space<hbm>> -> memref<128x64xf32, #tpu.memory_space<hbm>>
        %dma_wait3A_73 = arith.constant 0 : i32
        %dma_wait3A_74 = tpu.memref_slice %arg4[%add3A, %mul3A_69, %dma_wait3A_73] : memref<32x4096x64xf32, #tpu.memory_space<hbm>> -> memref<1x128x64xf32, #tpu.memory_space<hbm>>
        %dma_wait3A_75 = tpu.memref_squeeze %dma_wait3A_74 : memref<1x128x64xf32, #tpu.memory_space<hbm>> -> memref<128x64xf32, #tpu.memory_space<hbm>>
        tpu.wait_dma2 semaphore(%arg11 : memref<!tpu.dma_semaphore, #tpu.memory_space<semaphore_mem>>) src(%arg8 : memref<128x64xf32, #tpu.memory_space<vmem>>) dst(%dma_wait3A_75 : memref<128x64xf32, #tpu.memory_space<hbm>>)
      } else {
      }
      "tpu.region"() ({
        %run_scoped3A = tpu.sem_alloc : memref<!tpu.dma_semaphore, #tpu.memory_space<semaphore_mem>>
        %dma_start3A_67 = arith.constant 0 : i32
        %dma_start3A_68 = tpu.memref_slice %arg3[%add3A, %add3A_46, %dma_start3A_67] : memref<32x32x128xi32, #tpu.memory_space<hbm>> -> memref<1x1x128xi32, #tpu.memory_space<hbm>>
        %dma_start3A_69 = tpu.memref_squeeze %dma_start3A_68 : memref<1x1x128xi32, #tpu.memory_space<hbm>> -> memref<128xi32, #tpu.memory_space<hbm>>
        %dma_start3A_70 = arith.constant 0 : i32
        %dma_start3A_71 = tpu.memref_slice %arg3[%add3A, %add3A_46, %dma_start3A_70] : memref<32x32x128xi32, #tpu.memory_space<hbm>> -> memref<1x1x128xi32, #tpu.memory_space<hbm>>
        %dma_start3A_72 = tpu.memref_squeeze %dma_start3A_71 : memref<1x1x128xi32, #tpu.memory_space<hbm>> -> memref<128xi32, #tpu.memory_space<hbm>>
        tpu.enqueue_dma source(%dma_start3A_72 : memref<128xi32, #tpu.memory_space<hbm>>) target(%arg6 : memref<128xi32, #tpu.memory_space<vmem>>) target_semaphore(%run_scoped3A : memref<!tpu.dma_semaphore, #tpu.memory_space<semaphore_mem>>)
        %dma_wait3A_73 = arith.constant 0 : i32
        %dma_wait3A_74 = tpu.memref_slice %arg3[%add3A, %add3A_46, %dma_wait3A_73] : memref<32x32x128xi32, #tpu.memory_space<hbm>> -> memref<1x1x128xi32, #tpu.memory_space<hbm>>
        %dma_wait3A_75 = tpu.memref_squeeze %dma_wait3A_74 : memref<1x1x128xi32, #tpu.memory_space<hbm>> -> memref<128xi32, #tpu.memory_space<hbm>>
        %dma_wait3A_76 = arith.constant 0 : i32
        %dma_wait3A_77 = tpu.memref_slice %arg3[%add3A, %add3A_46, %dma_wait3A_76] : memref<32x32x128xi32, #tpu.memory_space<hbm>> -> memref<1x1x128xi32, #tpu.memory_space<hbm>>
        %dma_wait3A_78 = tpu.memref_squeeze %dma_wait3A_77 : memref<1x1x128xi32, #tpu.memory_space<hbm>> -> memref<128xi32, #tpu.memory_space<hbm>>
        tpu.wait_dma2 semaphore(%run_scoped3A : memref<!tpu.dma_semaphore, #tpu.memory_space<semaphore_mem>>) src(%dma_wait3A_78 : memref<128xi32, #tpu.memory_space<hbm>>) dst(%arg6 : memref<128xi32, #tpu.memory_space<vmem>>)
        tpu.yield
      }) : () -> ()
      %dma_start3A_52 = arith.constant 0 : i32
      %dma_start3A_53 = arith.constant 0 : i32
      %dma_start3A_54 = tpu.memref_slice %arg2[%dma_start3A_52, %dma_start3A_53] : memref<32768x64xf32, #tpu.memory_space<hbm>> -> memref<32768x64xf32, #tpu.memory_space<hbm>>
      tpu.enqueue_indirect_dma source(%dma_start3A_54 : memref<32768x64xf32, #tpu.memory_space<hbm>>) target(%arg8 : memref<128x64xf32, #tpu.memory_space<vmem>>) offsets(%arg6 : memref<128xi32, #tpu.memory_space<vmem>>) semaphore(%arg9 : memref<!tpu.dma_semaphore, #tpu.memory_space<semaphore_mem>>)
      %dma_wait3A_55 = arith.constant 0 : i32
      %dma_wait3A_56 = arith.constant 0 : i32
      %dma_wait3A_57 = tpu.memref_slice %arg2[%dma_wait3A_55, %dma_wait3A_56] : memref<32768x64xf32, #tpu.memory_space<hbm>> -> memref<32768x64xf32, #tpu.memory_space<hbm>>
      tpu.wait_indirect_dma semaphore(%arg9 : memref<!tpu.dma_semaphore, #tpu.memory_space<semaphore_mem>>) src(%dma_wait3A_57 : memref<32768x64xf32, #tpu.memory_space<hbm>>) dst(%arg8 : memref<128x64xf32, #tpu.memory_space<vmem>>)
      %mul3A_58 = arith.constant 128 : i32
      %mul3A_59 = arith.muli %add3A_46, %mul3A_58 : i32
      %dma_start3A_60 = arith.constant 0 : i32
      %dma_start3A_61 = tpu.memref_slice %arg4[%add3A, %mul3A_59, %dma_start3A_60] : memref<32x4096x64xf32, #tpu.memory_space<hbm>> -> memref<1x128x64xf32, #tpu.memory_space<hbm>>
      %dma_start3A_62 = tpu.memref_squeeze %dma_start3A_61 : memref<1x128x64xf32, #tpu.memory_space<hbm>> -> memref<128x64xf32, #tpu.memory_space<hbm>>
      %dma_start3A_63 = arith.constant 0 : i32
      %dma_start3A_64 = tpu.memref_slice %arg4[%add3A, %mul3A_59, %dma_start3A_63] : memref<32x4096x64xf32, #tpu.memory_space<hbm>> -> memref<1x128x64xf32, #tpu.memory_space<hbm>>
      %dma_start3A_65 = tpu.memref_squeeze %dma_start3A_64 : memref<1x128x64xf32, #tpu.memory_space<hbm>> -> memref<128x64xf32, #tpu.memory_space<hbm>>
      tpu.enqueue_dma source(%arg8 : memref<128x64xf32, #tpu.memory_space<vmem>>) target(%dma_start3A_65 : memref<128x64xf32, #tpu.memory_space<hbm>>) target_semaphore(%arg11 : memref<!tpu.dma_semaphore, #tpu.memory_space<semaphore_mem>>)
      %scan3A_66 = arith.constant 0 : i32
      scf.yield %scan3A_66 : i32
    }
    %scan3A_6 = arith.constant 16 : i32
    %dma_wait3A = arith.constant 3840 : i32
    %dma_wait3A_7 = arith.constant 0 : i32
    %dma_wait3A_8 = tpu.memref_slice %arg4[%add3A, %dma_wait3A, %dma_wait3A_7] : memref<32x4096x64xf32, #tpu.memory_space<hbm>> -> memref<1x128x64xf32, #tpu.memory_space<hbm>>
    %dma_wait3A_9 = tpu.memref_squeeze %dma_wait3A_8 : memref<1x128x64xf32, #tpu.memory_space<hbm>> -> memref<128x64xf32, #tpu.memory_space<hbm>>
    %dma_wait3A_10 = arith.constant 3840 : i32
    %dma_wait3A_11 = arith.constant 0 : i32
    %dma_wait3A_12 = tpu.memref_slice %arg4[%add3A, %dma_wait3A_10, %dma_wait3A_11] : memref<32x4096x64xf32, #tpu.memory_space<hbm>> -> memref<1x128x64xf32, #tpu.memory_space<hbm>>
    %dma_wait3A_13 = tpu.memref_squeeze %dma_wait3A_12 : memref<1x128x64xf32, #tpu.memory_space<hbm>> -> memref<128x64xf32, #tpu.memory_space<hbm>>
    tpu.wait_dma2 semaphore(%arg10 : memref<!tpu.dma_semaphore, #tpu.memory_space<semaphore_mem>>) src(%arg7 : memref<128x64xf32, #tpu.memory_space<vmem>>) dst(%dma_wait3A_13 : memref<128x64xf32, #tpu.memory_space<hbm>>)
    %dma_wait3A_14 = arith.constant 3968 : i32
    %dma_wait3A_15 = arith.constant 0 : i32
    %dma_wait3A_16 = tpu.memref_slice %arg4[%add3A, %dma_wait3A_14, %dma_wait3A_15] : memref<32x4096x64xf32, #tpu.memory_space<hbm>> -> memref<1x128x64xf32, #tpu.memory_space<hbm>>
    %dma_wait3A_17 = tpu.memref_squeeze %dma_wait3A_16 : memref<1x128x64xf32, #tpu.memory_space<hbm>> -> memref<128x64xf32, #tpu.memory_space<hbm>>
    %dma_wait3A_18 = arith.constant 3968 : i32
    %dma_wait3A_19 = arith.constant 0 : i32
    %dma_wait3A_20 = tpu.memref_slice %arg4[%add3A, %dma_wait3A_18, %dma_wait3A_19] : memref<32x4096x64xf32, #tpu.memory_space<hbm>> -> memref<1x128x64xf32, #tpu.memory_space<hbm>>
    %dma_wait3A_21 = tpu.memref_squeeze %dma_wait3A_20 : memref<1x128x64xf32, #tpu.memory_space<hbm>> -> memref<128x64xf32, #tpu.memory_space<hbm>>
    tpu.wait_dma2 semaphore(%arg11 : memref<!tpu.dma_semaphore, #tpu.memory_space<semaphore_mem>>) src(%arg8 : memref<128x64xf32, #tpu.memory_space<vmem>>) dst(%dma_wait3A_21 : memref<128x64xf32, #tpu.memory_space<hbm>>)
    return
  }
}

module attributes {stable_mosaic.version = 14 : i64} {
  func.func @_featnorm_body(%arg0: i32, %arg1: memref<256x4096xf32, #tpu.memory_space<vmem>>, %arg2: memref<4096x64xf32, #tpu.memory_space<vmem>>, %arg3: memref<1x64xf32, #tpu.memory_space<vmem>>, %arg4: memref<256x64xf32, #tpu.memory_space<vmem>>) attributes {dimension_semantics = [#tpu.dimension_semantics<arbitrary>], iteration_bounds = array<i64: 16>, scalar_prefetch = 0 : i64, scratch_operands = 0 : i64, tpu.core_type = #tpu.core_type<tc>, window_params = [{transform_indices = @transform_0, window_bounds = array<i64: 256, 4096>}, {pipeline_mode = #tpu.pipeline_mode<synchronous>, transform_indices = @transform_1, window_bounds = array<i64: 4096, 64>}, {pipeline_mode = #tpu.pipeline_mode<synchronous>, transform_indices = @transform_2, window_bounds = array<i64: 1, 64>}, {transform_indices = @transform_3, window_bounds = array<i64: 256, 64>}]} {
    %get3A = arith.constant 0 : index
    %get3A_0 = arith.constant 0 : index
    %get3A_1 = vector.load %arg1[%get3A, %get3A_0] : memref<256x4096xf32, #tpu.memory_space<vmem>>, vector<256x4096xf32>
    %get3A_2 = arith.constant 0 : index
    %get3A_3 = arith.constant 0 : index
    %get3A_4 = vector.load %arg2[%get3A_2, %get3A_3] : memref<4096x64xf32, #tpu.memory_space<vmem>>, vector<4096x64xf32>
    %dot_general3A = arith.constant dense<0.000000e+00> : vector<256x64xf32>
    %dot_general3A_5 = tpu.matmul %get3A_1, %get3A_4, %dot_general3A {dimension_numbers = #tpu.dot_dimension_numbers<[1], [0], [0], [1], [0, 0, 1, 1], [], []>, transpose_lhs_hint = false} : vector<256x4096xf32>, vector<4096x64xf32>, vector<256x64xf32> -> vector<256x64xf32>
    %get3A_6 = arith.constant 0 : index
    %get3A_7 = arith.constant 0 : index
    %get3A_8 = vector.load %arg3[%get3A_6, %get3A_7] : memref<1x64xf32, #tpu.memory_space<vmem>>, vector<1x64xf32>
    %add3A = vector.broadcast %get3A_8 : vector<1x64xf32> to vector<256x64xf32>
    %add3A_9 = arith.addf %dot_general3A_5, %add3A : vector<256x64xf32>
    %mul3A = arith.mulf %add3A_9, %add3A_9 : vector<256x64xf32>
    %reduce_sum3A = arith.constant dense<0.000000e+00> : vector<256xf32>
    %reduce_sum3A_10 = vector.multi_reduction <add>, %mul3A, %reduce_sum3A [1] : vector<256x64xf32> to vector<256xf32>
    %broadcast_in_dim3A = vector.shape_cast %reduce_sum3A_10 : vector<256xf32> to vector<256x1xf32>
    %sqrt3A = math.sqrt %broadcast_in_dim3A : vector<256x1xf32>
    %div3A = vector.broadcast %sqrt3A : vector<256x1xf32> to vector<256x64xf32>
    %div3A_11 = arith.divf %add3A_9, %div3A : vector<256x64xf32>
    %swap3A = arith.constant 0 : index
    %swap3A_12 = arith.constant 0 : index
    %swap3A_13 = vector.load %arg4[%swap3A, %swap3A_12] : memref<256x64xf32, #tpu.memory_space<vmem>>, vector<256x64xf32>
    tpu.vector_store %arg4[%swap3A, %swap3A_12], %div3A_11 {strides = array<i32>} : memref<256x64xf32, #tpu.memory_space<vmem>>, vector<256x64xf32>,
    return
  }
  func.func @transform_0(%arg0: i32) -> (i32, i32) {
    %c0_i32 = arith.constant 0 : i32
    %c0_i32_0 = arith.constant 0 : i32
    return %arg0, %c0_i32 : i32, i32
  }
  func.func @transform_1(%arg0: i32) -> (i32, i32) {
    %c0_i32 = arith.constant 0 : i32
    %c0_i32_0 = arith.constant 0 : i32
    %c0_i32_1 = arith.constant 0 : i32
    return %c0_i32, %c0_i32_0 : i32, i32
  }
  func.func @transform_2(%arg0: i32) -> (i32, i32) {
    %c0_i32 = arith.constant 0 : i32
    %c0_i32_0 = arith.constant 0 : i32
    %c0_i32_1 = arith.constant 0 : i32
    return %c0_i32, %c0_i32_0 : i32, i32
  }
  func.func @transform_3(%arg0: i32) -> (i32, i32) {
    %c0_i32 = arith.constant 0 : i32
    %c0_i32_0 = arith.constant 0 : i32
    return %arg0, %c0_i32 : i32, i32
  }
}

module attributes {stable_mosaic.version = 14 : i64} {
  func.func @_simtopk_body(%arg0: i32, %arg1: memref<256x64xf32, #tpu.memory_space<vmem>>, %arg2: memref<4096x64xf32, #tpu.memory_space<vmem>>, %arg3: memref<256x16xf32, #tpu.memory_space<vmem>>, %arg4: memref<256x16xi32, #tpu.memory_space<vmem>>) attributes {dimension_semantics = [#tpu.dimension_semantics<arbitrary>], iteration_bounds = array<i64: 16>, scalar_prefetch = 0 : i64, scratch_operands = 0 : i64, tpu.core_type = #tpu.core_type<tc>, window_params = [{transform_indices = @transform_0, window_bounds = array<i64: 256, 64>}, {pipeline_mode = #tpu.pipeline_mode<synchronous>, transform_indices = @transform_1, window_bounds = array<i64: 4096, 64>}, {transform_indices = @transform_2, window_bounds = array<i64: 256, 16>}, {transform_indices = @transform_3, window_bounds = array<i64: 256, 16>}]} {
    %get3A = arith.constant 0 : index
    %get3A_0 = arith.constant 0 : index
    %get3A_1 = vector.load %arg1[%get3A, %get3A_0] : memref<256x64xf32, #tpu.memory_space<vmem>>, vector<256x64xf32>
    %get3A_2 = arith.constant 0 : index
    %get3A_3 = arith.constant 0 : index
    %get3A_4 = vector.load %arg2[%get3A_2, %get3A_3] : memref<4096x64xf32, #tpu.memory_space<vmem>>, vector<4096x64xf32>
    %dot_general3A = arith.constant dense<0.000000e+00> : vector<256x4096xf32>
    %dot_general3A_5 = tpu.matmul %get3A_1, %get3A_4, %dot_general3A {dimension_numbers = #tpu.dot_dimension_numbers<[1], [1], [0], [0], [0, 0, 1, 0], [], []>, transpose_lhs_hint = false} : vector<256x64xf32>, vector<4096x64xf32>, vector<256x4096xf32> -> vector<256x4096xf32>
    %iota3A = tpu.iota {dimensions = array<i32: 1>} : vector<256x4096xi32>
    %iota3A_6 = tpu.iota {dimensions = array<i32: 1>} : vector<256x16xi32>
    %broadcast_in_dim3A = arith.constant 0x7F800000 : f32
    %broadcast_in_dim3A_7 = vector.broadcast %broadcast_in_dim3A : f32 to vector<256x1xf32>
    %broadcast_in_dim3A_8 = arith.constant -1 : i32
    %broadcast_in_dim3A_9 = vector.broadcast %broadcast_in_dim3A_8 : i32 to vector<256x1xi32>
    %broadcast_in_dim3A_10 = arith.constant 0.000000e+00 : f32
    %broadcast_in_dim3A_11 = vector.broadcast %broadcast_in_dim3A_10 : f32 to vector<256x16xf32>
    %broadcast_in_dim3A_12 = arith.constant 0 : i32
    %broadcast_in_dim3A_13 = vector.broadcast %broadcast_in_dim3A_12 : i32 to vector<256x16xi32>
    %lt3A = vector.broadcast %broadcast_in_dim3A_7 : vector<256x1xf32> to vector<256x4096xf32>
    %lt3A_14 = arith.cmpf olt, %dot_general3A_5, %lt3A : vector<256x4096xf32>
    %eq3A = vector.broadcast %broadcast_in_dim3A_7 : vector<256x1xf32> to vector<256x4096xf32>
    %eq3A_15 = arith.cmpf oeq, %dot_general3A_5, %eq3A : vector<256x4096xf32>
    %gt3A = vector.broadcast %broadcast_in_dim3A_9 : vector<256x1xi32> to vector<256x4096xi32>
    %gt3A_16 = arith.cmpi sgt, %iota3A, %gt3A : vector<256x4096xi32>
    %and3A = arith.andi %eq3A_15, %gt3A_16 : vector<256x4096xi1>
    %or3A = arith.ori %lt3A_14, %and3A : vector<256x4096xi1>
    %jit3A = arith.constant -2.000000e+00 : f32
    %broadcast_in_dim3A_17 = vector.broadcast %jit3A : f32 to vector<256x4096xf32>
    %select_n3A = arith.select %or3A, %dot_general3A_5, %broadcast_in_dim3A_17 : vector<256x4096xi1>, vector<256x4096xf32>
    %reduce_max3A = arith.constant dense<0xFF800000> : vector<256xf32>
    %reduce_max3A_18 = vector.multi_reduction <maximumf>, %select_n3A, %reduce_max3A [1] : vector<256x4096xf32> to vector<256xf32>
    %broadcast_in_dim3A_19 = vector.shape_cast %reduce_max3A_18 : vector<256xf32> to vector<256x1xf32>
    %eq3A_20 = vector.broadcast %broadcast_in_dim3A_19 : vector<256x1xf32> to vector<256x4096xf32>
    %eq3A_21 = arith.cmpf oeq, %dot_general3A_5, %eq3A_20 : vector<256x4096xf32>
    %and3A_22 = arith.andi %or3A, %eq3A_21 : vector<256x4096xi1>
    %jit3A_23 = arith.constant 4096 : i32
    %broadcast_in_dim3A_24 = vector.broadcast %jit3A_23 : i32 to vector<256x4096xi32>
    %select_n3A_25 = arith.select %and3A_22, %iota3A, %broadcast_in_dim3A_24 : vector<256x4096xi1>, vector<256x4096xi32>
    %reduce_min3A = arith.constant dense<2147483647> : vector<256xi32>
    %reduce_min3A_26 = vector.multi_reduction <minsi>, %select_n3A_25, %reduce_min3A [1] : vector<256x4096xi32> to vector<256xi32>
    %broadcast_in_dim3A_27 = vector.shape_cast %reduce_min3A_26 : vector<256xi32> to vector<256x1xi32>
    %eq3A_28 = arith.constant 0 : i32
    %eq3A_29 = vector.broadcast %eq3A_28 : i32 to vector<256x16xi32>
    %eq3A_30 = arith.cmpi eq, %iota3A_6, %eq3A_29 : vector<256x16xi32>
    %broadcast_in_dim3A_31 = vector.shape_cast %broadcast_in_dim3A_19 : vector<256x1xf32> to vector<256x1xf32>
    %broadcast_in_dim3A_32 = vector.broadcast %broadcast_in_dim3A_31 : vector<256x1xf32> to vector<256x16xf32>
    %select_n3A_33 = arith.select %eq3A_30, %broadcast_in_dim3A_32, %broadcast_in_dim3A_11 : vector<256x16xi1>, vector<256x16xf32>
    %eq3A_34 = arith.constant 0 : i32
    %eq3A_35 = vector.broadcast %eq3A_34 : i32 to vector<256x16xi32>
    %eq3A_36 = arith.cmpi eq, %iota3A_6, %eq3A_35 : vector<256x16xi32>
    %broadcast_in_dim3A_37 = vector.shape_cast %broadcast_in_dim3A_27 : vector<256x1xi32> to vector<256x1xi32>
    %broadcast_in_dim3A_38 = vector.broadcast %broadcast_in_dim3A_37 : vector<256x1xi32> to vector<256x16xi32>
    %select_n3A_39 = arith.select %eq3A_36, %broadcast_in_dim3A_38, %broadcast_in_dim3A_13 : vector<256x16xi1>, vector<256x16xi32>
    %lt3A_40 = vector.broadcast %broadcast_in_dim3A_19 : vector<256x1xf32> to vector<256x4096xf32>
    %lt3A_41 = arith.cmpf olt, %dot_general3A_5, %lt3A_40 : vector<256x4096xf32>
    %eq3A_42 = vector.broadcast %broadcast_in_dim3A_19 : vector<256x1xf32> to vector<256x4096xf32>
    %eq3A_43 = arith.cmpf oeq, %dot_general3A_5, %eq3A_42 : vector<256x4096xf32>
    %gt3A_44 = vector.broadcast %broadcast_in_dim3A_27 : vector<256x1xi32> to vector<256x4096xi32>
    %gt3A_45 = arith.cmpi sgt, %iota3A, %gt3A_44 : vector<256x4096xi32>
    %and3A_46 = arith.andi %eq3A_43, %gt3A_45 : vector<256x4096xi1>
    %or3A_47 = arith.ori %lt3A_41, %and3A_46 : vector<256x4096xi1>
    %jit3A_48 = arith.constant -2.000000e+00 : f32
    %broadcast_in_dim3A_49 = vector.broadcast %jit3A_48 : f32 to vector<256x4096xf32>
    %select_n3A_50 = arith.select %or3A_47, %dot_general3A_5, %broadcast_in_dim3A_49 : vector<256x4096xi1>, vector<256x4096xf32>
    %reduce_max3A_51 = arith.constant dense<0xFF800000> : vector<256xf32>
    %reduce_max3A_52 = vector.multi_reduction <maximumf>, %select_n3A_50, %reduce_max3A_51 [1] : vector<256x4096xf32> to vector<256xf32>
    %broadcast_in_dim3A_53 = vector.shape_cast %reduce_max3A_52 : vector<256xf32> to vector<256x1xf32>
    %eq3A_54 = vector.broadcast %broadcast_in_dim3A_53 : vector<256x1xf32> to vector<256x4096xf32>
    %eq3A_55 = arith.cmpf oeq, %dot_general3A_5, %eq3A_54 : vector<256x4096xf32>
    %and3A_56 = arith.andi %or3A_47, %eq3A_55 : vector<256x4096xi1>
    %jit3A_57 = arith.constant 4096 : i32
    %broadcast_in_dim3A_58 = vector.broadcast %jit3A_57 : i32 to vector<256x4096xi32>
    %select_n3A_59 = arith.select %and3A_56, %iota3A, %broadcast_in_dim3A_58 : vector<256x4096xi1>, vector<256x4096xi32>
    %reduce_min3A_60 = arith.constant dense<2147483647> : vector<256xi32>
    %reduce_min3A_61 = vector.multi_reduction <minsi>, %select_n3A_59, %reduce_min3A_60 [1] : vector<256x4096xi32> to vector<256xi32>
    %broadcast_in_dim3A_62 = vector.shape_cast %reduce_min3A_61 : vector<256xi32> to vector<256x1xi32>
    %eq3A_63 = arith.constant 1 : i32
    %eq3A_64 = vector.broadcast %eq3A_63 : i32 to vector<256x16xi32>
    %eq3A_65 = arith.cmpi eq, %iota3A_6, %eq3A_64 : vector<256x16xi32>
    %broadcast_in_dim3A_66 = vector.shape_cast %broadcast_in_dim3A_53 : vector<256x1xf32> to vector<256x1xf32>
    %broadcast_in_dim3A_67 = vector.broadcast %broadcast_in_dim3A_66 : vector<256x1xf32> to vector<256x16xf32>
    %select_n3A_68 = arith.select %eq3A_65, %broadcast_in_dim3A_67, %select_n3A_33 : vector<256x16xi1>, vector<256x16xf32>
    %eq3A_69 = arith.constant 1 : i32
    %eq3A_70 = vector.broadcast %eq3A_69 : i32 to vector<256x16xi32>
    %eq3A_71 = arith.cmpi eq, %iota3A_6, %eq3A_70 : vector<256x16xi32>
    %broadcast_in_dim3A_72 = vector.shape_cast %broadcast_in_dim3A_62 : vector<256x1xi32> to vector<256x1xi32>
    %broadcast_in_dim3A_73 = vector.broadcast %broadcast_in_dim3A_72 : vector<256x1xi32> to vector<256x16xi32>
    %select_n3A_74 = arith.select %eq3A_71, %broadcast_in_dim3A_73, %select_n3A_39 : vector<256x16xi1>, vector<256x16xi32>
    %lt3A_75 = vector.broadcast %broadcast_in_dim3A_53 : vector<256x1xf32> to vector<256x4096xf32>
    %lt3A_76 = arith.cmpf olt, %dot_general3A_5, %lt3A_75 : vector<256x4096xf32>
    %eq3A_77 = vector.broadcast %broadcast_in_dim3A_53 : vector<256x1xf32> to vector<256x4096xf32>
    %eq3A_78 = arith.cmpf oeq, %dot_general3A_5, %eq3A_77 : vector<256x4096xf32>
    %gt3A_79 = vector.broadcast %broadcast_in_dim3A_62 : vector<256x1xi32> to vector<256x4096xi32>
    %gt3A_80 = arith.cmpi sgt, %iota3A, %gt3A_79 : vector<256x4096xi32>
    %and3A_81 = arith.andi %eq3A_78, %gt3A_80 : vector<256x4096xi1>
    %or3A_82 = arith.ori %lt3A_76, %and3A_81 : vector<256x4096xi1>
    %jit3A_83 = arith.constant -2.000000e+00 : f32
    %broadcast_in_dim3A_84 = vector.broadcast %jit3A_83 : f32 to vector<256x4096xf32>
    %select_n3A_85 = arith.select %or3A_82, %dot_general3A_5, %broadcast_in_dim3A_84 : vector<256x4096xi1>, vector<256x4096xf32>
    %reduce_max3A_86 = arith.constant dense<0xFF800000> : vector<256xf32>
    %reduce_max3A_87 = vector.multi_reduction <maximumf>, %select_n3A_85, %reduce_max3A_86 [1] : vector<256x4096xf32> to vector<256xf32>
    %broadcast_in_dim3A_88 = vector.shape_cast %reduce_max3A_87 : vector<256xf32> to vector<256x1xf32>
    %eq3A_89 = vector.broadcast %broadcast_in_dim3A_88 : vector<256x1xf32> to vector<256x4096xf32>
    %eq3A_90 = arith.cmpf oeq, %dot_general3A_5, %eq3A_89 : vector<256x4096xf32>
    %and3A_91 = arith.andi %or3A_82, %eq3A_90 : vector<256x4096xi1>
    %jit3A_92 = arith.constant 4096 : i32
    %broadcast_in_dim3A_93 = vector.broadcast %jit3A_92 : i32 to vector<256x4096xi32>
    %select_n3A_94 = arith.select %and3A_91, %iota3A, %broadcast_in_dim3A_93 : vector<256x4096xi1>, vector<256x4096xi32>
    %reduce_min3A_95 = arith.constant dense<2147483647> : vector<256xi32>
    %reduce_min3A_96 = vector.multi_reduction <minsi>, %select_n3A_94, %reduce_min3A_95 [1] : vector<256x4096xi32> to vector<256xi32>
    %broadcast_in_dim3A_97 = vector.shape_cast %reduce_min3A_96 : vector<256xi32> to vector<256x1xi32>
    %eq3A_98 = arith.constant 2 : i32
    %eq3A_99 = vector.broadcast %eq3A_98 : i32 to vector<256x16xi32>
    %eq3A_100 = arith.cmpi eq, %iota3A_6, %eq3A_99 : vector<256x16xi32>
    %broadcast_in_dim3A_101 = vector.shape_cast %broadcast_in_dim3A_88 : vector<256x1xf32> to vector<256x1xf32>
    %broadcast_in_dim3A_102 = vector.broadcast %broadcast_in_dim3A_101 : vector<256x1xf32> to vector<256x16xf32>
    %select_n3A_103 = arith.select %eq3A_100, %broadcast_in_dim3A_102, %select_n3A_68 : vector<256x16xi1>, vector<256x16xf32>
    %eq3A_104 = arith.constant 2 : i32
    %eq3A_105 = vector.broadcast %eq3A_104 : i32 to vector<256x16xi32>
    %eq3A_106 = arith.cmpi eq, %iota3A_6, %eq3A_105 : vector<256x16xi32>
    %broadcast_in_dim3A_107 = vector.shape_cast %broadcast_in_dim3A_97 : vector<256x1xi32> to vector<256x1xi32>
    %broadcast_in_dim3A_108 = vector.broadcast %broadcast_in_dim3A_107 : vector<256x1xi32> to vector<256x16xi32>
    %select_n3A_109 = arith.select %eq3A_106, %broadcast_in_dim3A_108, %select_n3A_74 : vector<256x16xi1>, vector<256x16xi32>
    %lt3A_110 = vector.broadcast %broadcast_in_dim3A_88 : vector<256x1xf32> to vector<256x4096xf32>
    %lt3A_111 = arith.cmpf olt, %dot_general3A_5, %lt3A_110 : vector<256x4096xf32>
    %eq3A_112 = vector.broadcast %broadcast_in_dim3A_88 : vector<256x1xf32> to vector<256x4096xf32>
    %eq3A_113 = arith.cmpf oeq, %dot_general3A_5, %eq3A_112 : vector<256x4096xf32>
    %gt3A_114 = vector.broadcast %broadcast_in_dim3A_97 : vector<256x1xi32> to vector<256x4096xi32>
    %gt3A_115 = arith.cmpi sgt, %iota3A, %gt3A_114 : vector<256x4096xi32>
    %and3A_116 = arith.andi %eq3A_113, %gt3A_115 : vector<256x4096xi1>
    %or3A_117 = arith.ori %lt3A_111, %and3A_116 : vector<256x4096xi1>
    %jit3A_118 = arith.constant -2.000000e+00 : f32
    %broadcast_in_dim3A_119 = vector.broadcast %jit3A_118 : f32 to vector<256x4096xf32>
    %select_n3A_120 = arith.select %or3A_117, %dot_general3A_5, %broadcast_in_dim3A_119 : vector<256x4096xi1>, vector<256x4096xf32>
    %reduce_max3A_121 = arith.constant dense<0xFF800000> : vector<256xf32>
    %reduce_max3A_122 = vector.multi_reduction <maximumf>, %select_n3A_120, %reduce_max3A_121 [1] : vector<256x4096xf32> to vector<256xf32>
    %broadcast_in_dim3A_123 = vector.shape_cast %reduce_max3A_122 : vector<256xf32> to vector<256x1xf32>
    %eq3A_124 = vector.broadcast %broadcast_in_dim3A_123 : vector<256x1xf32> to vector<256x4096xf32>
    %eq3A_125 = arith.cmpf oeq, %dot_general3A_5, %eq3A_124 : vector<256x4096xf32>
    %and3A_126 = arith.andi %or3A_117, %eq3A_125 : vector<256x4096xi1>
    %jit3A_127 = arith.constant 4096 : i32
    %broadcast_in_dim3A_128 = vector.broadcast %jit3A_127 : i32 to vector<256x4096xi32>
    %select_n3A_129 = arith.select %and3A_126, %iota3A, %broadcast_in_dim3A_128 : vector<256x4096xi1>, vector<256x4096xi32>
    %reduce_min3A_130 = arith.constant dense<2147483647> : vector<256xi32>
    %reduce_min3A_131 = vector.multi_reduction <minsi>, %select_n3A_129, %reduce_min3A_130 [1] : vector<256x4096xi32> to vector<256xi32>
    %broadcast_in_dim3A_132 = vector.shape_cast %reduce_min3A_131 : vector<256xi32> to vector<256x1xi32>
    %eq3A_133 = arith.constant 3 : i32
    %eq3A_134 = vector.broadcast %eq3A_133 : i32 to vector<256x16xi32>
    %eq3A_135 = arith.cmpi eq, %iota3A_6, %eq3A_134 : vector<256x16xi32>
    %broadcast_in_dim3A_136 = vector.shape_cast %broadcast_in_dim3A_123 : vector<256x1xf32> to vector<256x1xf32>
    %broadcast_in_dim3A_137 = vector.broadcast %broadcast_in_dim3A_136 : vector<256x1xf32> to vector<256x16xf32>
    %select_n3A_138 = arith.select %eq3A_135, %broadcast_in_dim3A_137, %select_n3A_103 : vector<256x16xi1>, vector<256x16xf32>
    %eq3A_139 = arith.constant 3 : i32
    %eq3A_140 = vector.broadcast %eq3A_139 : i32 to vector<256x16xi32>
    %eq3A_141 = arith.cmpi eq, %iota3A_6, %eq3A_140 : vector<256x16xi32>
    %broadcast_in_dim3A_142 = vector.shape_cast %broadcast_in_dim3A_132 : vector<256x1xi32> to vector<256x1xi32>
    %broadcast_in_dim3A_143 = vector.broadcast %broadcast_in_dim3A_142 : vector<256x1xi32> to vector<256x16xi32>
    %select_n3A_144 = arith.select %eq3A_141, %broadcast_in_dim3A_143, %select_n3A_109 : vector<256x16xi1>, vector<256x16xi32>
    %lt3A_145 = vector.broadcast %broadcast_in_dim3A_123 : vector<256x1xf32> to vector<256x4096xf32>
    %lt3A_146 = arith.cmpf olt, %dot_general3A_5, %lt3A_145 : vector<256x4096xf32>
    %eq3A_147 = vector.broadcast %broadcast_in_dim3A_123 : vector<256x1xf32> to vector<256x4096xf32>
    %eq3A_148 = arith.cmpf oeq, %dot_general3A_5, %eq3A_147 : vector<256x4096xf32>
    %gt3A_149 = vector.broadcast %broadcast_in_dim3A_132 : vector<256x1xi32> to vector<256x4096xi32>
    %gt3A_150 = arith.cmpi sgt, %iota3A, %gt3A_149 : vector<256x4096xi32>
    %and3A_151 = arith.andi %eq3A_148, %gt3A_150 : vector<256x4096xi1>
    %or3A_152 = arith.ori %lt3A_146, %and3A_151 : vector<256x4096xi1>
    %jit3A_153 = arith.constant -2.000000e+00 : f32
    %broadcast_in_dim3A_154 = vector.broadcast %jit3A_153 : f32 to vector<256x4096xf32>
    %select_n3A_155 = arith.select %or3A_152, %dot_general3A_5, %broadcast_in_dim3A_154 : vector<256x4096xi1>, vector<256x4096xf32>
    %reduce_max3A_156 = arith.constant dense<0xFF800000> : vector<256xf32>
    %reduce_max3A_157 = vector.multi_reduction <maximumf>, %select_n3A_155, %reduce_max3A_156 [1] : vector<256x4096xf32> to vector<256xf32>
    %broadcast_in_dim3A_158 = vector.shape_cast %reduce_max3A_157 : vector<256xf32> to vector<256x1xf32>
    %eq3A_159 = vector.broadcast %broadcast_in_dim3A_158 : vector<256x1xf32> to vector<256x4096xf32>
    %eq3A_160 = arith.cmpf oeq, %dot_general3A_5, %eq3A_159 : vector<256x4096xf32>
    %and3A_161 = arith.andi %or3A_152, %eq3A_160 : vector<256x4096xi1>
    %jit3A_162 = arith.constant 4096 : i32
    %broadcast_in_dim3A_163 = vector.broadcast %jit3A_162 : i32 to vector<256x4096xi32>
    %select_n3A_164 = arith.select %and3A_161, %iota3A, %broadcast_in_dim3A_163 : vector<256x4096xi1>, vector<256x4096xi32>
    %reduce_min3A_165 = arith.constant dense<2147483647> : vector<256xi32>
    %reduce_min3A_166 = vector.multi_reduction <minsi>, %select_n3A_164, %reduce_min3A_165 [1] : vector<256x4096xi32> to vector<256xi32>
    %broadcast_in_dim3A_167 = vector.shape_cast %reduce_min3A_166 : vector<256xi32> to vector<256x1xi32>
    %eq3A_168 = arith.constant 4 : i32
    %eq3A_169 = vector.broadcast %eq3A_168 : i32 to vector<256x16xi32>
    %eq3A_170 = arith.cmpi eq, %iota3A_6, %eq3A_169 : vector<256x16xi32>
    %broadcast_in_dim3A_171 = vector.shape_cast %broadcast_in_dim3A_158 : vector<256x1xf32> to vector<256x1xf32>
    %broadcast_in_dim3A_172 = vector.broadcast %broadcast_in_dim3A_171 : vector<256x1xf32> to vector<256x16xf32>
    %select_n3A_173 = arith.select %eq3A_170, %broadcast_in_dim3A_172, %select_n3A_138 : vector<256x16xi1>, vector<256x16xf32>
    %eq3A_174 = arith.constant 4 : i32
    %eq3A_175 = vector.broadcast %eq3A_174 : i32 to vector<256x16xi32>
    %eq3A_176 = arith.cmpi eq, %iota3A_6, %eq3A_175 : vector<256x16xi32>
    %broadcast_in_dim3A_177 = vector.shape_cast %broadcast_in_dim3A_167 : vector<256x1xi32> to vector<256x1xi32>
    %broadcast_in_dim3A_178 = vector.broadcast %broadcast_in_dim3A_177 : vector<256x1xi32> to vector<256x16xi32>
    %select_n3A_179 = arith.select %eq3A_176, %broadcast_in_dim3A_178, %select_n3A_144 : vector<256x16xi1>, vector<256x16xi32>
    %lt3A_180 = vector.broadcast %broadcast_in_dim3A_158 : vector<256x1xf32> to vector<256x4096xf32>
    %lt3A_181 = arith.cmpf olt, %dot_general3A_5, %lt3A_180 : vector<256x4096xf32>
    %eq3A_182 = vector.broadcast %broadcast_in_dim3A_158 : vector<256x1xf32> to vector<256x4096xf32>
    %eq3A_183 = arith.cmpf oeq, %dot_general3A_5, %eq3A_182 : vector<256x4096xf32>
    %gt3A_184 = vector.broadcast %broadcast_in_dim3A_167 : vector<256x1xi32> to vector<256x4096xi32>
    %gt3A_185 = arith.cmpi sgt, %iota3A, %gt3A_184 : vector<256x4096xi32>
    %and3A_186 = arith.andi %eq3A_183, %gt3A_185 : vector<256x4096xi1>
    %or3A_187 = arith.ori %lt3A_181, %and3A_186 : vector<256x4096xi1>
    %jit3A_188 = arith.constant -2.000000e+00 : f32
    %broadcast_in_dim3A_189 = vector.broadcast %jit3A_188 : f32 to vector<256x4096xf32>
    %select_n3A_190 = arith.select %or3A_187, %dot_general3A_5, %broadcast_in_dim3A_189 : vector<256x4096xi1>, vector<256x4096xf32>
    %reduce_max3A_191 = arith.constant dense<0xFF800000> : vector<256xf32>
    %reduce_max3A_192 = vector.multi_reduction <maximumf>, %select_n3A_190, %reduce_max3A_191 [1] : vector<256x4096xf32> to vector<256xf32>
    %broadcast_in_dim3A_193 = vector.shape_cast %reduce_max3A_192 : vector<256xf32> to vector<256x1xf32>
    %eq3A_194 = vector.broadcast %broadcast_in_dim3A_193 : vector<256x1xf32> to vector<256x4096xf32>
    %eq3A_195 = arith.cmpf oeq, %dot_general3A_5, %eq3A_194 : vector<256x4096xf32>
    %and3A_196 = arith.andi %or3A_187, %eq3A_195 : vector<256x4096xi1>
    %jit3A_197 = arith.constant 4096 : i32
    %broadcast_in_dim3A_198 = vector.broadcast %jit3A_197 : i32 to vector<256x4096xi32>
    %select_n3A_199 = arith.select %and3A_196, %iota3A, %broadcast_in_dim3A_198 : vector<256x4096xi1>, vector<256x4096xi32>
    %reduce_min3A_200 = arith.constant dense<2147483647> : vector<256xi32>
    %reduce_min3A_201 = vector.multi_reduction <minsi>, %select_n3A_199, %reduce_min3A_200 [1] : vector<256x4096xi32> to vector<256xi32>
    %broadcast_in_dim3A_202 = vector.shape_cast %reduce_min3A_201 : vector<256xi32> to vector<256x1xi32>
    %eq3A_203 = arith.constant 5 : i32
    %eq3A_204 = vector.broadcast %eq3A_203 : i32 to vector<256x16xi32>
    %eq3A_205 = arith.cmpi eq, %iota3A_6, %eq3A_204 : vector<256x16xi32>
    %broadcast_in_dim3A_206 = vector.shape_cast %broadcast_in_dim3A_193 : vector<256x1xf32> to vector<256x1xf32>
    %broadcast_in_dim3A_207 = vector.broadcast %broadcast_in_dim3A_206 : vector<256x1xf32> to vector<256x16xf32>
    %select_n3A_208 = arith.select %eq3A_205, %broadcast_in_dim3A_207, %select_n3A_173 : vector<256x16xi1>, vector<256x16xf32>
    %eq3A_209 = arith.constant 5 : i32
    %eq3A_210 = vector.broadcast %eq3A_209 : i32 to vector<256x16xi32>
    %eq3A_211 = arith.cmpi eq, %iota3A_6, %eq3A_210 : vector<256x16xi32>
    %broadcast_in_dim3A_212 = vector.shape_cast %broadcast_in_dim3A_202 : vector<256x1xi32> to vector<256x1xi32>
    %broadcast_in_dim3A_213 = vector.broadcast %broadcast_in_dim3A_212 : vector<256x1xi32> to vector<256x16xi32>
    %select_n3A_214 = arith.select %eq3A_211, %broadcast_in_dim3A_213, %select_n3A_179 : vector<256x16xi1>, vector<256x16xi32>
    %lt3A_215 = vector.broadcast %broadcast_in_dim3A_193 : vector<256x1xf32> to vector<256x4096xf32>
    %lt3A_216 = arith.cmpf olt, %dot_general3A_5, %lt3A_215 : vector<256x4096xf32>
    %eq3A_217 = vector.broadcast %broadcast_in_dim3A_193 : vector<256x1xf32> to vector<256x4096xf32>
    %eq3A_218 = arith.cmpf oeq, %dot_general3A_5, %eq3A_217 : vector<256x4096xf32>
    %gt3A_219 = vector.broadcast %broadcast_in_dim3A_202 : vector<256x1xi32> to vector<256x4096xi32>
    %gt3A_220 = arith.cmpi sgt, %iota3A, %gt3A_219 : vector<256x4096xi32>
    %and3A_221 = arith.andi %eq3A_218, %gt3A_220 : vector<256x4096xi1>
    %or3A_222 = arith.ori %lt3A_216, %and3A_221 : vector<256x4096xi1>
    %jit3A_223 = arith.constant -2.000000e+00 : f32
    %broadcast_in_dim3A_224 = vector.broadcast %jit3A_223 : f32 to vector<256x4096xf32>
    %select_n3A_225 = arith.select %or3A_222, %dot_general3A_5, %broadcast_in_dim3A_224 : vector<256x4096xi1>, vector<256x4096xf32>
    %reduce_max3A_226 = arith.constant dense<0xFF800000> : vector<256xf32>
    %reduce_max3A_227 = vector.multi_reduction <maximumf>, %select_n3A_225, %reduce_max3A_226 [1] : vector<256x4096xf32> to vector<256xf32>
    %broadcast_in_dim3A_228 = vector.shape_cast %reduce_max3A_227 : vector<256xf32> to vector<256x1xf32>
    %eq3A_229 = vector.broadcast %broadcast_in_dim3A_228 : vector<256x1xf32> to vector<256x4096xf32>
    %eq3A_230 = arith.cmpf oeq, %dot_general3A_5, %eq3A_229 : vector<256x4096xf32>
    %and3A_231 = arith.andi %or3A_222, %eq3A_230 : vector<256x4096xi1>
    %jit3A_232 = arith.constant 4096 : i32
    %broadcast_in_dim3A_233 = vector.broadcast %jit3A_232 : i32 to vector<256x4096xi32>
    %select_n3A_234 = arith.select %and3A_231, %iota3A, %broadcast_in_dim3A_233 : vector<256x4096xi1>, vector<256x4096xi32>
    %reduce_min3A_235 = arith.constant dense<2147483647> : vector<256xi32>
    %reduce_min3A_236 = vector.multi_reduction <minsi>, %select_n3A_234, %reduce_min3A_235 [1] : vector<256x4096xi32> to vector<256xi32>
    %broadcast_in_dim3A_237 = vector.shape_cast %reduce_min3A_236 : vector<256xi32> to vector<256x1xi32>
    %eq3A_238 = arith.constant 6 : i32
    %eq3A_239 = vector.broadcast %eq3A_238 : i32 to vector<256x16xi32>
    %eq3A_240 = arith.cmpi eq, %iota3A_6, %eq3A_239 : vector<256x16xi32>
    %broadcast_in_dim3A_241 = vector.shape_cast %broadcast_in_dim3A_228 : vector<256x1xf32> to vector<256x1xf32>
    %broadcast_in_dim3A_242 = vector.broadcast %broadcast_in_dim3A_241 : vector<256x1xf32> to vector<256x16xf32>
    %select_n3A_243 = arith.select %eq3A_240, %broadcast_in_dim3A_242, %select_n3A_208 : vector<256x16xi1>, vector<256x16xf32>
    %eq3A_244 = arith.constant 6 : i32
    %eq3A_245 = vector.broadcast %eq3A_244 : i32 to vector<256x16xi32>
    %eq3A_246 = arith.cmpi eq, %iota3A_6, %eq3A_245 : vector<256x16xi32>
    %broadcast_in_dim3A_247 = vector.shape_cast %broadcast_in_dim3A_237 : vector<256x1xi32> to vector<256x1xi32>
    %broadcast_in_dim3A_248 = vector.broadcast %broadcast_in_dim3A_247 : vector<256x1xi32> to vector<256x16xi32>
    %select_n3A_249 = arith.select %eq3A_246, %broadcast_in_dim3A_248, %select_n3A_214 : vector<256x16xi1>, vector<256x16xi32>
    %lt3A_250 = vector.broadcast %broadcast_in_dim3A_228 : vector<256x1xf32> to vector<256x4096xf32>
    %lt3A_251 = arith.cmpf olt, %dot_general3A_5, %lt3A_250 : vector<256x4096xf32>
    %eq3A_252 = vector.broadcast %broadcast_in_dim3A_228 : vector<256x1xf32> to vector<256x4096xf32>
    %eq3A_253 = arith.cmpf oeq, %dot_general3A_5, %eq3A_252 : vector<256x4096xf32>
    %gt3A_254 = vector.broadcast %broadcast_in_dim3A_237 : vector<256x1xi32> to vector<256x4096xi32>
    %gt3A_255 = arith.cmpi sgt, %iota3A, %gt3A_254 : vector<256x4096xi32>
    %and3A_256 = arith.andi %eq3A_253, %gt3A_255 : vector<256x4096xi1>
    %or3A_257 = arith.ori %lt3A_251, %and3A_256 : vector<256x4096xi1>
    %jit3A_258 = arith.constant -2.000000e+00 : f32
    %broadcast_in_dim3A_259 = vector.broadcast %jit3A_258 : f32 to vector<256x4096xf32>
    %select_n3A_260 = arith.select %or3A_257, %dot_general3A_5, %broadcast_in_dim3A_259 : vector<256x4096xi1>, vector<256x4096xf32>
    %reduce_max3A_261 = arith.constant dense<0xFF800000> : vector<256xf32>
    %reduce_max3A_262 = vector.multi_reduction <maximumf>, %select_n3A_260, %reduce_max3A_261 [1] : vector<256x4096xf32> to vector<256xf32>
    %broadcast_in_dim3A_263 = vector.shape_cast %reduce_max3A_262 : vector<256xf32> to vector<256x1xf32>
    %eq3A_264 = vector.broadcast %broadcast_in_dim3A_263 : vector<256x1xf32> to vector<256x4096xf32>
    %eq3A_265 = arith.cmpf oeq, %dot_general3A_5, %eq3A_264 : vector<256x4096xf32>
    %and3A_266 = arith.andi %or3A_257, %eq3A_265 : vector<256x4096xi1>
    %jit3A_267 = arith.constant 4096 : i32
    %broadcast_in_dim3A_268 = vector.broadcast %jit3A_267 : i32 to vector<256x4096xi32>
    %select_n3A_269 = arith.select %and3A_266, %iota3A, %broadcast_in_dim3A_268 : vector<256x4096xi1>, vector<256x4096xi32>
    %reduce_min3A_270 = arith.constant dense<2147483647> : vector<256xi32>
    %reduce_min3A_271 = vector.multi_reduction <minsi>, %select_n3A_269, %reduce_min3A_270 [1] : vector<256x4096xi32> to vector<256xi32>
    %broadcast_in_dim3A_272 = vector.shape_cast %reduce_min3A_271 : vector<256xi32> to vector<256x1xi32>
    %eq3A_273 = arith.constant 7 : i32
    %eq3A_274 = vector.broadcast %eq3A_273 : i32 to vector<256x16xi32>
    %eq3A_275 = arith.cmpi eq, %iota3A_6, %eq3A_274 : vector<256x16xi32>
    %broadcast_in_dim3A_276 = vector.shape_cast %broadcast_in_dim3A_263 : vector<256x1xf32> to vector<256x1xf32>
    %broadcast_in_dim3A_277 = vector.broadcast %broadcast_in_dim3A_276 : vector<256x1xf32> to vector<256x16xf32>
    %select_n3A_278 = arith.select %eq3A_275, %broadcast_in_dim3A_277, %select_n3A_243 : vector<256x16xi1>, vector<256x16xf32>
    %eq3A_279 = arith.constant 7 : i32
    %eq3A_280 = vector.broadcast %eq3A_279 : i32 to vector<256x16xi32>
    %eq3A_281 = arith.cmpi eq, %iota3A_6, %eq3A_280 : vector<256x16xi32>
    %broadcast_in_dim3A_282 = vector.shape_cast %broadcast_in_dim3A_272 : vector<256x1xi32> to vector<256x1xi32>
    %broadcast_in_dim3A_283 = vector.broadcast %broadcast_in_dim3A_282 : vector<256x1xi32> to vector<256x16xi32>
    %select_n3A_284 = arith.select %eq3A_281, %broadcast_in_dim3A_283, %select_n3A_249 : vector<256x16xi1>, vector<256x16xi32>
    %lt3A_285 = vector.broadcast %broadcast_in_dim3A_263 : vector<256x1xf32> to vector<256x4096xf32>
    %lt3A_286 = arith.cmpf olt, %dot_general3A_5, %lt3A_285 : vector<256x4096xf32>
    %eq3A_287 = vector.broadcast %broadcast_in_dim3A_263 : vector<256x1xf32> to vector<256x4096xf32>
    %eq3A_288 = arith.cmpf oeq, %dot_general3A_5, %eq3A_287 : vector<256x4096xf32>
    %gt3A_289 = vector.broadcast %broadcast_in_dim3A_272 : vector<256x1xi32> to vector<256x4096xi32>
    %gt3A_290 = arith.cmpi sgt, %iota3A, %gt3A_289 : vector<256x4096xi32>
    %and3A_291 = arith.andi %eq3A_288, %gt3A_290 : vector<256x4096xi1>
    %or3A_292 = arith.ori %lt3A_286, %and3A_291 : vector<256x4096xi1>
    %jit3A_293 = arith.constant -2.000000e+00 : f32
    %broadcast_in_dim3A_294 = vector.broadcast %jit3A_293 : f32 to vector<256x4096xf32>
    %select_n3A_295 = arith.select %or3A_292, %dot_general3A_5, %broadcast_in_dim3A_294 : vector<256x4096xi1>, vector<256x4096xf32>
    %reduce_max3A_296 = arith.constant dense<0xFF800000> : vector<256xf32>
    %reduce_max3A_297 = vector.multi_reduction <maximumf>, %select_n3A_295, %reduce_max3A_296 [1] : vector<256x4096xf32> to vector<256xf32>
    %broadcast_in_dim3A_298 = vector.shape_cast %reduce_max3A_297 : vector<256xf32> to vector<256x1xf32>
    %eq3A_299 = vector.broadcast %broadcast_in_dim3A_298 : vector<256x1xf32> to vector<256x4096xf32>
    %eq3A_300 = arith.cmpf oeq, %dot_general3A_5, %eq3A_299 : vector<256x4096xf32>
    %and3A_301 = arith.andi %or3A_292, %eq3A_300 : vector<256x4096xi1>
    %jit3A_302 = arith.constant 4096 : i32
    %broadcast_in_dim3A_303 = vector.broadcast %jit3A_302 : i32 to vector<256x4096xi32>
    %select_n3A_304 = arith.select %and3A_301, %iota3A, %broadcast_in_dim3A_303 : vector<256x4096xi1>, vector<256x4096xi32>
    %reduce_min3A_305 = arith.constant dense<2147483647> : vector<256xi32>
    %reduce_min3A_306 = vector.multi_reduction <minsi>, %select_n3A_304, %reduce_min3A_305 [1] : vector<256x4096xi32> to vector<256xi32>
    %broadcast_in_dim3A_307 = vector.shape_cast %reduce_min3A_306 : vector<256xi32> to vector<256x1xi32>
    %eq3A_308 = arith.constant 8 : i32
    %eq3A_309 = vector.broadcast %eq3A_308 : i32 to vector<256x16xi32>
    %eq3A_310 = arith.cmpi eq, %iota3A_6, %eq3A_309 : vector<256x16xi32>
    %broadcast_in_dim3A_311 = vector.shape_cast %broadcast_in_dim3A_298 : vector<256x1xf32> to vector<256x1xf32>
    %broadcast_in_dim3A_312 = vector.broadcast %broadcast_in_dim3A_311 : vector<256x1xf32> to vector<256x16xf32>
    %select_n3A_313 = arith.select %eq3A_310, %broadcast_in_dim3A_312, %select_n3A_278 : vector<256x16xi1>, vector<256x16xf32>
    %eq3A_314 = arith.constant 8 : i32
    %eq3A_315 = vector.broadcast %eq3A_314 : i32 to vector<256x16xi32>
    %eq3A_316 = arith.cmpi eq, %iota3A_6, %eq3A_315 : vector<256x16xi32>
    %broadcast_in_dim3A_317 = vector.shape_cast %broadcast_in_dim3A_307 : vector<256x1xi32> to vector<256x1xi32>
    %broadcast_in_dim3A_318 = vector.broadcast %broadcast_in_dim3A_317 : vector<256x1xi32> to vector<256x16xi32>
    %select_n3A_319 = arith.select %eq3A_316, %broadcast_in_dim3A_318, %select_n3A_284 : vector<256x16xi1>, vector<256x16xi32>
    %lt3A_320 = vector.broadcast %broadcast_in_dim3A_298 : vector<256x1xf32> to vector<256x4096xf32>
    %lt3A_321 = arith.cmpf olt, %dot_general3A_5, %lt3A_320 : vector<256x4096xf32>
    %eq3A_322 = vector.broadcast %broadcast_in_dim3A_298 : vector<256x1xf32> to vector<256x4096xf32>
    %eq3A_323 = arith.cmpf oeq, %dot_general3A_5, %eq3A_322 : vector<256x4096xf32>
    %gt3A_324 = vector.broadcast %broadcast_in_dim3A_307 : vector<256x1xi32> to vector<256x4096xi32>
    %gt3A_325 = arith.cmpi sgt, %iota3A, %gt3A_324 : vector<256x4096xi32>
    %and3A_326 = arith.andi %eq3A_323, %gt3A_325 : vector<256x4096xi1>
    %or3A_327 = arith.ori %lt3A_321, %and3A_326 : vector<256x4096xi1>
    %jit3A_328 = arith.constant -2.000000e+00 : f32
    %broadcast_in_dim3A_329 = vector.broadcast %jit3A_328 : f32 to vector<256x4096xf32>
    %select_n3A_330 = arith.select %or3A_327, %dot_general3A_5, %broadcast_in_dim3A_329 : vector<256x4096xi1>, vector<256x4096xf32>
    %reduce_max3A_331 = arith.constant dense<0xFF800000> : vector<256xf32>
    %reduce_max3A_332 = vector.multi_reduction <maximumf>, %select_n3A_330, %reduce_max3A_331 [1] : vector<256x4096xf32> to vector<256xf32>
    %broadcast_in_dim3A_333 = vector.shape_cast %reduce_max3A_332 : vector<256xf32> to vector<256x1xf32>
    %eq3A_334 = vector.broadcast %broadcast_in_dim3A_333 : vector<256x1xf32> to vector<256x4096xf32>
    %eq3A_335 = arith.cmpf oeq, %dot_general3A_5, %eq3A_334 : vector<256x4096xf32>
    %and3A_336 = arith.andi %or3A_327, %eq3A_335 : vector<256x4096xi1>
    %jit3A_337 = arith.constant 4096 : i32
    %broadcast_in_dim3A_338 = vector.broadcast %jit3A_337 : i32 to vector<256x4096xi32>
    %select_n3A_339 = arith.select %and3A_336, %iota3A, %broadcast_in_dim3A_338 : vector<256x4096xi1>, vector<256x4096xi32>
    %reduce_min3A_340 = arith.constant dense<2147483647> : vector<256xi32>
    %reduce_min3A_341 = vector.multi_reduction <minsi>, %select_n3A_339, %reduce_min3A_340 [1] : vector<256x4096xi32> to vector<256xi32>
    %broadcast_in_dim3A_342 = vector.shape_cast %reduce_min3A_341 : vector<256xi32> to vector<256x1xi32>
    %eq3A_343 = arith.constant 9 : i32
    %eq3A_344 = vector.broadcast %eq3A_343 : i32 to vector<256x16xi32>
    %eq3A_345 = arith.cmpi eq, %iota3A_6, %eq3A_344 : vector<256x16xi32>
    %broadcast_in_dim3A_346 = vector.shape_cast %broadcast_in_dim3A_333 : vector<256x1xf32> to vector<256x1xf32>
    %broadcast_in_dim3A_347 = vector.broadcast %broadcast_in_dim3A_346 : vector<256x1xf32> to vector<256x16xf32>
    %select_n3A_348 = arith.select %eq3A_345, %broadcast_in_dim3A_347, %select_n3A_313 : vector<256x16xi1>, vector<256x16xf32>
    %eq3A_349 = arith.constant 9 : i32
    %eq3A_350 = vector.broadcast %eq3A_349 : i32 to vector<256x16xi32>
    %eq3A_351 = arith.cmpi eq, %iota3A_6, %eq3A_350 : vector<256x16xi32>
    %broadcast_in_dim3A_352 = vector.shape_cast %broadcast_in_dim3A_342 : vector<256x1xi32> to vector<256x1xi32>
    %broadcast_in_dim3A_353 = vector.broadcast %broadcast_in_dim3A_352 : vector<256x1xi32> to vector<256x16xi32>
    %select_n3A_354 = arith.select %eq3A_351, %broadcast_in_dim3A_353, %select_n3A_319 : vector<256x16xi1>, vector<256x16xi32>
    %swap3A = arith.constant 0 : index
    %swap3A_355 = arith.constant 0 : index
    %swap3A_356 = vector.load %arg3[%swap3A, %swap3A_355] : memref<256x16xf32, #tpu.memory_space<vmem>>, vector<256x16xf32>
    tpu.vector_store %arg3[%swap3A, %swap3A_355], %select_n3A_348 {strides = array<i32>} : memref<256x16xf32, #tpu.memory_space<vmem>>, vector<256x16xf32>,
    %swap3A_357 = arith.constant 0 : index
    %swap3A_358 = arith.constant 0 : index
    %swap3A_359 = vector.load %arg4[%swap3A_357, %swap3A_358] : memref<256x16xi32, #tpu.memory_space<vmem>>, vector<256x16xi32>
    tpu.vector_store %arg4[%swap3A_357, %swap3A_358], %select_n3A_354 {strides = array<i32>} : memref<256x16xi32, #tpu.memory_space<vmem>>, vector<256x16xi32>,
    return
  }
  func.func @transform_0(%arg0: i32) -> (i32, i32) {
    %c0_i32 = arith.constant 0 : i32
    %c0_i32_0 = arith.constant 0 : i32
    return %arg0, %c0_i32 : i32, i32
  }
  func.func @transform_1(%arg0: i32) -> (i32, i32) {
    %c0_i32 = arith.constant 0 : i32
    %c0_i32_0 = arith.constant 0 : i32
    %c0_i32_1 = arith.constant 0 : i32
    return %c0_i32, %c0_i32_0 : i32, i32
  }
  func.func @transform_2(%arg0: i32) -> (i32, i32) {
    %c0_i32 = arith.constant 0 : i32
    %c0_i32_0 = arith.constant 0 : i32
    return %arg0, %c0_i32 : i32, i32
  }
  func.func @transform_3(%arg0: i32) -> (i32, i32) {
    %c0_i32 = arith.constant 0 : i32
    %c0_i32_0 = arith.constant 0 : i32
    return %arg0, %c0_i32 : i32, i32
  }
}

module attributes {stable_mosaic.version = 14 : i64} {
  func.func @_featnorm_body(%arg0: i32, %arg1: memref<256x384xf32, #tpu.memory_space<vmem>>, %arg2: memref<384x64xf32, #tpu.memory_space<vmem>>, %arg3: memref<1x64xf32, #tpu.memory_space<vmem>>, %arg4: memref<256x64xf32, #tpu.memory_space<vmem>>) attributes {dimension_semantics = [#tpu.dimension_semantics<arbitrary>], iteration_bounds = array<i64: 16>, scalar_prefetch = 0 : i64, scratch_operands = 0 : i64, tpu.core_type = #tpu.core_type<tc>, window_params = [{transform_indices = @transform_0, window_bounds = array<i64: 256, 384>}, {pipeline_mode = #tpu.pipeline_mode<synchronous>, transform_indices = @transform_1, window_bounds = array<i64: 384, 64>}, {pipeline_mode = #tpu.pipeline_mode<synchronous>, transform_indices = @transform_2, window_bounds = array<i64: 1, 64>}, {transform_indices = @transform_3, window_bounds = array<i64: 256, 64>}]} {
    %get3A = arith.constant 0 : index
    %get3A_0 = arith.constant 0 : index
    %get3A_1 = vector.load %arg1[%get3A, %get3A_0] : memref<256x384xf32, #tpu.memory_space<vmem>>, vector<256x384xf32>
    %get3A_2 = arith.constant 0 : index
    %get3A_3 = arith.constant 0 : index
    %get3A_4 = vector.load %arg2[%get3A_2, %get3A_3] : memref<384x64xf32, #tpu.memory_space<vmem>>, vector<384x64xf32>
    %dot_general3A = arith.constant dense<0.000000e+00> : vector<256x64xf32>
    %dot_general3A_5 = tpu.matmul %get3A_1, %get3A_4, %dot_general3A {dimension_numbers = #tpu.dot_dimension_numbers<[1], [0], [0], [1], [0, 0, 1, 1], [], []>, transpose_lhs_hint = false} : vector<256x384xf32>, vector<384x64xf32>, vector<256x64xf32> -> vector<256x64xf32>
    %get3A_6 = arith.constant 0 : index
    %get3A_7 = arith.constant 0 : index
    %get3A_8 = vector.load %arg3[%get3A_6, %get3A_7] : memref<1x64xf32, #tpu.memory_space<vmem>>, vector<1x64xf32>
    %add3A = vector.broadcast %get3A_8 : vector<1x64xf32> to vector<256x64xf32>
    %add3A_9 = arith.addf %dot_general3A_5, %add3A : vector<256x64xf32>
    %mul3A = arith.mulf %add3A_9, %add3A_9 : vector<256x64xf32>
    %reduce_sum3A = arith.constant dense<0.000000e+00> : vector<256xf32>
    %reduce_sum3A_10 = vector.multi_reduction <add>, %mul3A, %reduce_sum3A [1] : vector<256x64xf32> to vector<256xf32>
    %broadcast_in_dim3A = vector.shape_cast %reduce_sum3A_10 : vector<256xf32> to vector<256x1xf32>
    %sqrt3A = math.sqrt %broadcast_in_dim3A : vector<256x1xf32>
    %div3A = vector.broadcast %sqrt3A : vector<256x1xf32> to vector<256x64xf32>
    %div3A_11 = arith.divf %add3A_9, %div3A : vector<256x64xf32>
    %swap3A = arith.constant 0 : index
    %swap3A_12 = arith.constant 0 : index
    %swap3A_13 = vector.load %arg4[%swap3A, %swap3A_12] : memref<256x64xf32, #tpu.memory_space<vmem>>, vector<256x64xf32>
    tpu.vector_store %arg4[%swap3A, %swap3A_12], %div3A_11 {strides = array<i32>} : memref<256x64xf32, #tpu.memory_space<vmem>>, vector<256x64xf32>,
    return
  }
  func.func @transform_0(%arg0: i32) -> (i32, i32) {
    %c0_i32 = arith.constant 0 : i32
    %c0_i32_0 = arith.constant 0 : i32
    return %arg0, %c0_i32 : i32, i32
  }
  func.func @transform_1(%arg0: i32) -> (i32, i32) {
    %c0_i32 = arith.constant 0 : i32
    %c0_i32_0 = arith.constant 0 : i32
    %c0_i32_1 = arith.constant 0 : i32
    return %c0_i32, %c0_i32_0 : i32, i32
  }
  func.func @transform_2(%arg0: i32) -> (i32, i32) {
    %c0_i32 = arith.constant 0 : i32
    %c0_i32_0 = arith.constant 0 : i32
    %c0_i32_1 = arith.constant 0 : i32
    return %c0_i32, %c0_i32_0 : i32, i32
  }
  func.func @transform_3(%arg0: i32) -> (i32, i32) {
    %c0_i32 = arith.constant 0 : i32
    %c0_i32_0 = arith.constant 0 : i32
    return %arg0, %c0_i32 : i32, i32
  }
}

module attributes {stable_mosaic.version = 14 : i64} {
  func.func @_coeff_body(%arg0: memref<4096x16xf32, #tpu.memory_space<vmem>>, %arg1: memref<4096x16xf32, #tpu.memory_space<vmem>>, %arg2: memref<4096x64xf32, #tpu.memory_space<vmem>>, %arg3: memref<2xf32, #tpu.memory_space<smem>>, %arg4: memref<4096x64xf32, #tpu.memory_space<vmem>>, %arg5: memref<4096x16xf32, #tpu.memory_space<vmem>>, %arg6: memref<4096x16xf32, #tpu.memory_space<vmem>>) attributes {dimension_semantics = [], scalar_prefetch = 0 : i64, scratch_operands = 0 : i64, tpu.core_type = #tpu.core_type<tc>} {
    %get3A = arith.constant 0 : index
    %get3A_0 = memref.load %arg3[%get3A] : memref<2xf32, #tpu.memory_space<smem>>
    %get3A_1 = arith.constant 1 : index
    %get3A_2 = memref.load %arg3[%get3A_1] : memref<2xf32, #tpu.memory_space<smem>>
    %get3A_3 = arith.constant 0 : index
    %get3A_4 = arith.constant 0 : index
    %get3A_5 = vector.load %arg0[%get3A_3, %get3A_4] : memref<4096x16xf32, #tpu.memory_space<vmem>>, vector<4096x16xf32>
    %get3A_6 = arith.constant 0 : index
    %get3A_7 = arith.constant 0 : index
    %get3A_8 = vector.load %arg1[%get3A_6, %get3A_7] : memref<4096x16xf32, #tpu.memory_space<vmem>>, vector<4096x16xf32>
    %reduce_sum3A = arith.constant dense<0.000000e+00> : vector<4096xf32>
    %reduce_sum3A_9 = vector.multi_reduction <add>, %get3A_5, %reduce_sum3A [1] : vector<4096x16xf32> to vector<4096xf32>
    %mul3A = vector.broadcast %get3A_0 : f32 to vector<4096xf32>
    %mul3A_10 = arith.mulf %mul3A, %reduce_sum3A_9 : vector<4096xf32>
    %reduce_sum3A_11 = arith.constant dense<0.000000e+00> : vector<4096xf32>
    %reduce_sum3A_12 = vector.multi_reduction <add>, %get3A_8, %reduce_sum3A_11 [1] : vector<4096x16xf32> to vector<4096xf32>
    %mul3A_13 = vector.broadcast %get3A_2 : f32 to vector<4096xf32>
    %mul3A_14 = arith.mulf %mul3A_13, %reduce_sum3A_12 : vector<4096xf32>
    %add3A = arith.addf %mul3A_10, %mul3A_14 : vector<4096xf32>
    %eq3A = arith.constant 0.000000e+00 : f32
    %eq3A_15 = vector.broadcast %eq3A : f32 to vector<4096xf32>
    %eq3A_16 = arith.cmpf oeq, %add3A, %eq3A_15 : vector<4096xf32>
    %rsqrt3A = math.rsqrt %add3A : vector<4096xf32>
    %jit3A = arith.constant 0.000000e+00 : f32
    %broadcast_in_dim3A = vector.broadcast %jit3A : f32 to vector<4096xf32>
    %select_n3A = arith.select %eq3A_16, %broadcast_in_dim3A, %rsqrt3A : vector<4096xi1>, vector<4096xf32>
    %get3A_17 = arith.constant 0 : index
    %get3A_18 = arith.constant 0 : index
    %get3A_19 = vector.load %arg2[%get3A_17, %get3A_18] : memref<4096x64xf32, #tpu.memory_space<vmem>>, vector<4096x64xf32>
    %broadcast_in_dim3A_20 = vector.shape_cast %select_n3A : vector<4096xf32> to vector<4096x1xf32>
    %mul3A_21 = vector.broadcast %broadcast_in_dim3A_20 : vector<4096x1xf32> to vector<4096x64xf32>
    %mul3A_22 = arith.mulf %get3A_19, %mul3A_21 : vector<4096x64xf32>
    %swap3A = arith.constant 0 : index
    %swap3A_23 = arith.constant 0 : index
    %swap3A_24 = vector.load %arg4[%swap3A, %swap3A_23] : memref<4096x64xf32, #tpu.memory_space<vmem>>, vector<4096x64xf32>
    tpu.vector_store %arg4[%swap3A, %swap3A_23], %mul3A_22 {strides = array<i32>} : memref<4096x64xf32, #tpu.memory_space<vmem>>, vector<4096x64xf32>,
    %broadcast_in_dim3A_25 = vector.shape_cast %select_n3A : vector<4096xf32> to vector<4096x1xf32>
    %mul3A_26 = vector.broadcast %get3A_0 : f32 to vector<4096x1xf32>
    %mul3A_27 = arith.mulf %mul3A_26, %broadcast_in_dim3A_25 : vector<4096x1xf32>
    %mul3A_28 = vector.broadcast %mul3A_27 : vector<4096x1xf32> to vector<4096x16xf32>
    %mul3A_29 = arith.mulf %get3A_5, %mul3A_28 : vector<4096x16xf32>
    %swap3A_30 = arith.constant 0 : index
    %swap3A_31 = arith.constant 0 : index
    %swap3A_32 = vector.load %arg5[%swap3A_30, %swap3A_31] : memref<4096x16xf32, #tpu.memory_space<vmem>>, vector<4096x16xf32>
    tpu.vector_store %arg5[%swap3A_30, %swap3A_31], %mul3A_29 {strides = array<i32>} : memref<4096x16xf32, #tpu.memory_space<vmem>>, vector<4096x16xf32>,
    %broadcast_in_dim3A_33 = vector.shape_cast %select_n3A : vector<4096xf32> to vector<4096x1xf32>
    %mul3A_34 = vector.broadcast %get3A_2 : f32 to vector<4096x1xf32>
    %mul3A_35 = arith.mulf %mul3A_34, %broadcast_in_dim3A_33 : vector<4096x1xf32>
    %mul3A_36 = vector.broadcast %mul3A_35 : vector<4096x1xf32> to vector<4096x16xf32>
    %mul3A_37 = arith.mulf %get3A_8, %mul3A_36 : vector<4096x16xf32>
    %swap3A_38 = arith.constant 0 : index
    %swap3A_39 = arith.constant 0 : index
    %swap3A_40 = vector.load %arg6[%swap3A_38, %swap3A_39] : memref<4096x16xf32, #tpu.memory_space<vmem>>, vector<4096x16xf32>
    tpu.vector_store %arg6[%swap3A_38, %swap3A_39], %mul3A_37 {strides = array<i32>} : memref<4096x16xf32, #tpu.memory_space<vmem>>, vector<4096x16xf32>,
    return
  }
}

module attributes {stable_mosaic.version = 14 : i64} {
  func.func @_add2_body(%arg0: i32, %arg1: i32, %arg2: memref<1280x64xf32, #tpu.memory_space<vmem>>, %arg3: memref<1280x64xf32, #tpu.memory_space<vmem>>, %arg4: memref<1280x64xf32, #tpu.memory_space<vmem>>, %arg5: memref<1280x64xf32, #tpu.memory_space<vmem>>) attributes {dimension_semantics = [#tpu.dimension_semantics<arbitrary>, #tpu.dimension_semantics<arbitrary>], iteration_bounds = array<i64: 4, 16>, scalar_prefetch = 0 : i64, scratch_operands = 0 : i64, tpu.core_type = #tpu.core_type<tc>, window_params = [{transform_indices = @transform_0, window_bounds = array<i64: 1280, 64>}, {transform_indices = @transform_1, window_bounds = array<i64: 1280, 64>}, {transform_indices = @transform_2, window_bounds = array<i64: 1280, 64>}, {transform_indices = @transform_3, window_bounds = array<i64: 1280, 64>}]} {
    %get3A = arith.constant 0 : index
    %get3A_0 = arith.constant 0 : index
    %get3A_1 = vector.load %arg2[%get3A, %get3A_0] : memref<1280x64xf32, #tpu.memory_space<vmem>>, vector<1280x64xf32>
    %get3A_2 = arith.constant 0 : index
    %get3A_3 = arith.constant 0 : index
    %get3A_4 = vector.load %arg3[%get3A_2, %get3A_3] : memref<1280x64xf32, #tpu.memory_space<vmem>>, vector<1280x64xf32>
    %add3A = arith.addf %get3A_1, %get3A_4 : vector<1280x64xf32>
    %swap3A = arith.constant 0 : index
    %swap3A_5 = arith.constant 0 : index
    %swap3A_6 = vector.load %arg4[%swap3A, %swap3A_5] : memref<1280x64xf32, #tpu.memory_space<vmem>>, vector<1280x64xf32>
    tpu.vector_store %arg4[%swap3A, %swap3A_5], %add3A {strides = array<i32>} : memref<1280x64xf32, #tpu.memory_space<vmem>>, vector<1280x64xf32>,
    %swap3A_7 = arith.constant 0 : index
    %swap3A_8 = arith.constant 0 : index
    %swap3A_9 = vector.load %arg5[%swap3A_7, %swap3A_8] : memref<1280x64xf32, #tpu.memory_space<vmem>>, vector<1280x64xf32>
    tpu.vector_store %arg5[%swap3A_7, %swap3A_8], %add3A {strides = array<i32>} : memref<1280x64xf32, #tpu.memory_space<vmem>>, vector<1280x64xf32>,
    return
  }
  func.func @transform_0(%arg0: i32, %arg1: i32) -> (i32, i32) {
    %c0_i32 = arith.constant 0 : i32
    %c0_i32_0 = arith.constant 0 : i32
    return %arg1, %c0_i32 : i32, i32
  }
  func.func @transform_1(%arg0: i32, %arg1: i32) -> (i32, i32) {
    %c0_i32 = arith.constant 0 : i32
    %c0_i32_0 = arith.constant 0 : i32
    return %arg1, %c0_i32 : i32, i32
  }
  func.func @transform_2(%arg0: i32, %arg1: i32) -> (i32, i32) {
    %c0_i32 = arith.constant 0 : i32
    %c0_i32_0 = arith.constant 0 : i32
    return %arg1, %c0_i32 : i32, i32
  }
  func.func @transform_3(%arg0: i32, %arg1: i32) -> (i32, i32) {
    %mul3A = arith.constant 16 : i32
    %mul3A_0 = arith.muli %arg0, %mul3A : i32
    %add3A = arith.addi %mul3A_0, %arg1 : i32
    %c0_i32 = arith.constant 0 : i32
    %c0_i32_1 = arith.constant 0 : i32
    return %add3A, %c0_i32 : i32, i32
  }
}

module attributes {stable_mosaic.version = 14 : i64} {
  func.func @_mean3_body(%arg0: i32, %arg1: memref<1280x64xf32, #tpu.memory_space<vmem>>, %arg2: memref<1280x64xf32, #tpu.memory_space<vmem>>, %arg3: memref<1280x64xf32, #tpu.memory_space<vmem>>, %arg4: memref<1280x64xf32, #tpu.memory_space<vmem>>, %arg5: memref<1280x64xf32, #tpu.memory_space<vmem>>) attributes {dimension_semantics = [#tpu.dimension_semantics<arbitrary>], iteration_bounds = array<i64: 16>, scalar_prefetch = 0 : i64, scratch_operands = 0 : i64, tpu.core_type = #tpu.core_type<tc>, window_params = [{transform_indices = @transform_0, window_bounds = array<i64: 1280, 64>}, {transform_indices = @transform_1, window_bounds = array<i64: 1280, 64>}, {transform_indices = @transform_2, window_bounds = array<i64: 1280, 64>}, {transform_indices = @transform_3, window_bounds = array<i64: 1280, 64>}, {transform_indices = @transform_4, window_bounds = array<i64: 1280, 64>}]} {
    %get3A = arith.constant 0 : index
    %get3A_0 = arith.constant 0 : index
    %get3A_1 = vector.load %arg1[%get3A, %get3A_0] : memref<1280x64xf32, #tpu.memory_space<vmem>>, vector<1280x64xf32>
    %get3A_2 = arith.constant 0 : index
    %get3A_3 = arith.constant 0 : index
    %get3A_4 = vector.load %arg2[%get3A_2, %get3A_3] : memref<1280x64xf32, #tpu.memory_space<vmem>>, vector<1280x64xf32>
    %add3A = arith.addf %get3A_1, %get3A_4 : vector<1280x64xf32>
    %get3A_5 = arith.constant 0 : index
    %get3A_6 = arith.constant 0 : index
    %get3A_7 = vector.load %arg3[%get3A_5, %get3A_6] : memref<1280x64xf32, #tpu.memory_space<vmem>>, vector<1280x64xf32>
    %add3A_8 = arith.addf %add3A, %get3A_7 : vector<1280x64xf32>
    %get3A_9 = arith.constant 0 : index
    %get3A_10 = arith.constant 0 : index
    %get3A_11 = vector.load %arg4[%get3A_9, %get3A_10] : memref<1280x64xf32, #tpu.memory_space<vmem>>, vector<1280x64xf32>
    %add3A_12 = arith.addf %add3A_8, %get3A_11 : vector<1280x64xf32>
    %mul3A = arith.constant 0.333333343 : f32
    %mul3A_13 = vector.broadcast %mul3A : f32 to vector<1280x64xf32>
    %mul3A_14 = arith.mulf %add3A_12, %mul3A_13 : vector<1280x64xf32>
    %swap3A = arith.constant 0 : index
    %swap3A_15 = arith.constant 0 : index
    %swap3A_16 = vector.load %arg5[%swap3A, %swap3A_15] : memref<1280x64xf32, #tpu.memory_space<vmem>>, vector<1280x64xf32>
    tpu.vector_store %arg5[%swap3A, %swap3A_15], %mul3A_14 {strides = array<i32>} : memref<1280x64xf32, #tpu.memory_space<vmem>>, vector<1280x64xf32>,
    return
  }
  func.func @transform_0(%arg0: i32) -> (i32, i32) {
    %c0_i32 = arith.constant 0 : i32
    %c0_i32_0 = arith.constant 0 : i32
    return %arg0, %c0_i32 : i32, i32
  }
  func.func @transform_1(%arg0: i32) -> (i32, i32) {
    %c0_i32 = arith.constant 0 : i32
    %c0_i32_0 = arith.constant 0 : i32
    return %arg0, %c0_i32 : i32, i32
  }
  func.func @transform_2(%arg0: i32) -> (i32, i32) {
    %c0_i32 = arith.constant 0 : i32
    %c0_i32_0 = arith.constant 0 : i32
    return %arg0, %c0_i32 : i32, i32
  }
  func.func @transform_3(%arg0: i32) -> (i32, i32) {
    %c0_i32 = arith.constant 0 : i32
    %c0_i32_0 = arith.constant 0 : i32
    return %arg0, %c0_i32 : i32, i32
  }
  func.func @transform_4(%arg0: i32) -> (i32, i32) {
    %c0_i32 = arith.constant 0 : i32
    %c0_i32_0 = arith.constant 0 : i32
    return %arg0, %c0_i32 : i32, i32
  }
}

module attributes {stable_mosaic.version = 14 : i64} {
  func.func @_final_body(%arg0: i32, %arg1: memref<256x4096xf32, #tpu.memory_space<vmem>>, %arg2: memref<256x4096xf32, #tpu.memory_space<vmem>>, %arg3: memref<4096x64xf32, #tpu.memory_space<vmem>>, %arg4: memref<32x256x64xf32, #tpu.memory_space<vmem>>, %arg5: memref<32x256xf32, #tpu.memory_space<vmem>>, %arg6: memref<256x64xf32, #tpu.memory_space<vmem>>, %arg7: memref<2xf32, #tpu.memory_space<smem>>, %arg8: memref<256x64xf32, #tpu.memory_space<vmem>>) attributes {dimension_semantics = [#tpu.dimension_semantics<arbitrary>], iteration_bounds = array<i64: 16>, scalar_prefetch = 0 : i64, scratch_operands = 0 : i64, tpu.core_type = #tpu.core_type<tc>, window_params = [{transform_indices = @transform_0, window_bounds = array<i64: 256, 4096>}, {transform_indices = @transform_1, window_bounds = array<i64: 256, 4096>}, {pipeline_mode = #tpu.pipeline_mode<synchronous>, transform_indices = @transform_2, window_bounds = array<i64: 4096, 64>}, {transform_indices = @transform_3, window_bounds = array<i64: 32, 256, 64>}, {transform_indices = @transform_4, window_bounds = array<i64: 32, 256>}, {transform_indices = @transform_5, window_bounds = array<i64: 256, 64>}, {transform_indices = @transform_6, window_bounds = array<i64: 2>}, {transform_indices = @transform_7, window_bounds = array<i64: 256, 64>}]} {
    %get3A = arith.constant 0 : index
    %get3A_0 = memref.load %arg7[%get3A] : memref<2xf32, #tpu.memory_space<smem>>
    %get3A_1 = arith.constant 1 : index
    %get3A_2 = memref.load %arg7[%get3A_1] : memref<2xf32, #tpu.memory_space<smem>>
    %get3A_3 = arith.constant 0 : index
    %get3A_4 = arith.constant 0 : index
    %get3A_5 = vector.load %arg1[%get3A_3, %get3A_4] : memref<256x4096xf32, #tpu.memory_space<vmem>>, vector<256x4096xf32>
    %mul3A = vector.broadcast %get3A_0 : f32 to vector<256x4096xf32>
    %mul3A_6 = arith.mulf %mul3A, %get3A_5 : vector<256x4096xf32>
    %get3A_7 = arith.constant 0 : index
    %get3A_8 = arith.constant 0 : index
    %get3A_9 = vector.load %arg2[%get3A_7, %get3A_8] : memref<256x4096xf32, #tpu.memory_space<vmem>>, vector<256x4096xf32>
    %mul3A_10 = vector.broadcast %get3A_2 : f32 to vector<256x4096xf32>
    %mul3A_11 = arith.mulf %mul3A_10, %get3A_9 : vector<256x4096xf32>
    %add3A = arith.addf %mul3A_6, %mul3A_11 : vector<256x4096xf32>
    %get3A_12 = arith.constant 0 : index
    %get3A_13 = arith.constant 0 : index
    %get3A_14 = vector.load %arg3[%get3A_12, %get3A_13] : memref<4096x64xf32, #tpu.memory_space<vmem>>, vector<4096x64xf32>
    %dot_general3A = arith.constant dense<0.000000e+00> : vector<256x64xf32>
    %dot_general3A_15 = tpu.matmul %add3A, %get3A_14, %dot_general3A {dimension_numbers = #tpu.dot_dimension_numbers<[1], [0], [0], [1], [0, 0, 1, 1], [], []>, transpose_lhs_hint = false} : vector<256x4096xf32>, vector<4096x64xf32>, vector<256x64xf32> -> vector<256x64xf32>
    %get3A_16 = arith.constant 0 : index
    %get3A_17 = arith.constant 0 : index
    %get3A_18 = arith.constant 0 : index
    %get3A_19 = vector.load %arg4[%get3A_16, %get3A_17, %get3A_18] : memref<32x256x64xf32, #tpu.memory_space<vmem>>, vector<32x256x64xf32>
    %get3A_20 = arith.constant 0 : index
    %get3A_21 = arith.constant 0 : index
    %get3A_22 = vector.load %arg5[%get3A_20, %get3A_21] : memref<32x256xf32, #tpu.memory_space<vmem>>, vector<32x256xf32>
    %broadcast_in_dim3A = vector.shape_cast %get3A_22 : vector<32x256xf32> to vector<32x256x1xf32>
    %mul3A_23 = vector.broadcast %broadcast_in_dim3A : vector<32x256x1xf32> to vector<32x256x64xf32>
    %mul3A_24 = arith.mulf %get3A_19, %mul3A_23 : vector<32x256x64xf32>
    %reduce_sum3A = arith.constant dense<0.000000e+00> : vector<256x64xf32>
    %reduce_sum3A_25 = vector.multi_reduction <add>, %mul3A_24, %reduce_sum3A [0] : vector<32x256x64xf32> to vector<256x64xf32>
    %mul3A_26 = arith.constant 1.000000e-01 : f32
    %mul3A_27 = vector.broadcast %mul3A_26 : f32 to vector<256x64xf32>
    %mul3A_28 = arith.mulf %mul3A_27, %reduce_sum3A_25 : vector<256x64xf32>
    %mul3A_29 = arith.constant 0.899999976 : f32
    %mul3A_30 = vector.broadcast %mul3A_29 : f32 to vector<256x64xf32>
    %mul3A_31 = arith.mulf %mul3A_30, %dot_general3A_15 : vector<256x64xf32>
    %add3A_32 = arith.addf %mul3A_28, %mul3A_31 : vector<256x64xf32>
    %mul3A_33 = arith.mulf %add3A_32, %add3A_32 : vector<256x64xf32>
    %reduce_sum3A_34 = arith.constant dense<0.000000e+00> : vector<256xf32>
    %reduce_sum3A_35 = vector.multi_reduction <add>, %mul3A_33, %reduce_sum3A_34 [1] : vector<256x64xf32> to vector<256xf32>
    %broadcast_in_dim3A_36 = vector.shape_cast %reduce_sum3A_35 : vector<256xf32> to vector<256x1xf32>
    %sqrt3A = math.sqrt %broadcast_in_dim3A_36 : vector<256x1xf32>
    %max3A = arith.constant 9.99999996E-13 : f32
    %max3A_37 = vector.broadcast %max3A : f32 to vector<256x1xf32>
    %max3A_38 = arith.maximumf %sqrt3A, %max3A_37 : vector<256x1xf32>
    %div3A = vector.broadcast %max3A_38 : vector<256x1xf32> to vector<256x64xf32>
    %div3A_39 = arith.divf %add3A_32, %div3A : vector<256x64xf32>
    %get3A_40 = arith.constant 0 : index
    %get3A_41 = arith.constant 0 : index
    %get3A_42 = vector.load %arg6[%get3A_40, %get3A_41] : memref<256x64xf32, #tpu.memory_space<vmem>>, vector<256x64xf32>
    %add3A_43 = arith.addf %get3A_42, %div3A_39 : vector<256x64xf32>
    %swap3A = arith.constant 0 : index
    %swap3A_44 = arith.constant 0 : index
    %swap3A_45 = vector.load %arg8[%swap3A, %swap3A_44] : memref<256x64xf32, #tpu.memory_space<vmem>>, vector<256x64xf32>
    tpu.vector_store %arg8[%swap3A, %swap3A_44], %add3A_43 {strides = array<i32>} : memref<256x64xf32, #tpu.memory_space<vmem>>, vector<256x64xf32>,
    return
  }
  func.func @transform_0(%arg0: i32) -> (i32, i32) {
    %c0_i32 = arith.constant 0 : i32
    %c0_i32_0 = arith.constant 0 : i32
    return %arg0, %c0_i32 : i32, i32
  }
  func.func @transform_1(%arg0: i32) -> (i32, i32) {
    %c0_i32 = arith.constant 0 : i32
    %c0_i32_0 = arith.constant 0 : i32
    return %arg0, %c0_i32 : i32, i32
  }
  func.func @transform_2(%arg0: i32) -> (i32, i32) {
    %c0_i32 = arith.constant 0 : i32
    %c0_i32_0 = arith.constant 0 : i32
    %c0_i32_1 = arith.constant 0 : i32
    return %c0_i32, %c0_i32_0 : i32, i32
  }
  func.func @transform_3(%arg0: i32) -> (i32, i32, i32) {
    %c0_i32 = arith.constant 0 : i32
    %c0_i32_0 = arith.constant 0 : i32
    %c0_i32_1 = arith.constant 0 : i32
    return %c0_i32, %arg0, %c0_i32_0 : i32, i32, i32
  }
  func.func @transform_4(%arg0: i32) -> (i32, i32) {
    %c0_i32 = arith.constant 0 : i32
    %c0_i32_0 = arith.constant 0 : i32
    return %c0_i32, %arg0 : i32, i32
  }
  func.func @transform_5(%arg0: i32) -> (i32, i32) {
    %add3A = arith.constant 64 : i32
    %add3A_0 = arith.addi %add3A, %arg0 : i32
    %c0_i32 = arith.constant 0 : i32
    %c0_i32_1 = arith.constant 0 : i32
    return %add3A_0, %c0_i32 : i32, i32
  }
  func.func @transform_6(%arg0: i32) -> i32 {
    %c0_i32 = arith.constant 0 : i32
    %c0_i32_0 = arith.constant 0 : i32
    return %c0_i32 : i32
  }
  func.func @transform_7(%arg0: i32) -> (i32, i32) {
    %c0_i32 = arith.constant 0 : i32
    %c0_i32_0 = arith.constant 0 : i32
    return %arg0, %c0_i32 : i32, i32
  }
}

</mosaic_0001>

<sc_bundles>
// kernel: kernel.13.cloned.1.call-start
scs
__scs_entry_jumppad:
0x0: {  	(pc) =	sbr.rel $0x88, $3  }
0x1: {  	(tag) =	ssettag $0x0;
	lr =	simm.s32 $0x1  }
0x2: {  	[smem:$0x3F94] =	sst lr;
	_ =	strace $0xD0000000  }
0x3: {  	_ = 	snop  }
0x4: {  	_ = 	snop  }
0x5: {  	_ = 	snop  }
0x6: {  	_ = 	snop  }
0x7: {  	_ = 	snop  }
__scs_overlays_trampoline_lowered:
0x8: {  	[smem:$0x3FA3] =	sst s0  }
0x9: {  	[smem:$0x3FA4] =	sst s1  }
0xa: {  	[smem:$0x3FA5] =	sst s2  }
0xb: {  	[smem:$0x3FA6] =	sst s3  }
0xc: {  	[smem:$0x3FA7] =	sst s4  }
0xd: {  	[smem:$0x3FA8] =	sst s5  }
0xe: {  	[smem:$0x3FA9] =	sst s6  }
0xf: {  	[smem:$0x3FAA] =	sst s7  }
0x10: {  	[smem:$0x3FAB] =	sst s8  }
0x11: {  	[smem:$0x3FAC] =	sst s9;
	s0 =	simm.s32 @!p0 $0x0  }
0x12: {  	s1 =	sld [smem:$0x3F92];
	s0 =	simm.s32 @p0 $0x1  }
0x13: {  	[smem:$0x3FAD] =	sst s0;
	s0 =	simm.s32 @!p1 $0x0  }
0x14: {  	s2 =	sld [smem:$0x3F91];
	s0 =	simm.s32 @p1 $0x1  }
0x15: {  	[smem:$0x3FAE] =	sst s0;
	s0 =	simm.s32 @!p2 $0x0  }
0x16: {  	s3 =	sld [smem:$0x3FDB];
	s0 =	simm.s32 @p2 $0x1  }
0x17: {  	s4 =	simm.s32 $0x1BF5;
	[smem:$0x3FB0] =	sst s0  }
0x18: {  	s0 =	sld [smem:$0x3F93];
	_ =	swait.ge [sflag:s4], $0x0  }
0x19: {  	s7 =	sld [smem:$0x3F94]  }
0x1a: {  	s8 =	sadd.s32 $0xFFFFE003, lr  }
0x1b: {  	s9 =	sadd.s32 $0xFFFFFEF7, lr;
	s5 =	simm.s32 $0xFFFFFFFF;
	p2 =	slt.u32 s8, $0xFFFFF086  }
0x1c: {  	p1 =	slt.u32 s9, $0xF7A;
	s5 =	simm.s32 @!p2 $0x0  }
0x1d: {  	s5 =	simm.s32 @p1 $0x1;
	p0 =	seq.s32 s7, s2  }
0x1e: {  	s7 =	smul.u32 @!p0 $0xF7A, s2;
	p2 =	seq.s32 @!p0 s5, $0x0  }
0x1f: {  	s9 =	smul.u32 $0xF7A, s1;
	s8 =	simm.s32 @!p0 $0x1BF5;
	p2 =	por !p2, p0  }
0x20: {  	[sflag:s8] =	ssyncset.s32 @!p0 $0xFFFFF086;
	s6 =	sadd.s32 @!p0 s3, s7;
	s7 =	simm.s32 @!p0 $0x108  }
0x21: {  	s3 =	sadd.s32 s3, s9;
	s6 =	sadd.s32 @!p0 $0x88, s6;
	s7 =	simm.s32 @p2 $0x1082  }
0x22: {  	[simem:s7], [sflag:s8] =	dma.local @!p0 [hbm:s6], $0xF7A  }
0x23: {  	s9 =	sor.u32 $0xD0000000, s2;
	s6 =	simm.s32 $0x108;
	_ =	swait.ge @!p0 [sflag:s8], $0x0  }
0x24: {  	s3 =	sadd.s32 $0x88, s3;
	s6 =	simm.s32 @!p1 $0x1082;
	[sflag:s4] =	ssyncset.s32 $0xFFFFF086  }
0x25: {  	[simem:s6], [sflag:s4] =	dma.local [hbm:s3], $0xF7A  }
0x26: {  	[smem:$0x3F94] =	sst s1;
	(tag) =	ssettag s2;
	_ =	strace s9  }
0x27: {  	s1 =	sld [smem:$0x3FA4]  }
0x28: {  	s2 =	sld [smem:$0x3FA5]  }
0x29: {  	s4 =	sld [smem:$0x3FA7]  }
0x2a: {  	p0 =	seq.s32 s5, $0x0;
	s5 =	sld [smem:$0x3FA8]  }
0x2b: {  	s6 =	sld [smem:$0x3FA9]  }
0x2c: {  	s7 =	sld [smem:$0x3FAA]  }
0x2d: {  	s3 =	simm.s32 $0x108;
	s8 =	sld [smem:$0x3FAB]  }
0x2e: {  	s3 =	simm.s32 @!p0 $0x1082;
	s9 =	sld [smem:$0x3FAC]  }
0x2f: {  	lr =	sadd.s32 s0, s3;
	s0 =	sld [smem:$0x3FA3]  }
0x30: {  	s3 =	sld [smem:$0x3FA6]  }
0x31: {  	[smem:$0x3FAF] =	sst s10  }
0x32: {  	s10 =	sld [smem:$0x3FAD];
	_ =	sdelay $0x3  }
0x33: {  	p0 =	seq.s32 s10, $0x1;
	s10 =	sld [smem:$0x3FAF];
	_ =	sdelay $0x3  }
0x34: {  	[smem:$0x3FAF] =	sst s10  }
0x35: {  	s10 =	sld [smem:$0x3FAE];
	_ =	sdelay $0x3  }
0x36: {  	p1 =	seq.s32 s10, $0x1;
	s10 =	sld [smem:$0x3FAF];
	_ =	sdelay $0x3  }
0x37: {  	[smem:$0x3FAF] =	sst s10  }
0x38: {  	s10 =	sld [smem:$0x3FB0]  }
0x39: {  	_ = 	snop;
	(pc) =	sbr.ind lr, $3  }
0x3a: {  	_ = 	snop  }
0x3b: {  	_ = 	snop  }
0x3c: {  	p2 =	seq.s32 s10, $0x1;
	s10 =	sld [smem:$0x3FAF]  }
0x3d: {  	_ =	shalt  }
0x3e: {  	_ =	shalt  }
0x3f: {  	_ =	shalt  }
0x40: {  	_ =	shalt  }
0x41: {  	_ =	shalt  }
0x42: {  	_ =	shalt  }
0x43: {  	_ =	shalt  }
0x44: {  	_ =	shalt  }
0x45: {  	_ =	shalt  }
0x46: {  	_ =	shalt  }
0x47: {  	_ =	shalt  }
0x48: {  	_ =	shalt  }
0x49: {  	_ =	shalt  }
0x4a: {  	_ =	shalt  }
0x4b: {  	_ =	shalt  }
0x4c: {  	_ =	shalt  }
0x4d: {  	_ =	shalt  }
0x4e: {  	_ =	shalt  }
0x4f: {  	_ =	shalt  }
0x50: {  	_ =	shalt  }
0x51: {  	_ =	shalt  }
0x52: {  	_ =	shalt  }
0x53: {  	_ =	shalt  }
0x54: {  	_ =	shalt  }
0x55: {  	_ =	shalt  }
0x56: {  	_ =	shalt  }
0x57: {  	_ =	shalt  }
0x58: {  	_ =	shalt  }
0x59: {  	_ =	shalt  }
0x5a: {  	_ =	shalt  }
0x5b: {  	_ =	shalt  }
0x5c: {  	_ =	shalt  }
0x5d: {  	_ =	shalt  }
0x5e: {  	_ =	shalt  }
0x5f: {  	_ =	shalt  }
0x60: {  	_ =	shalt  }
0x61: {  	_ =	shalt  }
0x62: {  	_ =	shalt  }
0x63: {  	_ =	shalt  }
0x64: {  	_ =	shalt  }
0x65: {  	_ =	shalt  }
0x66: {  	_ =	shalt  }
0x67: {  	_ =	shalt  }
0x68: {  	_ =	shalt  }
0x69: {  	_ =	shalt  }
0x6a: {  	_ =	shalt  }
0x6b: {  	_ =	shalt  }
0x6c: {  	_ =	shalt  }
0x6d: {  	_ =	shalt  }
0x6e: {  	_ =	shalt  }
0x6f: {  	_ =	shalt  }
0x70: {  	_ =	shalt  }
0x71: {  	_ =	shalt  }
0x72: {  	_ =	shalt  }
0x73: {  	_ =	shalt  }
0x74: {  	_ =	shalt  }
0x75: {  	_ =	shalt  }
0x76: {  	_ =	shalt  }
0x77: {  	_ =	shalt  }
0x78: {  	_ =	shalt  }
0x79: {  	_ =	shalt  }
0x7a: {  	_ =	shalt  }
0x7b: {  	_ =	shalt  }
0x7c: {  	_ =	shalt  }
0x7d: {  	_ =	shalt  }
0x7e: {  	_ =	shalt  }
0x7f: {  	_ =	shalt  }
0x80: {  	_ =	shalt  }
0x81: {  	_ =	shalt  }
0x82: {  	_ =	shalt  }
0x83: {  	_ =	shalt  }
0x84: {  	_ =	shalt  }
0x85: {  	_ =	shalt  }
0x86: {  	_ =	shalt  }
0x87: {  	_ =	shalt  }
.Lfunc_end0:
.L_simem_size_0:
called_computation_lowered:
.L_overlay_start_0:
0x88: {  	s2 =	sld [smem:$0x3FD9]  }
0x89: {  	s3 =	sld [smem:$0x3FFE];
	_ =	sdelay $0x1  }
0x8a: {  	s1 =	srdreg.scid  }
0x8b: {  	s0 =	sand.u32 $0x1, s1  }
0x8c: {  	s15 =	sshll.u32 s0, $0xA;
	s2 =	sadd.s32 s3, s2  }
0x8d: {  	s2 =	sadd.s32 s2, s15  }
0x8e: {  	[smem:$0x3FBB] =	sst s2  }
0x8f: {  	_ = 	snop  }
0x90: {  	s2 =	sld [smem:$0x3FD0];
	_ =	sdelay $0x2  }
0x91: {  	s16 =	simm.s32 $0xB;
	s4 =	simm.s32 $0x10  }
0x92: {  	[smem:s4], [sflag:s16] =	dma.local [hbm:s2], $0x1  }
0x93: {  	_ =	swait.eq [sflag:s16], $0x1  }
0x94: {  	[sflag:s16] =	ssyncset.done $0x0  }
0x95: {  	[sflag:s16] =	ssyncadd.s32 $0xFFFFFFFF  }
0x96: {  	s17 =	sld [smem:$0x11];
	(tm) =	ssettm $0x1  }
0x97: {  	s18 =	sld [smem:$0x3FFB];
	_ =	sdelay $0x3  }
0x98: {  	_ =	strace s18  }
0x99: {  	s2 =	sld [smem:$0x3FFC];
	_ =	sdelay $0x3  }
0x9a: {  	_ =	strace s2  }
0x9b: {  	s2 =	sld [smem:$0x3FFD];
	_ =	sdelay $0x3  }
0x9c: {  	_ =	strace s2  }
0x9d: {  	_ =	strace $0x8FFFFFFF  }
0x9e: {  	s19 =	sld [smem:$0x3FDB];
	_ =	sdelay $0x1  }
0x9f: {  	s20 =	simm.s32 $_scs_section_size  }
0xa0: {  	s5 =	simm.s32 $_size__tile_overlayer_lowered;
	s6 =	simm.s32 $_tile_overlayer_lowered  }
0xa1: {  	s7 =	simm.s32 $0x1BFF;
	s21 =	sshll.u32 s6, $0x1;
	s4 =	sadd.s32 s20, s19  }
0xa2: {  	s22 =	simm.s32 $0x0;
	s5 =	sshll.u32 s5, $0x1;
	s6 =	sadd.s32 s21, s4  }
0xa3: {  	[timem:s22], [sflag:s7] =	dma.local [hbm:s6], s5  }
0xa4: {  	_ =	swait.ge [sflag:s7], s5  }
0xa5: {  	s5 =	ssub.s32 $0x0, s5;
	[sflag:s7] =	ssyncset.done $0x0  }
0xa6: {  	[sflag:s7] =	ssyncadd.s32 s5;
	_ =	sdelay $0x1  }
0xa7: {  	s23 =	simm.s32 $0x1B8B  }
0xa8: {  	_ =	swait.ge [sflag:s23], $0x1  }
0xa9: {  	[sflag:s23] =	ssyncset.done $0x0  }
0xaa: {  	[sflag:s23] =	ssyncadd.s32 $0xFFFFFFFF  }
0xab: {  	s5 =	sld [smem:$0x0]  }
0xac: {  	s6 =	sand.u32 $0xFFFFFFFE, s1  }
0xad: {  	p0 =	sne.s32 s1, s6  }
0xae: {  	s6 =	sshll.u32 @p0 s6, $0xE  }
0xaf: {  	s6 =	sadd.s32 @p0 $0x11B8D, s6;
	s7 =	sshll.u32 @p0 s5, $0x11  }
0xb0: {  	s6 =	sor.u32 @p0 s7, s6  }
0xb1: {  	[sflag:s6] =	ssyncadd.remote.s32 @p0 $0x1;
	_ =	sdelay $0x1  }
0xb2: {  	s6 =	simm.s32 @p0 $0x1B8D  }
0xb3: {  	_ =	swait.eq @p0 [sflag:s6], $0x1  }
0xb4: {  	[sflag:s6] =	ssyncadd.s32 @p0 $0xFFFFFFFF  }
0xb5: {  	s7 =	sshll.u32 @!p0 s1, $0xE  }
0xb6: {  	s7 =	sor.u32 @!p0 $0x4000, s7;
	s6 =	simm.s32 @!p0 $0x1B8D  }
0xb7: {  	s5 =	sshll.u32 @!p0 s5, $0x11;
	s7 =	sadd.s32 @!p0 $0x11B8D, s7;
	_ =	swait.eq @!p0 [sflag:s6], $0x1  }
0xb8: {  	s5 =	sor.u32 @!p0 s5, s7;
	[sflag:s6] =	ssyncadd.s32 @!p0 $0xFFFFFFFF  }
0xb9: {  	s25 =	simm.s32 $0x1B8E;
	s24 =	sld [smem:$0x3FFE];
	[sflag:s5] =	ssyncadd.remote.s32 @!p0 $0x1  }
0xba: {  	s26 =	simm.s32 $execute0_lowered;
	[smem:$0x3FD2] =	sst s25  }
0xbb: {  	s6 =	sshll.u32 s26, $0x1;
	_ =	strace $0x80000049;
	[dreg:$0x1] =	wrdreg $0xFFFFFFFF  }
0xbc: {  	s28 =	simm.s32 $_size_execute0_lowered;
	s4 =	sadd.s32 s4, s6;
	[dreg:$0x0] =	wrdreg $0x0  }
0xbd: {  	s6 =	sshll.u32 s28, $0x1;
	[dreg:$0x2] =	wrdreg s4  }
0xbe: {  	[dreg:$0x3] =	wrdreg s6  }
0xbf: {  	[dreg:$0x4] =	wrdreg $0xC0  }
0xc0: {  	_ =	task [dreg:s22], $0x5FFFF  }
0xc1: {  	[dreg:$0x1] =	wrdreg $0xFFFFFFFF  }
0xc2: {  	[dreg:$0x0] =	wrdreg $0x60  }
0xc3: {  	[dreg:$0x2] =	wrdreg s24  }
0xc4: {  	[dreg:$0x3] =	wrdreg s17  }
0xc5: {  	[dreg:$0x4] =	wrdreg $0x9  }
0xc6: {  	_ =	task.clear_ibuf [dreg:s22], $0x5FFFF;
	_ =	strace $0x90000049  }
0xc7: {  	s29 =	simm.s32 $0x9;
	_ =	strace $0x8000004B  }
0xc8: {  	_ =	swait.ge [sflag:s29], $0x1  }
0xc9: {  	[sflag:s29] =	ssyncadd.s32 $0xFFFFFFFF  }
0xca: {  	_ =	strace $0x9000004B  }
0xcb: {  	_ =	sfence  }
0xcc: {  	s30 =	sld [smem:$0x0];
	_ =	sdelay $0x2  }
0xcd: {  	s31 =	sshll.u32 s1, $0xD;
	s1 =	sshrl.u32 s1, $0x2  }
0xce: {  	s4 =	sand.u32 $0x4000, s31;
	s1 =	sadd.s32 s1, s30  }
0xcf: {  	s0 =	sor.u32 s4, s0;
	s1 =	sshll.u32 s1, $0x11  }
0xd0: {  	s0 =	sor.u32 s1, s0  }
0xd1: {  	s0 =	sadd.s32 $0x8F2B, s0  }
0xd2: {  	[sflag:s0] =	ssyncadd.remote.s32 $0x1  }
0xd3: {  	_ =	sfence.sel $0xFFFF  }
0xd4: {  	[dreg:$0x0] =	wrdreg $0xFFFFFFFF;
	(pc) =	sbr.abs _section_cstart, $3  }
0xd5: {  	[dreg:$0x1] =	wrdreg $0xFFFFFFFF  }
0xd6: {  	_ =	task.clear_ibuf [dreg:s22], $0x2FFFF;
	_ =	strace $0x9FFFFFFF  }
0xd7: {  	(tm) =	ssettm $0x7FFFFFFF  }
tec
execute0_lowered:
.L_overlay_start_1:
0x0: {  	(tag) =	ssettag $0x1  }
0x1: {  	s4 =	rddreg [dreg:$0x0]  }
0x2: {  	s11 =	rddreg [dreg:$0x1]  }
0x3: {  	s0 =	rddreg [dreg:$0x2];
	s3 =	srdreg.scid  }
0x4: {  	s2 =	simm.s32 $0x0;
	s1 =	stileid.u32;
	s16 =	simm.s32 $0x1  }
0x5: {  	s17 =	simm.s32 $0x2100;
	s18 =	simm.s32 $0x2;
	s19 =	simm.s32 $0x3  }
0x6: {  	s20 =	simm.s32 $0x0;
	s8 =	sand.u32 $0x1, s3;
	[smem:$0x7FF] =	sst s2  }
0x7: {  	s28 =	sshll.u32 s1, $0x1;
	s3 =	sadd.s32 $0x153400, s4;
	s12 =	sadd.s32 $0x243200, s4  }
0x8: {  	s9 =	sshll.u32 s1, $0x13;
	s13 =	sshll.u32 s1, $0xD;
	s5 =	ssub.s32 $0x2, s8  }
0x9: {  	_ =	strace $0x8000004A;
	s7 =	sor.u32 s8, s28;
	s10 =	sshll.u32 s8, $0x12  }
0xa: {  	s14 =	sshll.u32 s8, $0xC;
	s6 =	sshrl.u32 s5, $0x1;
	s29 =	sshll.u32 s7, $0x9  }
0xb: {  	s30 =	sshll.u32 s7, $0xF;
	s10 =	sor.u32 s10, s9;
	s13 =	sor.u32 s14, s13  }
0xc: {  	s5 =	ssub.s32 s5, s6;
	s6 =	sadd.s32 s12, s30;
	s9 =	sor.u32 $0x4000, s10  }
0xd: {  	s14 =	sor.u32 $0x100, s13;
	s13 =	sor.u32 $0x180, s13;
	s15 =	sor.u32 $0x6000, s10  }
0xe: {  	s4 =	smax.u32 s5, $0x1;
	s5 =	sadd.s32 s11, s29;
	s8 =	sadd.s32 $0x400, s6  }
0xf: {  	s9 =	sshrl.u32 s9, $0x3;
	s14 =	sshrl.u32 s14, $0x3;
	s13 =	sshrl.u32 s13, $0x3  }
0x10: {  	s31 =	sshrl.u32 s15, $0x3;
	s15 =	simm.s32 $0x100;
	s7 =	sadd.s32 $0x10, s5  }
0x11: {  	s9 =	sadd.s32 s9, s12;
	s10 =	sadd.s32 s14, s11;
	s11 =	sadd.s32 s13, s11  }
0x12: {  	s12 =	sadd.s32 s31, s12;
	s13 =	simm.s32 $0x4;
	s14 =	simm.s32 $0x80  }
.LBB2_1:
0x13: {  	[tilespmem:s2], [sflag:$0x4] =	stream.linear.gather [hbm4b:s5+s2], $0x80, $0x38;
	[tilespmem:$0x4100] =	vst v63  }
0x14: {  	_ =	swait.ge [sflag:s13], $0x80  }
0x15: {  	[sflag:s13] =	ssyncset.done $0x0  }
0x16: {  	[sflag:s13] =	ssyncadd.s32 $0xFFFFFF80  }
0x17: {  	[tilespmem:s15], [sflag:$0x1] =	stream.indirect.gather [hbm4b:s3+s14], $0x40, s2, s14, $0xb8;
	[tilespmem:$0x4100] =	vst v63  }
0x18: {  	_ =	swait.ge [sflag:s16], $0x2000  }
0x19: {  	[sflag:s16] =	ssyncset.done $0x0  }
0x1a: {  	[sflag:s16] =	ssyncadd.s32 $0xFFFFE000  }
0x1b: {  	[hbm4b:s6+s2] =	stream.linear.scatter [tilespmem:s15], [sflag:$0x2], $0x2000, $0x38;
	[tilespmem:$0x4100] =	vst v63  }
0x1c: {  	_ = 	snop  }
0x1d: {  	[tilespmem:s14], [sflag:$0x4] =	stream.linear.gather [hbm4b:s7+s2], $0x80, $0x38;
	[tilespmem:$0x4100] =	vst v63  }
0x1e: {  	_ =	swait.ge [sflag:s13], $0x80  }
0x1f: {  	[sflag:s13] =	ssyncset.done $0x0  }
0x20: {  	[sflag:s13] =	ssyncadd.s32 $0xFFFFFF80  }
0x21: {  	[tilespmem:s17], [sflag:$0x1] =	stream.indirect.gather [hbm4b:s3+s14], $0x40, s14, s14, $0xb8;
	[tilespmem:$0x4100] =	vst v63  }
0x22: {  	_ =	swait.ge [sflag:s16], $0x2000  }
0x23: {  	[sflag:s16] =	ssyncset.done $0x0  }
0x24: {  	[sflag:s16] =	ssyncadd.s32 $0xFFFFE000  }
0x25: {  	[hbm4b:s8+s2] =	stream.linear.scatter [tilespmem:s17], [sflag:$0x3], $0x2000, $0x38;
	[tilespmem:$0x4100] =	vst v63  }
0x26: {  	_ =	swait.ge [sflag:s18], $0x2000  }
0x27: {  	[sflag:s18] =	ssyncset.done $0x0  }
0x28: {  	s21 =	sadd.s32 $0x0, s10;
	[sflag:s18] =	ssyncadd.s32 $0xFFFFE000  }
0x29: {  	[tilespmem:s2], [sflag:$0x4] =	stream.linear.gather [hbm4b:s21+s2], $0x80, $0x38;
	[tilespmem:$0x4100] =	vst v63  }
0x2a: {  	_ =	swait.ge [sflag:s13], $0x80  }
0x2b: {  	[sflag:s13] =	ssyncset.done $0x0  }
0x2c: {  	[sflag:s13] =	ssyncadd.s32 $0xFFFFFF80  }
0x2d: {  	[tilespmem:s15], [sflag:$0x1] =	stream.indirect.gather [hbm4b:s3+s14], $0x40, s2, s14, $0xb8;
	[tilespmem:$0x4100] =	vst v63  }
0x2e: {  	_ =	swait.ge [sflag:s16], $0x2000  }
0x2f: {  	[sflag:s16] =	ssyncset.done $0x0  }
0x30: {  	[sflag:s16] =	ssyncadd.s32 $0xFFFFE000  }
0x31: {  	[hbm4b:s9+s2] =	stream.linear.scatter [tilespmem:s15], [sflag:$0x2], $0x2000, $0x38;
	[tilespmem:$0x4100] =	vst v63  }
0x32: {  	_ =	swait.ge [sflag:s19], $0x2000  }
0x33: {  	[sflag:s19] =	ssyncset.done $0x0  }
0x34: {  	s31 =	sadd.s32 $0x0, s11;
	[sflag:s19] =	ssyncadd.s32 $0xFFFFE000  }
0x35: {  	[tilespmem:s14], [sflag:$0x4] =	stream.linear.gather [hbm4b:s31+s2], $0x80, $0x38;
	[tilespmem:$0x4100] =	vst v63  }
0x36: {  	_ =	swait.ge [sflag:s13], $0x80  }
0x37: {  	[sflag:s13] =	ssyncset.done $0x0  }
0x38: {  	[sflag:s13] =	ssyncadd.s32 $0xFFFFFF80  }
0x39: {  	[tilespmem:s17], [sflag:$0x1] =	stream.indirect.gather [hbm4b:s3+s14], $0x40, s14, s14, $0xb8;
	[tilespmem:$0x4100] =	vst v63  }
0x3a: {  	_ =	swait.ge [sflag:s16], $0x2000  }
0x3b: {  	s22 =	sadd.s32 $0x800, s9;
	s23 =	sadd.s32 $0x800, s12;
	[sflag:s16] =	ssyncset.done $0x0  }
0x3c: {  	s24 =	smov.u32 s12;
	s21 =	simm.s32 $0x20;
	[sflag:s16] =	ssyncadd.s32 $0xFFFFE000  }
.LBB2_2:
0x3d: {  	[hbm4b:s24+s2] =	stream.linear.scatter [tilespmem:s17], [sflag:$0x3], $0x2000, $0x38;
	[tilespmem:$0x4100] =	vst v63  }
0x3e: {  	s25 =	smov.u32 s21;
	s24 =	smov.u32 s23  }
0x3f: {  	p0 =	sne.s32 s21, $0x1C0;
	s21 =	sadd.s32 $0x20, s21;
	_ =	swait.ge [sflag:s18], $0x2000  }
0x40: {  	[sflag:s18] =	ssyncset.done $0x0  }
0x41: {  	s26 =	sadd.s32 s25, s10;
	[sflag:s18] =	ssyncadd.s32 $0xFFFFE000  }
0x42: {  	[tilespmem:s2], [sflag:$0x4] =	stream.linear.gather [hbm4b:s26+s2], $0x80, $0x38;
	[tilespmem:$0x4100] =	vst v63  }
0x43: {  	_ =	swait.ge [sflag:s13], $0x80  }
0x44: {  	[sflag:s13] =	ssyncset.done $0x0  }
0x45: {  	[sflag:s13] =	ssyncadd.s32 $0xFFFFFF80  }
0x46: {  	[tilespmem:s15], [sflag:$0x1] =	stream.indirect.gather [hbm4b:s3+s14], $0x40, s2, s14, $0xb8;
	[tilespmem:$0x4100] =	vst v63  }
0x47: {  	_ =	swait.ge [sflag:s16], $0x2000  }
0x48: {  	[sflag:s16] =	ssyncset.done $0x0  }
0x49: {  	[sflag:s16] =	ssyncadd.s32 $0xFFFFE000  }
0x4a: {  	[hbm4b:s22+s2] =	stream.linear.scatter [tilespmem:s15], [sflag:$0x2], $0x2000, $0x38;
	[tilespmem:$0x4100] =	vst v63  }
0x4b: {  	_ =	swait.ge [sflag:s19], $0x2000  }
0x4c: {  	[sflag:s19] =	ssyncset.done $0x0  }
0x4d: {  	s25 =	sadd.s32 s25, s11;
	[sflag:s19] =	ssyncadd.s32 $0xFFFFE000  }
0x4e: {  	[tilespmem:s14], [sflag:$0x4] =	stream.linear.gather [hbm4b:s25+s2], $0x80, $0x38;
	[tilespmem:$0x4100] =	vst v63  }
0x4f: {  	_ =	swait.ge [sflag:s13], $0x80  }
0x50: {  	[sflag:s13] =	ssyncset.done $0x0  }
.Ltmp0:
0x51: {  	[sflag:s13] =	ssyncadd.s32 $0xFFFFFF80;
	(pc) =	sbr.rel @p0 .LBB2_2-.Ltmp0, $4  }
0x52: {  	[tilespmem:s17], [sflag:$0x1] =	stream.indirect.gather [hbm4b:s3+s14], $0x40, s14, s14, $0xb8;
	[tilespmem:$0x4100] =	vst v63  }
0x53: {  	_ =	swait.ge [sflag:s16], $0x2000  }
0x54: {  	[sflag:s16] =	ssyncset.done $0x0  }
0x55: {  	s23 =	sadd.s32 $0x800, s23;
	s22 =	sadd.s32 $0x800, s22;
	[sflag:s16] =	ssyncadd.s32 $0xFFFFE000  }
0x56: {  	[hbm4b:s24+s2] =	stream.linear.scatter [tilespmem:s17], [sflag:$0x3], $0x2000, $0x38;
	[tilespmem:$0x4100] =	vst v63  }
0x57: {  	s20 =	sadd.s32 $0x1, s20  }
0x58: {  	_ =	swait.ge [sflag:s18], $0x2000;
	p0 =	sne.s32 s20, s4  }
.Ltmp1:
0x59: {  	[sflag:s18] =	ssyncset.done $0x0;
	(pc) =	sbr.rel @p0 .LBB2_1-.Ltmp1, $4  }
0x5a: {  	[sflag:s18] =	ssyncadd.s32 $0xFFFFE000  }
0x5b: {  	_ =	swait.ge [sflag:s19], $0x2000  }
0x5c: {  	[sflag:s19] =	ssyncset.done $0x0  }
0x5d: {  	[sflag:s19] =	ssyncadd.s32 $0xFFFFE000  }
0x5e: {  	_ =	sfence.sel $0x180000  }
0x5f: {  	[bflag:$0x0] =	sbarrier.arrive $0xFFFF  }
0x60: {  	p0 =	sne.s32 s1, $0x0;
	_ =	strace $0x9000004A  }
0x61: {  	s0 =	sadd.s32 @!p0 $0x100000, s0;
	[bflag:$0x2] =	sbarrier.arrive $0xFFFF  }
0x62: {  	[sflag:s0] =	ssyncadd.tile.s32 @!p0 $0x1;
	_ =	shalt  }
.Lfunc_end2:
_tile_overlayer_lowered:
.L_overlay_start_2:
0x63: {  	(tag) =	ssettag $0x2  }
0x64: {  	s0 =	rddreg [dreg:$0x0];
	s2 =	stileid.u32  }
0x65: {  	s1 =	rddreg [dreg:$0x1];
	p0 =	sne.s32 s2, $0x0  }
0x66: {  	s3 =	rddreg [dreg:$0x2];
	[bflag:$0x3] =	sbarrier.arrive $0xFFFF;
	s2 =	simm.s32 @!p0 $0x1C04  }
0x67: {  	[timem:s3], [sflag:s2] =	dma.local @!p0 [hbm:s0], s1  }
0x68: {  	s0 =	simm.s32 @!p0 $0x4  }
0x69: {  	_ =	swait.ge @!p0 [sflag:s0], s1  }
0x6a: {  	s1 =	ssub.s32 @!p0 $0x0, s1;
	[sflag:s0] =	ssyncset.done @!p0 $0x0  }
0x6b: {  	[sflag:s0] =	ssyncadd.s32 @!p0 s1  }
0x6c: {  	[bflag:$0x3] =	sbarrier.arrive $0xFFFF  }
0x6d: {  	_ =	shalt  }

// kernel: kernel.16.cloned.1.call-start
scs
__scs_entry_jumppad:
0x0: {  	(pc) =	sbr.rel $0x88, $3  }
0x1: {  	(tag) =	ssettag $0x0;
	lr =	simm.s32 $0x1  }
0x2: {  	[smem:$0x3F94] =	sst lr;
	_ =	strace $0xD0000000  }
0x3: {  	_ = 	snop  }
0x4: {  	_ = 	snop  }
0x5: {  	_ = 	snop  }
0x6: {  	_ = 	snop  }
0x7: {  	_ = 	snop  }
__scs_overlays_trampoline_lowered:
0x8: {  	[smem:$0x3FA3] =	sst s0  }
0x9: {  	[smem:$0x3FA4] =	sst s1  }
0xa: {  	[smem:$0x3FA5] =	sst s2  }
0xb: {  	[smem:$0x3FA6] =	sst s3  }
0xc: {  	[smem:$0x3FA7] =	sst s4  }
0xd: {  	[smem:$0x3FA8] =	sst s5  }
0xe: {  	[smem:$0x3FA9] =	sst s6  }
0xf: {  	[smem:$0x3FAA] =	sst s7  }
0x10: {  	[smem:$0x3FAB] =	sst s8  }
0x11: {  	[smem:$0x3FAC] =	sst s9;
	s0 =	simm.s32 @!p0 $0x0  }
0x12: {  	s1 =	sld [smem:$0x3F92];
	s0 =	simm.s32 @p0 $0x1  }
0x13: {  	[smem:$0x3FAD] =	sst s0;
	s0 =	simm.s32 @!p1 $0x0  }
0x14: {  	s2 =	sld [smem:$0x3F91];
	s0 =	simm.s32 @p1 $0x1  }
0x15: {  	[smem:$0x3FAE] =	sst s0;
	s0 =	simm.s32 @!p2 $0x0  }
0x16: {  	s3 =	sld [smem:$0x3FDB];
	s0 =	simm.s32 @p2 $0x1  }
0x17: {  	s4 =	simm.s32 $0x1BF5;
	[smem:$0x3FB0] =	sst s0  }
0x18: {  	s0 =	sld [smem:$0x3F93];
	_ =	swait.ge [sflag:s4], $0x0  }
0x19: {  	s7 =	sld [smem:$0x3F94]  }
0x1a: {  	s8 =	sadd.s32 $0xFFFFE003, lr  }
0x1b: {  	s9 =	sadd.s32 $0xFFFFFEF7, lr;
	s5 =	simm.s32 $0xFFFFFFFF;
	p2 =	slt.u32 s8, $0xFFFFF086  }
0x1c: {  	p1 =	slt.u32 s9, $0xF7A;
	s5 =	simm.s32 @!p2 $0x0  }
0x1d: {  	s5 =	simm.s32 @p1 $0x1;
	p0 =	seq.s32 s7, s2  }
0x1e: {  	s7 =	smul.u32 @!p0 $0xF7A, s2;
	p2 =	seq.s32 @!p0 s5, $0x0  }
0x1f: {  	s9 =	smul.u32 $0xF7A, s1;
	s8 =	simm.s32 @!p0 $0x1BF5;
	p2 =	por !p2, p0  }
0x20: {  	[sflag:s8] =	ssyncset.s32 @!p0 $0xFFFFF086;
	s6 =	sadd.s32 @!p0 s3, s7;
	s7 =	simm.s32 @!p0 $0x108  }
0x21: {  	s3 =	sadd.s32 s3, s9;
	s6 =	sadd.s32 @!p0 $0x88, s6;
	s7 =	simm.s32 @p2 $0x1082  }
0x22: {  	[simem:s7], [sflag:s8] =	dma.local @!p0 [hbm:s6], $0xF7A  }
0x23: {  	s9 =	sor.u32 $0xD0000000, s2;
	s6 =	simm.s32 $0x108;
	_ =	swait.ge @!p0 [sflag:s8], $0x0  }
0x24: {  	s3 =	sadd.s32 $0x88, s3;
	s6 =	simm.s32 @!p1 $0x1082;
	[sflag:s4] =	ssyncset.s32 $0xFFFFF086  }
0x25: {  	[simem:s6], [sflag:s4] =	dma.local [hbm:s3], $0xF7A  }
0x26: {  	[smem:$0x3F94] =	sst s1;
	(tag) =	ssettag s2;
	_ =	strace s9  }
0x27: {  	s1 =	sld [smem:$0x3FA4]  }
0x28: {  	s2 =	sld [smem:$0x3FA5]  }
0x29: {  	s4 =	sld [smem:$0x3FA7]  }
0x2a: {  	p0 =	seq.s32 s5, $0x0;
	s5 =	sld [smem:$0x3FA8]  }
0x2b: {  	s6 =	sld [smem:$0x3FA9]  }
0x2c: {  	s7 =	sld [smem:$0x3FAA]  }
0x2d: {  	s3 =	simm.s32 $0x108;
	s8 =	sld [smem:$0x3FAB]  }
0x2e: {  	s3 =	simm.s32 @!p0 $0x1082;
	s9 =	sld [smem:$0x3FAC]  }
0x2f: {  	lr =	sadd.s32 s0, s3;
	s0 =	sld [smem:$0x3FA3]  }
0x30: {  	s3 =	sld [smem:$0x3FA6]  }
0x31: {  	[smem:$0x3FAF] =	sst s10  }
0x32: {  	s10 =	sld [smem:$0x3FAD];
	_ =	sdelay $0x3  }
0x33: {  	p0 =	seq.s32 s10, $0x1;
	s10 =	sld [smem:$0x3FAF];
	_ =	sdelay $0x3  }
0x34: {  	[smem:$0x3FAF] =	sst s10  }
0x35: {  	s10 =	sld [smem:$0x3FAE];
	_ =	sdelay $0x3  }
0x36: {  	p1 =	seq.s32 s10, $0x1;
	s10 =	sld [smem:$0x3FAF];
	_ =	sdelay $0x3  }
0x37: {  	[smem:$0x3FAF] =	sst s10  }
0x38: {  	s10 =	sld [smem:$0x3FB0]  }
0x39: {  	_ = 	snop;
	(pc) =	sbr.ind lr, $3  }
0x3a: {  	_ = 	snop  }
0x3b: {  	_ = 	snop  }
0x3c: {  	p2 =	seq.s32 s10, $0x1;
	s10 =	sld [smem:$0x3FAF]  }
0x3d: {  	_ =	shalt  }
0x3e: {  	_ =	shalt  }
0x3f: {  	_ =	shalt  }
0x40: {  	_ =	shalt  }
0x41: {  	_ =	shalt  }
0x42: {  	_ =	shalt  }
0x43: {  	_ =	shalt  }
0x44: {  	_ =	shalt  }
0x45: {  	_ =	shalt  }
0x46: {  	_ =	shalt  }
0x47: {  	_ =	shalt  }
0x48: {  	_ =	shalt  }
0x49: {  	_ =	shalt  }
0x4a: {  	_ =	shalt  }
0x4b: {  	_ =	shalt  }
0x4c: {  	_ =	shalt  }
0x4d: {  	_ =	shalt  }
0x4e: {  	_ =	shalt  }
0x4f: {  	_ =	shalt  }
0x50: {  	_ =	shalt  }
0x51: {  	_ =	shalt  }
0x52: {  	_ =	shalt  }
0x53: {  	_ =	shalt  }
0x54: {  	_ =	shalt  }
0x55: {  	_ =	shalt  }
0x56: {  	_ =	shalt  }
0x57: {  	_ =	shalt  }
0x58: {  	_ =	shalt  }
0x59: {  	_ =	shalt  }
0x5a: {  	_ =	shalt  }
0x5b: {  	_ =	shalt  }
0x5c: {  	_ =	shalt  }
0x5d: {  	_ =	shalt  }
0x5e: {  	_ =	shalt  }
0x5f: {  	_ =	shalt  }
0x60: {  	_ =	shalt  }
0x61: {  	_ =	shalt  }
0x62: {  	_ =	shalt  }
0x63: {  	_ =	shalt  }
0x64: {  	_ =	shalt  }
0x65: {  	_ =	shalt  }
0x66: {  	_ =	shalt  }
0x67: {  	_ =	shalt  }
0x68: {  	_ =	shalt  }
0x69: {  	_ =	shalt  }
0x6a: {  	_ =	shalt  }
0x6b: {  	_ =	shalt  }
0x6c: {  	_ =	shalt  }
0x6d: {  	_ =	shalt  }
0x6e: {  	_ =	shalt  }
0x6f: {  	_ =	shalt  }
0x70: {  	_ =	shalt  }
0x71: {  	_ =	shalt  }
0x72: {  	_ =	shalt  }
0x73: {  	_ =	shalt  }
0x74: {  	_ =	shalt  }
0x75: {  	_ =	shalt  }
0x76: {  	_ =	shalt  }
0x77: {  	_ =	shalt  }
0x78: {  	_ =	shalt  }
0x79: {  	_ =	shalt  }
0x7a: {  	_ =	shalt  }
0x7b: {  	_ =	shalt  }
0x7c: {  	_ =	shalt  }
0x7d: {  	_ =	shalt  }
0x7e: {  	_ =	shalt  }
0x7f: {  	_ =	shalt  }
0x80: {  	_ =	shalt  }
0x81: {  	_ =	shalt  }
0x82: {  	_ =	shalt  }
0x83: {  	_ =	shalt  }
0x84: {  	_ =	shalt  }
0x85: {  	_ =	shalt  }
0x86: {  	_ =	shalt  }
0x87: {  	_ =	shalt  }
.Lfunc_end0:
.L_simem_size_0:
called_computation.1_lowered:
.L_overlay_start_0:
0x88: {  	s2 =	sld [smem:$0x3FD9]  }
0x89: {  	s3 =	sld [smem:$0x3FFE];
	_ =	sdelay $0x1  }
0x8a: {  	s1 =	srdreg.scid  }
0x8b: {  	s0 =	sand.u32 $0x1, s1  }
0x8c: {  	s14 =	sshll.u32 s0, $0xA;
	s2 =	sadd.s32 s3, s2  }
0x8d: {  	s2 =	sadd.s32 s2, s14  }
0x8e: {  	[smem:$0x3FBB] =	sst s2  }
0x8f: {  	_ = 	snop  }
0x90: {  	s2 =	sld [smem:$0x3FD0];
	_ =	sdelay $0x2  }
0x91: {  	s15 =	simm.s32 $0xB;
	s4 =	simm.s32 $0x10  }
0x92: {  	[smem:s4], [sflag:s15] =	dma.local [hbm:s2], $0x1  }
0x93: {  	_ =	swait.eq [sflag:s15], $0x1  }
0x94: {  	[sflag:s15] =	ssyncset.done $0x0  }
0x95: {  	[sflag:s15] =	ssyncadd.s32 $0xFFFFFFFF  }
0x96: {  	s16 =	sld [smem:$0x10];
	(tm) =	ssettm $0x1  }
0x97: {  	s17 =	sld [smem:$0x3FFB];
	_ =	sdelay $0x3  }
0x98: {  	_ =	strace s17  }
0x99: {  	s3 =	sld [smem:$0x3FFC];
	_ =	sdelay $0x3  }
0x9a: {  	_ =	strace s3  }
0x9b: {  	s3 =	sld [smem:$0x3FFD];
	_ =	sdelay $0x3  }
0x9c: {  	_ =	strace s3  }
0x9d: {  	_ =	strace $0x8FFFFFFF  }
0x9e: {  	s18 =	sld [smem:$0x3FDB];
	_ =	sdelay $0x1  }
0x9f: {  	s19 =	simm.s32 $_scs_section_size  }
0xa0: {  	s5 =	simm.s32 $_size__tile_overlayer_lowered;
	s6 =	simm.s32 $_tile_overlayer_lowered  }
0xa1: {  	s22 =	simm.s32 $0x1BFF;
	s21 =	sshll.u32 s6, $0x1;
	s3 =	sadd.s32 s19, s18  }
0xa2: {  	s7 =	simm.s32 $0x0;
	s20 =	sshll.u32 s5, $0x1;
	s5 =	sadd.s32 s21, s3  }
0xa3: {  	[timem:s7], [sflag:s22] =	dma.local [hbm:s5], s20  }
0xa4: {  	_ =	swait.ge [sflag:s22], s20  }
0xa5: {  	s4 =	ssub.s32 $0x0, s20;
	[sflag:s22] =	ssyncset.done $0x0  }
0xa6: {  	[sflag:s22] =	ssyncadd.s32 s4;
	_ =	sdelay $0x1  }
0xa7: {  	s23 =	simm.s32 $0x1B8B  }
0xa8: {  	_ =	swait.ge [sflag:s23], $0x1  }
0xa9: {  	[sflag:s23] =	ssyncset.done $0x0  }
0xaa: {  	s25 =	simm.s32 $0x1B8E;
	s24 =	sld [smem:$0x3FFE];
	[sflag:s23] =	ssyncadd.s32 $0xFFFFFFFF  }
0xab: {  	s26 =	simm.s32 $execute0_lowered;
	[smem:$0x3FD2] =	sst s25  }
0xac: {  	s5 =	sshll.u32 s26, $0x1;
	_ =	strace $0x80000046;
	[dreg:$0x1] =	wrdreg $0xFFFFFFFF  }
0xad: {  	s28 =	simm.s32 $_size_execute0_lowered;
	s3 =	sadd.s32 s3, s5;
	[dreg:$0x0] =	wrdreg $0x0  }
0xae: {  	s5 =	sshll.u32 s28, $0x1;
	[dreg:$0x2] =	wrdreg s3  }
0xaf: {  	[dreg:$0x3] =	wrdreg s5  }
0xb0: {  	[dreg:$0x4] =	wrdreg $0xC0  }
0xb1: {  	_ =	task [dreg:s7], $0x5FFFF  }
0xb2: {  	[dreg:$0x1] =	wrdreg $0xFFFFFFFF  }
0xb3: {  	[dreg:$0x0] =	wrdreg $0x60  }
0xb4: {  	[dreg:$0x2] =	wrdreg s24  }
0xb5: {  	[dreg:$0x3] =	wrdreg s16  }
0xb6: {  	[dreg:$0x4] =	wrdreg $0x43000  }
0xb7: {  	[dreg:$0x5] =	wrdreg $0xA  }
0xb8: {  	_ =	task.clear_ibuf [dreg:s7], $0x6FFFF;
	_ =	strace $0x90000046  }
0xb9: {  	s29 =	simm.s32 $0xA;
	_ =	strace $0x80000048  }
0xba: {  	_ =	swait.ge [sflag:s29], $0x1  }
0xbb: {  	[sflag:s29] =	ssyncadd.s32 $0xFFFFFFFF  }
0xbc: {  	_ =	strace $0x90000048  }
0xbd: {  	_ =	sfence  }
0xbe: {  	s30 =	sld [smem:$0x0];
	_ =	sdelay $0x2  }
0xbf: {  	s31 =	sshll.u32 s1, $0xD;
	s1 =	sshrl.u32 s1, $0x2  }
0xc0: {  	s3 =	sand.u32 $0x4000, s31;
	s1 =	sadd.s32 s1, s30  }
0xc1: {  	s0 =	sor.u32 s3, s0;
	s1 =	sshll.u32 s1, $0x11  }
0xc2: {  	s0 =	sor.u32 s1, s0  }
0xc3: {  	s0 =	sadd.s32 $0x8F2B, s0  }
0xc4: {  	[sflag:s0] =	ssyncadd.remote.s32 $0x1  }
0xc5: {  	_ =	sfence.sel $0xFFFF  }
0xc6: {  	[dreg:$0x0] =	wrdreg $0xFFFFFFFF;
	(pc) =	sbr.abs _section_cstart, $3  }
0xc7: {  	[dreg:$0x1] =	wrdreg $0xFFFFFFFF  }
0xc8: {  	_ =	task.clear_ibuf [dreg:s7], $0x2FFFF;
	_ =	strace $0x9FFFFFFF  }
0xc9: {  	(tm) =	ssettm $0x7FFFFFFF  }
tec
execute0_lowered:
.L_overlay_start_1:
0x0: {  	(tag) =	ssettag $0x1  }
0x1: {  	s0 =	rddreg [dreg:$0x0]  }
0x2: {  	s1 =	rddreg [dreg:$0x1]  }
0x3: {  	s3 =	rddreg [dreg:$0x2];
	s4 =	simm.s32 $0x0  }
0x4: {  	s2 =	srdreg.scid;
	s12 =	stileid.u32;
	s29 =	simm.s32 $0x300  }
0x5: {  	s30 =	simm.s32 $0x5;
	s31 =	simm.s32 $0x100;
	s8 =	smul.u32 $0x14000, s12  }
0x6: {  	[smem:$0x7FF] =	sst s4;
	s2 =	sand.u32 $0x1, s2;
	s10 =	smul.u32 $0x50000, s12  }
0x7: {  	s5 =	sadd.s32 $0x1A3200, s0;
	s6 =	sadd.s32 $0x63200, s0;
	s7 =	sadd.s32 $0x73200, s0  }
0x8: {  	s16 =	sshll.u32 s12, $0xF;
	s12 =	simm.s32 $0x2;
	s10 =	sshrl.u32 s10, $0x2  }
0x9: {  	_ =	strace $0x80000047;
	s9 =	smul.u32 $0x140000, s2;
	s10 =	sadd.s32 s10, s3  }
0xa: {  	s11 =	ssub.s32 $0x2, s2;
	s2 =	sshll.u32 s2, $0xE;
	s25 =	sadd.s32 $0x2000, s10  }
0xb: {  	s24 =	sshrl.u32 s11, $0x1;
	s26 =	sadd.s32 $0x4000, s10;
	[dreg:$0x4] =	wrdreg s25  }
0xc: {  	s2 =	sor.u32 s2, s16;
	s13 =	sadd.s32 $0x6000, s10;
	[dreg:$0x5] =	wrdreg s26  }
0xd: {  	s16 =	simm.s32 $0x0;
	s14 =	sadd.s32 $0x8000, s10;
	[dreg:$0x6] =	wrdreg s13  }
0xe: {  	s9 =	sadd.s32 s8, s9;
	s15 =	sadd.s32 $0xA000, s10;
	[dreg:$0x7] =	wrdreg s14  }
0xf: {  	s8 =	sadd.s32 s8, s3;
	s17 =	sadd.s32 $0xC000, s10;
	[dreg:$0x8] =	wrdreg s15  }
0x10: {  	s20 =	sshrl.u32 s2, $0x3;
	s18 =	sadd.s32 $0xE000, s10;
	[dreg:$0x9] =	wrdreg s17  }
0x11: {  	s9 =	sshrl.u32 s9, $0x3;
	s19 =	sadd.s32 $0x10000, s10;
	[dreg:$0xa] =	wrdreg s18  }
0x12: {  	s10 =	sadd.s32 $0x12000, s10;
	s21 =	sadd.s32 s1, s20;
	[dreg:$0xb] =	wrdreg s19  }
0x13: {  	s22 =	sadd.s32 s6, s20;
	s23 =	sor.u32 $0x10, s20;
	[dreg:$0xc] =	wrdreg s10  }
0x14: {  	s0 =	sadd.s32 s9, s0;
	s9 =	ssub.s32 s11, s24;
	[dreg:$0xd] =	wrdreg s21  }
0x15: {  	[dreg:$0xe] =	wrdreg s22;
	s10 =	sadd.s32 s7, s20;
	s24 =	sadd.s32 s1, s23  }
0x16: {  	s25 =	sadd.s32 s6, s23;
	s26 =	sadd.s32 s7, s23;
	[dreg:$0xf] =	wrdreg s10  }
0x17: {  	s11 =	simm.s32 $0x280;
	s13 =	simm.s32 $0x2300;
	[dreg:$0x10] =	wrdreg s24  }
.Ltmp0:
0x18: {  	s14 =	simm.s32 $0x3;
	[dreg:$0x11] =	wrdreg s25;
	(pc) =	sbr.rel .LBB2_1-.Ltmp0, $4  }
0x19: {  	s15 =	simm.s32 $0x4;
	[dreg:$0x12] =	wrdreg s26;
	s24 =	sor.u32 $0x100, s2  }
0x1a: {  	s25 =	sor.u32 $0x180, s2;
	s0 =	sadd.s32 $0x83200, s0;
	s28 =	smax.u32 s9, $0x1  }
0x1b: {  	v1 =	vimm.s32 $0x0;
	vm0 =	vcmask $0x300;
	s2 =	simm.s32 $0x1;
	s9 =	simm.s32 $0x80;
	s10 =	simm.s32 $0x180  }
0x1c: {  	v0 =	vimm.f32 $0.0e+00;
	v1 =	vsel vm0, $0x3, v1;
	s26 =	simm.s32 $0x2;
	[dreg:$0x13] =	wrdreg s0;
	s0 =	simm.s32 $0x200  }
.LBB2_10:
0x1d: {  	s17 =	stileid.u32;
	[bflag:$0x0] =	sbarrier.arrive $0xFFFF;
	s16 =	sadd.s32 $0x1, s16  }
0x1e: {  	s18 =	sshrl.u32 s8, $0x3;
	s17 =	sshll.u32 s17, $0x6;
	p0 =	sne.s32 s16, s28  }
.Ltmp1:
0x1f: {  	s19 =	rddreg [dreg:$0x13];
	s17 =	sor.u32 $0x1C05, s17;
	(pc) =	sbr.rel @!p0 .LBB2_11-.Ltmp1, $4  }
0x20: {  	[hbm:s19], [sflag:s17] =	dma.local [spmem:s18], $0x2800  }
0x21: {  	_ =	swait.ge [sflag:s30], $0x2800  }
0x22: {  	[sflag:s30] =	ssyncset.done $0x0  }
0x23: {  	[sflag:s30] =	ssyncadd.s32 $0xFFFFD800  }
.LBB2_1:
0x24: {  	s18 =	simm.s32 $0x100;
	s17 =	simm.s32 $0x0  }
.LBB2_2:
0x25: {  	p0 =	sne.s32 s18, $0x7F00;
	[tilespmem:s17+$0x330] =	vst v0;
	s19 =	smov.u32 s18;
	s18 =	sadd.s32 $0x100, s18  }
.Ltmp2:
0x26: {  	[tilespmem:s17+$0x320] =	vst v0;
	(pc) =	sbr.rel @p0 .LBB2_2-.Ltmp2, $3  }
0x27: {  	[tilespmem:s17+$0x300] =	vst v0  }
0x28: {  	[tilespmem:s17+$0x310] =	vst v0;
	_ =	sdelay $0x1  }
0x29: {  	s17 =	sshra.s32 s19, $0x2  }
0x2a: {  	[tilespmem:s17+$0x330] =	vst v0  }
0x2b: {  	[tilespmem:s17+$0x320] =	vst v0  }
0x2c: {  	[tilespmem:s17+$0x300] =	vst v0  }
0x2d: {  	[tilespmem:s17+$0x310] =	vst v0  }
0x2e: {  	[spmem:s8] =	stream.linear.scatter [tilespmem:s29], [sflag:$0x5], $0x2000, $0x38;
	[tilespmem:$0x18300] =	vst v63  }
0x2f: {  	_ =	swait.ge [sflag:s30], $0x2000  }
0x30: {  	[sflag:s30] =	ssyncset.done $0x0  }
0x31: {  	s22 =	rddreg [dreg:$0x4];
	[sflag:s30] =	ssyncadd.s32 $0xFFFFE000  }
0x32: {  	[spmem:s22] =	stream.linear.scatter [tilespmem:s29], [sflag:$0x5], $0x2000, $0x38;
	[tilespmem:$0x18300] =	vst v63  }
0x33: {  	_ =	swait.ge [sflag:s30], $0x2000  }
0x34: {  	[sflag:s30] =	ssyncset.done $0x0  }
0x35: {  	s23 =	rddreg [dreg:$0x5];
	[sflag:s30] =	ssyncadd.s32 $0xFFFFE000  }
0x36: {  	[spmem:s23] =	stream.linear.scatter [tilespmem:s29], [sflag:$0x5], $0x2000, $0x38;
	[tilespmem:$0x18300] =	vst v63  }
0x37: {  	_ =	swait.ge [sflag:s30], $0x2000  }
0x38: {  	[sflag:s30] =	ssyncset.done $0x0  }
0x39: {  	s18 =	rddreg [dreg:$0x6];
	[sflag:s30] =	ssyncadd.s32 $0xFFFFE000  }
0x3a: {  	[spmem:s18] =	stream.linear.scatter [tilespmem:s29], [sflag:$0x5], $0x2000, $0x38;
	[tilespmem:$0x18300] =	vst v63  }
0x3b: {  	_ =	swait.ge [sflag:s30], $0x2000  }
0x3c: {  	[sflag:s30] =	ssyncset.done $0x0  }
0x3d: {  	s19 =	rddreg [dreg:$0x7];
	[sflag:s30] =	ssyncadd.s32 $0xFFFFE000  }
0x3e: {  	[spmem:s19] =	stream.linear.scatter [tilespmem:s29], [sflag:$0x5], $0x2000, $0x38;
	[tilespmem:$0x18300] =	vst v63  }
0x3f: {  	_ =	swait.ge [sflag:s30], $0x2000  }
0x40: {  	[sflag:s30] =	ssyncset.done $0x0  }
0x41: {  	s20 =	rddreg [dreg:$0x8];
	[sflag:s30] =	ssyncadd.s32 $0xFFFFE000  }
0x42: {  	[spmem:s20] =	stream.linear.scatter [tilespmem:s29], [sflag:$0x5], $0x2000, $0x38;
	[tilespmem:$0x18300] =	vst v63  }
0x43: {  	_ =	swait.ge [sflag:s30], $0x2000  }
0x44: {  	[sflag:s30] =	ssyncset.done $0x0  }
0x45: {  	s21 =	rddreg [dreg:$0x9];
	[sflag:s30] =	ssyncadd.s32 $0xFFFFE000  }
0x46: {  	[spmem:s21] =	stream.linear.scatter [tilespmem:s29], [sflag:$0x5], $0x2000, $0x38;
	[tilespmem:$0x18300] =	vst v63  }
0x47: {  	_ =	swait.ge [sflag:s30], $0x2000  }
0x48: {  	[sflag:s30] =	ssyncset.done $0x0  }
0x49: {  	s22 =	rddreg [dreg:$0xa];
	[sflag:s30] =	ssyncadd.s32 $0xFFFFE000  }
0x4a: {  	[spmem:s22] =	stream.linear.scatter [tilespmem:s29], [sflag:$0x5], $0x2000, $0x38;
	[tilespmem:$0x18300] =	vst v63  }
0x4b: {  	_ =	swait.ge [sflag:s30], $0x2000  }
0x4c: {  	[sflag:s30] =	ssyncset.done $0x0  }
0x4d: {  	s23 =	rddreg [dreg:$0xb];
	[sflag:s30] =	ssyncadd.s32 $0xFFFFE000  }
0x4e: {  	[spmem:s23] =	stream.linear.scatter [tilespmem:s29], [sflag:$0x5], $0x2000, $0x38;
	[tilespmem:$0x18300] =	vst v63  }
0x4f: {  	_ =	swait.ge [sflag:s30], $0x2000  }
0x50: {  	[sflag:s30] =	ssyncset.done $0x0  }
0x51: {  	s18 =	rddreg [dreg:$0xc];
	[sflag:s30] =	ssyncadd.s32 $0xFFFFE000  }
0x52: {  	[spmem:s18] =	stream.linear.scatter [tilespmem:s29], [sflag:$0x5], $0x2000, $0x38;
	[tilespmem:$0x18300] =	vst v63  }
0x53: {  	_ =	swait.ge [sflag:s30], $0x2000  }
0x54: {  	[sflag:s30] =	ssyncset.done $0x0  }
0x55: {  	[sflag:s30] =	ssyncadd.s32 $0xFFFFE000  }
0x56: {  	[bflag:$0x0] =	sbarrier.arrive $0xFFFF  }
0x57: {  	s17 =	simm.s32 $0x0;
	s18 =	rddreg [dreg:$0xd]  }
0x58: {  	[tilespmem:s17], [sflag:$0x1] =	stream.linear.gather [hbm4b:s18+s17], $0x80, $0x38;
	[tilespmem:$0x18300] =	vst v63  }
0x59: {  	s19 =	rddreg [dreg:$0xe]  }
0x5a: {  	[tilespmem:s31], [sflag:$0x1] =	stream.linear.gather [hbm4b:s19+s17], $0x80, $0x38;
	[tilespmem:$0x18300] =	vst v63  }
0x5b: {  	s20 =	rddreg [dreg:$0xf]  }
0x5c: {  	[tilespmem:s0], [sflag:$0x1] =	stream.linear.gather [hbm4b:s20+s17], $0x80, $0x38;
	[tilespmem:$0x18300] =	vst v63  }
0x5d: {  	_ =	swait.ge [sflag:s2], $0x80  }
0x5e: {  	[sflag:s2] =	ssyncset.done $0x0  }
0x5f: {  	[sflag:s2] =	ssyncadd.s32 $0xFFFFFF80  }
0x60: {  	_ =	swait.ge [sflag:s2], $0x80  }
0x61: {  	[sflag:s2] =	ssyncset.done $0x0  }
0x62: {  	[sflag:s2] =	ssyncadd.s32 $0xFFFFFF80  }
0x63: {  	_ =	swait.ge [sflag:s2], $0x80  }
0x64: {  	[sflag:s2] =	ssyncset.done $0x0  }
0x65: {  	[sflag:s2] =	ssyncadd.s32 $0xFFFFFF80  }
0x66: {  	[tilespmem:s29], [sflag:$0x3] =	stream.indirect.gather [hbm4b:s5+s9], $0x40, s17, s9, $0xb8;
	[tilespmem:$0x18300] =	vst v63  }
0x67: {  	s21 =	rddreg [dreg:$0x10]  }
0x68: {  	[tilespmem:s9], [sflag:$0x2] =	stream.linear.gather [hbm4b:s21+s17], $0x80, $0x38;
	[tilespmem:$0x18300] =	vst v63  }
0x69: {  	s22 =	rddreg [dreg:$0x11]  }
0x6a: {  	[tilespmem:s10], [sflag:$0x2] =	stream.linear.gather [hbm4b:s22+s17], $0x80, $0x38;
	[tilespmem:$0x18300] =	vst v63  }
0x6b: {  	s18 =	simm.s32 $0x0;
	s23 =	rddreg [dreg:$0x12]  }
0x6c: {  	[tilespmem:s11], [sflag:$0x2] =	stream.linear.gather [hbm4b:s23+s17], $0x80, $0x38;
	[tilespmem:$0x18300] =	vst v63  }
.LBB2_4:
0x6d: {  	_ =	swait.ge [sflag:s12], $0x80;
	s19 =	simm.s32 $0x1  }
0x6e: {  	v2 =	vmov s17;
	s20 =	simm.s32 $0x2;
	s23 =	simm.s32 $0x3;
	[sflag:s12] =	ssyncset.done $0x0  }
0x6f: {  	s21 =	simm.s32 $0x4;
	s22 =	simm.s32 $0x5;
	v2 =	vshrl.u32 v2, $0x3;
	v3 =	vmov s19;
	v4 =	vmov s20;
	[sflag:s12] =	ssyncadd.s32 $0xFFFFFF80  }
0x70: {  	v5 =	vmov s23;
	v6 =	vmov s21;
	s23 =	simm.s32 $0x6;
	v7 =	vmov s22;
	_ =	swait.ge [sflag:s12], $0x80  }
0x71: {  	v8 =	vmov s23;
	v2 =	vshll.u32 v2, v1;
	v3 =	vshrl.u32 v3, $0x3;
	[sflag:s12] =	ssyncset.done $0x0  }
0x72: {  	s20 =	simm.s32 $0x7;
	v4 =	vshrl.u32 v4, $0x3;
	v5 =	vshrl.u32 v5, $0x3;
	v6 =	vshrl.u32 v6, $0x3;
	[sflag:s12] =	ssyncadd.s32 $0xFFFFFF80  }
0x73: {  	v7 =	vshrl.u32 v7, $0x3;
	v9 =	vmov s20;
	v3 =	vshll.u32 v3, v1;
	_ =	swait.ge [sflag:s12], $0x80  }
0x74: {  	v2 =	vbroadcast v2, $0x0;
	v4 =	vshll.u32 v4, v1;
	v3 =	vadd.s32 $0x1, v3;
	[sflag:s12] =	ssyncset.done $0x0  }
0x75: {  	v5 =	vshll.u32 v5, v1;
	v4 =	vadd.s32 $0x2, v4;
	v3 =	vbroadcast v3, $0x0;
	[sflag:s12] =	ssyncadd.s32 $0xFFFFFF80  }
0x76: {  	v6 =	vshll.u32 v6, v1;
	v5 =	vadd.s32 $0x3, v5;
	v4 =	vbroadcast v4, $0x0;
	[tilespmem:s13], [sflag:$0x4] =	stream.indirect.gather [hbm4b:s5+s9], $0x40, s9, s9, $0xb8;
	[tilespmem:$0x18300] =	vst v63  }
0x77: {  	v7 =	vshll.u32 v7, v1;
	v6 =	vadd.s32 $0x4, v6;
	v5 =	vbroadcast v5, $0x0;
	_ =	swait.ge [sflag:s14], $0x2000  }
0x78: {  	v8 =	vshrl.u32 v8, $0x3;
	v7 =	vadd.s32 $0x5, v7;
	v6 =	vbroadcast v6, $0x0;
	[sflag:s14] =	ssyncset.done $0x0  }
0x79: {  	v9 =	vshrl.u32 v9, $0x3;
	v8 =	vshll.u32 v8, v1;
	v7 =	vbroadcast v7, $0x0;
	[sflag:s14] =	ssyncadd.s32 $0xFFFFE000  }
0x7a: {  	v9 =	vshll.u32 v9, v1;
	v8 =	vadd.s32 $0x6, v8;
	v10 =	vld.idx.msk [tilespmem:v2+s0+$0x0], $0xffff  }
0x7b: {  	v2 =	vbroadcast v8, $0x0;
	v8 =	vadd.s32 $0x7, v9;
	v9 =	vld.idx.msk [tilespmem:v3+s0+$0x0], $0xffff  }
0x7c: {  	v11 =	vld.idx.msk [tilespmem:v4+s0+$0x0], $0xffff  }
0x7d: {  	v5 =	vld.idx.msk [tilespmem:v5+s0+$0x0], $0xffff;
	v8 =	vbroadcast v8, $0x0  }
0x7e: {  	v12 =	vld.idx.msk [tilespmem:v6+s0+$0x0], $0xffff  }
0x7f: {  	s19 =	simm.s32 $0x400;
	v4 =	vld.idx.msk [tilespmem:v7+s0+$0x0], $0xffff  }
0x80: {  	v6 =	vld [tilespmem:s19+$0xF0]  }
0x81: {  	v7 =	vld [tilespmem:s19+$0xFFFFFF00]  }
0x82: {  	v3 =	vld.idx.msk [tilespmem:v2+s0+$0x0], $0xffff  }
0x83: {  	v2 =	vld.idx.msk [tilespmem:v8+s0+$0x0], $0xffff  }
0x84: {  	v8 =	vld [tilespmem:s19+$0xFFFFFF10]  }
0x85: {  	v13 =	vld [tilespmem:s19+$0xFFFFFF20]  }
0x86: {  	v14 =	vld [tilespmem:s19+$0xFFFFFF30]  }
0x87: {  	v15 =	vld [tilespmem:s19+$0xFFFFFF40];
	v7 =	vmul.f32 v7, v10  }
0x88: {  	v16 =	vld [tilespmem:s19+$0xFFFFFF50];
	v6 =	vmul.f32 v6, v2  }
0x89: {  	[tilespmem:s19+$0xFFFFFF00] =	vst v7;
	v7 =	vld [tilespmem:s19+$0xFFFFFF70];
	v8 =	vmul.f32 v8, v10  }
0x8a: {  	v17 =	vld [tilespmem:s19+$0xFFFFFF60];
	[tilespmem:s19+$0xF0] =	vst v6;
	v6 =	vmul.f32 v13, v10  }
0x8b: {  	[tilespmem:s19+$0xFFFFFF10] =	vst v8;
	v8 =	vmul.f32 v14, v10;
	v13 =	vld [tilespmem:s19+$0xFFFFFF90]  }
0x8c: {  	v10 =	vld [tilespmem:s19+$0xFFFFFF80];
	[tilespmem:s19+$0xFFFFFF20] =	vst v6;
	v6 =	vmul.f32 v15, v9  }
0x8d: {  	v14 =	vld [tilespmem:s19+$0xFFFFFFA0];
	[tilespmem:s19+$0xFFFFFF30] =	vst v8;
	v8 =	vmul.f32 v16, v9  }
0x8e: {  	v7 =	vmul.f32 v7, v9;
	v15 =	vld [tilespmem:s19+$0xFFFFFFB0];
	[tilespmem:s19+$0xFFFFFF40] =	vst v6  }
0x8f: {  	v6 =	vmul.f32 v17, v9;
	[tilespmem:s19+$0xFFFFFF50] =	vst v8;
	v8 =	vld [tilespmem:s19+$0xFFFFFFC0]  }
0x90: {  	s21 =	simm.s32 $0x8;
	[tilespmem:s19+$0xFFFFFF70] =	vst v7;
	v7 =	vmul.f32 v13, v11;
	v13 =	vld [tilespmem:s19+$0xFFFFFFE0]  }
0x91: {  	s22 =	simm.s32 $0x9;
	s23 =	simm.s32 $0xA;
	v16 =	vmov s21;
	[tilespmem:s19+$0xFFFFFF60] =	vst v6;
	v6 =	vmul.f32 v10, v11;
	v10 =	vld [tilespmem:s19+$0xFFFFFFD0]  }
0x92: {  	v9 =	vshrl.u32 v16, $0x3;
	v16 =	vmov s22;
	v17 =	vmov s23;
	s22 =	simm.s32 $0xB;
	s23 =	simm.s32 $0xC  }
0x93: {  	v18 =	vmov s22;
	v19 =	vmov s23;
	s22 =	simm.s32 $0xD;
	[tilespmem:s19+$0xFFFFFF80] =	vst v6;
	v6 =	vmul.f32 v14, v11;
	v14 =	vld [tilespmem:s19+$0xFFFFFFF0]  }
0x94: {  	s23 =	simm.s32 $0xE;
	v9 =	vshll.u32 v9, v1;
	v20 =	vmov s22;
	[tilespmem:s19+$0xFFFFFF90] =	vst v7;
	v7 =	vmul.f32 v15, v11;
	v11 =	vld [tilespmem:s19+$0x0]  }
0x95: {  	v21 =	vmov s23;
	v15 =	vshrl.u32 v16, $0x3;
	[tilespmem:s19+$0xFFFFFFA0] =	vst v6;
	v6 =	vmul.f32 v8, v5;
	v8 =	vld [tilespmem:s19+$0x10]  }
0x96: {  	v16 =	vshrl.u32 v17, $0x3;
	[tilespmem:s19+$0xFFFFFFB0] =	vst v7;
	v13 =	vmul.f32 v13, v5;
	v7 =	vmul.f32 v10, v5;
	v10 =	vld [tilespmem:s19+$0x20]  }
0x97: {  	v17 =	vshrl.u32 v18, $0x3;
	v18 =	vshrl.u32 v19, $0x3;
	v19 =	vshrl.u32 v20, $0x3;
	v20 =	vld [tilespmem:s19+$0x30];
	[tilespmem:s19+$0xFFFFFFC0] =	vst v6  }
0x98: {  	v15 =	vshll.u32 v15, v1;
	v16 =	vshll.u32 v16, v1;
	[tilespmem:s19+$0xFFFFFFE0] =	vst v13;
	v5 =	vmul.f32 v14, v5;
	v14 =	vld [tilespmem:s19+$0x40]  }
0x99: {  	v18 =	vshll.u32 v18, v1;
	v19 =	vshll.u32 v19, v1;
	[tilespmem:s19+$0xFFFFFFD0] =	vst v7;
	v7 =	vmul.f32 v11, v12;
	v11 =	vld [tilespmem:s19+$0x50]  }
0x9a: {  	v63 =	vld [tilespmem:s19+$0x60];
	v6 =	vbroadcast v9, $0x0;
	v9 =	vshrl.u32 v21, $0x3;
	[tilespmem:s19+$0xFFFFFFF0] =	vst v5;
	v5 =	vmul.f32 v8, v12  }
0x9b: {  	v13 =	vshll.u32 v17, v1;
	v22 =	vshll.u32 v9, v1;
	[tilespmem:s19+$0x0] =	vst v7;
	v7 =	vld [tilespmem:s19+$0x70];
	v8 =	vmul.f32 v10, v12  }
0x9c: {  	v9 =	vadd.s32 $0x1, v15;
	v15 =	vadd.s32 $0x2, v16;
	v12 =	vmul.f32 v20, v12;
	[tilespmem:s19+$0x10] =	vst v5;
	v5 =	vld [tilespmem:s19+$0x80]  }
0x9d: {  	v17 =	vadd.s32 $0x3, v13;
	v13 =	vadd.s32 $0x4, v18;
	[tilespmem:s19+$0x20] =	vst v8;
	v18 =	vmul.f32 v14, v4;
	v8 =	vld [tilespmem:s19+$0x90]  }
0x9e: {  	v10 =	vbroadcast v9, $0x0;
	v9 =	vld [tilespmem:s19+$0xA0];
	v14 =	vadd.s32 $0x5, v19;
	[tilespmem:s19+$0x30] =	vst v12;
	v16 =	vmul.f32 v11, v4  }
0x9f: {  	s20 =	simm.s32 $0x10;
	s21 =	simm.s32 $0xF;
	v12 =	vbroadcast v15, $0x0;
	v15 =	vadd.s32 $0x6, v22;
	v11 =	vld [tilespmem:s19+$0xB0];
	[tilespmem:s19+$0x40] =	vst v18;
	v18 =	vmul.f32 v63, v4  }
.LBB2_5:
0xa0: {  	p0 =	slt.u32 s20, $0x78;
	v17 =	vbroadcast v17, $0x0;
	v19 =	vmov s21;
	[tilespmem:s19+$0x50] =	vst v16;
	v4 =	vmul.f32 v7, v4;
	v7 =	vld [tilespmem:s19+$0xC0]  }
0xa1: {  	v13 =	vbroadcast v13, $0x0;
	v16 =	vshrl.u32 v19, $0x3;
	[tilespmem:s19+$0x60] =	vst v18;
	v5 =	vmul.f32 v5, v3;
	v18 =	vld [tilespmem:s19+$0xD0]  }
0xa2: {  	v14 =	vbroadcast v14, $0x0;
	v16 =	vshll.u32 v16, v1;
	[tilespmem:s19+$0x70] =	vst v4;
	v4 =	vmul.f32 v8, v3;
	v8 =	vld [tilespmem:s19+$0xE0]  }
0xa3: {  	v15 =	vbroadcast v15, $0x0;
	v6 =	vld.idx.msk [tilespmem:v6+s0+$0x0], $0xffff;
	v16 =	vadd.s32 $0x7, v16;
	[tilespmem:s19+$0x80] =	vst v5;
	v5 =	vmul.f32 v9, v3  }
0xa4: {  	v9 =	vld.idx.msk [tilespmem:v10+s0+$0x0], $0xffff;
	v10 =	vbroadcast v16, $0x0;
	[tilespmem:s19+$0x90] =	vst v4;
	v3 =	vmul.f32 v11, v3  }
0xa5: {  	v11 =	vld.idx.msk [tilespmem:v12+s0+$0x0], $0xffff;
	[tilespmem:s19+$0xA0] =	vst v5;
	v4 =	vmul.f32 v7, v2  }
0xa6: {  	v7 =	vld.idx.msk [tilespmem:v17+s0+$0x0], $0xffff;
	[tilespmem:s19+$0xB0] =	vst v3;
	v3 =	vmul.f32 v18, v2  }
0xa7: {  	v5 =	vld.idx.msk [tilespmem:v13+s0+$0x0], $0xffff;
	[tilespmem:s19+$0xC0] =	vst v4;
	v2 =	vmul.f32 v8, v2  }
0xa8: {  	v4 =	vld.idx.msk [tilespmem:v14+s0+$0x0], $0xffff;
	[tilespmem:s19+$0xD0] =	vst v3  }
0xa9: {  	v3 =	vld.idx.msk [tilespmem:v15+s0+$0x0], $0xffff;
	[tilespmem:s19+$0xE0] =	vst v2  }
0xaa: {  	s19 =	sadd.s32 $0x200, s19;
	v2 =	vld.idx.msk [tilespmem:v10+s0+$0x0], $0xffff  }
0xab: {  	v8 =	vld [tilespmem:s19+$0xF0]  }
0xac: {  	v10 =	vld [tilespmem:s19+$0xFFFFFF00]  }
0xad: {  	v12 =	vld [tilespmem:s19+$0xFFFFFF10]  }
0xae: {  	v13 =	vld [tilespmem:s19+$0xFFFFFF20]  }
0xaf: {  	v14 =	vld [tilespmem:s19+$0xFFFFFF30]  }
0xb0: {  	v15 =	vld [tilespmem:s19+$0xFFFFFF40];
	v8 =	vmul.f32 v8, v2  }
0xb1: {  	v10 =	vmul.f32 v10, v6;
	v16 =	vld [tilespmem:s19+$0xFFFFFF50]  }
0xb2: {  	v12 =	vmul.f32 v12, v6;
	v17 =	vld [tilespmem:s19+$0xFFFFFF60];
	[tilespmem:s19+$0xF0] =	vst v8  }
0xb3: {  	[tilespmem:s19+$0xFFFFFF00] =	vst v10;
	v8 =	vmul.f32 v13, v6;
	v10 =	vld [tilespmem:s19+$0xFFFFFF70]  }
0xb4: {  	[tilespmem:s19+$0xFFFFFF10] =	vst v12;
	v6 =	vmul.f32 v14, v6;
	v12 =	vld [tilespmem:s19+$0xFFFFFF80]  }
0xb5: {  	[tilespmem:s19+$0xFFFFFF20] =	vst v8;
	v8 =	vmul.f32 v15, v9;
	v13 =	vld [tilespmem:s19+$0xFFFFFF90]  }
0xb6: {  	[tilespmem:s19+$0xFFFFFF30] =	vst v6;
	v6 =	vmul.f32 v16, v9;
	v14 =	vld [tilespmem:s19+$0xFFFFFFA0]  }
0xb7: {  	[tilespmem:s19+$0xFFFFFF40] =	vst v8;
	v8 =	vmul.f32 v17, v9;
	v15 =	vld [tilespmem:s19+$0xFFFFFFB0]  }
0xb8: {  	v16 =	vmov s20;
	[tilespmem:s19+$0xFFFFFF50] =	vst v6;
	v6 =	vmul.f32 v10, v9;
	v9 =	vld [tilespmem:s19+$0xFFFFFFC0]  }
0xb9: {  	s21 =	sadd.s32 $0x1, s20;
	s22 =	sadd.s32 $0x2, s20;
	v10 =	vshrl.u32 v16, $0x3;
	[tilespmem:s19+$0xFFFFFF60] =	vst v8;
	v8 =	vmul.f32 v12, v11;
	v12 =	vld [tilespmem:s19+$0xFFFFFFD0]  }
0xba: {  	v17 =	vmov s22;
	s22 =	sadd.s32 $0x4, s20;
	v16 =	vmov s21;
	s21 =	sadd.s32 $0x3, s20;
	[tilespmem:s19+$0xFFFFFF70] =	vst v6;
	v6 =	vmul.f32 v13, v11;
	v13 =	vld [tilespmem:s19+$0xFFFFFFE0]  }
0xbb: {  	v19 =	vmov s22;
	s22 =	sadd.s32 $0x6, s20;
	v18 =	vmov s21;
	s21 =	sadd.s32 $0x5, s20;
	[tilespmem:s19+$0xFFFFFF80] =	vst v8;
	v8 =	vmul.f32 v14, v11;
	v14 =	vld [tilespmem:s19+$0xFFFFFFF0]  }
0xbc: {  	v21 =	vmov s22;
	v20 =	vmov s21;
	[tilespmem:s19+$0xFFFFFF90] =	vst v6;
	v6 =	vmul.f32 v15, v11;
	v11 =	vld [tilespmem:s19+$0x0]  }
0xbd: {  	v10 =	vshll.u32 v10, v1;
	v15 =	vshrl.u32 v16, $0x3;
	[tilespmem:s19+$0xFFFFFFA0] =	vst v8;
	v8 =	vmul.f32 v9, v7;
	v9 =	vld [tilespmem:s19+$0x10]  }
0xbe: {  	v16 =	vshrl.u32 v17, $0x3;
	v17 =	vshrl.u32 v18, $0x3;
	[tilespmem:s19+$0xFFFFFFB0] =	vst v6;
	v12 =	vmul.f32 v12, v7;
	v18 =	vld [tilespmem:s19+$0x20]  }
0xbf: {  	v19 =	vshrl.u32 v19, $0x3;
	v20 =	vshrl.u32 v20, $0x3;
	[tilespmem:s19+$0xFFFFFFC0] =	vst v8;
	v8 =	vmul.f32 v13, v7;
	v13 =	vld [tilespmem:s19+$0x30]  }
0xc0: {  	v6 =	vbroadcast v10, $0x0;
	v10 =	vshrl.u32 v21, $0x3;
	[tilespmem:s19+$0xFFFFFFD0] =	vst v12;
	v7 =	vmul.f32 v14, v7;
	v12 =	vld [tilespmem:s19+$0x40]  }
0xc1: {  	v14 =	vshll.u32 v15, v1;
	v15 =	vshll.u32 v16, v1;
	[tilespmem:s19+$0xFFFFFFE0] =	vst v8;
	v8 =	vmul.f32 v11, v5;
	v11 =	vld [tilespmem:s19+$0x50]  }
0xc2: {  	v19 =	vshll.u32 v19, v1;
	v16 =	vshll.u32 v17, v1;
	[tilespmem:s19+$0xFFFFFFF0] =	vst v7;
	v9 =	vmul.f32 v9, v5;
	v21 =	vld [tilespmem:s19+$0x60]  }
.Ltmp3:
0xc3: {  	v20 =	vshll.u32 v20, v1;
	v22 =	vshll.u32 v10, v1;
	[tilespmem:s19+$0x0] =	vst v8;
	v8 =	vmul.f32 v18, v5;
	v7 =	vld [tilespmem:s19+$0x70];
	(pc) =	sbr.rel @p0 .LBB2_5-.Ltmp3, $4  }
0xc4: {  	v10 =	vadd.s32 $0x1, v14;
	v15 =	vadd.s32 $0x2, v15;
	[tilespmem:s19+$0x10] =	vst v9;
	v9 =	vmul.f32 v13, v5;
	v5 =	vld [tilespmem:s19+$0x80]  }
0xc5: {  	v17 =	vadd.s32 $0x3, v16;
	v13 =	vadd.s32 $0x4, v19;
	[tilespmem:s19+$0x20] =	vst v8;
	v18 =	vmul.f32 v12, v4;
	v8 =	vld [tilespmem:s19+$0x90]  }
0xc6: {  	v14 =	vadd.s32 $0x5, v20;
	v10 =	vbroadcast v10, $0x0;
	[tilespmem:s19+$0x30] =	vst v9;
	v16 =	vmul.f32 v11, v4;
	v9 =	vld [tilespmem:s19+$0xA0]  }
0xc7: {  	s21 =	sadd.s32 $0x7, s20;
	s20 =	sadd.s32 $0x8, s20;
	v12 =	vbroadcast v15, $0x0;
	v15 =	vadd.s32 $0x6, v22;
	[tilespmem:s19+$0x40] =	vst v18;
	v18 =	vmul.f32 v21, v4;
	v11 =	vld [tilespmem:s19+$0xB0]  }
0xc8: {  	_ = 	snop  }
0xc9: {  	v20 =	vld [tilespmem:s19+$0xC0]  }
0xca: {  	v21 =	vld [tilespmem:s19+$0xD0]  }
0xcb: {  	v19 =	vmov s21;
	v22 =	vld [tilespmem:s19+$0xE0]  }
0xcc: {  	v6 =	vld.idx.msk [tilespmem:v6+s0+$0x0], $0xffff;
	v19 =	vshrl.u32 v19, $0x3  }
0xcd: {  	v17 =	vbroadcast v17, $0x0;
	v10 =	vld.idx.msk [tilespmem:v10+s0+$0x0], $0xffff;
	v4 =	vmul.f32 v7, v4;
	v19 =	vshll.u32 v19, v1  }
0xce: {  	v14 =	vbroadcast v14, $0x0;
	[tilespmem:s19+$0x50] =	vst v16;
	s20 =	sadd.s32 $0x200, s19;
	v12 =	vld.idx.msk [tilespmem:v12+s0+$0x0], $0xffff;
	v5 =	vmul.f32 v5, v3;
	v19 =	vadd.s32 $0x7, v19  }
0xcf: {  	v16 =	vld [tilespmem:s20+$0xFFFFFF60];
	[tilespmem:s19+$0x70] =	vst v4;
	v4 =	vmul.f32 v8, v3;
	v19 =	vbroadcast v19, $0x0  }
0xd0: {  	v15 =	vbroadcast v15, $0x0;
	[tilespmem:s19+$0x80] =	vst v5;
	v5 =	vmul.f32 v9, v3;
	v9 =	vld [tilespmem:s20+$0xF0]  }
0xd1: {  	[tilespmem:s19+$0x90] =	vst v4;
	v4 =	vld [tilespmem:s20+$0xFFFFFF00]  }
0xd2: {  	v3 =	vmul.f32 v11, v3;
	v11 =	vld [tilespmem:s20+$0xFFFFFF10]  }
0xd3: {  	v17 =	vld.idx.msk [tilespmem:v17+s0+$0x0], $0xffff  }
0xd4: {  	v7 =	vld.idx.msk [tilespmem:v14+s0+$0x0], $0xffff  }
0xd5: {  	v13 =	vbroadcast v13, $0x0;
	[tilespmem:s19+$0xA0] =	vst v5;
	v5 =	vmul.f32 v20, v2;
	v8 =	vld.idx.msk [tilespmem:v19+s0+$0x0], $0xffff  }
0xd6: {  	v14 =	vld.idx.msk [tilespmem:v15+s0+$0x0], $0xffff;
	[tilespmem:s19+$0xB0] =	vst v3;
	v3 =	vmul.f32 v21, v2  }
0xd7: {  	v15 =	vld [tilespmem:s20+$0xFFFFFF20];
	v2 =	vmul.f32 v22, v2;
	[tilespmem:s19+$0xC0] =	vst v5  }
0xd8: {  	v5 =	vld [tilespmem:s20+$0xFFFFFF30];
	[tilespmem:s19+$0xD0] =	vst v3  }
0xd9: {  	v3 =	vld [tilespmem:s20+$0xFFFFFF40];
	[tilespmem:s19+$0xE0] =	vst v2;
	v2 =	vmul.f32 v4, v6  }
0xda: {  	[tilespmem:s19+$0x60] =	vst v18;
	v4 =	vld [tilespmem:s20+$0xFFFFFF50];
	v9 =	vmul.f32 v9, v8  }
0xdb: {  	v13 =	vld.idx.msk [tilespmem:v13+s0+$0x0], $0xffff;
	v11 =	vmul.f32 v11, v6;
	[tilespmem:s20+$0xFFFFFF00] =	vst v2  }
0xdc: {  	v2 =	vmul.f32 v15, v6;
	[tilespmem:s20+$0xF0] =	vst v9;
	v9 =	vld [tilespmem:s20+$0xFFFFFF70]  }
0xdd: {  	[tilespmem:s20+$0xFFFFFF10] =	vst v11;
	v5 =	vmul.f32 v5, v6;
	v6 =	vld [tilespmem:s20+$0xFFFFFF80]  }
0xde: {  	[tilespmem:s20+$0xFFFFFF20] =	vst v2;
	v2 =	vmul.f32 v3, v10;
	v3 =	vld [tilespmem:s20+$0xFFFFFF90]  }
0xdf: {  	[tilespmem:s20+$0xFFFFFF30] =	vst v5;
	v4 =	vmul.f32 v4, v10;
	v5 =	vld [tilespmem:s20+$0xFFFFFFA0]  }
0xe0: {  	v11 =	vld [tilespmem:s20+$0xFFFFFFB0];
	[tilespmem:s20+$0xFFFFFF40] =	vst v2;
	v2 =	vmul.f32 v16, v10  }
0xe1: {  	[tilespmem:s20+$0xFFFFFF50] =	vst v4;
	v4 =	vmul.f32 v9, v10;
	v9 =	vld [tilespmem:s20+$0xFFFFFFC0]  }
0xe2: {  	[tilespmem:s20+$0xFFFFFF60] =	vst v2;
	v2 =	vmul.f32 v6, v12;
	v6 =	vld [tilespmem:s20+$0xFFFFFFD0]  }
0xe3: {  	v3 =	vmul.f32 v3, v12;
	[tilespmem:s20+$0xFFFFFF70] =	vst v4;
	v4 =	vld [tilespmem:s20+$0xFFFFFFE0]  }
0xe4: {  	[tilespmem:s20+$0xFFFFFF80] =	vst v2;
	v2 =	vmul.f32 v5, v12;
	v5 =	vld [tilespmem:s20+$0xFFFFFFF0]  }
0xe5: {  	[tilespmem:s20+$0xFFFFFF90] =	vst v3;
	v3 =	vmul.f32 v11, v12;
	v10 =	vld [tilespmem:s20+$0x0]  }
0xe6: {  	[tilespmem:s20+$0xFFFFFFA0] =	vst v2;
	v2 =	vmul.f32 v9, v17;
	v9 =	vld [tilespmem:s20+$0x10]  }
0xe7: {  	[tilespmem:s20+$0xFFFFFFB0] =	vst v3;
	v3 =	vmul.f32 v6, v17;
	v6 =	vld [tilespmem:s20+$0x20]  }
0xe8: {  	[tilespmem:s20+$0xFFFFFFC0] =	vst v2;
	v2 =	vmul.f32 v4, v17;
	v4 =	vld [tilespmem:s20+$0x30]  }
0xe9: {  	[tilespmem:s20+$0xFFFFFFD0] =	vst v3;
	v3 =	vmul.f32 v5, v17;
	v5 =	vld [tilespmem:s20+$0x40]  }
0xea: {  	[tilespmem:s20+$0xFFFFFFE0] =	vst v2;
	v2 =	vmul.f32 v10, v13;
	v10 =	vld [tilespmem:s20+$0x50]  }
0xeb: {  	[tilespmem:s20+$0xFFFFFFF0] =	vst v3;
	v3 =	vmul.f32 v9, v13;
	v9 =	vld [tilespmem:s20+$0x60]  }
0xec: {  	[tilespmem:s20+$0x0] =	vst v2;
	v2 =	vmul.f32 v6, v13;
	v6 =	vld [tilespmem:s20+$0x70]  }
0xed: {  	[tilespmem:s20+$0x10] =	vst v3;
	v3 =	vmul.f32 v4, v13;
	v4 =	vld [tilespmem:s20+$0x80]  }
0xee: {  	[tilespmem:s20+$0x20] =	vst v2;
	v2 =	vmul.f32 v5, v7;
	v5 =	vld [tilespmem:s20+$0x90]  }
0xef: {  	[tilespmem:s20+$0x30] =	vst v3;
	v3 =	vmul.f32 v10, v7;
	v10 =	vld [tilespmem:s20+$0xA0]  }
0xf0: {  	[tilespmem:s20+$0x40] =	vst v2;
	v2 =	vmul.f32 v9, v7;
	v9 =	vld [tilespmem:s20+$0xB0]  }
0xf1: {  	[tilespmem:s20+$0x50] =	vst v3;
	v3 =	vmul.f32 v6, v7;
	v6 =	vld [tilespmem:s20+$0xC0]  }
0xf2: {  	[tilespmem:s20+$0x60] =	vst v2;
	v2 =	vmul.f32 v4, v14;
	v4 =	vld [tilespmem:s20+$0xD0]  }
0xf3: {  	[tilespmem:s20+$0x70] =	vst v3;
	v3 =	vmul.f32 v5, v14;
	v5 =	vld [tilespmem:s20+$0xE0]  }
0xf4: {  	[tilespmem:s20+$0x80] =	vst v2;
	v2 =	vmul.f32 v10, v14  }
0xf5: {  	[tilespmem:s20+$0x90] =	vst v3;
	v3 =	vmul.f32 v9, v14  }
0xf6: {  	[tilespmem:s20+$0xA0] =	vst v2;
	v2 =	vmul.f32 v6, v8  }
0xf7: {  	[tilespmem:s20+$0xB0] =	vst v3;
	v3 =	vmul.f32 v4, v8  }
0xf8: {  	[tilespmem:s20+$0xC0] =	vst v2;
	v2 =	vmul.f32 v5, v8  }
0xf9: {  	[tilespmem:s20+$0xD0] =	vst v3  }
0xfa: {  	p0 =	seq.s32 s18, $0x3F;
	s19 =	sshll.u32 s18, $0x8;
	[tilespmem:s20+$0xE0] =	vst v2  }
0xfb: {  	[spmem:s3] =	stream.indirect.scatter.add.f32 [tilespmem:s29], [sflag:$0x5], $0x40, s31, s9, $0xb8;
	[tilespmem:$0x18300] =	vst v63  }
0xfc: {  	s20 =	sadd.s32 @!p0 s19, s24;
	_ =	swait.ge [sflag:s30], $0x2000  }
0xfd: {  	s20 =	sshrl.u32 @!p0 s20, $0x3;
	[sflag:s30] =	ssyncset.done $0x0  }
0xfe: {  	s22 =	simm.s32 @!p0 $0x0;
	s21 =	sadd.s32 @!p0 s1, s20;
	[sflag:s30] =	ssyncadd.s32 $0xFFFFE000  }
0xff: {  	[tilespmem:s22], [sflag:$0x1] =	stream.linear.gather @!p0 [hbm4b:s21+s22], $0x80, $0x38;
	[tilespmem:$0x18300] =	vst v63  }
0x100: {  	s23 =	simm.s32 @!p0 $0x100;
	s21 =	sadd.s32 @!p0 s6, s20  }
0x101: {  	[tilespmem:s23], [sflag:$0x1] =	stream.linear.gather @!p0 [hbm4b:s21+s22], $0x80, $0x38;
	[tilespmem:$0x18300] =	vst v63  }
0x102: {  	s20 =	sadd.s32 @!p0 s7, s20;
	s21 =	simm.s32 @!p0 $0x200  }
0x103: {  	[tilespmem:s21], [sflag:$0x1] =	stream.linear.gather @!p0 [hbm4b:s20+s22], $0x80, $0x38;
	[tilespmem:$0x18300] =	vst v63  }
0x104: {  	v4 =	vmov s26;
	s20 =	simm.s32 @!p0 $0x1  }
0x105: {  	v4 =	vshrl.u32 v4, $0x3;
	_ =	swait.ge @!p0 [sflag:s20], $0x80  }
0x106: {  	v4 =	vshll.u32 v4, v1;
	s23 =	simm.s32 $0x1;
	[sflag:s20] =	ssyncset.done @!p0 $0x0  }
0x107: {  	v4 =	vadd.s32 $0x2, v4;
	v3 =	vmov s23;
	s23 =	simm.s32 $0x4;
	[sflag:s20] =	ssyncadd.s32 @!p0 $0xFFFFFF80  }
0x108: {  	v4 =	vbroadcast v4, $0x0;
	s21 =	simm.s32 $0x0;
	v6 =	vmov s23;
	s23 =	simm.s32 $0x6;
	_ =	swait.ge @!p0 [sflag:s20], $0x80  }
0x109: {  	v3 =	vshrl.u32 v3, $0x3;
	v2 =	vmov s21;
	v8 =	vmov s23;
	[sflag:s20] =	ssyncset.done @!p0 $0x0  }
0x10a: {  	s21 =	simm.s32 $0x3;
	v6 =	vshrl.u32 v6, $0x3;
	v3 =	vshll.u32 v3, v1;
	v2 =	vshrl.u32 v2, $0x3;
	[sflag:s20] =	ssyncadd.s32 @!p0 $0xFFFFFF80  }
0x10b: {  	v5 =	vmov s21;
	v8 =	vshrl.u32 v8, $0x3;
	v2 =	vshll.u32 v2, v1;
	_ =	swait.ge @!p0 [sflag:s20], $0x80  }
0x10c: {  	s21 =	simm.s32 $0x5;
	v3 =	vadd.s32 $0x1, v3;
	v5 =	vshrl.u32 v5, $0x3;
	v2 =	vbroadcast v2, $0x0;
	[sflag:s20] =	ssyncset.done @!p0 $0x0  }
0x10d: {  	v7 =	vmov s21;
	s21 =	simm.s32 @!p0 $0x300;
	v3 =	vbroadcast v3, $0x0;
	v5 =	vshll.u32 v5, v1;
	[sflag:s20] =	ssyncadd.s32 @!p0 $0xFFFFFF80;
	s20 =	simm.s32 @!p0 $0x80  }
0x10e: {  	v6 =	vshll.u32 v6, v1;
	v7 =	vshrl.u32 v7, $0x3;
	v5 =	vadd.s32 $0x3, v5;
	[tilespmem:s21], [sflag:$0x3] =	stream.indirect.gather @!p0 [hbm4b:s5+s20], $0x40, s22, s20, $0xb8;
	[tilespmem:$0x18300] =	vst v63  }
0x10f: {  	v6 =	vadd.s32 $0x4, v6;
	v7 =	vshll.u32 v7, v1;
	v5 =	vbroadcast v5, $0x0;
	s22 =	simm.s32 $0x7;
	_ =	swait.ge [sflag:s15], $0x2000  }
0x110: {  	v6 =	vbroadcast v6, $0x0;
	v7 =	vadd.s32 $0x5, v7;
	v9 =	vmov s22;
	[sflag:s15] =	ssyncset.done $0x0  }
0x111: {  	v8 =	vshll.u32 v8, v1;
	v7 =	vbroadcast v7, $0x0;
	v9 =	vshrl.u32 v9, $0x3;
	[sflag:s15] =	ssyncadd.s32 $0xFFFFE000  }
0x112: {  	v8 =	vadd.s32 $0x6, v8;
	v9 =	vshll.u32 v9, v1;
	v10 =	vld.idx.msk [tilespmem:v2+s11+$0x0], $0xffff  }
0x113: {  	v2 =	vbroadcast v8, $0x0;
	v8 =	vadd.s32 $0x7, v9;
	v9 =	vld.idx.msk [tilespmem:v3+s11+$0x0], $0xffff  }
0x114: {  	v11 =	vld.idx.msk [tilespmem:v4+s11+$0x0], $0xffff  }
0x115: {  	v5 =	vld.idx.msk [tilespmem:v5+s11+$0x0], $0xffff;
	v8 =	vbroadcast v8, $0x0  }
0x116: {  	v12 =	vld.idx.msk [tilespmem:v6+s11+$0x0], $0xffff  }
0x117: {  	s20 =	simm.s32 $0x2400;
	v4 =	vld.idx.msk [tilespmem:v7+s11+$0x0], $0xffff  }
0x118: {  	v6 =	vld [tilespmem:s20+$0xF0]  }
0x119: {  	v7 =	vld [tilespmem:s20+$0xFFFFFF00]  }
0x11a: {  	v3 =	vld.idx.msk [tilespmem:v2+s11+$0x0], $0xffff  }
0x11b: {  	v2 =	vld.idx.msk [tilespmem:v8+s11+$0x0], $0xffff  }
0x11c: {  	v8 =	vld [tilespmem:s20+$0xFFFFFF10]  }
0x11d: {  	v13 =	vld [tilespmem:s20+$0xFFFFFF20]  }
0x11e: {  	v14 =	vld [tilespmem:s20+$0xFFFFFF30]  }
0x11f: {  	v15 =	vld [tilespmem:s20+$0xFFFFFF40];
	v7 =	vmul.f32 v7, v10  }
0x120: {  	v16 =	vld [tilespmem:s20+$0xFFFFFF50];
	v6 =	vmul.f32 v6, v2  }
0x121: {  	[tilespmem:s20+$0xFFFFFF00] =	vst v7;
	v7 =	vld [tilespmem:s20+$0xFFFFFF70];
	v8 =	vmul.f32 v8, v10  }
0x122: {  	v17 =	vld [tilespmem:s20+$0xFFFFFF60];
	[tilespmem:s20+$0xF0] =	vst v6;
	v6 =	vmul.f32 v13, v10  }
0x123: {  	[tilespmem:s20+$0xFFFFFF10] =	vst v8;
	v8 =	vmul.f32 v14, v10;
	v13 =	vld [tilespmem:s20+$0xFFFFFF90]  }
0x124: {  	v10 =	vld [tilespmem:s20+$0xFFFFFF80];
	[tilespmem:s20+$0xFFFFFF20] =	vst v6;
	v6 =	vmul.f32 v15, v9  }
0x125: {  	v14 =	vld [tilespmem:s20+$0xFFFFFFA0];
	[tilespmem:s20+$0xFFFFFF30] =	vst v8;
	v8 =	vmul.f32 v16, v9  }
0x126: {  	v7 =	vmul.f32 v7, v9;
	v15 =	vld [tilespmem:s20+$0xFFFFFFB0];
	[tilespmem:s20+$0xFFFFFF40] =	vst v6  }
0x127: {  	v6 =	vmul.f32 v17, v9;
	[tilespmem:s20+$0xFFFFFF50] =	vst v8;
	v8 =	vld [tilespmem:s20+$0xFFFFFFC0]  }
0x128: {  	s23 =	simm.s32 $0x8;
	[tilespmem:s20+$0xFFFFFF70] =	vst v7;
	v7 =	vmul.f32 v13, v11;
	v13 =	vld [tilespmem:s20+$0xFFFFFFE0]  }
0x129: {  	s22 =	simm.s32 $0x9;
	v16 =	vmov s23;
	s23 =	simm.s32 $0xA;
	[tilespmem:s20+$0xFFFFFF60] =	vst v6;
	v6 =	vmul.f32 v10, v11;
	v10 =	vld [tilespmem:s20+$0xFFFFFFD0]  }
0x12a: {  	v9 =	vshrl.u32 v16, $0x3;
	v16 =	vmov s22;
	v17 =	vmov s23;
	s22 =	simm.s32 $0xB;
	s23 =	simm.s32 $0xC  }
0x12b: {  	v18 =	vmov s22;
	v19 =	vmov s23;
	s22 =	simm.s32 $0xD;
	[tilespmem:s20+$0xFFFFFF80] =	vst v6;
	v6 =	vmul.f32 v14, v11;
	v14 =	vld [tilespmem:s20+$0xFFFFFFF0]  }
0x12c: {  	s23 =	simm.s32 $0xE;
	v9 =	vshll.u32 v9, v1;
	v20 =	vmov s22;
	[tilespmem:s20+$0xFFFFFF90] =	vst v7;
	v7 =	vmul.f32 v15, v11;
	v11 =	vld [tilespmem:s20+$0x0]  }
0x12d: {  	v61 =	vmov s23;
	v15 =	vshrl.u32 v16, $0x3;
	[tilespmem:s20+$0xFFFFFFA0] =	vst v6;
	v6 =	vmul.f32 v8, v5;
	v8 =	vld [tilespmem:s20+$0x10]  }
0x12e: {  	v16 =	vshrl.u32 v17, $0x3;
	[tilespmem:s20+$0xFFFFFFB0] =	vst v7;
	v13 =	vmul.f32 v13, v5;
	v7 =	vmul.f32 v10, v5;
	v10 =	vld [tilespmem:s20+$0x20]  }
0x12f: {  	v17 =	vshrl.u32 v18, $0x3;
	v18 =	vshrl.u32 v19, $0x3;
	v19 =	vshrl.u32 v20, $0x3;
	v20 =	vld [tilespmem:s20+$0x30];
	[tilespmem:s20+$0xFFFFFFC0] =	vst v6  }
0x130: {  	v15 =	vshll.u32 v15, v1;
	v16 =	vshll.u32 v16, v1;
	[tilespmem:s20+$0xFFFFFFE0] =	vst v13;
	v5 =	vmul.f32 v14, v5;
	v14 =	vld [tilespmem:s20+$0x40]  }
0x131: {  	v18 =	vshll.u32 v18, v1;
	v19 =	vshll.u32 v19, v1;
	[tilespmem:s20+$0xFFFFFFD0] =	vst v7;
	v7 =	vmul.f32 v11, v12;
	v11 =	vld [tilespmem:s20+$0x50]  }
0x132: {  	v62 =	vld [tilespmem:s20+$0x60];
	v6 =	vbroadcast v9, $0x0;
	v9 =	vshrl.u32 v61, $0x3;
	[tilespmem:s20+$0xFFFFFFF0] =	vst v5;
	v5 =	vmul.f32 v8, v12  }
0x133: {  	v13 =	vshll.u32 v17, v1;
	v63 =	vshll.u32 v9, v1;
	[tilespmem:s20+$0x0] =	vst v7;
	v7 =	vld [tilespmem:s20+$0x70];
	v8 =	vmul.f32 v10, v12  }
0x134: {  	v9 =	vadd.s32 $0x1, v15;
	v15 =	vadd.s32 $0x2, v16;
	v12 =	vmul.f32 v20, v12;
	[tilespmem:s20+$0x10] =	vst v5;
	v5 =	vld [tilespmem:s20+$0x80]  }
0x135: {  	v17 =	vadd.s32 $0x3, v13;
	v13 =	vadd.s32 $0x4, v18;
	[tilespmem:s20+$0x20] =	vst v8;
	v18 =	vmul.f32 v14, v4;
	v8 =	vld [tilespmem:s20+$0x90]  }
0x136: {  	v10 =	vbroadcast v9, $0x0;
	v9 =	vld [tilespmem:s20+$0xA0];
	v14 =	vadd.s32 $0x5, v19;
	[tilespmem:s20+$0x30] =	vst v12;
	v16 =	vmul.f32 v11, v4  }
0x137: {  	s21 =	simm.s32 $0x10;
	s22 =	simm.s32 $0xF;
	v12 =	vbroadcast v15, $0x0;
	v15 =	vadd.s32 $0x6, v63;
	v11 =	vld [tilespmem:s20+$0xB0];
	[tilespmem:s20+$0x40] =	vst v18;
	v18 =	vmul.f32 v62, v4  }
.LBB2_7:
0x138: {  	p1 =	slt.u32 s21, $0x78;
	v17 =	vbroadcast v17, $0x0;
	v19 =	vmov s22;
	[tilespmem:s20+$0x50] =	vst v16;
	v4 =	vmul.f32 v7, v4;
	v7 =	vld [tilespmem:s20+$0xC0]  }
0x139: {  	v13 =	vbroadcast v13, $0x0;
	v16 =	vshrl.u32 v19, $0x3;
	[tilespmem:s20+$0x60] =	vst v18;
	v5 =	vmul.f32 v5, v3;
	v18 =	vld [tilespmem:s20+$0xD0]  }
0x13a: {  	v14 =	vbroadcast v14, $0x0;
	v16 =	vshll.u32 v16, v1;
	[tilespmem:s20+$0x70] =	vst v4;
	v4 =	vmul.f32 v8, v3;
	v8 =	vld [tilespmem:s20+$0xE0]  }
0x13b: {  	v15 =	vbroadcast v15, $0x0;
	v6 =	vld.idx.msk [tilespmem:v6+s11+$0x0], $0xffff;
	v16 =	vadd.s32 $0x7, v16;
	[tilespmem:s20+$0x80] =	vst v5;
	v5 =	vmul.f32 v9, v3  }
0x13c: {  	v9 =	vld.idx.msk [tilespmem:v10+s11+$0x0], $0xffff;
	v10 =	vbroadcast v16, $0x0;
	[tilespmem:s20+$0x90] =	vst v4;
	v3 =	vmul.f32 v11, v3  }
0x13d: {  	v11 =	vld.idx.msk [tilespmem:v12+s11+$0x0], $0xffff;
	[tilespmem:s20+$0xA0] =	vst v5;
	v4 =	vmul.f32 v7, v2  }
0x13e: {  	v7 =	vld.idx.msk [tilespmem:v17+s11+$0x0], $0xffff;
	[tilespmem:s20+$0xB0] =	vst v3;
	v3 =	vmul.f32 v18, v2  }
0x13f: {  	v5 =	vld.idx.msk [tilespmem:v13+s11+$0x0], $0xffff;
	[tilespmem:s20+$0xC0] =	vst v4;
	v2 =	vmul.f32 v8, v2  }
0x140: {  	v4 =	vld.idx.msk [tilespmem:v14+s11+$0x0], $0xffff;
	[tilespmem:s20+$0xD0] =	vst v3  }
0x141: {  	v3 =	vld.idx.msk [tilespmem:v15+s11+$0x0], $0xffff;
	[tilespmem:s20+$0xE0] =	vst v2  }
0x142: {  	s20 =	sadd.s32 $0x200, s20;
	v2 =	vld.idx.msk [tilespmem:v10+s11+$0x0], $0xffff  }
0x143: {  	v8 =	vld [tilespmem:s20+$0xF0]  }
0x144: {  	v10 =	vld [tilespmem:s20+$0xFFFFFF00]  }
0x145: {  	v12 =	vld [tilespmem:s20+$0xFFFFFF10]  }
0x146: {  	v13 =	vld [tilespmem:s20+$0xFFFFFF20]  }
0x147: {  	v14 =	vld [tilespmem:s20+$0xFFFFFF30]  }
0x148: {  	v15 =	vld [tilespmem:s20+$0xFFFFFF40];
	v8 =	vmul.f32 v8, v2  }
0x149: {  	v10 =	vmul.f32 v10, v6;
	v16 =	vld [tilespmem:s20+$0xFFFFFF50]  }
0x14a: {  	v12 =	vmul.f32 v12, v6;
	v17 =	vld [tilespmem:s20+$0xFFFFFF60];
	[tilespmem:s20+$0xF0] =	vst v8  }
0x14b: {  	[tilespmem:s20+$0xFFFFFF00] =	vst v10;
	v8 =	vmul.f32 v13, v6;
	v10 =	vld [tilespmem:s20+$0xFFFFFF70]  }
0x14c: {  	[tilespmem:s20+$0xFFFFFF10] =	vst v12;
	v6 =	vmul.f32 v14, v6;
	v12 =	vld [tilespmem:s20+$0xFFFFFF80]  }
0x14d: {  	[tilespmem:s20+$0xFFFFFF20] =	vst v8;
	v8 =	vmul.f32 v15, v9;
	v13 =	vld [tilespmem:s20+$0xFFFFFF90]  }
0x14e: {  	[tilespmem:s20+$0xFFFFFF30] =	vst v6;
	v6 =	vmul.f32 v16, v9;
	v14 =	vld [tilespmem:s20+$0xFFFFFFA0]  }
0x14f: {  	[tilespmem:s20+$0xFFFFFF40] =	vst v8;
	v8 =	vmul.f32 v17, v9;
	v15 =	vld [tilespmem:s20+$0xFFFFFFB0]  }
0x150: {  	v16 =	vmov s21;
	[tilespmem:s20+$0xFFFFFF50] =	vst v6;
	v6 =	vmul.f32 v10, v9;
	v9 =	vld [tilespmem:s20+$0xFFFFFFC0]  }
0x151: {  	s22 =	sadd.s32 $0x1, s21;
	s23 =	sadd.s32 $0x2, s21;
	v10 =	vshrl.u32 v16, $0x3;
	[tilespmem:s20+$0xFFFFFF60] =	vst v8;
	v8 =	vmul.f32 v12, v11;
	v12 =	vld [tilespmem:s20+$0xFFFFFFD0]  }
0x152: {  	v17 =	vmov s23;
	s23 =	sadd.s32 $0x4, s21;
	v16 =	vmov s22;
	s22 =	sadd.s32 $0x3, s21;
	[tilespmem:s20+$0xFFFFFF70] =	vst v6;
	v6 =	vmul.f32 v13, v11;
	v13 =	vld [tilespmem:s20+$0xFFFFFFE0]  }
0x153: {  	v19 =	vmov s23;
	s23 =	sadd.s32 $0x6, s21;
	v18 =	vmov s22;
	s22 =	sadd.s32 $0x5, s21;
	[tilespmem:s20+$0xFFFFFF80] =	vst v8;
	v8 =	vmul.f32 v14, v11;
	v14 =	vld [tilespmem:s20+$0xFFFFFFF0]  }
0x154: {  	v21 =	vmov s23;
	v20 =	vmov s22;
	[tilespmem:s20+$0xFFFFFF90] =	vst v6;
	v6 =	vmul.f32 v15, v11;
	v11 =	vld [tilespmem:s20+$0x0]  }
0x155: {  	v10 =	vshll.u32 v10, v1;
	v15 =	vshrl.u32 v16, $0x3;
	[tilespmem:s20+$0xFFFFFFA0] =	vst v8;
	v8 =	vmul.f32 v9, v7;
	v9 =	vld [tilespmem:s20+$0x10]  }
0x156: {  	v16 =	vshrl.u32 v17, $0x3;
	v17 =	vshrl.u32 v18, $0x3;
	[tilespmem:s20+$0xFFFFFFB0] =	vst v6;
	v12 =	vmul.f32 v12, v7;
	v18 =	vld [tilespmem:s20+$0x20]  }
0x157: {  	v19 =	vshrl.u32 v19, $0x3;
	v20 =	vshrl.u32 v20, $0x3;
	[tilespmem:s20+$0xFFFFFFC0] =	vst v8;
	v8 =	vmul.f32 v13, v7;
	v13 =	vld [tilespmem:s20+$0x30]  }
0x158: {  	v6 =	vbroadcast v10, $0x0;
	v10 =	vshrl.u32 v21, $0x3;
	[tilespmem:s20+$0xFFFFFFD0] =	vst v12;
	v7 =	vmul.f32 v14, v7;
	v12 =	vld [tilespmem:s20+$0x40]  }
0x159: {  	v14 =	vshll.u32 v15, v1;
	v15 =	vshll.u32 v16, v1;
	[tilespmem:s20+$0xFFFFFFE0] =	vst v8;
	v8 =	vmul.f32 v11, v5;
	v11 =	vld [tilespmem:s20+$0x50]  }
0x15a: {  	v19 =	vshll.u32 v19, v1;
	v16 =	vshll.u32 v17, v1;
	[tilespmem:s20+$0xFFFFFFF0] =	vst v7;
	v9 =	vmul.f32 v9, v5;
	v21 =	vld [tilespmem:s20+$0x60]  }
.Ltmp4:
0x15b: {  	v20 =	vshll.u32 v20, v1;
	v22 =	vshll.u32 v10, v1;
	[tilespmem:s20+$0x0] =	vst v8;
	v8 =	vmul.f32 v18, v5;
	v7 =	vld [tilespmem:s20+$0x70];
	(pc) =	sbr.rel @p1 .LBB2_7-.Ltmp4, $4  }
0x15c: {  	v10 =	vadd.s32 $0x1, v14;
	v15 =	vadd.s32 $0x2, v15;
	[tilespmem:s20+$0x10] =	vst v9;
	v9 =	vmul.f32 v13, v5;
	v5 =	vld [tilespmem:s20+$0x80]  }
0x15d: {  	v17 =	vadd.s32 $0x3, v16;
	v13 =	vadd.s32 $0x4, v19;
	[tilespmem:s20+$0x20] =	vst v8;
	v18 =	vmul.f32 v12, v4;
	v8 =	vld [tilespmem:s20+$0x90]  }
0x15e: {  	v14 =	vadd.s32 $0x5, v20;
	v10 =	vbroadcast v10, $0x0;
	[tilespmem:s20+$0x30] =	vst v9;
	v16 =	vmul.f32 v11, v4;
	v9 =	vld [tilespmem:s20+$0xA0]  }
0x15f: {  	s22 =	sadd.s32 $0x7, s21;
	s21 =	sadd.s32 $0x8, s21;
	v12 =	vbroadcast v15, $0x0;
	v15 =	vadd.s32 $0x6, v22;
	[tilespmem:s20+$0x40] =	vst v18;
	v18 =	vmul.f32 v21, v4;
	v11 =	vld [tilespmem:s20+$0xB0]  }
0x160: {  	_ = 	snop  }
0x161: {  	v20 =	vld [tilespmem:s20+$0xC0]  }
0x162: {  	v21 =	vld [tilespmem:s20+$0xD0]  }
0x163: {  	v22 =	vld [tilespmem:s20+$0xE0]  }
0x164: {  	v6 =	vld.idx.msk [tilespmem:v6+s11+$0x0], $0xffff  }
0x165: {  	v10 =	vld.idx.msk [tilespmem:v10+s11+$0x0], $0xffff  }
0x166: {  	s21 =	sadd.s32 $0x200, s20;
	v12 =	vld.idx.msk [tilespmem:v12+s11+$0x0], $0xffff  }
0x167: {  	v32 =	vld [tilespmem:s21+$0xF0]  }
0x168: {  	v33 =	vld [tilespmem:s21+$0xFFFFFF00]  }
0x169: {  	[tilespmem:s20+$0x50] =	vst v16;
	v4 =	vmul.f32 v7, v4;
	v35 =	vld [tilespmem:s21+$0xFFFFFF10]  }
0x16a: {  	v19 =	vmov s22;
	[tilespmem:s20+$0x60] =	vst v18;
	v5 =	vmul.f32 v5, v3;
	v36 =	vld [tilespmem:s21+$0xFFFFFF20]  }
0x16b: {  	v19 =	vshrl.u32 v19, $0x3;
	v37 =	vld [tilespmem:s21+$0xFFFFFF30];
	[tilespmem:s20+$0x70] =	vst v4;
	v29 =	vmul.f32 v8, v3  }
0x16c: {  	v38 =	vld [tilespmem:s21+$0xFFFFFF50];
	v19 =	vshll.u32 v19, v1;
	[tilespmem:s20+$0x80] =	vst v5;
	v31 =	vmul.f32 v9, v3  }
0x16d: {  	v39 =	vld [tilespmem:s21+$0xFFFFFF60];
	v19 =	vadd.s32 $0x7, v19;
	[tilespmem:s20+$0x90] =	vst v29;
	v3 =	vmul.f32 v11, v3  }
0x16e: {  	v40 =	vld [tilespmem:s21+$0xFFFFFF70];
	v19 =	vbroadcast v19, $0x0;
	[tilespmem:s20+$0xA0] =	vst v31;
	v34 =	vmul.f32 v20, v2  }
0x16f: {  	v41 =	vld [tilespmem:s21+$0xFFFFFF80];
	[tilespmem:s20+$0xB0] =	vst v3;
	v3 =	vmul.f32 v21, v2  }
0x170: {  	v42 =	vld [tilespmem:s21+$0xFFFFFFA0];
	v2 =	vmul.f32 v22, v2;
	[tilespmem:s20+$0xC0] =	vst v34  }
0x171: {  	v11 =	vmul.f32 v35, v6;
	[tilespmem:s20+$0xD0] =	vst v3;
	v3 =	vld [tilespmem:s21+$0xFFFFFF40]  }
0x172: {  	v43 =	vld [tilespmem:s21+$0xFFFFFFB0];
	[tilespmem:s20+$0xE0] =	vst v2;
	v2 =	vmul.f32 v33, v6  }
0x173: {  	v17 =	vbroadcast v17, $0x0;
	v45 =	vld [tilespmem:s21+$0xFFFFFFC0];
	v5 =	vmul.f32 v37, v6;
	[tilespmem:s21+$0xFFFFFF10] =	vst v11  }
0x174: {  	v30 =	vld.idx.msk [tilespmem:v19+s11+$0x0], $0xffff;
	[tilespmem:s21+$0xFFFFFF00] =	vst v2;
	v2 =	vmul.f32 v36, v6  }
0x175: {  	v46 =	vld [tilespmem:s21+$0xFFFFFFD0];
	v4 =	vmul.f32 v38, v10;
	[tilespmem:s21+$0xFFFFFF30] =	vst v5  }
0x176: {  	[tilespmem:s21+$0xFFFFFF20] =	vst v2;
	v2 =	vmul.f32 v3, v10;
	v3 =	vld [tilespmem:s21+$0xFFFFFF90]  }
0x177: {  	v13 =	vbroadcast v13, $0x0;
	v47 =	vld [tilespmem:s21+$0xFFFFFFE0];
	v44 =	vmul.f32 v40, v10;
	[tilespmem:s21+$0xFFFFFF50] =	vst v4  }
0x178: {  	v48 =	vld [tilespmem:s21+$0xFFFFFFF0];
	[tilespmem:s21+$0xFFFFFF40] =	vst v2;
	v2 =	vmul.f32 v39, v10  }
0x179: {  	v17 =	vld.idx.msk [tilespmem:v17+s11+$0x0], $0xffff;
	[tilespmem:s21+$0xFFFFFF70] =	vst v44;
	v9 =	vmul.f32 v32, v30  }
0x17a: {  	v49 =	vld [tilespmem:s21+$0x0];
	[tilespmem:s21+$0xFFFFFF60] =	vst v2;
	v2 =	vmul.f32 v41, v12  }
0x17b: {  	v14 =	vbroadcast v14, $0x0;
	v50 =	vld [tilespmem:s21+$0x10];
	[tilespmem:s21+$0xF0] =	vst v9;
	v3 =	vmul.f32 v3, v12  }
0x17c: {  	v51 =	vld [tilespmem:s21+$0x20];
	[tilespmem:s21+$0xFFFFFF80] =	vst v2;
	v2 =	vmul.f32 v42, v12  }
0x17d: {  	v13 =	vld.idx.msk [tilespmem:v13+s11+$0x0], $0xffff;
	[tilespmem:s21+$0xFFFFFF90] =	vst v3;
	v3 =	vmul.f32 v43, v12  }
0x17e: {  	v52 =	vld [tilespmem:s21+$0x30];
	[tilespmem:s21+$0xFFFFFFA0] =	vst v2;
	v2 =	vmul.f32 v45, v17  }
0x17f: {  	v15 =	vbroadcast v15, $0x0;
	v53 =	vld [tilespmem:s21+$0x40];
	[tilespmem:s21+$0xFFFFFFB0] =	vst v3;
	v3 =	vmul.f32 v46, v17  }
0x180: {  	v54 =	vld [tilespmem:s21+$0x50];
	[tilespmem:s21+$0xFFFFFFC0] =	vst v2;
	v2 =	vmul.f32 v47, v17  }
0x181: {  	v27 =	vld.idx.msk [tilespmem:v14+s11+$0x0], $0xffff;
	[tilespmem:s21+$0xFFFFFFD0] =	vst v3;
	v3 =	vmul.f32 v48, v17  }
0x182: {  	v55 =	vld [tilespmem:s21+$0x60];
	[tilespmem:s21+$0xFFFFFFE0] =	vst v2;
	v2 =	vmul.f32 v49, v13  }
0x183: {  	v56 =	vld [tilespmem:s21+$0x70];
	[tilespmem:s21+$0xFFFFFFF0] =	vst v3;
	v3 =	vmul.f32 v50, v13  }
0x184: {  	v57 =	vld [tilespmem:s21+$0x80];
	[tilespmem:s21+$0x0] =	vst v2;
	v2 =	vmul.f32 v51, v13  }
0x185: {  	v28 =	vld.idx.msk [tilespmem:v15+s11+$0x0], $0xffff;
	[tilespmem:s21+$0x10] =	vst v3;
	v3 =	vmul.f32 v52, v13  }
0x186: {  	v58 =	vld [tilespmem:s21+$0x90];
	[tilespmem:s21+$0x20] =	vst v2;
	v2 =	vmul.f32 v53, v27  }
0x187: {  	v59 =	vld [tilespmem:s21+$0xA0];
	[tilespmem:s21+$0x30] =	vst v3;
	v3 =	vmul.f32 v54, v27  }
0x188: {  	v60 =	vld [tilespmem:s21+$0xB0];
	[tilespmem:s21+$0x40] =	vst v2;
	v2 =	vmul.f32 v55, v27  }
0x189: {  	v61 =	vld [tilespmem:s21+$0xC0];
	[tilespmem:s21+$0x50] =	vst v3;
	v3 =	vmul.f32 v56, v27  }
0x18a: {  	v62 =	vld [tilespmem:s21+$0xD0];
	[tilespmem:s21+$0x60] =	vst v2;
	v2 =	vmul.f32 v57, v28  }
0x18b: {  	v63 =	vld [tilespmem:s21+$0xE0];
	[tilespmem:s21+$0x70] =	vst v3;
	v3 =	vmul.f32 v58, v28  }
0x18c: {  	[tilespmem:s21+$0x80] =	vst v2;
	v2 =	vmul.f32 v59, v28  }
0x18d: {  	[tilespmem:s21+$0x90] =	vst v3;
	v3 =	vmul.f32 v60, v28  }
0x18e: {  	[tilespmem:s21+$0xA0] =	vst v2;
	v2 =	vmul.f32 v61, v30  }
0x18f: {  	[tilespmem:s21+$0xB0] =	vst v3;
	v3 =	vmul.f32 v62, v30  }
0x190: {  	[tilespmem:s21+$0xC0] =	vst v2;
	v2 =	vmul.f32 v63, v30  }
0x191: {  	[tilespmem:s21+$0xD0] =	vst v3  }
.Ltmp5:
0x192: {  	[tilespmem:s21+$0xE0] =	vst v2;
	(pc) =	sbr.rel @p0 .LBB2_10-.Ltmp5, $4  }
0x193: {  	[spmem:s3] =	stream.indirect.scatter.add.f32 [tilespmem:s13], [sflag:$0x5], $0x40, s10, s9, $0xb8;
	[tilespmem:$0x18300] =	vst v63  }
0x194: {  	_ =	swait.ge [sflag:s30], $0x2000  }
0x195: {  	[sflag:s30] =	ssyncset.done $0x0  }
0x196: {  	[sflag:s30] =	ssyncadd.s32 $0xFFFFE000  }
0x197: {  	s19 =	sadd.s32 s19, s25  }
0x198: {  	s19 =	sshrl.u32 s19, $0x3  }
0x199: {  	s20 =	sadd.s32 s1, s19  }
0x19a: {  	[tilespmem:s9], [sflag:$0x2] =	stream.linear.gather [hbm4b:s20+s4], $0x80, $0x38;
	[tilespmem:$0x18300] =	vst v63  }
.Ltmp6:
0x19b: {  	_ = 	snop;
	(pc) =	sbr.rel .LBB2_4-.Ltmp6, $4  }
0x19c: {  	s23 =	sadd.s32 s6, s19  }
0x19d: {  	[tilespmem:s10], [sflag:$0x2] =	stream.linear.gather [hbm4b:s23+s4], $0x80, $0x38;
	[tilespmem:$0x18300] =	vst v63  }
0x19e: {  	s18 =	sadd.s32 $0x1, s18;
	s19 =	sadd.s32 s7, s19  }
0x19f: {  	[tilespmem:s11], [sflag:$0x2] =	stream.linear.gather [hbm4b:s19+s4], $0x80, $0x38;
	[tilespmem:$0x18300] =	vst v63  }
.LBB2_11:
0x1a0: {  	_ =	sfence.sel $0x180000  }
0x1a1: {  	[bflag:$0x0] =	sbarrier.arrive $0xFFFF  }
0x1a2: {  	_ =	strace $0x90000047  }
0x1a3: {  	s0 =	stileid.u32;
	[bflag:$0x2] =	sbarrier.arrive $0xFFFF  }
0x1a4: {  	p0 =	sne.s32 s0, $0x0;
	s0 =	rddreg [dreg:$0x3]  }
0x1a5: {  	s0 =	sadd.s32 @!p0 $0x100000, s0  }
0x1a6: {  	[sflag:s0] =	ssyncadd.tile.s32 @!p0 $0x1;
	_ =	shalt  }
.Lfunc_end2:
_tile_overlayer_lowered:
.L_overlay_start_2:
0x1a7: {  	(tag) =	ssettag $0x2  }
0x1a8: {  	s0 =	rddreg [dreg:$0x0];
	s2 =	stileid.u32  }
0x1a9: {  	s1 =	rddreg [dreg:$0x1];
	p0 =	sne.s32 s2, $0x0  }
0x1aa: {  	s3 =	rddreg [dreg:$0x2];
	[bflag:$0x3] =	sbarrier.arrive $0xFFFF;
	s2 =	simm.s32 @!p0 $0x1C05  }
0x1ab: {  	[timem:s3], [sflag:s2] =	dma.local @!p0 [hbm:s0], s1  }
0x1ac: {  	s0 =	simm.s32 @!p0 $0x5  }
0x1ad: {  	_ =	swait.ge @!p0 [sflag:s0], s1  }
0x1ae: {  	s1 =	ssub.s32 @!p0 $0x0, s1;
	[sflag:s0] =	ssyncset.done @!p0 $0x0  }
0x1af: {  	[sflag:s0] =	ssyncadd.s32 @!p0 s1  }
0x1b0: {  	[bflag:$0x3] =	sbarrier.arrive $0xFFFF  }
0x1b1: {  	_ =	shalt  }

// kernel: kernel.19.cloned.1.call-start
scs
__scs_entry_jumppad:
0x0: {  	(pc) =	sbr.rel $0x88, $3  }
0x1: {  	(tag) =	ssettag $0x0;
	lr =	simm.s32 $0x1  }
0x2: {  	[smem:$0x3F94] =	sst lr;
	_ =	strace $0xD0000000  }
0x3: {  	_ = 	snop  }
0x4: {  	_ = 	snop  }
0x5: {  	_ = 	snop  }
0x6: {  	_ = 	snop  }
0x7: {  	_ = 	snop  }
__scs_overlays_trampoline_lowered:
0x8: {  	[smem:$0x3FA3] =	sst s0  }
0x9: {  	[smem:$0x3FA4] =	sst s1  }
0xa: {  	[smem:$0x3FA5] =	sst s2  }
0xb: {  	[smem:$0x3FA6] =	sst s3  }
0xc: {  	[smem:$0x3FA7] =	sst s4  }
0xd: {  	[smem:$0x3FA8] =	sst s5  }
0xe: {  	[smem:$0x3FA9] =	sst s6  }
0xf: {  	[smem:$0x3FAA] =	sst s7  }
0x10: {  	[smem:$0x3FAB] =	sst s8  }
0x11: {  	[smem:$0x3FAC] =	sst s9;
	s0 =	simm.s32 @!p0 $0x0  }
0x12: {  	s1 =	sld [smem:$0x3F92];
	s0 =	simm.s32 @p0 $0x1  }
0x13: {  	[smem:$0x3FAD] =	sst s0;
	s0 =	simm.s32 @!p1 $0x0  }
0x14: {  	s2 =	sld [smem:$0x3F91];
	s0 =	simm.s32 @p1 $0x1  }
0x15: {  	[smem:$0x3FAE] =	sst s0;
	s0 =	simm.s32 @!p2 $0x0  }
0x16: {  	s3 =	sld [smem:$0x3FDB];
	s0 =	simm.s32 @p2 $0x1  }
0x17: {  	s4 =	simm.s32 $0x1BF5;
	[smem:$0x3FB0] =	sst s0  }
0x18: {  	s0 =	sld [smem:$0x3F93];
	_ =	swait.ge [sflag:s4], $0x0  }
0x19: {  	s7 =	sld [smem:$0x3F94]  }
0x1a: {  	s8 =	sadd.s32 $0xFFFFE003, lr  }
0x1b: {  	s9 =	sadd.s32 $0xFFFFFEF7, lr;
	s5 =	simm.s32 $0xFFFFFFFF;
	p2 =	slt.u32 s8, $0xFFFFF086  }
0x1c: {  	p1 =	slt.u32 s9, $0xF7A;
	s5 =	simm.s32 @!p2 $0x0  }
0x1d: {  	s5 =	simm.s32 @p1 $0x1;
	p0 =	seq.s32 s7, s2  }
0x1e: {  	s7 =	smul.u32 @!p0 $0xF7A, s2;
	p2 =	seq.s32 @!p0 s5, $0x0  }
0x1f: {  	s9 =	smul.u32 $0xF7A, s1;
	s8 =	simm.s32 @!p0 $0x1BF5;
	p2 =	por !p2, p0  }
0x20: {  	[sflag:s8] =	ssyncset.s32 @!p0 $0xFFFFF086;
	s6 =	sadd.s32 @!p0 s3, s7;
	s7 =	simm.s32 @!p0 $0x108  }
0x21: {  	s3 =	sadd.s32 s3, s9;
	s6 =	sadd.s32 @!p0 $0x88, s6;
	s7 =	simm.s32 @p2 $0x1082  }
0x22: {  	[simem:s7], [sflag:s8] =	dma.local @!p0 [hbm:s6], $0xF7A  }
0x23: {  	s9 =	sor.u32 $0xD0000000, s2;
	s6 =	simm.s32 $0x108;
	_ =	swait.ge @!p0 [sflag:s8], $0x0  }
0x24: {  	s3 =	sadd.s32 $0x88, s3;
	s6 =	simm.s32 @!p1 $0x1082;
	[sflag:s4] =	ssyncset.s32 $0xFFFFF086  }
0x25: {  	[simem:s6], [sflag:s4] =	dma.local [hbm:s3], $0xF7A  }
0x26: {  	[smem:$0x3F94] =	sst s1;
	(tag) =	ssettag s2;
	_ =	strace s9  }
0x27: {  	s1 =	sld [smem:$0x3FA4]  }
0x28: {  	s2 =	sld [smem:$0x3FA5]  }
0x29: {  	s4 =	sld [smem:$0x3FA7]  }
0x2a: {  	p0 =	seq.s32 s5, $0x0;
	s5 =	sld [smem:$0x3FA8]  }
0x2b: {  	s6 =	sld [smem:$0x3FA9]  }
0x2c: {  	s7 =	sld [smem:$0x3FAA]  }
0x2d: {  	s3 =	simm.s32 $0x108;
	s8 =	sld [smem:$0x3FAB]  }
0x2e: {  	s3 =	simm.s32 @!p0 $0x1082;
	s9 =	sld [smem:$0x3FAC]  }
0x2f: {  	lr =	sadd.s32 s0, s3;
	s0 =	sld [smem:$0x3FA3]  }
0x30: {  	s3 =	sld [smem:$0x3FA6]  }
0x31: {  	[smem:$0x3FAF] =	sst s10  }
0x32: {  	s10 =	sld [smem:$0x3FAD];
	_ =	sdelay $0x3  }
0x33: {  	p0 =	seq.s32 s10, $0x1;
	s10 =	sld [smem:$0x3FAF];
	_ =	sdelay $0x3  }
0x34: {  	[smem:$0x3FAF] =	sst s10  }
0x35: {  	s10 =	sld [smem:$0x3FAE];
	_ =	sdelay $0x3  }
0x36: {  	p1 =	seq.s32 s10, $0x1;
	s10 =	sld [smem:$0x3FAF];
	_ =	sdelay $0x3  }
0x37: {  	[smem:$0x3FAF] =	sst s10  }
0x38: {  	s10 =	sld [smem:$0x3FB0]  }
0x39: {  	_ = 	snop;
	(pc) =	sbr.ind lr, $3  }
0x3a: {  	_ = 	snop  }
0x3b: {  	_ = 	snop  }
0x3c: {  	p2 =	seq.s32 s10, $0x1;
	s10 =	sld [smem:$0x3FAF]  }
0x3d: {  	_ =	shalt  }
0x3e: {  	_ =	shalt  }
0x3f: {  	_ =	shalt  }
0x40: {  	_ =	shalt  }
0x41: {  	_ =	shalt  }
0x42: {  	_ =	shalt  }
0x43: {  	_ =	shalt  }
0x44: {  	_ =	shalt  }
0x45: {  	_ =	shalt  }
0x46: {  	_ =	shalt  }
0x47: {  	_ =	shalt  }
0x48: {  	_ =	shalt  }
0x49: {  	_ =	shalt  }
0x4a: {  	_ =	shalt  }
0x4b: {  	_ =	shalt  }
0x4c: {  	_ =	shalt  }
0x4d: {  	_ =	shalt  }
0x4e: {  	_ =	shalt  }
0x4f: {  	_ =	shalt  }
0x50: {  	_ =	shalt  }
0x51: {  	_ =	shalt  }
0x52: {  	_ =	shalt  }
0x53: {  	_ =	shalt  }
0x54: {  	_ =	shalt  }
0x55: {  	_ =	shalt  }
0x56: {  	_ =	shalt  }
0x57: {  	_ =	shalt  }
0x58: {  	_ =	shalt  }
0x59: {  	_ =	shalt  }
0x5a: {  	_ =	shalt  }
0x5b: {  	_ =	shalt  }
0x5c: {  	_ =	shalt  }
0x5d: {  	_ =	shalt  }
0x5e: {  	_ =	shalt  }
0x5f: {  	_ =	shalt  }
0x60: {  	_ =	shalt  }
0x61: {  	_ =	shalt  }
0x62: {  	_ =	shalt  }
0x63: {  	_ =	shalt  }
0x64: {  	_ =	shalt  }
0x65: {  	_ =	shalt  }
0x66: {  	_ =	shalt  }
0x67: {  	_ =	shalt  }
0x68: {  	_ =	shalt  }
0x69: {  	_ =	shalt  }
0x6a: {  	_ =	shalt  }
0x6b: {  	_ =	shalt  }
0x6c: {  	_ =	shalt  }
0x6d: {  	_ =	shalt  }
0x6e: {  	_ =	shalt  }
0x6f: {  	_ =	shalt  }
0x70: {  	_ =	shalt  }
0x71: {  	_ =	shalt  }
0x72: {  	_ =	shalt  }
0x73: {  	_ =	shalt  }
0x74: {  	_ =	shalt  }
0x75: {  	_ =	shalt  }
0x76: {  	_ =	shalt  }
0x77: {  	_ =	shalt  }
0x78: {  	_ =	shalt  }
0x79: {  	_ =	shalt  }
0x7a: {  	_ =	shalt  }
0x7b: {  	_ =	shalt  }
0x7c: {  	_ =	shalt  }
0x7d: {  	_ =	shalt  }
0x7e: {  	_ =	shalt  }
0x7f: {  	_ =	shalt  }
0x80: {  	_ =	shalt  }
0x81: {  	_ =	shalt  }
0x82: {  	_ =	shalt  }
0x83: {  	_ =	shalt  }
0x84: {  	_ =	shalt  }
0x85: {  	_ =	shalt  }
0x86: {  	_ =	shalt  }
0x87: {  	_ =	shalt  }
.Lfunc_end0:
.L_simem_size_0:
called_computation.2_lowered:
.L_overlay_start_0:
0x88: {  	s2 =	sld [smem:$0x3FD9]  }
0x89: {  	s3 =	sld [smem:$0x3FFE];
	_ =	sdelay $0x1  }
0x8a: {  	s1 =	srdreg.scid  }
0x8b: {  	s0 =	sand.u32 $0x1, s1  }
0x8c: {  	s15 =	sshll.u32 s0, $0xA;
	s2 =	sadd.s32 s3, s2  }
0x8d: {  	s2 =	sadd.s32 s2, s15  }
0x8e: {  	[smem:$0x3FBB] =	sst s2  }
0x8f: {  	_ = 	snop  }
0x90: {  	s2 =	sld [smem:$0x3FD0];
	_ =	sdelay $0x2  }
0x91: {  	s16 =	simm.s32 $0xB;
	s4 =	simm.s32 $0x10  }
0x92: {  	[smem:s4], [sflag:s16] =	dma.local [hbm:s2], $0x1  }
0x93: {  	_ =	swait.eq [sflag:s16], $0x1  }
0x94: {  	[sflag:s16] =	ssyncset.done $0x0  }
0x95: {  	[sflag:s16] =	ssyncadd.s32 $0xFFFFFFFF  }
0x96: {  	s17 =	sld [smem:$0x10];
	(tm) =	ssettm $0x1  }
0x97: {  	s18 =	sld [smem:$0x3FFB];
	_ =	sdelay $0x3  }
0x98: {  	_ =	strace s18  }
0x99: {  	s2 =	sld [smem:$0x3FFC];
	_ =	sdelay $0x3  }
0x9a: {  	_ =	strace s2  }
0x9b: {  	s2 =	sld [smem:$0x3FFD];
	_ =	sdelay $0x3  }
0x9c: {  	_ =	strace s2  }
0x9d: {  	_ =	strace $0x8FFFFFFF  }
0x9e: {  	s19 =	sld [smem:$0x3FDB];
	_ =	sdelay $0x1  }
0x9f: {  	s20 =	simm.s32 $_scs_section_size  }
0xa0: {  	s5 =	simm.s32 $_size__tile_overlayer_lowered;
	s6 =	simm.s32 $_tile_overlayer_lowered  }
0xa1: {  	s7 =	simm.s32 $0x1BFF;
	s21 =	sshll.u32 s6, $0x1;
	s4 =	sadd.s32 s20, s19  }
0xa2: {  	s22 =	simm.s32 $0x0;
	s5 =	sshll.u32 s5, $0x1;
	s6 =	sadd.s32 s21, s4  }
0xa3: {  	[timem:s22], [sflag:s7] =	dma.local [hbm:s6], s5  }
0xa4: {  	_ =	swait.ge [sflag:s7], s5  }
0xa5: {  	s5 =	ssub.s32 $0x0, s5;
	[sflag:s7] =	ssyncset.done $0x0  }
0xa6: {  	[sflag:s7] =	ssyncadd.s32 s5;
	_ =	sdelay $0x1  }
0xa7: {  	s23 =	simm.s32 $0x1B8B  }
0xa8: {  	_ =	swait.ge [sflag:s23], $0x1  }
0xa9: {  	[sflag:s23] =	ssyncset.done $0x0  }
0xaa: {  	[sflag:s23] =	ssyncadd.s32 $0xFFFFFFFF  }
0xab: {  	s5 =	sld [smem:$0x0]  }
0xac: {  	s6 =	sand.u32 $0xFFFFFFFE, s1  }
0xad: {  	p0 =	sne.s32 s1, s6  }
0xae: {  	s6 =	sshll.u32 @p0 s6, $0xE  }
0xaf: {  	s6 =	sadd.s32 @p0 $0x11B8D, s6;
	s7 =	sshll.u32 @p0 s5, $0x11  }
0xb0: {  	s6 =	sor.u32 @p0 s7, s6  }
0xb1: {  	[sflag:s6] =	ssyncadd.remote.s32 @p0 $0x1;
	_ =	sdelay $0x1  }
0xb2: {  	s6 =	simm.s32 @p0 $0x1B8D  }
0xb3: {  	_ =	swait.eq @p0 [sflag:s6], $0x1  }
0xb4: {  	[sflag:s6] =	ssyncadd.s32 @p0 $0xFFFFFFFF  }
0xb5: {  	s7 =	sshll.u32 @!p0 s1, $0xE  }
0xb6: {  	s7 =	sor.u32 @!p0 $0x4000, s7;
	s6 =	simm.s32 @!p0 $0x1B8D  }
0xb7: {  	s5 =	sshll.u32 @!p0 s5, $0x11;
	s7 =	sadd.s32 @!p0 $0x11B8D, s7;
	_ =	swait.eq @!p0 [sflag:s6], $0x1  }
0xb8: {  	s5 =	sor.u32 @!p0 s5, s7;
	[sflag:s6] =	ssyncadd.s32 @!p0 $0xFFFFFFFF  }
0xb9: {  	s25 =	simm.s32 $0x1B8E;
	s24 =	sld [smem:$0x3FFE];
	[sflag:s5] =	ssyncadd.remote.s32 @!p0 $0x1  }
0xba: {  	s26 =	simm.s32 $execute0_lowered;
	[smem:$0x3FD2] =	sst s25  }
0xbb: {  	s6 =	sshll.u32 s26, $0x1;
	_ =	strace $0x8000004C;
	[dreg:$0x1] =	wrdreg $0xFFFFFFFF  }
0xbc: {  	s28 =	simm.s32 $_size_execute0_lowered;
	s4 =	sadd.s32 s4, s6;
	[dreg:$0x0] =	wrdreg $0x0  }
0xbd: {  	s6 =	sshll.u32 s28, $0x1;
	[dreg:$0x2] =	wrdreg s4  }
0xbe: {  	[dreg:$0x3] =	wrdreg s6  }
0xbf: {  	[dreg:$0x4] =	wrdreg $0xC0  }
0xc0: {  	_ =	task [dreg:s22], $0x5FFFF  }
0xc1: {  	[dreg:$0x1] =	wrdreg $0xFFFFFFFF  }
0xc2: {  	[dreg:$0x0] =	wrdreg $0x60  }
0xc3: {  	[dreg:$0x2] =	wrdreg s24  }
0xc4: {  	[dreg:$0x3] =	wrdreg s17  }
0xc5: {  	[dreg:$0x4] =	wrdreg $0x43000  }
0xc6: {  	[dreg:$0x5] =	wrdreg $0xA  }
0xc7: {  	_ =	task.clear_ibuf [dreg:s22], $0x6FFFF;
	_ =	strace $0x9000004C  }
0xc8: {  	s29 =	simm.s32 $0xA;
	_ =	strace $0x8000004E  }
0xc9: {  	_ =	swait.ge [sflag:s29], $0x1  }
0xca: {  	[sflag:s29] =	ssyncadd.s32 $0xFFFFFFFF  }
0xcb: {  	_ =	strace $0x9000004E  }
0xcc: {  	_ =	sfence  }
0xcd: {  	s30 =	sld [smem:$0x0];
	_ =	sdelay $0x2  }
0xce: {  	s31 =	sshll.u32 s1, $0xD;
	s1 =	sshrl.u32 s1, $0x2  }
0xcf: {  	s4 =	sand.u32 $0x4000, s31;
	s1 =	sadd.s32 s1, s30  }
0xd0: {  	s0 =	sor.u32 s4, s0;
	s1 =	sshll.u32 s1, $0x11  }
0xd1: {  	s0 =	sor.u32 s1, s0  }
0xd2: {  	s0 =	sadd.s32 $0x8F2B, s0  }
0xd3: {  	[sflag:s0] =	ssyncadd.remote.s32 $0x1  }
0xd4: {  	_ =	sfence.sel $0xFFFF  }
0xd5: {  	[dreg:$0x0] =	wrdreg $0xFFFFFFFF;
	(pc) =	sbr.abs _section_cstart, $3  }
0xd6: {  	[dreg:$0x1] =	wrdreg $0xFFFFFFFF  }
0xd7: {  	_ =	task.clear_ibuf [dreg:s22], $0x2FFFF;
	_ =	strace $0x9FFFFFFF  }
0xd8: {  	(tm) =	ssettm $0x7FFFFFFF  }
0xd9: {  	_ =	shalt  }
tec
execute0_lowered:
.L_overlay_start_1:
0x0: {  	(tag) =	ssettag $0x1  }
0x1: {  	s0 =	rddreg [dreg:$0x0]  }
0x2: {  	s1 =	rddreg [dreg:$0x1]  }
0x3: {  	s3 =	rddreg [dreg:$0x2];
	s4 =	simm.s32 $0x0  }
0x4: {  	s2 =	srdreg.scid;
	s12 =	stileid.u32;
	s29 =	simm.s32 $0x300  }
0x5: {  	s30 =	simm.s32 $0x5;
	s31 =	simm.s32 $0x100;
	s8 =	smul.u32 $0x14000, s12  }
0x6: {  	[smem:$0x7FF] =	sst s4;
	s2 =	sand.u32 $0x1, s2;
	s10 =	smul.u32 $0x50000, s12  }
0x7: {  	s5 =	sadd.s32 $0x193400, s0;
	s6 =	sadd.s32 $0x63200, s0;
	s7 =	sadd.s32 $0x73200, s0  }
0x8: {  	s16 =	sshll.u32 s12, $0xF;
	s12 =	simm.s32 $0x2;
	s10 =	sshrl.u32 s10, $0x2  }
0x9: {  	_ =	strace $0x8000004D;
	s9 =	smul.u32 $0x140000, s2;
	s10 =	sadd.s32 s10, s3  }
0xa: {  	s11 =	ssub.s32 $0x2, s2;
	s2 =	sshll.u32 s2, $0xE;
	s25 =	sadd.s32 $0x2000, s10  }
0xb: {  	s24 =	sshrl.u32 s11, $0x1;
	s26 =	sadd.s32 $0x4000, s10;
	[dreg:$0x4] =	wrdreg s25  }
0xc: {  	s2 =	sor.u32 s2, s16;
	s13 =	sadd.s32 $0x6000, s10;
	[dreg:$0x5] =	wrdreg s26  }
0xd: {  	s16 =	simm.s32 $0x0;
	s14 =	sadd.s32 $0x8000, s10;
	[dreg:$0x6] =	wrdreg s13  }
0xe: {  	s9 =	sadd.s32 s8, s9;
	s15 =	sadd.s32 $0xA000, s10;
	[dreg:$0x7] =	wrdreg s14  }
0xf: {  	s8 =	sadd.s32 s8, s3;
	s17 =	sadd.s32 $0xC000, s10;
	[dreg:$0x8] =	wrdreg s15  }
0x10: {  	s20 =	sshrl.u32 s2, $0x3;
	s18 =	sadd.s32 $0xE000, s10;
	[dreg:$0x9] =	wrdreg s17  }
0x11: {  	s9 =	sshrl.u32 s9, $0x3;
	s19 =	sadd.s32 $0x10000, s10;
	[dreg:$0xa] =	wrdreg s18  }
0x12: {  	s10 =	sadd.s32 $0x12000, s10;
	s21 =	sadd.s32 s1, s20;
	[dreg:$0xb] =	wrdreg s19  }
0x13: {  	s22 =	sadd.s32 s6, s20;
	s23 =	sor.u32 $0x10, s20;
	[dreg:$0xc] =	wrdreg s10  }
0x14: {  	s0 =	sadd.s32 s9, s0;
	s9 =	ssub.s32 s11, s24;
	[dreg:$0xd] =	wrdreg s21  }
0x15: {  	[dreg:$0xe] =	wrdreg s22;
	s10 =	sadd.s32 s7, s20;
	s24 =	sadd.s32 s1, s23  }
0x16: {  	s25 =	sadd.s32 s6, s23;
	s26 =	sadd.s32 s7, s23;
	[dreg:$0xf] =	wrdreg s10  }
0x17: {  	s11 =	simm.s32 $0x280;
	s13 =	simm.s32 $0x2300;
	[dreg:$0x10] =	wrdreg s24  }
.Ltmp0:
0x18: {  	s14 =	simm.s32 $0x3;
	[dreg:$0x11] =	wrdreg s25;
	(pc) =	sbr.rel .LBB2_1-.Ltmp0, $4  }
0x19: {  	s15 =	simm.s32 $0x4;
	[dreg:$0x12] =	wrdreg s26;
	s24 =	sor.u32 $0x100, s2  }
0x1a: {  	s25 =	sor.u32 $0x180, s2;
	s0 =	sadd.s32 $0xD3400, s0;
	s28 =	smax.u32 s9, $0x1  }
0x1b: {  	v1 =	vimm.s32 $0x0;
	vm0 =	vcmask $0x300;
	s2 =	simm.s32 $0x1;
	s9 =	simm.s32 $0x80;
	s10 =	simm.s32 $0x180  }
0x1c: {  	v0 =	vimm.f32 $0.0e+00;
	v1 =	vsel vm0, $0x3, v1;
	s26 =	simm.s32 $0x2;
	[dreg:$0x13] =	wrdreg s0;
	s0 =	simm.s32 $0x200  }
.LBB2_10:
0x1d: {  	s17 =	stileid.u32;
	[bflag:$0x0] =	sbarrier.arrive $0xFFFF;
	s16 =	sadd.s32 $0x1, s16  }
0x1e: {  	s18 =	sshrl.u32 s8, $0x3;
	s17 =	sshll.u32 s17, $0x6;
	p0 =	sne.s32 s16, s28  }
.Ltmp1:
0x1f: {  	s19 =	rddreg [dreg:$0x13];
	s17 =	sor.u32 $0x1C05, s17;
	(pc) =	sbr.rel @!p0 .LBB2_11-.Ltmp1, $4  }
0x20: {  	[hbm:s19], [sflag:s17] =	dma.local [spmem:s18], $0x2800  }
0x21: {  	_ =	swait.ge [sflag:s30], $0x2800  }
0x22: {  	[sflag:s30] =	ssyncset.done $0x0  }
0x23: {  	[sflag:s30] =	ssyncadd.s32 $0xFFFFD800  }
.LBB2_1:
0x24: {  	s18 =	simm.s32 $0x100;
	s17 =	simm.s32 $0x0  }
.LBB2_2:
0x25: {  	p0 =	sne.s32 s18, $0x7F00;
	[tilespmem:s17+$0x330] =	vst v0;
	s19 =	smov.u32 s18;
	s18 =	sadd.s32 $0x100, s18  }
.Ltmp2:
0x26: {  	[tilespmem:s17+$0x320] =	vst v0;
	(pc) =	sbr.rel @p0 .LBB2_2-.Ltmp2, $3  }
0x27: {  	[tilespmem:s17+$0x300] =	vst v0  }
0x28: {  	[tilespmem:s17+$0x310] =	vst v0;
	_ =	sdelay $0x1  }
0x29: {  	s17 =	sshra.s32 s19, $0x2  }
0x2a: {  	[tilespmem:s17+$0x330] =	vst v0  }
0x2b: {  	[tilespmem:s17+$0x320] =	vst v0  }
0x2c: {  	[tilespmem:s17+$0x300] =	vst v0  }
0x2d: {  	[tilespmem:s17+$0x310] =	vst v0  }
0x2e: {  	[spmem:s8] =	stream.linear.scatter [tilespmem:s29], [sflag:$0x5], $0x2000, $0x38;
	[tilespmem:$0x18300] =	vst v63  }
0x2f: {  	_ =	swait.ge [sflag:s30], $0x2000  }
0x30: {  	[sflag:s30] =	ssyncset.done $0x0  }
0x31: {  	s22 =	rddreg [dreg:$0x4];
	[sflag:s30] =	ssyncadd.s32 $0xFFFFE000  }
0x32: {  	[spmem:s22] =	stream.linear.scatter [tilespmem:s29], [sflag:$0x5], $0x2000, $0x38;
	[tilespmem:$0x18300] =	vst v63  }
0x33: {  	_ =	swait.ge [sflag:s30], $0x2000  }
0x34: {  	[sflag:s30] =	ssyncset.done $0x0  }
0x35: {  	s23 =	rddreg [dreg:$0x5];
	[sflag:s30] =	ssyncadd.s32 $0xFFFFE000  }
0x36: {  	[spmem:s23] =	stream.linear.scatter [tilespmem:s29], [sflag:$0x5], $0x2000, $0x38;
	[tilespmem:$0x18300] =	vst v63  }
0x37: {  	_ =	swait.ge [sflag:s30], $0x2000  }
0x38: {  	[sflag:s30] =	ssyncset.done $0x0  }
0x39: {  	s18 =	rddreg [dreg:$0x6];
	[sflag:s30] =	ssyncadd.s32 $0xFFFFE000  }
0x3a: {  	[spmem:s18] =	stream.linear.scatter [tilespmem:s29], [sflag:$0x5], $0x2000, $0x38;
	[tilespmem:$0x18300] =	vst v63  }
0x3b: {  	_ =	swait.ge [sflag:s30], $0x2000  }
0x3c: {  	[sflag:s30] =	ssyncset.done $0x0  }
0x3d: {  	s19 =	rddreg [dreg:$0x7];
	[sflag:s30] =	ssyncadd.s32 $0xFFFFE000  }
0x3e: {  	[spmem:s19] =	stream.linear.scatter [tilespmem:s29], [sflag:$0x5], $0x2000, $0x38;
	[tilespmem:$0x18300] =	vst v63  }
0x3f: {  	_ =	swait.ge [sflag:s30], $0x2000  }
0x40: {  	[sflag:s30] =	ssyncset.done $0x0  }
0x41: {  	s20 =	rddreg [dreg:$0x8];
	[sflag:s30] =	ssyncadd.s32 $0xFFFFE000  }
0x42: {  	[spmem:s20] =	stream.linear.scatter [tilespmem:s29], [sflag:$0x5], $0x2000, $0x38;
	[tilespmem:$0x18300] =	vst v63  }
0x43: {  	_ =	swait.ge [sflag:s30], $0x2000  }
0x44: {  	[sflag:s30] =	ssyncset.done $0x0  }
0x45: {  	s21 =	rddreg [dreg:$0x9];
	[sflag:s30] =	ssyncadd.s32 $0xFFFFE000  }
0x46: {  	[spmem:s21] =	stream.linear.scatter [tilespmem:s29], [sflag:$0x5], $0x2000, $0x38;
	[tilespmem:$0x18300] =	vst v63  }
0x47: {  	_ =	swait.ge [sflag:s30], $0x2000  }
0x48: {  	[sflag:s30] =	ssyncset.done $0x0  }
0x49: {  	s22 =	rddreg [dreg:$0xa];
	[sflag:s30] =	ssyncadd.s32 $0xFFFFE000  }
0x4a: {  	[spmem:s22] =	stream.linear.scatter [tilespmem:s29], [sflag:$0x5], $0x2000, $0x38;
	[tilespmem:$0x18300] =	vst v63  }
0x4b: {  	_ =	swait.ge [sflag:s30], $0x2000  }
0x4c: {  	[sflag:s30] =	ssyncset.done $0x0  }
0x4d: {  	s23 =	rddreg [dreg:$0xb];
	[sflag:s30] =	ssyncadd.s32 $0xFFFFE000  }
0x4e: {  	[spmem:s23] =	stream.linear.scatter [tilespmem:s29], [sflag:$0x5], $0x2000, $0x38;
	[tilespmem:$0x18300] =	vst v63  }
0x4f: {  	_ =	swait.ge [sflag:s30], $0x2000  }
0x50: {  	[sflag:s30] =	ssyncset.done $0x0  }
0x51: {  	s18 =	rddreg [dreg:$0xc];
	[sflag:s30] =	ssyncadd.s32 $0xFFFFE000  }
0x52: {  	[spmem:s18] =	stream.linear.scatter [tilespmem:s29], [sflag:$0x5], $0x2000, $0x38;
	[tilespmem:$0x18300] =	vst v63  }
0x53: {  	_ =	swait.ge [sflag:s30], $0x2000  }
0x54: {  	[sflag:s30] =	ssyncset.done $0x0  }
0x55: {  	[sflag:s30] =	ssyncadd.s32 $0xFFFFE000  }
0x56: {  	[bflag:$0x0] =	sbarrier.arrive $0xFFFF  }
0x57: {  	s17 =	simm.s32 $0x0;
	s18 =	rddreg [dreg:$0xd]  }
0x58: {  	[tilespmem:s17], [sflag:$0x1] =	stream.linear.gather [hbm4b:s18+s17], $0x80, $0x38;
	[tilespmem:$0x18300] =	vst v63  }
0x59: {  	s19 =	rddreg [dreg:$0xe]  }
0x5a: {  	[tilespmem:s31], [sflag:$0x1] =	stream.linear.gather [hbm4b:s19+s17], $0x80, $0x38;
	[tilespmem:$0x18300] =	vst v63  }
0x5b: {  	s20 =	rddreg [dreg:$0xf]  }
0x5c: {  	[tilespmem:s0], [sflag:$0x1] =	stream.linear.gather [hbm4b:s20+s17], $0x80, $0x38;
	[tilespmem:$0x18300] =	vst v63  }
0x5d: {  	_ =	swait.ge [sflag:s2], $0x80  }
0x5e: {  	[sflag:s2] =	ssyncset.done $0x0  }
0x5f: {  	[sflag:s2] =	ssyncadd.s32 $0xFFFFFF80  }
0x60: {  	_ =	swait.ge [sflag:s2], $0x80  }
0x61: {  	[sflag:s2] =	ssyncset.done $0x0  }
0x62: {  	[sflag:s2] =	ssyncadd.s32 $0xFFFFFF80  }
0x63: {  	_ =	swait.ge [sflag:s2], $0x80  }
0x64: {  	[sflag:s2] =	ssyncset.done $0x0  }
0x65: {  	[sflag:s2] =	ssyncadd.s32 $0xFFFFFF80  }
0x66: {  	[tilespmem:s29], [sflag:$0x3] =	stream.indirect.gather [hbm4b:s5+s9], $0x40, s17, s9, $0xb8;
	[tilespmem:$0x18300] =	vst v63  }
0x67: {  	s21 =	rddreg [dreg:$0x10]  }
0x68: {  	[tilespmem:s9], [sflag:$0x2] =	stream.linear.gather [hbm4b:s21+s17], $0x80, $0x38;
	[tilespmem:$0x18300] =	vst v63  }
0x69: {  	s22 =	rddreg [dreg:$0x11]  }
0x6a: {  	[tilespmem:s10], [sflag:$0x2] =	stream.linear.gather [hbm4b:s22+s17], $0x80, $0x38;
	[tilespmem:$0x18300] =	vst v63  }
0x6b: {  	s18 =	simm.s32 $0x0;
	s23 =	rddreg [dreg:$0x12]  }
0x6c: {  	[tilespmem:s11], [sflag:$0x2] =	stream.linear.gather [hbm4b:s23+s17], $0x80, $0x38;
	[tilespmem:$0x18300] =	vst v63  }
.LBB2_4:
0x6d: {  	_ =	swait.ge [sflag:s12], $0x80;
	s19 =	simm.s32 $0x1  }
0x6e: {  	v2 =	vmov s17;
	s20 =	simm.s32 $0x2;
	s23 =	simm.s32 $0x3;
	[sflag:s12] =	ssyncset.done $0x0  }
0x6f: {  	s21 =	simm.s32 $0x4;
	s22 =	simm.s32 $0x5;
	v2 =	vshrl.u32 v2, $0x3;
	v3 =	vmov s19;
	v4 =	vmov s20;
	[sflag:s12] =	ssyncadd.s32 $0xFFFFFF80  }
0x70: {  	v5 =	vmov s23;
	v6 =	vmov s21;
	s23 =	simm.s32 $0x6;
	v7 =	vmov s22;
	_ =	swait.ge [sflag:s12], $0x80  }
0x71: {  	v8 =	vmov s23;
	v2 =	vshll.u32 v2, v1;
	v3 =	vshrl.u32 v3, $0x3;
	[sflag:s12] =	ssyncset.done $0x0  }
0x72: {  	s20 =	simm.s32 $0x7;
	v4 =	vshrl.u32 v4, $0x3;
	v5 =	vshrl.u32 v5, $0x3;
	v6 =	vshrl.u32 v6, $0x3;
	[sflag:s12] =	ssyncadd.s32 $0xFFFFFF80  }
0x73: {  	v7 =	vshrl.u32 v7, $0x3;
	v9 =	vmov s20;
	v3 =	vshll.u32 v3, v1;
	_ =	swait.ge [sflag:s12], $0x80  }
0x74: {  	v2 =	vbroadcast v2, $0x0;
	v4 =	vshll.u32 v4, v1;
	v3 =	vadd.s32 $0x1, v3;
	[sflag:s12] =	ssyncset.done $0x0  }
0x75: {  	v5 =	vshll.u32 v5, v1;
	v4 =	vadd.s32 $0x2, v4;
	v3 =	vbroadcast v3, $0x0;
	[sflag:s12] =	ssyncadd.s32 $0xFFFFFF80  }
0x76: {  	v6 =	vshll.u32 v6, v1;
	v5 =	vadd.s32 $0x3, v5;
	v4 =	vbroadcast v4, $0x0;
	[tilespmem:s13], [sflag:$0x4] =	stream.indirect.gather [hbm4b:s5+s9], $0x40, s9, s9, $0xb8;
	[tilespmem:$0x18300] =	vst v63  }
0x77: {  	v7 =	vshll.u32 v7, v1;
	v6 =	vadd.s32 $0x4, v6;
	v5 =	vbroadcast v5, $0x0;
	_ =	swait.ge [sflag:s14], $0x2000  }
0x78: {  	v8 =	vshrl.u32 v8, $0x3;
	v7 =	vadd.s32 $0x5, v7;
	v6 =	vbroadcast v6, $0x0;
	[sflag:s14] =	ssyncset.done $0x0  }
0x79: {  	v9 =	vshrl.u32 v9, $0x3;
	v8 =	vshll.u32 v8, v1;
	v7 =	vbroadcast v7, $0x0;
	[sflag:s14] =	ssyncadd.s32 $0xFFFFE000  }
0x7a: {  	v9 =	vshll.u32 v9, v1;
	v8 =	vadd.s32 $0x6, v8;
	v10 =	vld.idx.msk [tilespmem:v2+s0+$0x0], $0xffff  }
0x7b: {  	v2 =	vbroadcast v8, $0x0;
	v8 =	vadd.s32 $0x7, v9;
	v9 =	vld.idx.msk [tilespmem:v3+s0+$0x0], $0xffff  }
0x7c: {  	v11 =	vld.idx.msk [tilespmem:v4+s0+$0x0], $0xffff  }
0x7d: {  	v5 =	vld.idx.msk [tilespmem:v5+s0+$0x0], $0xffff;
	v8 =	vbroadcast v8, $0x0  }
0x7e: {  	v12 =	vld.idx.msk [tilespmem:v6+s0+$0x0], $0xffff  }
0x7f: {  	s19 =	simm.s32 $0x400;
	v4 =	vld.idx.msk [tilespmem:v7+s0+$0x0], $0xffff  }
0x80: {  	v6 =	vld [tilespmem:s19+$0xF0]  }
0x81: {  	v7 =	vld [tilespmem:s19+$0xFFFFFF00]  }
0x82: {  	v3 =	vld.idx.msk [tilespmem:v2+s0+$0x0], $0xffff  }
0x83: {  	v2 =	vld.idx.msk [tilespmem:v8+s0+$0x0], $0xffff  }
0x84: {  	v8 =	vld [tilespmem:s19+$0xFFFFFF10]  }
0x85: {  	v13 =	vld [tilespmem:s19+$0xFFFFFF20]  }
0x86: {  	v14 =	vld [tilespmem:s19+$0xFFFFFF30]  }
0x87: {  	v15 =	vld [tilespmem:s19+$0xFFFFFF40];
	v7 =	vmul.f32 v7, v10  }
0x88: {  	v16 =	vld [tilespmem:s19+$0xFFFFFF50];
	v6 =	vmul.f32 v6, v2  }
0x89: {  	[tilespmem:s19+$0xFFFFFF00] =	vst v7;
	v7 =	vld [tilespmem:s19+$0xFFFFFF70];
	v8 =	vmul.f32 v8, v10  }
0x8a: {  	v17 =	vld [tilespmem:s19+$0xFFFFFF60];
	[tilespmem:s19+$0xF0] =	vst v6;
	v6 =	vmul.f32 v13, v10  }
0x8b: {  	[tilespmem:s19+$0xFFFFFF10] =	vst v8;
	v8 =	vmul.f32 v14, v10;
	v13 =	vld [tilespmem:s19+$0xFFFFFF90]  }
0x8c: {  	v10 =	vld [tilespmem:s19+$0xFFFFFF80];
	[tilespmem:s19+$0xFFFFFF20] =	vst v6;
	v6 =	vmul.f32 v15, v9  }
0x8d: {  	v14 =	vld [tilespmem:s19+$0xFFFFFFA0];
	[tilespmem:s19+$0xFFFFFF30] =	vst v8;
	v8 =	vmul.f32 v16, v9  }
0x8e: {  	v7 =	vmul.f32 v7, v9;
	v15 =	vld [tilespmem:s19+$0xFFFFFFB0];
	[tilespmem:s19+$0xFFFFFF40] =	vst v6  }
0x8f: {  	v6 =	vmul.f32 v17, v9;
	[tilespmem:s19+$0xFFFFFF50] =	vst v8;
	v8 =	vld [tilespmem:s19+$0xFFFFFFC0]  }
0x90: {  	s21 =	simm.s32 $0x8;
	[tilespmem:s19+$0xFFFFFF70] =	vst v7;
	v7 =	vmul.f32 v13, v11;
	v13 =	vld [tilespmem:s19+$0xFFFFFFE0]  }
0x91: {  	s22 =	simm.s32 $0x9;
	s23 =	simm.s32 $0xA;
	v16 =	vmov s21;
	[tilespmem:s19+$0xFFFFFF60] =	vst v6;
	v6 =	vmul.f32 v10, v11;
	v10 =	vld [tilespmem:s19+$0xFFFFFFD0]  }
0x92: {  	v9 =	vshrl.u32 v16, $0x3;
	v16 =	vmov s22;
	v17 =	vmov s23;
	s22 =	simm.s32 $0xB;
	s23 =	simm.s32 $0xC  }
0x93: {  	v18 =	vmov s22;
	v19 =	vmov s23;
	s22 =	simm.s32 $0xD;
	[tilespmem:s19+$0xFFFFFF80] =	vst v6;
	v6 =	vmul.f32 v14, v11;
	v14 =	vld [tilespmem:s19+$0xFFFFFFF0]  }
0x94: {  	s23 =	simm.s32 $0xE;
	v9 =	vshll.u32 v9, v1;
	v20 =	vmov s22;
	[tilespmem:s19+$0xFFFFFF90] =	vst v7;
	v7 =	vmul.f32 v15, v11;
	v11 =	vld [tilespmem:s19+$0x0]  }
0x95: {  	v21 =	vmov s23;
	v15 =	vshrl.u32 v16, $0x3;
	[tilespmem:s19+$0xFFFFFFA0] =	vst v6;
	v6 =	vmul.f32 v8, v5;
	v8 =	vld [tilespmem:s19+$0x10]  }
0x96: {  	v16 =	vshrl.u32 v17, $0x3;
	[tilespmem:s19+$0xFFFFFFB0] =	vst v7;
	v13 =	vmul.f32 v13, v5;
	v7 =	vmul.f32 v10, v5;
	v10 =	vld [tilespmem:s19+$0x20]  }
0x97: {  	v17 =	vshrl.u32 v18, $0x3;
	v18 =	vshrl.u32 v19, $0x3;
	v19 =	vshrl.u32 v20, $0x3;
	v20 =	vld [tilespmem:s19+$0x30];
	[tilespmem:s19+$0xFFFFFFC0] =	vst v6  }
0x98: {  	v15 =	vshll.u32 v15, v1;
	v16 =	vshll.u32 v16, v1;
	[tilespmem:s19+$0xFFFFFFE0] =	vst v13;
	v5 =	vmul.f32 v14, v5;
	v14 =	vld [tilespmem:s19+$0x40]  }
0x99: {  	v18 =	vshll.u32 v18, v1;
	v19 =	vshll.u32 v19, v1;
	[tilespmem:s19+$0xFFFFFFD0] =	vst v7;
	v7 =	vmul.f32 v11, v12;
	v11 =	vld [tilespmem:s19+$0x50]  }
0x9a: {  	v63 =	vld [tilespmem:s19+$0x60];
	v6 =	vbroadcast v9, $0x0;
	v9 =	vshrl.u32 v21, $0x3;
	[tilespmem:s19+$0xFFFFFFF0] =	vst v5;
	v5 =	vmul.f32 v8, v12  }
0x9b: {  	v13 =	vshll.u32 v17, v1;
	v22 =	vshll.u32 v9, v1;
	[tilespmem:s19+$0x0] =	vst v7;
	v7 =	vld [tilespmem:s19+$0x70];
	v8 =	vmul.f32 v10, v12  }
0x9c: {  	v9 =	vadd.s32 $0x1, v15;
	v15 =	vadd.s32 $0x2, v16;
	v12 =	vmul.f32 v20, v12;
	[tilespmem:s19+$0x10] =	vst v5;
	v5 =	vld [tilespmem:s19+$0x80]  }
0x9d: {  	v17 =	vadd.s32 $0x3, v13;
	v13 =	vadd.s32 $0x4, v18;
	[tilespmem:s19+$0x20] =	vst v8;
	v18 =	vmul.f32 v14, v4;
	v8 =	vld [tilespmem:s19+$0x90]  }
0x9e: {  	v10 =	vbroadcast v9, $0x0;
	v9 =	vld [tilespmem:s19+$0xA0];
	v14 =	vadd.s32 $0x5, v19;
	[tilespmem:s19+$0x30] =	vst v12;
	v16 =	vmul.f32 v11, v4  }
0x9f: {  	s20 =	simm.s32 $0x10;
	s21 =	simm.s32 $0xF;
	v12 =	vbroadcast v15, $0x0;
	v15 =	vadd.s32 $0x6, v22;
	v11 =	vld [tilespmem:s19+$0xB0];
	[tilespmem:s19+$0x40] =	vst v18;
	v18 =	vmul.f32 v63, v4  }
.LBB2_5:
0xa0: {  	p0 =	slt.u32 s20, $0x78;
	v17 =	vbroadcast v17, $0x0;
	v19 =	vmov s21;
	[tilespmem:s19+$0x50] =	vst v16;
	v4 =	vmul.f32 v7, v4;
	v7 =	vld [tilespmem:s19+$0xC0]  }
0xa1: {  	v13 =	vbroadcast v13, $0x0;
	v16 =	vshrl.u32 v19, $0x3;
	[tilespmem:s19+$0x60] =	vst v18;
	v5 =	vmul.f32 v5, v3;
	v18 =	vld [tilespmem:s19+$0xD0]  }
0xa2: {  	v14 =	vbroadcast v14, $0x0;
	v16 =	vshll.u32 v16, v1;
	[tilespmem:s19+$0x70] =	vst v4;
	v4 =	vmul.f32 v8, v3;
	v8 =	vld [tilespmem:s19+$0xE0]  }
0xa3: {  	v15 =	vbroadcast v15, $0x0;
	v6 =	vld.idx.msk [tilespmem:v6+s0+$0x0], $0xffff;
	v16 =	vadd.s32 $0x7, v16;
	[tilespmem:s19+$0x80] =	vst v5;
	v5 =	vmul.f32 v9, v3  }
0xa4: {  	v9 =	vld.idx.msk [tilespmem:v10+s0+$0x0], $0xffff;
	v10 =	vbroadcast v16, $0x0;
	[tilespmem:s19+$0x90] =	vst v4;
	v3 =	vmul.f32 v11, v3  }
0xa5: {  	v11 =	vld.idx.msk [tilespmem:v12+s0+$0x0], $0xffff;
	[tilespmem:s19+$0xA0] =	vst v5;
	v4 =	vmul.f32 v7, v2  }
0xa6: {  	v7 =	vld.idx.msk [tilespmem:v17+s0+$0x0], $0xffff;
	[tilespmem:s19+$0xB0] =	vst v3;
	v3 =	vmul.f32 v18, v2  }
0xa7: {  	v5 =	vld.idx.msk [tilespmem:v13+s0+$0x0], $0xffff;
	[tilespmem:s19+$0xC0] =	vst v4;
	v2 =	vmul.f32 v8, v2  }
0xa8: {  	v4 =	vld.idx.msk [tilespmem:v14+s0+$0x0], $0xffff;
	[tilespmem:s19+$0xD0] =	vst v3  }
0xa9: {  	v3 =	vld.idx.msk [tilespmem:v15+s0+$0x0], $0xffff;
	[tilespmem:s19+$0xE0] =	vst v2  }
0xaa: {  	s19 =	sadd.s32 $0x200, s19;
	v2 =	vld.idx.msk [tilespmem:v10+s0+$0x0], $0xffff  }
0xab: {  	v8 =	vld [tilespmem:s19+$0xF0]  }
0xac: {  	v10 =	vld [tilespmem:s19+$0xFFFFFF00]  }
0xad: {  	v12 =	vld [tilespmem:s19+$0xFFFFFF10]  }
0xae: {  	v13 =	vld [tilespmem:s19+$0xFFFFFF20]  }
0xaf: {  	v14 =	vld [tilespmem:s19+$0xFFFFFF30]  }
0xb0: {  	v15 =	vld [tilespmem:s19+$0xFFFFFF40];
	v8 =	vmul.f32 v8, v2  }
0xb1: {  	v10 =	vmul.f32 v10, v6;
	v16 =	vld [tilespmem:s19+$0xFFFFFF50]  }
0xb2: {  	v12 =	vmul.f32 v12, v6;
	v17 =	vld [tilespmem:s19+$0xFFFFFF60];
	[tilespmem:s19+$0xF0] =	vst v8  }
0xb3: {  	[tilespmem:s19+$0xFFFFFF00] =	vst v10;
	v8 =	vmul.f32 v13, v6;
	v10 =	vld [tilespmem:s19+$0xFFFFFF70]  }
0xb4: {  	[tilespmem:s19+$0xFFFFFF10] =	vst v12;
	v6 =	vmul.f32 v14, v6;
	v12 =	vld [tilespmem:s19+$0xFFFFFF80]  }
0xb5: {  	[tilespmem:s19+$0xFFFFFF20] =	vst v8;
	v8 =	vmul.f32 v15, v9;
	v13 =	vld [tilespmem:s19+$0xFFFFFF90]  }
0xb6: {  	[tilespmem:s19+$0xFFFFFF30] =	vst v6;
	v6 =	vmul.f32 v16, v9;
	v14 =	vld [tilespmem:s19+$0xFFFFFFA0]  }
0xb7: {  	[tilespmem:s19+$0xFFFFFF40] =	vst v8;
	v8 =	vmul.f32 v17, v9;
	v15 =	vld [tilespmem:s19+$0xFFFFFFB0]  }
0xb8: {  	v16 =	vmov s20;
	[tilespmem:s19+$0xFFFFFF50] =	vst v6;
	v6 =	vmul.f32 v10, v9;
	v9 =	vld [tilespmem:s19+$0xFFFFFFC0]  }
0xb9: {  	s21 =	sadd.s32 $0x1, s20;
	s22 =	sadd.s32 $0x2, s20;
	v10 =	vshrl.u32 v16, $0x3;
	[tilespmem:s19+$0xFFFFFF60] =	vst v8;
	v8 =	vmul.f32 v12, v11;
	v12 =	vld [tilespmem:s19+$0xFFFFFFD0]  }
0xba: {  	v17 =	vmov s22;
	s22 =	sadd.s32 $0x4, s20;
	v16 =	vmov s21;
	s21 =	sadd.s32 $0x3, s20;
	[tilespmem:s19+$0xFFFFFF70] =	vst v6;
	v6 =	vmul.f32 v13, v11;
	v13 =	vld [tilespmem:s19+$0xFFFFFFE0]  }
0xbb: {  	v19 =	vmov s22;
	s22 =	sadd.s32 $0x6, s20;
	v18 =	vmov s21;
	s21 =	sadd.s32 $0x5, s20;
	[tilespmem:s19+$0xFFFFFF80] =	vst v8;
	v8 =	vmul.f32 v14, v11;
	v14 =	vld [tilespmem:s19+$0xFFFFFFF0]  }
0xbc: {  	v21 =	vmov s22;
	v20 =	vmov s21;
	[tilespmem:s19+$0xFFFFFF90] =	vst v6;
	v6 =	vmul.f32 v15, v11;
	v11 =	vld [tilespmem:s19+$0x0]  }
0xbd: {  	v10 =	vshll.u32 v10, v1;
	v15 =	vshrl.u32 v16, $0x3;
	[tilespmem:s19+$0xFFFFFFA0] =	vst v8;
	v8 =	vmul.f32 v9, v7;
	v9 =	vld [tilespmem:s19+$0x10]  }
0xbe: {  	v16 =	vshrl.u32 v17, $0x3;
	v17 =	vshrl.u32 v18, $0x3;
	[tilespmem:s19+$0xFFFFFFB0] =	vst v6;
	v12 =	vmul.f32 v12, v7;
	v18 =	vld [tilespmem:s19+$0x20]  }
0xbf: {  	v19 =	vshrl.u32 v19, $0x3;
	v20 =	vshrl.u32 v20, $0x3;
	[tilespmem:s19+$0xFFFFFFC0] =	vst v8;
	v8 =	vmul.f32 v13, v7;
	v13 =	vld [tilespmem:s19+$0x30]  }
0xc0: {  	v6 =	vbroadcast v10, $0x0;
	v10 =	vshrl.u32 v21, $0x3;
	[tilespmem:s19+$0xFFFFFFD0] =	vst v12;
	v7 =	vmul.f32 v14, v7;
	v12 =	vld [tilespmem:s19+$0x40]  }
0xc1: {  	v14 =	vshll.u32 v15, v1;
	v15 =	vshll.u32 v16, v1;
	[tilespmem:s19+$0xFFFFFFE0] =	vst v8;
	v8 =	vmul.f32 v11, v5;
	v11 =	vld [tilespmem:s19+$0x50]  }
0xc2: {  	v19 =	vshll.u32 v19, v1;
	v16 =	vshll.u32 v17, v1;
	[tilespmem:s19+$0xFFFFFFF0] =	vst v7;
	v9 =	vmul.f32 v9, v5;
	v21 =	vld [tilespmem:s19+$0x60]  }
.Ltmp3:
0xc3: {  	v20 =	vshll.u32 v20, v1;
	v22 =	vshll.u32 v10, v1;
	[tilespmem:s19+$0x0] =	vst v8;
	v8 =	vmul.f32 v18, v5;
	v7 =	vld [tilespmem:s19+$0x70];
	(pc) =	sbr.rel @p0 .LBB2_5-.Ltmp3, $4  }
0xc4: {  	v10 =	vadd.s32 $0x1, v14;
	v15 =	vadd.s32 $0x2, v15;
	[tilespmem:s19+$0x10] =	vst v9;
	v9 =	vmul.f32 v13, v5;
	v5 =	vld [tilespmem:s19+$0x80]  }
0xc5: {  	v17 =	vadd.s32 $0x3, v16;
	v13 =	vadd.s32 $0x4, v19;
	[tilespmem:s19+$0x20] =	vst v8;
	v18 =	vmul.f32 v12, v4;
	v8 =	vld [tilespmem:s19+$0x90]  }
0xc6: {  	v14 =	vadd.s32 $0x5, v20;
	v10 =	vbroadcast v10, $0x0;
	[tilespmem:s19+$0x30] =	vst v9;
	v16 =	vmul.f32 v11, v4;
	v9 =	vld [tilespmem:s19+$0xA0]  }
0xc7: {  	s21 =	sadd.s32 $0x7, s20;
	s20 =	sadd.s32 $0x8, s20;
	v12 =	vbroadcast v15, $0x0;
	v15 =	vadd.s32 $0x6, v22;
	[tilespmem:s19+$0x40] =	vst v18;
	v18 =	vmul.f32 v21, v4;
	v11 =	vld [tilespmem:s19+$0xB0]  }
0xc8: {  	_ = 	snop  }
0xc9: {  	v20 =	vld [tilespmem:s19+$0xC0]  }
0xca: {  	v21 =	vld [tilespmem:s19+$0xD0]  }
0xcb: {  	v19 =	vmov s21;
	v22 =	vld [tilespmem:s19+$0xE0]  }
0xcc: {  	v6 =	vld.idx.msk [tilespmem:v6+s0+$0x0], $0xffff;
	v19 =	vshrl.u32 v19, $0x3  }
0xcd: {  	v17 =	vbroadcast v17, $0x0;
	v10 =	vld.idx.msk [tilespmem:v10+s0+$0x0], $0xffff;
	v4 =	vmul.f32 v7, v4;
	v19 =	vshll.u32 v19, v1  }
0xce: {  	v14 =	vbroadcast v14, $0x0;
	[tilespmem:s19+$0x50] =	vst v16;
	s20 =	sadd.s32 $0x200, s19;
	v12 =	vld.idx.msk [tilespmem:v12+s0+$0x0], $0xffff;
	v5 =	vmul.f32 v5, v3;
	v19 =	vadd.s32 $0x7, v19  }
0xcf: {  	v16 =	vld [tilespmem:s20+$0xFFFFFF60];
	[tilespmem:s19+$0x70] =	vst v4;
	v4 =	vmul.f32 v8, v3;
	v19 =	vbroadcast v19, $0x0  }
0xd0: {  	v15 =	vbroadcast v15, $0x0;
	[tilespmem:s19+$0x80] =	vst v5;
	v5 =	vmul.f32 v9, v3;
	v9 =	vld [tilespmem:s20+$0xF0]  }
0xd1: {  	[tilespmem:s19+$0x90] =	vst v4;
	v4 =	vld [tilespmem:s20+$0xFFFFFF00]  }
0xd2: {  	v3 =	vmul.f32 v11, v3;
	v11 =	vld [tilespmem:s20+$0xFFFFFF10]  }
0xd3: {  	v17 =	vld.idx.msk [tilespmem:v17+s0+$0x0], $0xffff  }
0xd4: {  	v7 =	vld.idx.msk [tilespmem:v14+s0+$0x0], $0xffff  }
0xd5: {  	v13 =	vbroadcast v13, $0x0;
	[tilespmem:s19+$0xA0] =	vst v5;
	v5 =	vmul.f32 v20, v2;
	v8 =	vld.idx.msk [tilespmem:v19+s0+$0x0], $0xffff  }
0xd6: {  	v14 =	vld.idx.msk [tilespmem:v15+s0+$0x0], $0xffff;
	[tilespmem:s19+$0xB0] =	vst v3;
	v3 =	vmul.f32 v21, v2  }
0xd7: {  	v15 =	vld [tilespmem:s20+$0xFFFFFF20];
	v2 =	vmul.f32 v22, v2;
	[tilespmem:s19+$0xC0] =	vst v5  }
0xd8: {  	v5 =	vld [tilespmem:s20+$0xFFFFFF30];
	[tilespmem:s19+$0xD0] =	vst v3  }
0xd9: {  	v3 =	vld [tilespmem:s20+$0xFFFFFF40];
	[tilespmem:s19+$0xE0] =	vst v2;
	v2 =	vmul.f32 v4, v6  }
0xda: {  	[tilespmem:s19+$0x60] =	vst v18;
	v4 =	vld [tilespmem:s20+$0xFFFFFF50];
	v9 =	vmul.f32 v9, v8  }
0xdb: {  	v13 =	vld.idx.msk [tilespmem:v13+s0+$0x0], $0xffff;
	v11 =	vmul.f32 v11, v6;
	[tilespmem:s20+$0xFFFFFF00] =	vst v2  }
0xdc: {  	v2 =	vmul.f32 v15, v6;
	[tilespmem:s20+$0xF0] =	vst v9;
	v9 =	vld [tilespmem:s20+$0xFFFFFF70]  }
0xdd: {  	[tilespmem:s20+$0xFFFFFF10] =	vst v11;
	v5 =	vmul.f32 v5, v6;
	v6 =	vld [tilespmem:s20+$0xFFFFFF80]  }
0xde: {  	[tilespmem:s20+$0xFFFFFF20] =	vst v2;
	v2 =	vmul.f32 v3, v10;
	v3 =	vld [tilespmem:s20+$0xFFFFFF90]  }
0xdf: {  	[tilespmem:s20+$0xFFFFFF30] =	vst v5;
	v4 =	vmul.f32 v4, v10;
	v5 =	vld [tilespmem:s20+$0xFFFFFFA0]  }
0xe0: {  	v11 =	vld [tilespmem:s20+$0xFFFFFFB0];
	[tilespmem:s20+$0xFFFFFF40] =	vst v2;
	v2 =	vmul.f32 v16, v10  }
0xe1: {  	[tilespmem:s20+$0xFFFFFF50] =	vst v4;
	v4 =	vmul.f32 v9, v10;
	v9 =	vld [tilespmem:s20+$0xFFFFFFC0]  }
0xe2: {  	[tilespmem:s20+$0xFFFFFF60] =	vst v2;
	v2 =	vmul.f32 v6, v12;
	v6 =	vld [tilespmem:s20+$0xFFFFFFD0]  }
0xe3: {  	v3 =	vmul.f32 v3, v12;
	[tilespmem:s20+$0xFFFFFF70] =	vst v4;
	v4 =	vld [tilespmem:s20+$0xFFFFFFE0]  }
0xe4: {  	[tilespmem:s20+$0xFFFFFF80] =	vst v2;
	v2 =	vmul.f32 v5, v12;
	v5 =	vld [tilespmem:s20+$0xFFFFFFF0]  }
0xe5: {  	[tilespmem:s20+$0xFFFFFF90] =	vst v3;
	v3 =	vmul.f32 v11, v12;
	v10 =	vld [tilespmem:s20+$0x0]  }
0xe6: {  	[tilespmem:s20+$0xFFFFFFA0] =	vst v2;
	v2 =	vmul.f32 v9, v17;
	v9 =	vld [tilespmem:s20+$0x10]  }
0xe7: {  	[tilespmem:s20+$0xFFFFFFB0] =	vst v3;
	v3 =	vmul.f32 v6, v17;
	v6 =	vld [tilespmem:s20+$0x20]  }
0xe8: {  	[tilespmem:s20+$0xFFFFFFC0] =	vst v2;
	v2 =	vmul.f32 v4, v17;
	v4 =	vld [tilespmem:s20+$0x30]  }
0xe9: {  	[tilespmem:s20+$0xFFFFFFD0] =	vst v3;
	v3 =	vmul.f32 v5, v17;
	v5 =	vld [tilespmem:s20+$0x40]  }
0xea: {  	[tilespmem:s20+$0xFFFFFFE0] =	vst v2;
	v2 =	vmul.f32 v10, v13;
	v10 =	vld [tilespmem:s20+$0x50]  }
0xeb: {  	[tilespmem:s20+$0xFFFFFFF0] =	vst v3;
	v3 =	vmul.f32 v9, v13;
	v9 =	vld [tilespmem:s20+$0x60]  }
0xec: {  	[tilespmem:s20+$0x0] =	vst v2;
	v2 =	vmul.f32 v6, v13;
	v6 =	vld [tilespmem:s20+$0x70]  }
0xed: {  	[tilespmem:s20+$0x10] =	vst v3;
	v3 =	vmul.f32 v4, v13;
	v4 =	vld [tilespmem:s20+$0x80]  }
0xee: {  	[tilespmem:s20+$0x20] =	vst v2;
	v2 =	vmul.f32 v5, v7;
	v5 =	vld [tilespmem:s20+$0x90]  }
0xef: {  	[tilespmem:s20+$0x30] =	vst v3;
	v3 =	vmul.f32 v10, v7;
	v10 =	vld [tilespmem:s20+$0xA0]  }
0xf0: {  	[tilespmem:s20+$0x40] =	vst v2;
	v2 =	vmul.f32 v9, v7;
	v9 =	vld [tilespmem:s20+$0xB0]  }
0xf1: {  	[tilespmem:s20+$0x50] =	vst v3;
	v3 =	vmul.f32 v6, v7;
	v6 =	vld [tilespmem:s20+$0xC0]  }
0xf2: {  	[tilespmem:s20+$0x60] =	vst v2;
	v2 =	vmul.f32 v4, v14;
	v4 =	vld [tilespmem:s20+$0xD0]  }
0xf3: {  	[tilespmem:s20+$0x70] =	vst v3;
	v3 =	vmul.f32 v5, v14;
	v5 =	vld [tilespmem:s20+$0xE0]  }
0xf4: {  	[tilespmem:s20+$0x80] =	vst v2;
	v2 =	vmul.f32 v10, v14  }
0xf5: {  	[tilespmem:s20+$0x90] =	vst v3;
	v3 =	vmul.f32 v9, v14  }
0xf6: {  	[tilespmem:s20+$0xA0] =	vst v2;
	v2 =	vmul.f32 v6, v8  }
0xf7: {  	[tilespmem:s20+$0xB0] =	vst v3;
	v3 =	vmul.f32 v4, v8  }
0xf8: {  	[tilespmem:s20+$0xC0] =	vst v2;
	v2 =	vmul.f32 v5, v8  }
0xf9: {  	[tilespmem:s20+$0xD0] =	vst v3  }
0xfa: {  	p0 =	seq.s32 s18, $0x3F;
	s19 =	sshll.u32 s18, $0x8;
	[tilespmem:s20+$0xE0] =	vst v2  }
0xfb: {  	[spmem:s3] =	stream.indirect.scatter.add.f32 [tilespmem:s29], [sflag:$0x5], $0x40, s31, s9, $0xb8;
	[tilespmem:$0x18300] =	vst v63  }
0xfc: {  	s20 =	sadd.s32 @!p0 s19, s24;
	_ =	swait.ge [sflag:s30], $0x2000  }
0xfd: {  	s20 =	sshrl.u32 @!p0 s20, $0x3;
	[sflag:s30] =	ssyncset.done $0x0  }
0xfe: {  	s22 =	simm.s32 @!p0 $0x0;
	s21 =	sadd.s32 @!p0 s1, s20;
	[sflag:s30] =	ssyncadd.s32 $0xFFFFE000  }
0xff: {  	[tilespmem:s22], [sflag:$0x1] =	stream.linear.gather @!p0 [hbm4b:s21+s22], $0x80, $0x38;
	[tilespmem:$0x18300] =	vst v63  }
0x100: {  	s23 =	simm.s32 @!p0 $0x100;
	s21 =	sadd.s32 @!p0 s6, s20  }
0x101: {  	[tilespmem:s23], [sflag:$0x1] =	stream.linear.gather @!p0 [hbm4b:s21+s22], $0x80, $0x38;
	[tilespmem:$0x18300] =	vst v63  }
0x102: {  	s20 =	sadd.s32 @!p0 s7, s20;
	s21 =	simm.s32 @!p0 $0x200  }
0x103: {  	[tilespmem:s21], [sflag:$0x1] =	stream.linear.gather @!p0 [hbm4b:s20+s22], $0x80, $0x38;
	[tilespmem:$0x18300] =	vst v63  }
0x104: {  	v4 =	vmov s26;
	s20 =	simm.s32 @!p0 $0x1  }
0x105: {  	v4 =	vshrl.u32 v4, $0x3;
	_ =	swait.ge @!p0 [sflag:s20], $0x80  }
0x106: {  	v4 =	vshll.u32 v4, v1;
	s23 =	simm.s32 $0x1;
	[sflag:s20] =	ssyncset.done @!p0 $0x0  }
0x107: {  	v4 =	vadd.s32 $0x2, v4;
	v3 =	vmov s23;
	s23 =	simm.s32 $0x4;
	[sflag:s20] =	ssyncadd.s32 @!p0 $0xFFFFFF80  }
0x108: {  	v4 =	vbroadcast v4, $0x0;
	s21 =	simm.s32 $0x0;
	v6 =	vmov s23;
	s23 =	simm.s32 $0x6;
	_ =	swait.ge @!p0 [sflag:s20], $0x80  }
0x109: {  	v3 =	vshrl.u32 v3, $0x3;
	v2 =	vmov s21;
	v8 =	vmov s23;
	[sflag:s20] =	ssyncset.done @!p0 $0x0  }
0x10a: {  	s21 =	simm.s32 $0x3;
	v6 =	vshrl.u32 v6, $0x3;
	v3 =	vshll.u32 v3, v1;
	v2 =	vshrl.u32 v2, $0x3;
	[sflag:s20] =	ssyncadd.s32 @!p0 $0xFFFFFF80  }
0x10b: {  	v5 =	vmov s21;
	v8 =	vshrl.u32 v8, $0x3;
	v2 =	vshll.u32 v2, v1;
	_ =	swait.ge @!p0 [sflag:s20], $0x80  }
0x10c: {  	s21 =	simm.s32 $0x5;
	v3 =	vadd.s32 $0x1, v3;
	v5 =	vshrl.u32 v5, $0x3;
	v2 =	vbroadcast v2, $0x0;
	[sflag:s20] =	ssyncset.done @!p0 $0x0  }
0x10d: {  	v7 =	vmov s21;
	s21 =	simm.s32 @!p0 $0x300;
	v3 =	vbroadcast v3, $0x0;
	v5 =	vshll.u32 v5, v1;
	[sflag:s20] =	ssyncadd.s32 @!p0 $0xFFFFFF80;
	s20 =	simm.s32 @!p0 $0x80  }
0x10e: {  	v6 =	vshll.u32 v6, v1;
	v7 =	vshrl.u32 v7, $0x3;
	v5 =	vadd.s32 $0x3, v5;
	[tilespmem:s21], [sflag:$0x3] =	stream.indirect.gather @!p0 [hbm4b:s5+s20], $0x40, s22, s20, $0xb8;
	[tilespmem:$0x18300] =	vst v63  }
0x10f: {  	v6 =	vadd.s32 $0x4, v6;
	v7 =	vshll.u32 v7, v1;
	v5 =	vbroadcast v5, $0x0;
	s22 =	simm.s32 $0x7;
	_ =	swait.ge [sflag:s15], $0x2000  }
0x110: {  	v6 =	vbroadcast v6, $0x0;
	v7 =	vadd.s32 $0x5, v7;
	v9 =	vmov s22;
	[sflag:s15] =	ssyncset.done $0x0  }
0x111: {  	v8 =	vshll.u32 v8, v1;
	v7 =	vbroadcast v7, $0x0;
	v9 =	vshrl.u32 v9, $0x3;
	[sflag:s15] =	ssyncadd.s32 $0xFFFFE000  }
0x112: {  	v8 =	vadd.s32 $0x6, v8;
	v9 =	vshll.u32 v9, v1;
	v10 =	vld.idx.msk [tilespmem:v2+s11+$0x0], $0xffff  }
0x113: {  	v2 =	vbroadcast v8, $0x0;
	v8 =	vadd.s32 $0x7, v9;
	v9 =	vld.idx.msk [tilespmem:v3+s11+$0x0], $0xffff  }
0x114: {  	v11 =	vld.idx.msk [tilespmem:v4+s11+$0x0], $0xffff  }
0x115: {  	v5 =	vld.idx.msk [tilespmem:v5+s11+$0x0], $0xffff;
	v8 =	vbroadcast v8, $0x0  }
0x116: {  	v12 =	vld.idx.msk [tilespmem:v6+s11+$0x0], $0xffff  }
0x117: {  	s20 =	simm.s32 $0x2400;
	v4 =	vld.idx.msk [tilespmem:v7+s11+$0x0], $0xffff  }
0x118: {  	v6 =	vld [tilespmem:s20+$0xF0]  }
0x119: {  	v7 =	vld [tilespmem:s20+$0xFFFFFF00]  }
0x11a: {  	v3 =	vld.idx.msk [tilespmem:v2+s11+$0x0], $0xffff  }
0x11b: {  	v2 =	vld.idx.msk [tilespmem:v8+s11+$0x0], $0xffff  }
0x11c: {  	v8 =	vld [tilespmem:s20+$0xFFFFFF10]  }
0x11d: {  	v13 =	vld [tilespmem:s20+$0xFFFFFF20]  }
0x11e: {  	v14 =	vld [tilespmem:s20+$0xFFFFFF30]  }
0x11f: {  	v15 =	vld [tilespmem:s20+$0xFFFFFF40];
	v7 =	vmul.f32 v7, v10  }
0x120: {  	v16 =	vld [tilespmem:s20+$0xFFFFFF50];
	v6 =	vmul.f32 v6, v2  }
0x121: {  	[tilespmem:s20+$0xFFFFFF00] =	vst v7;
	v7 =	vld [tilespmem:s20+$0xFFFFFF70];
	v8 =	vmul.f32 v8, v10  }
0x122: {  	v17 =	vld [tilespmem:s20+$0xFFFFFF60];
	[tilespmem:s20+$0xF0] =	vst v6;
	v6 =	vmul.f32 v13, v10  }
0x123: {  	[tilespmem:s20+$0xFFFFFF10] =	vst v8;
	v8 =	vmul.f32 v14, v10;
	v13 =	vld [tilespmem:s20+$0xFFFFFF90]  }
0x124: {  	v10 =	vld [tilespmem:s20+$0xFFFFFF80];
	[tilespmem:s20+$0xFFFFFF20] =	vst v6;
	v6 =	vmul.f32 v15, v9  }
0x125: {  	v14 =	vld [tilespmem:s20+$0xFFFFFFA0];
	[tilespmem:s20+$0xFFFFFF30] =	vst v8;
	v8 =	vmul.f32 v16, v9  }
0x126: {  	v7 =	vmul.f32 v7, v9;
	v15 =	vld [tilespmem:s20+$0xFFFFFFB0];
	[tilespmem:s20+$0xFFFFFF40] =	vst v6  }
0x127: {  	v6 =	vmul.f32 v17, v9;
	[tilespmem:s20+$0xFFFFFF50] =	vst v8;
	v8 =	vld [tilespmem:s20+$0xFFFFFFC0]  }
0x128: {  	s23 =	simm.s32 $0x8;
	[tilespmem:s20+$0xFFFFFF70] =	vst v7;
	v7 =	vmul.f32 v13, v11;
	v13 =	vld [tilespmem:s20+$0xFFFFFFE0]  }
0x129: {  	s22 =	simm.s32 $0x9;
	v16 =	vmov s23;
	s23 =	simm.s32 $0xA;
	[tilespmem:s20+$0xFFFFFF60] =	vst v6;
	v6 =	vmul.f32 v10, v11;
	v10 =	vld [tilespmem:s20+$0xFFFFFFD0]  }
0x12a: {  	v9 =	vshrl.u32 v16, $0x3;
	v16 =	vmov s22;
	v17 =	vmov s23;
	s22 =	simm.s32 $0xB;
	s23 =	simm.s32 $0xC  }
0x12b: {  	v18 =	vmov s22;
	v19 =	vmov s23;
	s22 =	simm.s32 $0xD;
	[tilespmem:s20+$0xFFFFFF80] =	vst v6;
	v6 =	vmul.f32 v14, v11;
	v14 =	vld [tilespmem:s20+$0xFFFFFFF0]  }
0x12c: {  	s23 =	simm.s32 $0xE;
	v9 =	vshll.u32 v9, v1;
	v20 =	vmov s22;
	[tilespmem:s20+$0xFFFFFF90] =	vst v7;
	v7 =	vmul.f32 v15, v11;
	v11 =	vld [tilespmem:s20+$0x0]  }
0x12d: {  	v61 =	vmov s23;
	v15 =	vshrl.u32 v16, $0x3;
	[tilespmem:s20+$0xFFFFFFA0] =	vst v6;
	v6 =	vmul.f32 v8, v5;
	v8 =	vld [tilespmem:s20+$0x10]  }
0x12e: {  	v16 =	vshrl.u32 v17, $0x3;
	[tilespmem:s20+$0xFFFFFFB0] =	vst v7;
	v13 =	vmul.f32 v13, v5;
	v7 =	vmul.f32 v10, v5;
	v10 =	vld [tilespmem:s20+$0x20]  }
0x12f: {  	v17 =	vshrl.u32 v18, $0x3;
	v18 =	vshrl.u32 v19, $0x3;
	v19 =	vshrl.u32 v20, $0x3;
	v20 =	vld [tilespmem:s20+$0x30];
	[tilespmem:s20+$0xFFFFFFC0] =	vst v6  }
0x130: {  	v15 =	vshll.u32 v15, v1;
	v16 =	vshll.u32 v16, v1;
	[tilespmem:s20+$0xFFFFFFE0] =	vst v13;
	v5 =	vmul.f32 v14, v5;
	v14 =	vld [tilespmem:s20+$0x40]  }
0x131: {  	v18 =	vshll.u32 v18, v1;
	v19 =	vshll.u32 v19, v1;
	[tilespmem:s20+$0xFFFFFFD0] =	vst v7;
	v7 =	vmul.f32 v11, v12;
	v11 =	vld [tilespmem:s20+$0x50]  }
0x132: {  	v62 =	vld [tilespmem:s20+$0x60];
	v6 =	vbroadcast v9, $0x0;
	v9 =	vshrl.u32 v61, $0x3;
	[tilespmem:s20+$0xFFFFFFF0] =	vst v5;
	v5 =	vmul.f32 v8, v12  }
0x133: {  	v13 =	vshll.u32 v17, v1;
	v63 =	vshll.u32 v9, v1;
	[tilespmem:s20+$0x0] =	vst v7;
	v7 =	vld [tilespmem:s20+$0x70];
	v8 =	vmul.f32 v10, v12  }
0x134: {  	v9 =	vadd.s32 $0x1, v15;
	v15 =	vadd.s32 $0x2, v16;
	v12 =	vmul.f32 v20, v12;
	[tilespmem:s20+$0x10] =	vst v5;
	v5 =	vld [tilespmem:s20+$0x80]  }
0x135: {  	v17 =	vadd.s32 $0x3, v13;
	v13 =	vadd.s32 $0x4, v18;
	[tilespmem:s20+$0x20] =	vst v8;
	v18 =	vmul.f32 v14, v4;
	v8 =	vld [tilespmem:s20+$0x90]  }
0x136: {  	v10 =	vbroadcast v9, $0x0;
	v9 =	vld [tilespmem:s20+$0xA0];
	v14 =	vadd.s32 $0x5, v19;
	[tilespmem:s20+$0x30] =	vst v12;
	v16 =	vmul.f32 v11, v4  }
0x137: {  	s21 =	simm.s32 $0x10;
	s22 =	simm.s32 $0xF;
	v12 =	vbroadcast v15, $0x0;
	v15 =	vadd.s32 $0x6, v63;
	v11 =	vld [tilespmem:s20+$0xB0];
	[tilespmem:s20+$0x40] =	vst v18;
	v18 =	vmul.f32 v62, v4  }
.LBB2_7:
0x138: {  	p1 =	slt.u32 s21, $0x78;
	v17 =	vbroadcast v17, $0x0;
	v19 =	vmov s22;
	[tilespmem:s20+$0x50] =	vst v16;
	v4 =	vmul.f32 v7, v4;
	v7 =	vld [tilespmem:s20+$0xC0]  }
0x139: {  	v13 =	vbroadcast v13, $0x0;
	v16 =	vshrl.u32 v19, $0x3;
	[tilespmem:s20+$0x60] =	vst v18;
	v5 =	vmul.f32 v5, v3;
	v18 =	vld [tilespmem:s20+$0xD0]  }
0x13a: {  	v14 =	vbroadcast v14, $0x0;
	v16 =	vshll.u32 v16, v1;
	[tilespmem:s20+$0x70] =	vst v4;
	v4 =	vmul.f32 v8, v3;
	v8 =	vld [tilespmem:s20+$0xE0]  }
0x13b: {  	v15 =	vbroadcast v15, $0x0;
	v6 =	vld.idx.msk [tilespmem:v6+s11+$0x0], $0xffff;
	v16 =	vadd.s32 $0x7, v16;
	[tilespmem:s20+$0x80] =	vst v5;
	v5 =	vmul.f32 v9, v3  }
0x13c: {  	v9 =	vld.idx.msk [tilespmem:v10+s11+$0x0], $0xffff;
	v10 =	vbroadcast v16, $0x0;
	[tilespmem:s20+$0x90] =	vst v4;
	v3 =	vmul.f32 v11, v3  }
0x13d: {  	v11 =	vld.idx.msk [tilespmem:v12+s11+$0x0], $0xffff;
	[tilespmem:s20+$0xA0] =	vst v5;
	v4 =	vmul.f32 v7, v2  }
0x13e: {  	v7 =	vld.idx.msk [tilespmem:v17+s11+$0x0], $0xffff;
	[tilespmem:s20+$0xB0] =	vst v3;
	v3 =	vmul.f32 v18, v2  }
0x13f: {  	v5 =	vld.idx.msk [tilespmem:v13+s11+$0x0], $0xffff;
	[tilespmem:s20+$0xC0] =	vst v4;
	v2 =	vmul.f32 v8, v2  }
0x140: {  	v4 =	vld.idx.msk [tilespmem:v14+s11+$0x0], $0xffff;
	[tilespmem:s20+$0xD0] =	vst v3  }
0x141: {  	v3 =	vld.idx.msk [tilespmem:v15+s11+$0x0], $0xffff;
	[tilespmem:s20+$0xE0] =	vst v2  }
0x142: {  	s20 =	sadd.s32 $0x200, s20;
	v2 =	vld.idx.msk [tilespmem:v10+s11+$0x0], $0xffff  }
0x143: {  	v8 =	vld [tilespmem:s20+$0xF0]  }
0x144: {  	v10 =	vld [tilespmem:s20+$0xFFFFFF00]  }
0x145: {  	v12 =	vld [tilespmem:s20+$0xFFFFFF10]  }
0x146: {  	v13 =	vld [tilespmem:s20+$0xFFFFFF20]  }
0x147: {  	v14 =	vld [tilespmem:s20+$0xFFFFFF30]  }
0x148: {  	v15 =	vld [tilespmem:s20+$0xFFFFFF40];
	v8 =	vmul.f32 v8, v2  }
0x149: {  	v10 =	vmul.f32 v10, v6;
	v16 =	vld [tilespmem:s20+$0xFFFFFF50]  }
0x14a: {  	v12 =	vmul.f32 v12, v6;
	v17 =	vld [tilespmem:s20+$0xFFFFFF60];
	[tilespmem:s20+$0xF0] =	vst v8  }
0x14b: {  	[tilespmem:s20+$0xFFFFFF00] =	vst v10;
	v8 =	vmul.f32 v13, v6;
	v10 =	vld [tilespmem:s20+$0xFFFFFF70]  }
0x14c: {  	[tilespmem:s20+$0xFFFFFF10] =	vst v12;
	v6 =	vmul.f32 v14, v6;
	v12 =	vld [tilespmem:s20+$0xFFFFFF80]  }
0x14d: {  	[tilespmem:s20+$0xFFFFFF20] =	vst v8;
	v8 =	vmul.f32 v15, v9;
	v13 =	vld [tilespmem:s20+$0xFFFFFF90]  }
0x14e: {  	[tilespmem:s20+$0xFFFFFF30] =	vst v6;
	v6 =	vmul.f32 v16, v9;
	v14 =	vld [tilespmem:s20+$0xFFFFFFA0]  }
0x14f: {  	[tilespmem:s20+$0xFFFFFF40] =	vst v8;
	v8 =	vmul.f32 v17, v9;
	v15 =	vld [tilespmem:s20+$0xFFFFFFB0]  }
0x150: {  	v16 =	vmov s21;
	[tilespmem:s20+$0xFFFFFF50] =	vst v6;
	v6 =	vmul.f32 v10, v9;
	v9 =	vld [tilespmem:s20+$0xFFFFFFC0]  }
0x151: {  	s22 =	sadd.s32 $0x1, s21;
	s23 =	sadd.s32 $0x2, s21;
	v10 =	vshrl.u32 v16, $0x3;
	[tilespmem:s20+$0xFFFFFF60] =	vst v8;
	v8 =	vmul.f32 v12, v11;
	v12 =	vld [tilespmem:s20+$0xFFFFFFD0]  }
0x152: {  	v17 =	vmov s23;
	s23 =	sadd.s32 $0x4, s21;
	v16 =	vmov s22;
	s22 =	sadd.s32 $0x3, s21;
	[tilespmem:s20+$0xFFFFFF70] =	vst v6;
	v6 =	vmul.f32 v13, v11;
	v13 =	vld [tilespmem:s20+$0xFFFFFFE0]  }
0x153: {  	v19 =	vmov s23;
	s23 =	sadd.s32 $0x6, s21;
	v18 =	vmov s22;
	s22 =	sadd.s32 $0x5, s21;
	[tilespmem:s20+$0xFFFFFF80] =	vst v8;
	v8 =	vmul.f32 v14, v11;
	v14 =	vld [tilespmem:s20+$0xFFFFFFF0]  }
0x154: {  	v21 =	vmov s23;
	v20 =	vmov s22;
	[tilespmem:s20+$0xFFFFFF90] =	vst v6;
	v6 =	vmul.f32 v15, v11;
	v11 =	vld [tilespmem:s20+$0x0]  }
0x155: {  	v10 =	vshll.u32 v10, v1;
	v15 =	vshrl.u32 v16, $0x3;
	[tilespmem:s20+$0xFFFFFFA0] =	vst v8;
	v8 =	vmul.f32 v9, v7;
	v9 =	vld [tilespmem:s20+$0x10]  }
0x156: {  	v16 =	vshrl.u32 v17, $0x3;
	v17 =	vshrl.u32 v18, $0x3;
	[tilespmem:s20+$0xFFFFFFB0] =	vst v6;
	v12 =	vmul.f32 v12, v7;
	v18 =	vld [tilespmem:s20+$0x20]  }
0x157: {  	v19 =	vshrl.u32 v19, $0x3;
	v20 =	vshrl.u32 v20, $0x3;
	[tilespmem:s20+$0xFFFFFFC0] =	vst v8;
	v8 =	vmul.f32 v13, v7;
	v13 =	vld [tilespmem:s20+$0x30]  }
0x158: {  	v6 =	vbroadcast v10, $0x0;
	v10 =	vshrl.u32 v21, $0x3;
	[tilespmem:s20+$0xFFFFFFD0] =	vst v12;
	v7 =	vmul.f32 v14, v7;
	v12 =	vld [tilespmem:s20+$0x40]  }
0x159: {  	v14 =	vshll.u32 v15, v1;
	v15 =	vshll.u32 v16, v1;
	[tilespmem:s20+$0xFFFFFFE0] =	vst v8;
	v8 =	vmul.f32 v11, v5;
	v11 =	vld [tilespmem:s20+$0x50]  }
0x15a: {  	v19 =	vshll.u32 v19, v1;
	v16 =	vshll.u32 v17, v1;
	[tilespmem:s20+$0xFFFFFFF0] =	vst v7;
	v9 =	vmul.f32 v9, v5;
	v21 =	vld [tilespmem:s20+$0x60]  }
.Ltmp4:
0x15b: {  	v20 =	vshll.u32 v20, v1;
	v22 =	vshll.u32 v10, v1;
	[tilespmem:s20+$0x0] =	vst v8;
	v8 =	vmul.f32 v18, v5;
	v7 =	vld [tilespmem:s20+$0x70];
	(pc) =	sbr.rel @p1 .LBB2_7-.Ltmp4, $4  }
0x15c: {  	v10 =	vadd.s32 $0x1, v14;
	v15 =	vadd.s32 $0x2, v15;
	[tilespmem:s20+$0x10] =	vst v9;
	v9 =	vmul.f32 v13, v5;
	v5 =	vld [tilespmem:s20+$0x80]  }
0x15d: {  	v17 =	vadd.s32 $0x3, v16;
	v13 =	vadd.s32 $0x4, v19;
	[tilespmem:s20+$0x20] =	vst v8;
	v18 =	vmul.f32 v12, v4;
	v8 =	vld [tilespmem:s20+$0x90]  }
0x15e: {  	v14 =	vadd.s32 $0x5, v20;
	v10 =	vbroadcast v10, $0x0;
	[tilespmem:s20+$0x30] =	vst v9;
	v16 =	vmul.f32 v11, v4;
	v9 =	vld [tilespmem:s20+$0xA0]  }
0x15f: {  	s22 =	sadd.s32 $0x7, s21;
	s21 =	sadd.s32 $0x8, s21;
	v12 =	vbroadcast v15, $0x0;
	v15 =	vadd.s32 $0x6, v22;
	[tilespmem:s20+$0x40] =	vst v18;
	v18 =	vmul.f32 v21, v4;
	v11 =	vld [tilespmem:s20+$0xB0]  }
0x160: {  	_ = 	snop  }
0x161: {  	v20 =	vld [tilespmem:s20+$0xC0]  }
0x162: {  	v21 =	vld [tilespmem:s20+$0xD0]  }
0x163: {  	v22 =	vld [tilespmem:s20+$0xE0]  }
0x164: {  	v6 =	vld.idx.msk [tilespmem:v6+s11+$0x0], $0xffff  }
0x165: {  	v10 =	vld.idx.msk [tilespmem:v10+s11+$0x0], $0xffff  }
0x166: {  	s21 =	sadd.s32 $0x200, s20;
	v12 =	vld.idx.msk [tilespmem:v12+s11+$0x0], $0xffff  }
0x167: {  	v32 =	vld [tilespmem:s21+$0xF0]  }
0x168: {  	v33 =	vld [tilespmem:s21+$0xFFFFFF00]  }
0x169: {  	[tilespmem:s20+$0x50] =	vst v16;
	v4 =	vmul.f32 v7, v4;
	v35 =	vld [tilespmem:s21+$0xFFFFFF10]  }
0x16a: {  	v19 =	vmov s22;
	[tilespmem:s20+$0x60] =	vst v18;
	v5 =	vmul.f32 v5, v3;
	v36 =	vld [tilespmem:s21+$0xFFFFFF20]  }
0x16b: {  	v19 =	vshrl.u32 v19, $0x3;
	v37 =	vld [tilespmem:s21+$0xFFFFFF30];
	[tilespmem:s20+$0x70] =	vst v4;
	v29 =	vmul.f32 v8, v3  }
0x16c: {  	v38 =	vld [tilespmem:s21+$0xFFFFFF50];
	v19 =	vshll.u32 v19, v1;
	[tilespmem:s20+$0x80] =	vst v5;
	v31 =	vmul.f32 v9, v3  }
0x16d: {  	v39 =	vld [tilespmem:s21+$0xFFFFFF60];
	v19 =	vadd.s32 $0x7, v19;
	[tilespmem:s20+$0x90] =	vst v29;
	v3 =	vmul.f32 v11, v3  }
0x16e: {  	v40 =	vld [tilespmem:s21+$0xFFFFFF70];
	v19 =	vbroadcast v19, $0x0;
	[tilespmem:s20+$0xA0] =	vst v31;
	v34 =	vmul.f32 v20, v2  }
0x16f: {  	v41 =	vld [tilespmem:s21+$0xFFFFFF80];
	[tilespmem:s20+$0xB0] =	vst v3;
	v3 =	vmul.f32 v21, v2  }
0x170: {  	v42 =	vld [tilespmem:s21+$0xFFFFFFA0];
	v2 =	vmul.f32 v22, v2;
	[tilespmem:s20+$0xC0] =	vst v34  }
0x171: {  	v11 =	vmul.f32 v35, v6;
	[tilespmem:s20+$0xD0] =	vst v3;
	v3 =	vld [tilespmem:s21+$0xFFFFFF40]  }
0x172: {  	v43 =	vld [tilespmem:s21+$0xFFFFFFB0];
	[tilespmem:s20+$0xE0] =	vst v2;
	v2 =	vmul.f32 v33, v6  }
0x173: {  	v17 =	vbroadcast v17, $0x0;
	v45 =	vld [tilespmem:s21+$0xFFFFFFC0];
	v5 =	vmul.f32 v37, v6;
	[tilespmem:s21+$0xFFFFFF10] =	vst v11  }
0x174: {  	v30 =	vld.idx.msk [tilespmem:v19+s11+$0x0], $0xffff;
	[tilespmem:s21+$0xFFFFFF00] =	vst v2;
	v2 =	vmul.f32 v36, v6  }
0x175: {  	v46 =	vld [tilespmem:s21+$0xFFFFFFD0];
	v4 =	vmul.f32 v38, v10;
	[tilespmem:s21+$0xFFFFFF30] =	vst v5  }
0x176: {  	[tilespmem:s21+$0xFFFFFF20] =	vst v2;
	v2 =	vmul.f32 v3, v10;
	v3 =	vld [tilespmem:s21+$0xFFFFFF90]  }
0x177: {  	v13 =	vbroadcast v13, $0x0;
	v47 =	vld [tilespmem:s21+$0xFFFFFFE0];
	v44 =	vmul.f32 v40, v10;
	[tilespmem:s21+$0xFFFFFF50] =	vst v4  }
0x178: {  	v48 =	vld [tilespmem:s21+$0xFFFFFFF0];
	[tilespmem:s21+$0xFFFFFF40] =	vst v2;
	v2 =	vmul.f32 v39, v10  }
0x179: {  	v17 =	vld.idx.msk [tilespmem:v17+s11+$0x0], $0xffff;
	[tilespmem:s21+$0xFFFFFF70] =	vst v44;
	v9 =	vmul.f32 v32, v30  }
0x17a: {  	v49 =	vld [tilespmem:s21+$0x0];
	[tilespmem:s21+$0xFFFFFF60] =	vst v2;
	v2 =	vmul.f32 v41, v12  }
0x17b: {  	v14 =	vbroadcast v14, $0x0;
	v50 =	vld [tilespmem:s21+$0x10];
	[tilespmem:s21+$0xF0] =	vst v9;
	v3 =	vmul.f32 v3, v12  }
0x17c: {  	v51 =	vld [tilespmem:s21+$0x20];
	[tilespmem:s21+$0xFFFFFF80] =	vst v2;
	v2 =	vmul.f32 v42, v12  }
0x17d: {  	v13 =	vld.idx.msk [tilespmem:v13+s11+$0x0], $0xffff;
	[tilespmem:s21+$0xFFFFFF90] =	vst v3;
	v3 =	vmul.f32 v43, v12  }
0x17e: {  	v52 =	vld [tilespmem:s21+$0x30];
	[tilespmem:s21+$0xFFFFFFA0] =	vst v2;
	v2 =	vmul.f32 v45, v17  }
0x17f: {  	v15 =	vbroadcast v15, $0x0;
	v53 =	vld [tilespmem:s21+$0x40];
	[tilespmem:s21+$0xFFFFFFB0] =	vst v3;
	v3 =	vmul.f32 v46, v17  }
0x180: {  	v54 =	vld [tilespmem:s21+$0x50];
	[tilespmem:s21+$0xFFFFFFC0] =	vst v2;
	v2 =	vmul.f32 v47, v17  }
0x181: {  	v27 =	vld.idx.msk [tilespmem:v14+s11+$0x0], $0xffff;
	[tilespmem:s21+$0xFFFFFFD0] =	vst v3;
	v3 =	vmul.f32 v48, v17  }
0x182: {  	v55 =	vld [tilespmem:s21+$0x60];
	[tilespmem:s21+$0xFFFFFFE0] =	vst v2;
	v2 =	vmul.f32 v49, v13  }
0x183: {  	v56 =	vld [tilespmem:s21+$0x70];
	[tilespmem:s21+$0xFFFFFFF0] =	vst v3;
	v3 =	vmul.f32 v50, v13  }
0x184: {  	v57 =	vld [tilespmem:s21+$0x80];
	[tilespmem:s21+$0x0] =	vst v2;
	v2 =	vmul.f32 v51, v13  }
0x185: {  	v28 =	vld.idx.msk [tilespmem:v15+s11+$0x0], $0xffff;
	[tilespmem:s21+$0x10] =	vst v3;
	v3 =	vmul.f32 v52, v13  }
0x186: {  	v58 =	vld [tilespmem:s21+$0x90];
	[tilespmem:s21+$0x20] =	vst v2;
	v2 =	vmul.f32 v53, v27  }
0x187: {  	v59 =	vld [tilespmem:s21+$0xA0];
	[tilespmem:s21+$0x30] =	vst v3;
	v3 =	vmul.f32 v54, v27  }
0x188: {  	v60 =	vld [tilespmem:s21+$0xB0];
	[tilespmem:s21+$0x40] =	vst v2;
	v2 =	vmul.f32 v55, v27  }
0x189: {  	v61 =	vld [tilespmem:s21+$0xC0];
	[tilespmem:s21+$0x50] =	vst v3;
	v3 =	vmul.f32 v56, v27  }
0x18a: {  	v62 =	vld [tilespmem:s21+$0xD0];
	[tilespmem:s21+$0x60] =	vst v2;
	v2 =	vmul.f32 v57, v28  }
0x18b: {  	v63 =	vld [tilespmem:s21+$0xE0];
	[tilespmem:s21+$0x70] =	vst v3;
	v3 =	vmul.f32 v58, v28  }
0x18c: {  	[tilespmem:s21+$0x80] =	vst v2;
	v2 =	vmul.f32 v59, v28  }
0x18d: {  	[tilespmem:s21+$0x90] =	vst v3;
	v3 =	vmul.f32 v60, v28  }
0x18e: {  	[tilespmem:s21+$0xA0] =	vst v2;
	v2 =	vmul.f32 v61, v30  }
0x18f: {  	[tilespmem:s21+$0xB0] =	vst v3;
	v3 =	vmul.f32 v62, v30  }
0x190: {  	[tilespmem:s21+$0xC0] =	vst v2;
	v2 =	vmul.f32 v63, v30  }
0x191: {  	[tilespmem:s21+$0xD0] =	vst v3  }
.Ltmp5:
0x192: {  	[tilespmem:s21+$0xE0] =	vst v2;
	(pc) =	sbr.rel @p0 .LBB2_10-.Ltmp5, $4  }
0x193: {  	[spmem:s3] =	stream.indirect.scatter.add.f32 [tilespmem:s13], [sflag:$0x5], $0x40, s10, s9, $0xb8;
	[tilespmem:$0x18300] =	vst v63  }
0x194: {  	_ =	swait.ge [sflag:s30], $0x2000  }
0x195: {  	[sflag:s30] =	ssyncset.done $0x0  }
0x196: {  	[sflag:s30] =	ssyncadd.s32 $0xFFFFE000  }
0x197: {  	s19 =	sadd.s32 s19, s25  }
0x198: {  	s19 =	sshrl.u32 s19, $0x3  }
0x199: {  	s20 =	sadd.s32 s1, s19  }
0x19a: {  	[tilespmem:s9], [sflag:$0x2] =	stream.linear.gather [hbm4b:s20+s4], $0x80, $0x38;
	[tilespmem:$0x18300] =	vst v63  }
.Ltmp6:
0x19b: {  	_ = 	snop;
	(pc) =	sbr.rel .LBB2_4-.Ltmp6, $4  }
0x19c: {  	s23 =	sadd.s32 s6, s19  }
0x19d: {  	[tilespmem:s10], [sflag:$0x2] =	stream.linear.gather [hbm4b:s23+s4], $0x80, $0x38;
	[tilespmem:$0x18300] =	vst v63  }
0x19e: {  	s18 =	sadd.s32 $0x1, s18;
	s19 =	sadd.s32 s7, s19  }
0x19f: {  	[tilespmem:s11], [sflag:$0x2] =	stream.linear.gather [hbm4b:s19+s4], $0x80, $0x38;
	[tilespmem:$0x18300] =	vst v63  }
.LBB2_11:
0x1a0: {  	_ =	sfence.sel $0x180000  }
0x1a1: {  	[bflag:$0x0] =	sbarrier.arrive $0xFFFF  }
0x1a2: {  	_ =	strace $0x9000004D  }
0x1a3: {  	s0 =	stileid.u32;
	[bflag:$0x2] =	sbarrier.arrive $0xFFFF  }
0x1a4: {  	p0 =	sne.s32 s0, $0x0;
	s0 =	rddreg [dreg:$0x3]  }
0x1a5: {  	s0 =	sadd.s32 @!p0 $0x100000, s0  }
0x1a6: {  	[sflag:s0] =	ssyncadd.tile.s32 @!p0 $0x1;
	_ =	shalt  }
.Lfunc_end2:
_tile_overlayer_lowered:
.L_overlay_start_2:
0x1a7: {  	(tag) =	ssettag $0x2  }
0x1a8: {  	s0 =	rddreg [dreg:$0x0];
	s2 =	stileid.u32  }
0x1a9: {  	s1 =	rddreg [dreg:$0x1];
	p0 =	sne.s32 s2, $0x0  }
0x1aa: {  	s3 =	rddreg [dreg:$0x2];
	[bflag:$0x3] =	sbarrier.arrive $0xFFFF;
	s2 =	simm.s32 @!p0 $0x1C05  }
0x1ab: {  	[timem:s3], [sflag:s2] =	dma.local @!p0 [hbm:s0], s1  }
0x1ac: {  	s0 =	simm.s32 @!p0 $0x5  }
0x1ad: {  	_ =	swait.ge @!p0 [sflag:s0], s1  }
0x1ae: {  	s1 =	ssub.s32 @!p0 $0x0, s1;
	[sflag:s0] =	ssyncset.done @!p0 $0x0  }
0x1af: {  	[sflag:s0] =	ssyncadd.s32 @!p0 s1  }
0x1b0: {  	[bflag:$0x3] =	sbarrier.arrive $0xFFFF  }
0x1b1: {  	_ =	shalt  }

</sc_bundles>
